<compile_context>
chip_gen: v7x
topology: tpu7x:2x2x1
jax: 0.10.2.dev20260603
libtpu: 0.0.44.dev20260713+nightly
codegen_flags: <defaults>
</compile_context>

<pallas_src>
import functools

import jax
import jax.numpy as jnp
from jax import lax
from jax.experimental import pallas as pl
from jax.experimental.pallas import tpu as pltpu
from jax.experimental.pallas import tpu_sc as plsc

N = 10000
E = 320000
B = 256
NOUT = 128
EOUT = 16
HS = 256
UOUT = 128

NC = 2
NS = 16
NW = NC * NS
L = 16

EPT = E // NW
CH = 2048
NFULL = EPT // CH
TAIL = EPT - NFULL * CH
GRPS = CH // L
NBUF = 3


def _edge_agg_sc(row16, attr_t, batch_i):
    mesh = plsc.VectorSubcoreMesh(core_axis_name="c", subcore_axis_name="s")

    @functools.partial(
        pl.kernel,
        out_type=[
            jax.ShapeDtypeStruct((NC, B, EOUT), jnp.float32),
            jax.ShapeDtypeStruct((NC, 32, 16), jnp.float32),
        ],
        mesh=mesh,
        compiler_params=pltpu.CompilerParams(needs_layout_passes=False,
                                             use_tc_tiling_on_sc=False),
        scratch_types=[
            pltpu.VMEM((N,), jnp.int32),
            pltpu.VMEM((NBUF, GRPS, L), jnp.int32),
            pltpu.VMEM((NBUF, EOUT, CH), jnp.float32),
            pltpu.VMEM((EOUT, B + 16), jnp.float32),
            pltpu.VMEM((B + 16, EOUT), jnp.float32),
            pltpu.VMEM((32, 16), jnp.float32),
            pltpu.VMEM((B + 16, EOUT), jnp.float32),
            pltpu.VMEM((32,), jnp.int32),
            pltpu.VMEM((2, 128), jnp.int32),
            [pltpu.SemaphoreType.DMA] * NBUF,
            pltpu.VMEM_SHARED((B + 16, EOUT), jnp.float32),
            pltpu.VMEM_SHARED((32, 16), jnp.float32),
        ],
    )
    def k(row_hbm, attr_hbm, batch_hbm, esum_hbm, ecnt_hbm,
          btbl, rows_v, attr_v, acc, accm, cntl, zbuf, i32v, i128v,
          sl, acc_sh, cnt_sh):
        c = lax.axis_index("c")
        s = lax.axis_index("s")
        wid = s * NC + c
        iota16 = lax.iota(jnp.int32, L)

        def zrow(i, carry):
            zbuf[i, :] = jnp.zeros((L,), jnp.float32)
            return carry
        lax.fori_loop(0, B + 16, zrow, 0)

        def arow(i, carry):
            for f in range(EOUT):
                acc[f, pl.ds(i * L, L)] = jnp.zeros((L,), jnp.float32)
            return carry
        lax.fori_loop(0, (B + 16) // L, arow, 0)

        def crow(i, carry):
            cntl[i, :] = jnp.zeros((L,), jnp.float32)
            return carry
        lax.fori_loop(0, 32, crow, 0)

        i32v[pl.ds(0, 16)] = iota16
        i32v[pl.ds(16, 16)] = iota16 + 16

        def irow(i, carry):
            j = lax.shift_right_logical(i, 3)
            o = (i & 7) * L
            i128v[j, pl.ds(o, L)] = iota16 + i * L
            return carry
        lax.fori_loop(0, 16, irow, 0)

        @pl.when(s == 0)
        def _():
            pltpu.sync_copy(zbuf, acc_sh)
            pltpu.sync_copy(zbuf.at[pl.ds(0, 32), :], cnt_sh)

        pltpu.sync_copy(batch_hbm, btbl)
        plsc.subcore_barrier()

        nchunk = NFULL + 1

        def start_loads(ci):
            p = ci % NBUF
            sz = CH if ci < NFULL else TAIL
            off = wid * EPT + ci * CH
            return [
                pltpu.async_copy(row_hbm.at[pl.ds(off // L, sz // L), :],
                                 rows_v.at[p, pl.ds(0, sz // L), :], sl[p]),
                pltpu.async_copy(attr_hbm.at[:, pl.ds(off, sz)],
                                 attr_v.at[p, :, pl.ds(0, sz)], sl[p]),
            ]

        loads = {0: start_loads(0)}
        for ci in range(nchunk):
            p = ci % NBUF
            sz = CH if ci < NFULL else TAIL
            if ci + 1 < nchunk:
                loads[ci + 1] = start_loads(ci + 1)
            for d in loads.pop(ci):
                d.wait()

            last = ci == NFULL

            def grp(g, carry):
                rv = rows_v[p, g, :]
                ebg = plsc.load_gather(btbl, [rv])
                if last:
                    valid = (g * L + iota16) < sz
                    eb = jnp.where(valid, ebg,
                                   jnp.full((L,), B, jnp.int32))
                else:
                    eb = ebg
                rc, lastm = plsc.scan_count(eb)
                plsc.addupdate_scatter(
                    cntl,
                    [lax.shift_right_logical(eb, 4), eb & 15],
                    rc.astype(jnp.float32),
                    mask=lastm,
                )
                for f in range(EOUT):
                    vals = attr_v[p, f, pl.ds(g * L, L)]
                    plsc.addupdate_scatter(
                        acc, [jnp.full((L,), f, jnp.int32), eb], vals)
                return carry
            lax.fori_loop(0, GRPS, grp, 0, unroll=2)

        def trow(r, carry):
            accm[r, :] = plsc.load_gather(
                acc, [iota16, jnp.zeros((L,), jnp.int32) + r])
            return carry
        lax.fori_loop(0, B, trow, 0, unroll=4)

        pltpu.sync_copy(accm.at[pl.ds(0, 128), :], acc_sh.at[i128v.at[0]],
                        add=True)
        pltpu.sync_copy(accm.at[pl.ds(128, 128), :], acc_sh.at[i128v.at[1]],
                        add=True)
        pltpu.sync_copy(cntl, cnt_sh.at[i32v], add=True)
        plsc.subcore_barrier()

        @pl.when(s == 0)
        def _():
            pltpu.sync_copy(acc_sh.at[pl.ds(0, B), :], esum_hbm.at[c])
            pltpu.sync_copy(cnt_sh, ecnt_hbm.at[c])

    return k(row16, attr_t, batch_i)


def _node_agg_tc(x, batch_r):
    nblk = 10
    blk = N // nblk

    def body(batch_ref, x_ref, nsum_ref, ncnt_ref):
        i = pl.program_id(0)
        b = batch_ref[0]
        ohT = (lax.broadcasted_iota(jnp.int32, (B, blk), 0) == b
               ).astype(jnp.float32)
        ns = jnp.dot(ohT, x_ref[...], preferred_element_type=jnp.float32)
        nc = jnp.sum(ohT, axis=1, keepdims=True)

        @pl.when(i == 0)
        def _():
            nsum_ref[...] = jnp.zeros_like(nsum_ref)
            ncnt_ref[...] = jnp.zeros_like(ncnt_ref)

        nsum_ref[...] += ns
        ncnt_ref[...] += nc

    return pl.pallas_call(
        body,
        grid=(nblk,),
        in_specs=[
            pl.BlockSpec((1, 1, blk), lambda i: (i, 0, 0)),
            pl.BlockSpec((blk, NOUT), lambda i: (i, 0)),
        ],
        out_specs=[
            pl.BlockSpec((B, NOUT), lambda i: (0, 0)),
            pl.BlockSpec((B, 1), lambda i: (0, 0)),
        ],
        out_shape=[
            jax.ShapeDtypeStruct((B, NOUT), jnp.float32),
            jax.ShapeDtypeStruct((B, 1), jnp.float32),
        ],
    )(batch_r, x)


def _mlp_tc(u, nsum, ncnt, esum2, ecnt2, W1, b1, gamma, beta, w2, b2):
    uin = u.shape[1]

    def body(u_ref, ns_ref, nc_ref, es_ref, ec_ref, w1_ref, b1_ref,
             g_ref, be_ref, w2_ref, b2_ref, out_ref):
        nmean = ns_ref[...] / jnp.maximum(nc_ref[...], 1.0)
        es = es_ref[0] + es_ref[1]
        ec = ec_ref[0] + ec_ref[1]
        rowsel = (lax.shift_right_logical(
            lax.broadcasted_iota(jnp.int32, (B, 32), 0), 4)
            == lax.broadcasted_iota(jnp.int32, (B, 32), 1)
        ).astype(jnp.float32)
        spread = jnp.dot(rowsel, ec, preferred_element_type=jnp.float32)
        colmask = ((lax.broadcasted_iota(jnp.int32, (B, 16), 0) & 15)
                   == lax.broadcasted_iota(jnp.int32, (B, 16), 1)
                   ).astype(jnp.float32)
        ecnt = jnp.sum(spread * colmask, axis=1, keepdims=True)
        emean = es / jnp.maximum(ecnt, 1.0)
        h = (jnp.dot(u_ref[...], w1_ref[pl.ds(0, uin), :],
                     preferred_element_type=jnp.float32)
             + jnp.dot(nmean, w1_ref[pl.ds(uin, NOUT), :],
                       preferred_element_type=jnp.float32)
             + jnp.dot(emean, w1_ref[pl.ds(uin + NOUT, EOUT), :],
                       preferred_element_type=jnp.float32)
             + b1_ref[...])
        mu = jnp.mean(h, axis=-1, keepdims=True)
        d = h - mu
        var = jnp.mean(d * d, axis=-1, keepdims=True)
        hn = d / jnp.sqrt(var + 1e-5) * g_ref[...] + be_ref[...]
        hr = jnp.maximum(hn, 0.0)
        out_ref[...] = jnp.dot(hr, w2_ref[...],
                               preferred_element_type=jnp.float32) + b2_ref[...]

    return pl.pallas_call(
        body,
        out_shape=jax.ShapeDtypeStruct((B, UOUT), jnp.float32),
    )(u, nsum, ncnt, esum2, ecnt2, W1, b1, gamma, beta, w2, b2)


def kernel(x, edge_index, edge_attr, u, batch, W1, b1, gamma, beta, W2, b2):
    row16 = jnp.maximum(edge_index[0].astype(jnp.int32).reshape(E // L, L),
                        jnp.int32(0))
    batch_i = batch.astype(jnp.int32)
    batch_r = batch_i.reshape(10, 1, N // 10)

    attr_t = edge_attr.T

    nsum, ncnt = _node_agg_tc(x, batch_r)
    esum_p, ecnt_p = _edge_agg_sc(row16, attr_t, batch_i)

    return _mlp_tc(u, nsum, ncnt, esum_p, ecnt_p, W1,
                   b1.reshape(1, HS), gamma.reshape(1, HS),
                   beta.reshape(1, HS), W2, b2.reshape(1, UOUT))

# --- scband reference (transcript-rebuilt; emitter-appended) ---
"""Pipeline reference for scband-global-model-37177236914576 (READ-ONLY COPY).

The authoritative reference and input builder live on the scoring server;
editing this copy changes nothing except your own understanding.
"""

import jax, jax.numpy as jnp
import numpy as np

N = 10000
E = 320000
B = 256
N_OUTC = 128
E_OUTC = 16
U_INC = 128
HS1 = 256
U_OUTC = 128
INC = U_INC + N_OUTC + E_OUTC


def setup_inputs(seed: int = 0) -> dict:
    key = jax.random.key(seed)
    ks = jax.random.split(key, 12)
    x = jax.random.normal(ks[0], (N, N_OUTC), dtype=jnp.float32)
    edge_index = jax.random.randint(ks[1], (2, E), 0, N, dtype=jnp.int64)
    edge_attr = jax.random.normal(ks[2], (E, E_OUTC), dtype=jnp.float32)
    u = jax.random.normal(ks[3], (B, U_INC), dtype=jnp.float32)
    batch = jnp.sort(jax.random.randint(ks[4], (N,), 0, B, dtype=jnp.int64))
    # MLP parameters: Linear(INC, HS1), LayerNorm(HS1), ReLU, Linear(HS1, U_OUTC)
    lim1 = 1.0 / np.sqrt(INC)
    W1 = jax.random.uniform(ks[5], (INC, HS1), dtype=jnp.float32, minval=-lim1, maxval=lim1)
    b1 = jax.random.uniform(ks[6], (HS1,), dtype=jnp.float32, minval=-lim1, maxval=lim1)
    gamma = jnp.ones((HS1,), dtype=jnp.float32)
    beta = jnp.zeros((HS1,), dtype=jnp.float32)
    lim2 = 1.0 / np.sqrt(HS1)
    W2 = jax.random.uniform(ks[7], (HS1, U_OUTC), dtype=jnp.float32, minval=-lim2, maxval=lim2)
    b2 = jax.random.uniform(ks[8], (U_OUTC,), dtype=jnp.float32, minval=-lim2, maxval=lim2)
    return {"x": x, "edge_index": edge_index, "edge_attr": edge_attr, "u": u,
            "batch": batch, "W1": W1, "b1": b1, "gamma": gamma, "beta": beta,
            "W2": W2, "b2": b2}


def _scatter_mean(data, seg_ids, num_segments):
    s = jax.ops.segment_sum(data, seg_ids, num_segments=num_segments)
    cnt = jax.ops.segment_sum(jnp.ones((data.shape[0], 1), dtype=data.dtype), seg_ids,
                              num_segments=num_segments)
    return s / jnp.clip(cnt, 1.0, None)


def reference(x, edge_index, edge_attr, u, batch, W1, b1, gamma, beta, W2, b2):
    row = edge_index[0]
    edge_batch = batch[row]
    per_batch_edge = _scatter_mean(edge_attr, edge_batch, B)
    per_batch_node = _scatter_mean(x, batch, B)
    out = jnp.concatenate([u, per_batch_node, per_batch_edge], axis=1)
    h = out @ W1 + b1
    mu = jnp.mean(h, axis=-1, keepdims=True)
    var = jnp.mean((h - mu) ** 2, axis=-1, keepdims=True)
    h = (h - mu) / jnp.sqrt(var + 1e-5) * gamma + beta
    h = jax.nn.relu(h)
    return h @ W2 + b2

if __name__ == "__main__":
    import jax
    _d = setup_inputs()
    print(jax.jit(kernel)(*tuple(_d.values())))

</pallas_src>

<mosaic_0001>
#map = affine_map<(d0, d1) -> (0, 0)>
#map1 = affine_map<(d0, d1) -> (0)>
#map2 = affine_map<(d0, d1) -> (0, 0, 0)>
module attributes {stable_mosaic.version = 14 : i64} {
  func.func @k(%arg0: i32, %arg1: i32, %arg2: memref<20000x16xi32, #tpu.memory_space<hbm>>, %arg3: memref<16x320000xf32, #tpu.memory_space<hbm>>, %arg4: memref<10000xi32, #tpu.memory_space<hbm>>, %arg5: memref<2x256x16xf32, #tpu.memory_space<hbm>>, %arg6: memref<2x32x16xf32, #tpu.memory_space<hbm>>, %arg7: memref<10000xi32, #tpu.memory_space<vmem>>, %arg8: memref<3x128x16xi32, #tpu.memory_space<vmem>>, %arg9: memref<3x16x2048xf32, #tpu.memory_space<vmem>>, %arg10: memref<16x272xf32, #tpu.memory_space<vmem>>, %arg11: memref<272x16xf32, #tpu.memory_space<vmem>>, %arg12: memref<32x16xf32, #tpu.memory_space<vmem>>, %arg13: memref<272x16xf32, #tpu.memory_space<vmem>>, %arg14: memref<32xi32, #tpu.memory_space<vmem>>, %arg15: memref<2x128xi32, #tpu.memory_space<vmem>>, %arg16: memref<!tpu.dma_semaphore, #tpu.memory_space<semaphore_mem>>, %arg17: memref<!tpu.dma_semaphore, #tpu.memory_space<semaphore_mem>>, %arg18: memref<!tpu.dma_semaphore, #tpu.memory_space<semaphore_mem>>, %arg19: memref<272x16xf32, #tpu.memory_space<vmem_shared>>, %arg20: memref<32x16xf32, #tpu.memory_space<vmem_shared>>) attributes {dimension_semantics = [#tpu.dimension_semantics<core_parallel>, #tpu.dimension_semantics<subcore_parallel>], iteration_bounds = array<i64: 2, 16>, scalar_prefetch = 0 : i64, scratch_operands = 14 : i64, tpu.core_type = #tpu.core_type<sc_vector_subcore>, window_params = [{transform_indices = #map}, {transform_indices = #map}, {transform_indices = #map1}, {transform_indices = #map2}, {transform_indices = #map2}]} {
    %mul3A = arith.constant 2 : i32
    %mul3A_0 = arith.muli %arg1, %mul3A : i32
    %add3A = arith.addi %mul3A_0, %arg0 : i32
    %iota3A = tpu.iota {dimensions = array<i32: 0>} : vector<16xi32>
    %scan3A = arith.constant 0 : i32
    %scan3A_1 = arith.constant 0 : i32
    %scan3A_2 = arith.constant 272 : i32
    %scan3A_3 = arith.addi %scan3A_1, %scan3A_2 : i32
    %scan3A_4 = arith.constant 1 : i32
    scf.for %scan3A_465 = %scan3A_1 to %scan3A_3 step %scan3A_4  : i32 {
      %broadcast_in_dim3A = arith.constant 0.000000e+00 : f32
      %broadcast_in_dim3A_466 = vector.broadcast %broadcast_in_dim3A : f32 to vector<16xf32>
      %swap3A_467 = arith.index_cast %scan3A_465 : i32 to index
      %swap3A_468 = arith.constant 0 : index
      %swap3A_469 = tpu.vector_load %arg13[%swap3A_467, %swap3A_468] {strides = array<i32>} : memref<272x16xf32, #tpu.memory_space<vmem>>, vector<16xf32>,
      tpu.vector_store %arg13[%swap3A_467, %swap3A_468], %broadcast_in_dim3A_466 {strides = array<i32>} : memref<272x16xf32, #tpu.memory_space<vmem>>, vector<16xf32>,
    }
    %scan3A_5 = arith.constant 272 : i32
    %scan3A_6 = arith.constant 0 : i32
    %scan3A_7 = arith.constant 0 : i32
    %scan3A_8 = arith.constant 17 : i32
    %scan3A_9 = arith.addi %scan3A_7, %scan3A_8 : i32
    %scan3A_10 = arith.constant 1 : i32
    scf.for %scan3A_465 = %scan3A_7 to %scan3A_9 step %scan3A_10  : i32 {
      %broadcast_in_dim3A = arith.constant 0.000000e+00 : f32
      %broadcast_in_dim3A_466 = vector.broadcast %broadcast_in_dim3A : f32 to vector<16xf32>
      %mul3A_467 = arith.constant 16 : i32
      %mul3A_468 = arith.muli %scan3A_465, %mul3A_467 : i32
      %swap3A_469 = arith.constant 0 : i32
      %swap3A_470 = arith.index_cast %swap3A_469 : i32 to index
      %swap3A_471 = arith.index_cast %mul3A_468 : i32 to index
      %swap3A_472 = tpu.vector_load %arg10[%swap3A_470, %swap3A_471] {strides = array<i32>} : memref<16x272xf32, #tpu.memory_space<vmem>>, vector<16xf32>,
      tpu.vector_store %arg10[%swap3A_470, %swap3A_471], %broadcast_in_dim3A_466 {strides = array<i32>} : memref<16x272xf32, #tpu.memory_space<vmem>>, vector<16xf32>,
      %broadcast_in_dim3A_473 = arith.constant 0.000000e+00 : f32
      %broadcast_in_dim3A_474 = vector.broadcast %broadcast_in_dim3A_473 : f32 to vector<16xf32>
      %mul3A_475 = arith.constant 16 : i32
      %mul3A_476 = arith.muli %scan3A_465, %mul3A_475 : i32
      %swap3A_477 = arith.constant 1 : i32
      %swap3A_478 = arith.index_cast %swap3A_477 : i32 to index
      %swap3A_479 = arith.index_cast %mul3A_476 : i32 to index
      %swap3A_480 = tpu.vector_load %arg10[%swap3A_478, %swap3A_479] {strides = array<i32>} : memref<16x272xf32, #tpu.memory_space<vmem>>, vector<16xf32>,
      tpu.vector_store %arg10[%swap3A_478, %swap3A_479], %broadcast_in_dim3A_474 {strides = array<i32>} : memref<16x272xf32, #tpu.memory_space<vmem>>, vector<16xf32>,
      %broadcast_in_dim3A_481 = arith.constant 0.000000e+00 : f32
      %broadcast_in_dim3A_482 = vector.broadcast %broadcast_in_dim3A_481 : f32 to vector<16xf32>
      %mul3A_483 = arith.constant 16 : i32
      %mul3A_484 = arith.muli %scan3A_465, %mul3A_483 : i32
      %swap3A_485 = arith.constant 2 : i32
      %swap3A_486 = arith.index_cast %swap3A_485 : i32 to index
      %swap3A_487 = arith.index_cast %mul3A_484 : i32 to index
      %swap3A_488 = tpu.vector_load %arg10[%swap3A_486, %swap3A_487] {strides = array<i32>} : memref<16x272xf32, #tpu.memory_space<vmem>>, vector<16xf32>,
      tpu.vector_store %arg10[%swap3A_486, %swap3A_487], %broadcast_in_dim3A_482 {strides = array<i32>} : memref<16x272xf32, #tpu.memory_space<vmem>>, vector<16xf32>,
      %broadcast_in_dim3A_489 = arith.constant 0.000000e+00 : f32
      %broadcast_in_dim3A_490 = vector.broadcast %broadcast_in_dim3A_489 : f32 to vector<16xf32>
      %mul3A_491 = arith.constant 16 : i32
      %mul3A_492 = arith.muli %scan3A_465, %mul3A_491 : i32
      %swap3A_493 = arith.constant 3 : i32
      %swap3A_494 = arith.index_cast %swap3A_493 : i32 to index
      %swap3A_495 = arith.index_cast %mul3A_492 : i32 to index
      %swap3A_496 = tpu.vector_load %arg10[%swap3A_494, %swap3A_495] {strides = array<i32>} : memref<16x272xf32, #tpu.memory_space<vmem>>, vector<16xf32>,
      tpu.vector_store %arg10[%swap3A_494, %swap3A_495], %broadcast_in_dim3A_490 {strides = array<i32>} : memref<16x272xf32, #tpu.memory_space<vmem>>, vector<16xf32>,
      %broadcast_in_dim3A_497 = arith.constant 0.000000e+00 : f32
      %broadcast_in_dim3A_498 = vector.broadcast %broadcast_in_dim3A_497 : f32 to vector<16xf32>
      %mul3A_499 = arith.constant 16 : i32
      %mul3A_500 = arith.muli %scan3A_465, %mul3A_499 : i32
      %swap3A_501 = arith.constant 4 : i32
      %swap3A_502 = arith.index_cast %swap3A_501 : i32 to index
      %swap3A_503 = arith.index_cast %mul3A_500 : i32 to index
      %swap3A_504 = tpu.vector_load %arg10[%swap3A_502, %swap3A_503] {strides = array<i32>} : memref<16x272xf32, #tpu.memory_space<vmem>>, vector<16xf32>,
      tpu.vector_store %arg10[%swap3A_502, %swap3A_503], %broadcast_in_dim3A_498 {strides = array<i32>} : memref<16x272xf32, #tpu.memory_space<vmem>>, vector<16xf32>,
      %broadcast_in_dim3A_505 = arith.constant 0.000000e+00 : f32
      %broadcast_in_dim3A_506 = vector.broadcast %broadcast_in_dim3A_505 : f32 to vector<16xf32>
      %mul3A_507 = arith.constant 16 : i32
      %mul3A_508 = arith.muli %scan3A_465, %mul3A_507 : i32
      %swap3A_509 = arith.constant 5 : i32
      %swap3A_510 = arith.index_cast %swap3A_509 : i32 to index
      %swap3A_511 = arith.index_cast %mul3A_508 : i32 to index
      %swap3A_512 = tpu.vector_load %arg10[%swap3A_510, %swap3A_511] {strides = array<i32>} : memref<16x272xf32, #tpu.memory_space<vmem>>, vector<16xf32>,
      tpu.vector_store %arg10[%swap3A_510, %swap3A_511], %broadcast_in_dim3A_506 {strides = array<i32>} : memref<16x272xf32, #tpu.memory_space<vmem>>, vector<16xf32>,
      %broadcast_in_dim3A_513 = arith.constant 0.000000e+00 : f32
      %broadcast_in_dim3A_514 = vector.broadcast %broadcast_in_dim3A_513 : f32 to vector<16xf32>
      %mul3A_515 = arith.constant 16 : i32
      %mul3A_516 = arith.muli %scan3A_465, %mul3A_515 : i32
      %swap3A_517 = arith.constant 6 : i32
      %swap3A_518 = arith.index_cast %swap3A_517 : i32 to index
      %swap3A_519 = arith.index_cast %mul3A_516 : i32 to index
      %swap3A_520 = tpu.vector_load %arg10[%swap3A_518, %swap3A_519] {strides = array<i32>} : memref<16x272xf32, #tpu.memory_space<vmem>>, vector<16xf32>,
      tpu.vector_store %arg10[%swap3A_518, %swap3A_519], %broadcast_in_dim3A_514 {strides = array<i32>} : memref<16x272xf32, #tpu.memory_space<vmem>>, vector<16xf32>,
      %broadcast_in_dim3A_521 = arith.constant 0.000000e+00 : f32
      %broadcast_in_dim3A_522 = vector.broadcast %broadcast_in_dim3A_521 : f32 to vector<16xf32>
      %mul3A_523 = arith.constant 16 : i32
      %mul3A_524 = arith.muli %scan3A_465, %mul3A_523 : i32
      %swap3A_525 = arith.constant 7 : i32
      %swap3A_526 = arith.index_cast %swap3A_525 : i32 to index
      %swap3A_527 = arith.index_cast %mul3A_524 : i32 to index
      %swap3A_528 = tpu.vector_load %arg10[%swap3A_526, %swap3A_527] {strides = array<i32>} : memref<16x272xf32, #tpu.memory_space<vmem>>, vector<16xf32>,
      tpu.vector_store %arg10[%swap3A_526, %swap3A_527], %broadcast_in_dim3A_522 {strides = array<i32>} : memref<16x272xf32, #tpu.memory_space<vmem>>, vector<16xf32>,
      %broadcast_in_dim3A_529 = arith.constant 0.000000e+00 : f32
      %broadcast_in_dim3A_530 = vector.broadcast %broadcast_in_dim3A_529 : f32 to vector<16xf32>
      %mul3A_531 = arith.constant 16 : i32
      %mul3A_532 = arith.muli %scan3A_465, %mul3A_531 : i32
      %swap3A_533 = arith.constant 8 : i32
      %swap3A_534 = arith.index_cast %swap3A_533 : i32 to index
      %swap3A_535 = arith.index_cast %mul3A_532 : i32 to index
      %swap3A_536 = tpu.vector_load %arg10[%swap3A_534, %swap3A_535] {strides = array<i32>} : memref<16x272xf32, #tpu.memory_space<vmem>>, vector<16xf32>,
      tpu.vector_store %arg10[%swap3A_534, %swap3A_535], %broadcast_in_dim3A_530 {strides = array<i32>} : memref<16x272xf32, #tpu.memory_space<vmem>>, vector<16xf32>,
      %broadcast_in_dim3A_537 = arith.constant 0.000000e+00 : f32
      %broadcast_in_dim3A_538 = vector.broadcast %broadcast_in_dim3A_537 : f32 to vector<16xf32>
      %mul3A_539 = arith.constant 16 : i32
      %mul3A_540 = arith.muli %scan3A_465, %mul3A_539 : i32
      %swap3A_541 = arith.constant 9 : i32
      %swap3A_542 = arith.index_cast %swap3A_541 : i32 to index
      %swap3A_543 = arith.index_cast %mul3A_540 : i32 to index
      %swap3A_544 = tpu.vector_load %arg10[%swap3A_542, %swap3A_543] {strides = array<i32>} : memref<16x272xf32, #tpu.memory_space<vmem>>, vector<16xf32>,
      tpu.vector_store %arg10[%swap3A_542, %swap3A_543], %broadcast_in_dim3A_538 {strides = array<i32>} : memref<16x272xf32, #tpu.memory_space<vmem>>, vector<16xf32>,
      %broadcast_in_dim3A_545 = arith.constant 0.000000e+00 : f32
      %broadcast_in_dim3A_546 = vector.broadcast %broadcast_in_dim3A_545 : f32 to vector<16xf32>
      %mul3A_547 = arith.constant 16 : i32
      %mul3A_548 = arith.muli %scan3A_465, %mul3A_547 : i32
      %swap3A_549 = arith.constant 10 : i32
      %swap3A_550 = arith.index_cast %swap3A_549 : i32 to index
      %swap3A_551 = arith.index_cast %mul3A_548 : i32 to index
      %swap3A_552 = tpu.vector_load %arg10[%swap3A_550, %swap3A_551] {strides = array<i32>} : memref<16x272xf32, #tpu.memory_space<vmem>>, vector<16xf32>,
      tpu.vector_store %arg10[%swap3A_550, %swap3A_551], %broadcast_in_dim3A_546 {strides = array<i32>} : memref<16x272xf32, #tpu.memory_space<vmem>>, vector<16xf32>,
      %broadcast_in_dim3A_553 = arith.constant 0.000000e+00 : f32
      %broadcast_in_dim3A_554 = vector.broadcast %broadcast_in_dim3A_553 : f32 to vector<16xf32>
      %mul3A_555 = arith.constant 16 : i32
      %mul3A_556 = arith.muli %scan3A_465, %mul3A_555 : i32
      %swap3A_557 = arith.constant 11 : i32
      %swap3A_558 = arith.index_cast %swap3A_557 : i32 to index
      %swap3A_559 = arith.index_cast %mul3A_556 : i32 to index
      %swap3A_560 = tpu.vector_load %arg10[%swap3A_558, %swap3A_559] {strides = array<i32>} : memref<16x272xf32, #tpu.memory_space<vmem>>, vector<16xf32>,
      tpu.vector_store %arg10[%swap3A_558, %swap3A_559], %broadcast_in_dim3A_554 {strides = array<i32>} : memref<16x272xf32, #tpu.memory_space<vmem>>, vector<16xf32>,
      %broadcast_in_dim3A_561 = arith.constant 0.000000e+00 : f32
      %broadcast_in_dim3A_562 = vector.broadcast %broadcast_in_dim3A_561 : f32 to vector<16xf32>
      %mul3A_563 = arith.constant 16 : i32
      %mul3A_564 = arith.muli %scan3A_465, %mul3A_563 : i32
      %swap3A_565 = arith.constant 12 : i32
      %swap3A_566 = arith.index_cast %swap3A_565 : i32 to index
      %swap3A_567 = arith.index_cast %mul3A_564 : i32 to index
      %swap3A_568 = tpu.vector_load %arg10[%swap3A_566, %swap3A_567] {strides = array<i32>} : memref<16x272xf32, #tpu.memory_space<vmem>>, vector<16xf32>,
      tpu.vector_store %arg10[%swap3A_566, %swap3A_567], %broadcast_in_dim3A_562 {strides = array<i32>} : memref<16x272xf32, #tpu.memory_space<vmem>>, vector<16xf32>,
      %broadcast_in_dim3A_569 = arith.constant 0.000000e+00 : f32
      %broadcast_in_dim3A_570 = vector.broadcast %broadcast_in_dim3A_569 : f32 to vector<16xf32>
      %mul3A_571 = arith.constant 16 : i32
      %mul3A_572 = arith.muli %scan3A_465, %mul3A_571 : i32
      %swap3A_573 = arith.constant 13 : i32
      %swap3A_574 = arith.index_cast %swap3A_573 : i32 to index
      %swap3A_575 = arith.index_cast %mul3A_572 : i32 to index
      %swap3A_576 = tpu.vector_load %arg10[%swap3A_574, %swap3A_575] {strides = array<i32>} : memref<16x272xf32, #tpu.memory_space<vmem>>, vector<16xf32>,
      tpu.vector_store %arg10[%swap3A_574, %swap3A_575], %broadcast_in_dim3A_570 {strides = array<i32>} : memref<16x272xf32, #tpu.memory_space<vmem>>, vector<16xf32>,
      %broadcast_in_dim3A_577 = arith.constant 0.000000e+00 : f32
      %broadcast_in_dim3A_578 = vector.broadcast %broadcast_in_dim3A_577 : f32 to vector<16xf32>
      %mul3A_579 = arith.constant 16 : i32
      %mul3A_580 = arith.muli %scan3A_465, %mul3A_579 : i32
      %swap3A_581 = arith.constant 14 : i32
      %swap3A_582 = arith.index_cast %swap3A_581 : i32 to index
      %swap3A_583 = arith.index_cast %mul3A_580 : i32 to index
      %swap3A_584 = tpu.vector_load %arg10[%swap3A_582, %swap3A_583] {strides = array<i32>} : memref<16x272xf32, #tpu.memory_space<vmem>>, vector<16xf32>,
      tpu.vector_store %arg10[%swap3A_582, %swap3A_583], %broadcast_in_dim3A_578 {strides = array<i32>} : memref<16x272xf32, #tpu.memory_space<vmem>>, vector<16xf32>,
      %broadcast_in_dim3A_585 = arith.constant 0.000000e+00 : f32
      %broadcast_in_dim3A_586 = vector.broadcast %broadcast_in_dim3A_585 : f32 to vector<16xf32>
      %mul3A_587 = arith.constant 16 : i32
      %mul3A_588 = arith.muli %scan3A_465, %mul3A_587 : i32
      %swap3A_589 = arith.constant 15 : i32
      %swap3A_590 = arith.index_cast %swap3A_589 : i32 to index
      %swap3A_591 = arith.index_cast %mul3A_588 : i32 to index
      %swap3A_592 = tpu.vector_load %arg10[%swap3A_590, %swap3A_591] {strides = array<i32>} : memref<16x272xf32, #tpu.memory_space<vmem>>, vector<16xf32>,
      tpu.vector_store %arg10[%swap3A_590, %swap3A_591], %broadcast_in_dim3A_586 {strides = array<i32>} : memref<16x272xf32, #tpu.memory_space<vmem>>, vector<16xf32>,
    }
    %scan3A_11 = arith.constant 17 : i32
    %scan3A_12 = arith.constant 0 : i32
    %scan3A_13 = arith.constant 0 : i32
    %scan3A_14 = arith.constant 32 : i32
    %scan3A_15 = arith.addi %scan3A_13, %scan3A_14 : i32
    %scan3A_16 = arith.constant 1 : i32
    scf.for %scan3A_465 = %scan3A_13 to %scan3A_15 step %scan3A_16  : i32 {
      %broadcast_in_dim3A = arith.constant 0.000000e+00 : f32
      %broadcast_in_dim3A_466 = vector.broadcast %broadcast_in_dim3A : f32 to vector<16xf32>
      %swap3A_467 = arith.index_cast %scan3A_465 : i32 to index
      %swap3A_468 = arith.constant 0 : index
      %swap3A_469 = tpu.vector_load %arg12[%swap3A_467, %swap3A_468] {strides = array<i32>} : memref<32x16xf32, #tpu.memory_space<vmem>>, vector<16xf32>,
      tpu.vector_store %arg12[%swap3A_467, %swap3A_468], %broadcast_in_dim3A_466 {strides = array<i32>} : memref<32x16xf32, #tpu.memory_space<vmem>>, vector<16xf32>,
    }
    %scan3A_17 = arith.constant 32 : i32
    %swap3A = arith.constant 0 : index
    %swap3A_18 = tpu.vector_load %arg14[%swap3A] {strides = array<i32>} : memref<32xi32, #tpu.memory_space<vmem>>, vector<16xi32>,
    tpu.vector_store %arg14[%swap3A], %iota3A {strides = array<i32>} : memref<32xi32, #tpu.memory_space<vmem>>, vector<16xi32>,
    %add3A_19 = arith.constant 16 : i32
    %add3A_20 = vector.broadcast %add3A_19 : i32 to vector<16xi32>
    %add3A_21 = arith.addi %iota3A, %add3A_20 : vector<16xi32>
    %swap3A_22 = arith.constant 16 : index
    %swap3A_23 = tpu.vector_load %arg14[%swap3A_22] {strides = array<i32>} : memref<32xi32, #tpu.memory_space<vmem>>, vector<16xi32>,
    tpu.vector_store %arg14[%swap3A_22], %add3A_21 {strides = array<i32>} : memref<32xi32, #tpu.memory_space<vmem>>, vector<16xi32>,
    %scan3A_24 = arith.constant 0 : i32
    %scan3A_25 = arith.constant 0 : i32
    %scan3A_26 = arith.constant 16 : i32
    %scan3A_27 = arith.addi %scan3A_25, %scan3A_26 : i32
    %scan3A_28 = arith.constant 1 : i32
    scf.for %scan3A_465 = %scan3A_25 to %scan3A_27 step %scan3A_28  : i32 {
      %shift_right_logical3A = arith.constant 3 : i32
      %shift_right_logical3A_466 = arith.shrui %scan3A_465, %shift_right_logical3A : i32
      %and3A_467 = arith.constant 7 : i32
      %and3A_468 = arith.andi %scan3A_465, %and3A_467 : i32
      %mul3A_469 = arith.constant 16 : i32
      %mul3A_470 = arith.muli %and3A_468, %mul3A_469 : i32
      %mul3A_471 = arith.constant 16 : i32
      %mul3A_472 = arith.muli %scan3A_465, %mul3A_471 : i32
      %add3A_473 = vector.broadcast %mul3A_472 : i32 to vector<16xi32>
      %add3A_474 = arith.addi %iota3A, %add3A_473 : vector<16xi32>
      %swap3A_475 = arith.index_cast %shift_right_logical3A_466 : i32 to index
      %swap3A_476 = arith.index_cast %mul3A_470 : i32 to index
      %swap3A_477 = tpu.vector_load %arg15[%swap3A_475, %swap3A_476] {strides = array<i32>} : memref<2x128xi32, #tpu.memory_space<vmem>>, vector<16xi32>,
      tpu.vector_store %arg15[%swap3A_475, %swap3A_476], %add3A_474 {strides = array<i32>} : memref<2x128xi32, #tpu.memory_space<vmem>>, vector<16xi32>,
    }
    %scan3A_29 = arith.constant 16 : i32
    %eq3A = arith.constant 0 : i32
    %eq3A_30 = arith.cmpi eq, %arg1, %eq3A : i32
    %convert_element_type3A = arith.extui %eq3A_30 : i1 to i32
    %cond3A = arith.constant 0 : i32
    %cond3A_31 = arith.cmpi ne, %convert_element_type3A, %cond3A : i32
    scf.if %cond3A_31 {
      "tpu.region"() ({
        %run_scoped3A_465 = tpu.sem_alloc : memref<!tpu.dma_semaphore, #tpu.memory_space<semaphore_mem>>
        tpu.enqueue_dma source(%arg13 : memref<272x16xf32, #tpu.memory_space<vmem>>) target(%arg19 : memref<272x16xf32, #tpu.memory_space<vmem_shared>>) target_semaphore(%run_scoped3A_465 : memref<!tpu.dma_semaphore, #tpu.memory_space<semaphore_mem>>)
        tpu.wait_dma2 semaphore(%run_scoped3A_465 : memref<!tpu.dma_semaphore, #tpu.memory_space<semaphore_mem>>) src(%arg13 : memref<272x16xf32, #tpu.memory_space<vmem>>) dst(%arg19 : memref<272x16xf32, #tpu.memory_space<vmem_shared>>)
        tpu.yield
      }) : () -> ()
      "tpu.region"() ({
        %run_scoped3A_465 = tpu.sem_alloc : memref<!tpu.dma_semaphore, #tpu.memory_space<semaphore_mem>>
        %dma_start3A_466 = arith.constant 0 : i32
        %dma_start3A_467 = arith.constant 0 : i32
        %dma_start3A_468 = tpu.memref_slice %arg13[%dma_start3A_466, %dma_start3A_467] : memref<272x16xf32, #tpu.memory_space<vmem>> -> memref<32x16xf32, #tpu.memory_space<vmem>>
        %dma_start3A_469 = arith.constant 0 : i32
        %dma_start3A_470 = arith.constant 0 : i32
        %dma_start3A_471 = tpu.memref_slice %arg13[%dma_start3A_469, %dma_start3A_470] : memref<272x16xf32, #tpu.memory_space<vmem>> -> memref<32x16xf32, #tpu.memory_space<vmem>>
        tpu.enqueue_dma source(%dma_start3A_471 : memref<32x16xf32, #tpu.memory_space<vmem>>) target(%arg20 : memref<32x16xf32, #tpu.memory_space<vmem_shared>>) target_semaphore(%run_scoped3A_465 : memref<!tpu.dma_semaphore, #tpu.memory_space<semaphore_mem>>)
        %dma_wait3A_472 = arith.constant 0 : i32
        %dma_wait3A_473 = arith.constant 0 : i32
        %dma_wait3A_474 = tpu.memref_slice %arg13[%dma_wait3A_472, %dma_wait3A_473] : memref<272x16xf32, #tpu.memory_space<vmem>> -> memref<32x16xf32, #tpu.memory_space<vmem>>
        %dma_wait3A_475 = arith.constant 0 : i32
        %dma_wait3A_476 = arith.constant 0 : i32
        %dma_wait3A_477 = tpu.memref_slice %arg13[%dma_wait3A_475, %dma_wait3A_476] : memref<272x16xf32, #tpu.memory_space<vmem>> -> memref<32x16xf32, #tpu.memory_space<vmem>>
        tpu.wait_dma2 semaphore(%run_scoped3A_465 : memref<!tpu.dma_semaphore, #tpu.memory_space<semaphore_mem>>) src(%dma_wait3A_477 : memref<32x16xf32, #tpu.memory_space<vmem>>) dst(%arg20 : memref<32x16xf32, #tpu.memory_space<vmem_shared>>)
        tpu.yield
      }) : () -> ()
    } else {
    }
    "tpu.region"() ({
      %run_scoped3A_465 = tpu.sem_alloc : memref<!tpu.dma_semaphore, #tpu.memory_space<semaphore_mem>>
      tpu.enqueue_dma source(%arg4 : memref<10000xi32, #tpu.memory_space<hbm>>) target(%arg7 : memref<10000xi32, #tpu.memory_space<vmem>>) target_semaphore(%run_scoped3A_465 : memref<!tpu.dma_semaphore, #tpu.memory_space<semaphore_mem>>)
      tpu.wait_dma2 semaphore(%run_scoped3A_465 : memref<!tpu.dma_semaphore, #tpu.memory_space<semaphore_mem>>) src(%arg4 : memref<10000xi32, #tpu.memory_space<hbm>>) dst(%arg7 : memref<10000xi32, #tpu.memory_space<vmem>>)
      tpu.yield
    }) : () -> ()
    %barrier3A = arith.constant 0 : index
    tpu.barrier barrier_id(%barrier3A)
    %mul3A_32 = arith.constant 10000 : i32
    %mul3A_33 = arith.muli %add3A, %mul3A_32 : i32
    %add3A_34 = arith.constant 0 : i32
    %add3A_35 = arith.addi %mul3A_33, %add3A_34 : i32
    %jit3A = arith.constant 16 : i32
    %div3A = arith.divsi %add3A_35, %jit3A : i32
    %sign3A = arith.constant 0 : i32
    %sign3A_36 = arith.cmpi sgt, %add3A_35, %sign3A : i32
    %sign3A_37 = arith.extui %sign3A_36 : i1 to i32
    %sign3A_38 = arith.constant 0 : i32
    %sign3A_39 = arith.cmpi slt, %add3A_35, %sign3A_38 : i32
    %sign3A_40 = arith.extui %sign3A_39 : i1 to i32
    %sign3A_41 = arith.subi %sign3A_37, %sign3A_40 : i32
    %sign3A_42 = arith.constant 0 : i32
    %sign3A_43 = arith.cmpi sgt, %jit3A, %sign3A_42 : i32
    %sign3A_44 = arith.extui %sign3A_43 : i1 to i32
    %sign3A_45 = arith.constant 0 : i32
    %sign3A_46 = arith.cmpi slt, %jit3A, %sign3A_45 : i32
    %sign3A_47 = arith.extui %sign3A_46 : i1 to i32
    %sign3A_48 = arith.subi %sign3A_44, %sign3A_47 : i32
    %ne3A = arith.cmpi ne, %sign3A_41, %sign3A_48 : i32
    %rem3A = arith.remsi %add3A_35, %jit3A : i32
    %ne3A_49 = arith.constant 0 : i32
    %ne3A_50 = arith.cmpi ne, %rem3A, %ne3A_49 : i32
    %and3A = arith.andi %ne3A, %ne3A_50 : i1
    %sub3A = arith.constant 1 : i32
    %sub3A_51 = arith.subi %div3A, %sub3A : i32
    %select_n3A = arith.select %and3A, %sub3A_51, %div3A : i32
    %dma_start3A = arith.constant 0 : i32
    %dma_start3A_52 = arith.constant 0 : i32
    %dma_start3A_53 = arith.constant 0 : i32
    %dma_start3A_54 = tpu.memref_slice %arg8[%dma_start3A, %dma_start3A_52, %dma_start3A_53] : memref<3x128x16xi32, #tpu.memory_space<vmem>> -> memref<1x128x16xi32, #tpu.memory_space<vmem>>
    %dma_start3A_55 = tpu.memref_squeeze %dma_start3A_54 : memref<1x128x16xi32, #tpu.memory_space<vmem>> -> memref<128x16xi32, #tpu.memory_space<vmem>>
    %dma_start3A_56 = arith.constant 0 : i32
    %dma_start3A_57 = tpu.memref_slice %arg2[%select_n3A, %dma_start3A_56] : memref<20000x16xi32, #tpu.memory_space<hbm>> -> memref<128x16xi32, #tpu.memory_space<hbm>>
    %dma_start3A_58 = arith.constant 0 : i32
    %dma_start3A_59 = arith.constant 0 : i32
    %dma_start3A_60 = tpu.memref_slice %arg8[%dma_start3A, %dma_start3A_58, %dma_start3A_59] : memref<3x128x16xi32, #tpu.memory_space<vmem>> -> memref<1x128x16xi32, #tpu.memory_space<vmem>>
    %dma_start3A_61 = tpu.memref_squeeze %dma_start3A_60 : memref<1x128x16xi32, #tpu.memory_space<vmem>> -> memref<128x16xi32, #tpu.memory_space<vmem>>
    %dma_start3A_62 = arith.constant 0 : i32
    %dma_start3A_63 = tpu.memref_slice %arg2[%select_n3A, %dma_start3A_62] : memref<20000x16xi32, #tpu.memory_space<hbm>> -> memref<128x16xi32, #tpu.memory_space<hbm>>
    tpu.enqueue_dma source(%dma_start3A_63 : memref<128x16xi32, #tpu.memory_space<hbm>>) target(%dma_start3A_61 : memref<128x16xi32, #tpu.memory_space<vmem>>) target_semaphore(%arg16 : memref<!tpu.dma_semaphore, #tpu.memory_space<semaphore_mem>>)
    %dma_start3A_64 = arith.constant 0 : i32
    %dma_start3A_65 = arith.constant 0 : i32
    %dma_start3A_66 = arith.constant 0 : i32
    %dma_start3A_67 = tpu.memref_slice %arg9[%dma_start3A_64, %dma_start3A_65, %dma_start3A_66] : memref<3x16x2048xf32, #tpu.memory_space<vmem>> -> memref<1x16x2048xf32, #tpu.memory_space<vmem>>
    %dma_start3A_68 = tpu.memref_squeeze %dma_start3A_67 : memref<1x16x2048xf32, #tpu.memory_space<vmem>> -> memref<16x2048xf32, #tpu.memory_space<vmem>>
    %dma_start3A_69 = arith.constant 0 : i32
    %dma_start3A_70 = tpu.memref_slice %arg3[%dma_start3A_69, %add3A_35] : memref<16x320000xf32, #tpu.memory_space<hbm>> -> memref<16x2048xf32, #tpu.memory_space<hbm>>
    %dma_start3A_71 = arith.constant 0 : i32
    %dma_start3A_72 = arith.constant 0 : i32
    %dma_start3A_73 = tpu.memref_slice %arg9[%dma_start3A_64, %dma_start3A_71, %dma_start3A_72] : memref<3x16x2048xf32, #tpu.memory_space<vmem>> -> memref<1x16x2048xf32, #tpu.memory_space<vmem>>
    %dma_start3A_74 = tpu.memref_squeeze %dma_start3A_73 : memref<1x16x2048xf32, #tpu.memory_space<vmem>> -> memref<16x2048xf32, #tpu.memory_space<vmem>>
    %dma_start3A_75 = arith.constant 0 : i32
    %dma_start3A_76 = tpu.memref_slice %arg3[%dma_start3A_75, %add3A_35] : memref<16x320000xf32, #tpu.memory_space<hbm>> -> memref<16x2048xf32, #tpu.memory_space<hbm>>
    tpu.enqueue_dma source(%dma_start3A_76 : memref<16x2048xf32, #tpu.memory_space<hbm>>) target(%dma_start3A_74 : memref<16x2048xf32, #tpu.memory_space<vmem>>) target_semaphore(%arg16 : memref<!tpu.dma_semaphore, #tpu.memory_space<semaphore_mem>>)
    %mul3A_77 = arith.constant 10000 : i32
    %mul3A_78 = arith.muli %add3A, %mul3A_77 : i32
    %add3A_79 = arith.constant 2048 : i32
    %add3A_80 = arith.addi %mul3A_78, %add3A_79 : i32
    %jit3A_81 = arith.constant 16 : i32
    %div3A_82 = arith.divsi %add3A_80, %jit3A_81 : i32
    %sign3A_83 = arith.constant 0 : i32
    %sign3A_84 = arith.cmpi sgt, %add3A_80, %sign3A_83 : i32
    %sign3A_85 = arith.extui %sign3A_84 : i1 to i32
    %sign3A_86 = arith.constant 0 : i32
    %sign3A_87 = arith.cmpi slt, %add3A_80, %sign3A_86 : i32
    %sign3A_88 = arith.extui %sign3A_87 : i1 to i32
    %sign3A_89 = arith.subi %sign3A_85, %sign3A_88 : i32
    %sign3A_90 = arith.constant 0 : i32
    %sign3A_91 = arith.cmpi sgt, %jit3A_81, %sign3A_90 : i32
    %sign3A_92 = arith.extui %sign3A_91 : i1 to i32
    %sign3A_93 = arith.constant 0 : i32
    %sign3A_94 = arith.cmpi slt, %jit3A_81, %sign3A_93 : i32
    %sign3A_95 = arith.extui %sign3A_94 : i1 to i32
    %sign3A_96 = arith.subi %sign3A_92, %sign3A_95 : i32
    %ne3A_97 = arith.cmpi ne, %sign3A_89, %sign3A_96 : i32
    %rem3A_98 = arith.remsi %add3A_80, %jit3A_81 : i32
    %ne3A_99 = arith.constant 0 : i32
    %ne3A_100 = arith.cmpi ne, %rem3A_98, %ne3A_99 : i32
    %and3A_101 = arith.andi %ne3A_97, %ne3A_100 : i1
    %sub3A_102 = arith.constant 1 : i32
    %sub3A_103 = arith.subi %div3A_82, %sub3A_102 : i32
    %select_n3A_104 = arith.select %and3A_101, %sub3A_103, %div3A_82 : i32
    %dma_start3A_105 = arith.constant 1 : i32
    %dma_start3A_106 = arith.constant 0 : i32
    %dma_start3A_107 = arith.constant 0 : i32
    %dma_start3A_108 = tpu.memref_slice %arg8[%dma_start3A_105, %dma_start3A_106, %dma_start3A_107] : memref<3x128x16xi32, #tpu.memory_space<vmem>> -> memref<1x128x16xi32, #tpu.memory_space<vmem>>
    %dma_start3A_109 = tpu.memref_squeeze %dma_start3A_108 : memref<1x128x16xi32, #tpu.memory_space<vmem>> -> memref<128x16xi32, #tpu.memory_space<vmem>>
    %dma_start3A_110 = arith.constant 0 : i32
    %dma_start3A_111 = tpu.memref_slice %arg2[%select_n3A_104, %dma_start3A_110] : memref<20000x16xi32, #tpu.memory_space<hbm>> -> memref<128x16xi32, #tpu.memory_space<hbm>>
    %dma_start3A_112 = arith.constant 0 : i32
    %dma_start3A_113 = arith.constant 0 : i32
    %dma_start3A_114 = tpu.memref_slice %arg8[%dma_start3A_105, %dma_start3A_112, %dma_start3A_113] : memref<3x128x16xi32, #tpu.memory_space<vmem>> -> memref<1x128x16xi32, #tpu.memory_space<vmem>>
    %dma_start3A_115 = tpu.memref_squeeze %dma_start3A_114 : memref<1x128x16xi32, #tpu.memory_space<vmem>> -> memref<128x16xi32, #tpu.memory_space<vmem>>
    %dma_start3A_116 = arith.constant 0 : i32
    %dma_start3A_117 = tpu.memref_slice %arg2[%select_n3A_104, %dma_start3A_116] : memref<20000x16xi32, #tpu.memory_space<hbm>> -> memref<128x16xi32, #tpu.memory_space<hbm>>
    tpu.enqueue_dma source(%dma_start3A_117 : memref<128x16xi32, #tpu.memory_space<hbm>>) target(%dma_start3A_115 : memref<128x16xi32, #tpu.memory_space<vmem>>) target_semaphore(%arg17 : memref<!tpu.dma_semaphore, #tpu.memory_space<semaphore_mem>>)
    %dma_start3A_118 = arith.constant 1 : i32
    %dma_start3A_119 = arith.constant 0 : i32
    %dma_start3A_120 = arith.constant 0 : i32
    %dma_start3A_121 = tpu.memref_slice %arg9[%dma_start3A_118, %dma_start3A_119, %dma_start3A_120] : memref<3x16x2048xf32, #tpu.memory_space<vmem>> -> memref<1x16x2048xf32, #tpu.memory_space<vmem>>
    %dma_start3A_122 = tpu.memref_squeeze %dma_start3A_121 : memref<1x16x2048xf32, #tpu.memory_space<vmem>> -> memref<16x2048xf32, #tpu.memory_space<vmem>>
    %dma_start3A_123 = arith.constant 0 : i32
    %dma_start3A_124 = tpu.memref_slice %arg3[%dma_start3A_123, %add3A_80] : memref<16x320000xf32, #tpu.memory_space<hbm>> -> memref<16x2048xf32, #tpu.memory_space<hbm>>
    %dma_start3A_125 = arith.constant 0 : i32
    %dma_start3A_126 = arith.constant 0 : i32
    %dma_start3A_127 = tpu.memref_slice %arg9[%dma_start3A_118, %dma_start3A_125, %dma_start3A_126] : memref<3x16x2048xf32, #tpu.memory_space<vmem>> -> memref<1x16x2048xf32, #tpu.memory_space<vmem>>
    %dma_start3A_128 = tpu.memref_squeeze %dma_start3A_127 : memref<1x16x2048xf32, #tpu.memory_space<vmem>> -> memref<16x2048xf32, #tpu.memory_space<vmem>>
    %dma_start3A_129 = arith.constant 0 : i32
    %dma_start3A_130 = tpu.memref_slice %arg3[%dma_start3A_129, %add3A_80] : memref<16x320000xf32, #tpu.memory_space<hbm>> -> memref<16x2048xf32, #tpu.memory_space<hbm>>
    tpu.enqueue_dma source(%dma_start3A_130 : memref<16x2048xf32, #tpu.memory_space<hbm>>) target(%dma_start3A_128 : memref<16x2048xf32, #tpu.memory_space<vmem>>) target_semaphore(%arg17 : memref<!tpu.dma_semaphore, #tpu.memory_space<semaphore_mem>>)
    %dma_wait3A = arith.constant 0 : i32
    %dma_wait3A_131 = arith.constant 0 : i32
    %dma_wait3A_132 = arith.constant 0 : i32
    %dma_wait3A_133 = tpu.memref_slice %arg8[%dma_wait3A, %dma_wait3A_131, %dma_wait3A_132] : memref<3x128x16xi32, #tpu.memory_space<vmem>> -> memref<1x128x16xi32, #tpu.memory_space<vmem>>
    %dma_wait3A_134 = tpu.memref_squeeze %dma_wait3A_133 : memref<1x128x16xi32, #tpu.memory_space<vmem>> -> memref<128x16xi32, #tpu.memory_space<vmem>>
    %dma_wait3A_135 = arith.constant 0 : i32
    %dma_wait3A_136 = tpu.memref_slice %arg2[%select_n3A, %dma_wait3A_135] : memref<20000x16xi32, #tpu.memory_space<hbm>> -> memref<128x16xi32, #tpu.memory_space<hbm>>
    %dma_wait3A_137 = arith.constant 0 : i32
    %dma_wait3A_138 = arith.constant 0 : i32
    %dma_wait3A_139 = tpu.memref_slice %arg8[%dma_wait3A, %dma_wait3A_137, %dma_wait3A_138] : memref<3x128x16xi32, #tpu.memory_space<vmem>> -> memref<1x128x16xi32, #tpu.memory_space<vmem>>
    %dma_wait3A_140 = tpu.memref_squeeze %dma_wait3A_139 : memref<1x128x16xi32, #tpu.memory_space<vmem>> -> memref<128x16xi32, #tpu.memory_space<vmem>>
    %dma_wait3A_141 = arith.constant 0 : i32
    %dma_wait3A_142 = tpu.memref_slice %arg2[%select_n3A, %dma_wait3A_141] : memref<20000x16xi32, #tpu.memory_space<hbm>> -> memref<128x16xi32, #tpu.memory_space<hbm>>
    tpu.wait_dma2 semaphore(%arg16 : memref<!tpu.dma_semaphore, #tpu.memory_space<semaphore_mem>>) src(%dma_wait3A_142 : memref<128x16xi32, #tpu.memory_space<hbm>>) dst(%dma_wait3A_140 : memref<128x16xi32, #tpu.memory_space<vmem>>)
    %dma_wait3A_143 = arith.constant 0 : i32
    %dma_wait3A_144 = arith.constant 0 : i32
    %dma_wait3A_145 = arith.constant 0 : i32
    %dma_wait3A_146 = tpu.memref_slice %arg9[%dma_wait3A_143, %dma_wait3A_144, %dma_wait3A_145] : memref<3x16x2048xf32, #tpu.memory_space<vmem>> -> memref<1x16x2048xf32, #tpu.memory_space<vmem>>
    %dma_wait3A_147 = tpu.memref_squeeze %dma_wait3A_146 : memref<1x16x2048xf32, #tpu.memory_space<vmem>> -> memref<16x2048xf32, #tpu.memory_space<vmem>>
    %dma_wait3A_148 = arith.constant 0 : i32
    %dma_wait3A_149 = tpu.memref_slice %arg3[%dma_wait3A_148, %add3A_35] : memref<16x320000xf32, #tpu.memory_space<hbm>> -> memref<16x2048xf32, #tpu.memory_space<hbm>>
    %dma_wait3A_150 = arith.constant 0 : i32
    %dma_wait3A_151 = arith.constant 0 : i32
    %dma_wait3A_152 = tpu.memref_slice %arg9[%dma_wait3A_143, %dma_wait3A_150, %dma_wait3A_151] : memref<3x16x2048xf32, #tpu.memory_space<vmem>> -> memref<1x16x2048xf32, #tpu.memory_space<vmem>>
    %dma_wait3A_153 = tpu.memref_squeeze %dma_wait3A_152 : memref<1x16x2048xf32, #tpu.memory_space<vmem>> -> memref<16x2048xf32, #tpu.memory_space<vmem>>
    %dma_wait3A_154 = arith.constant 0 : i32
    %dma_wait3A_155 = tpu.memref_slice %arg3[%dma_wait3A_154, %add3A_35] : memref<16x320000xf32, #tpu.memory_space<hbm>> -> memref<16x2048xf32, #tpu.memory_space<hbm>>
    tpu.wait_dma2 semaphore(%arg16 : memref<!tpu.dma_semaphore, #tpu.memory_space<semaphore_mem>>) src(%dma_wait3A_155 : memref<16x2048xf32, #tpu.memory_space<hbm>>) dst(%dma_wait3A_153 : memref<16x2048xf32, #tpu.memory_space<vmem>>)
    %scan3A_156 = arith.constant 0 : i32
    %scan3A_157 = arith.constant 0 : i32
    %scan3A_158 = arith.constant 128 : i32
    %scan3A_159 = arith.addi %scan3A_157, %scan3A_158 : i32
    %scan3A_160 = arith.constant 2 : i32
    scf.for %scan3A_465 = %scan3A_157 to %scan3A_159 step %scan3A_160  : i32 {
      %get3A = arith.constant 0 : i32
      %get3A_466 = arith.index_cast %get3A : i32 to index
      %get3A_467 = arith.index_cast %scan3A_465 : i32 to index
      %get3A_468 = arith.constant 0 : index
      %get3A_469 = tpu.vector_load %arg8[%get3A_466, %get3A_467, %get3A_468] {strides = array<i32>} : memref<3x128x16xi32, #tpu.memory_space<vmem>>, vector<16xi32>,
      %gather3A = tpu.vector_load_idx %arg7[%get3A_469] : memref<10000xi32, #tpu.memory_space<vmem>>[vector<16xi32>], vector<16xi32>,
      %broadcast_in_dim3A = arith.constant true
      %broadcast_in_dim3A_470 = vector.broadcast %broadcast_in_dim3A : i1 to vector<16xi1>
      %unique3A, %unique3A_471 = tpu.scan_count mask(%broadcast_in_dim3A_470 : vector<16xi1>) value(%gather3A : vector<16xi32>) : vector<16xi1>, vector<16xi32>
      %shift_right_logical3A = arith.constant 4 : i32
      %shift_right_logical3A_472 = vector.broadcast %shift_right_logical3A : i32 to vector<16xi32>
      %shift_right_logical3A_473 = arith.shrui %gather3A, %shift_right_logical3A_472 : vector<16xi32>
      %and3A_474 = arith.constant 15 : i32
      %and3A_475 = vector.broadcast %and3A_474 : i32 to vector<16xi32>
      %and3A_476 = arith.andi %gather3A, %and3A_475 : vector<16xi32>
      %convert_element_type3A_477 = arith.sitofp %unique3A_471 : vector<16xi32> to vector<16xf32>
      tpu.vector_store_idx %arg12[%shift_right_logical3A_473, %and3A_476], %convert_element_type3A_477 masked %unique3A {add = true} : memref<32x16xf32, #tpu.memory_space<vmem>>[vector<16xi32>, vector<16xi32>], vector<16xf32>, vector<16xi1>
      %mul3A_478 = arith.constant 16 : i32
      %mul3A_479 = arith.muli %scan3A_465, %mul3A_478 : i32
      %get3A_480 = arith.constant 0 : i32
      %get3A_481 = arith.constant 0 : i32
      %get3A_482 = arith.index_cast %get3A_480 : i32 to index
      %get3A_483 = arith.index_cast %get3A_481 : i32 to index
      %get3A_484 = arith.index_cast %mul3A_479 : i32 to index
      %get3A_485 = tpu.vector_load %arg9[%get3A_482, %get3A_483, %get3A_484] {strides = array<i32>} : memref<3x16x2048xf32, #tpu.memory_space<vmem>>, vector<16xf32>,
      %broadcast_in_dim3A_486 = arith.constant 0 : i32
      %broadcast_in_dim3A_487 = vector.broadcast %broadcast_in_dim3A_486 : i32 to vector<16xi32>
      tpu.vector_store_idx %arg10[%broadcast_in_dim3A_487, %gather3A], %get3A_485 {add = true} : memref<16x272xf32, #tpu.memory_space<vmem>>[vector<16xi32>, vector<16xi32>], vector<16xf32>,
      %mul3A_488 = arith.constant 16 : i32
      %mul3A_489 = arith.muli %scan3A_465, %mul3A_488 : i32
      %get3A_490 = arith.constant 0 : i32
      %get3A_491 = arith.constant 1 : i32
      %get3A_492 = arith.index_cast %get3A_490 : i32 to index
      %get3A_493 = arith.index_cast %get3A_491 : i32 to index
      %get3A_494 = arith.index_cast %mul3A_489 : i32 to index
      %get3A_495 = tpu.vector_load %arg9[%get3A_492, %get3A_493, %get3A_494] {strides = array<i32>} : memref<3x16x2048xf32, #tpu.memory_space<vmem>>, vector<16xf32>,
      %broadcast_in_dim3A_496 = arith.constant 1 : i32
      %broadcast_in_dim3A_497 = vector.broadcast %broadcast_in_dim3A_496 : i32 to vector<16xi32>
      tpu.vector_store_idx %arg10[%broadcast_in_dim3A_497, %gather3A], %get3A_495 {add = true} : memref<16x272xf32, #tpu.memory_space<vmem>>[vector<16xi32>, vector<16xi32>], vector<16xf32>,
      %mul3A_498 = arith.constant 16 : i32
      %mul3A_499 = arith.muli %scan3A_465, %mul3A_498 : i32
      %get3A_500 = arith.constant 0 : i32
      %get3A_501 = arith.constant 2 : i32
      %get3A_502 = arith.index_cast %get3A_500 : i32 to index
      %get3A_503 = arith.index_cast %get3A_501 : i32 to index
      %get3A_504 = arith.index_cast %mul3A_499 : i32 to index
      %get3A_505 = tpu.vector_load %arg9[%get3A_502, %get3A_503, %get3A_504] {strides = array<i32>} : memref<3x16x2048xf32, #tpu.memory_space<vmem>>, vector<16xf32>,
      %broadcast_in_dim3A_506 = arith.constant 2 : i32
      %broadcast_in_dim3A_507 = vector.broadcast %broadcast_in_dim3A_506 : i32 to vector<16xi32>
      tpu.vector_store_idx %arg10[%broadcast_in_dim3A_507, %gather3A], %get3A_505 {add = true} : memref<16x272xf32, #tpu.memory_space<vmem>>[vector<16xi32>, vector<16xi32>], vector<16xf32>,
      %mul3A_508 = arith.constant 16 : i32
      %mul3A_509 = arith.muli %scan3A_465, %mul3A_508 : i32
      %get3A_510 = arith.constant 0 : i32
      %get3A_511 = arith.constant 3 : i32
      %get3A_512 = arith.index_cast %get3A_510 : i32 to index
      %get3A_513 = arith.index_cast %get3A_511 : i32 to index
      %get3A_514 = arith.index_cast %mul3A_509 : i32 to index
      %get3A_515 = tpu.vector_load %arg9[%get3A_512, %get3A_513, %get3A_514] {strides = array<i32>} : memref<3x16x2048xf32, #tpu.memory_space<vmem>>, vector<16xf32>,
      %broadcast_in_dim3A_516 = arith.constant 3 : i32
      %broadcast_in_dim3A_517 = vector.broadcast %broadcast_in_dim3A_516 : i32 to vector<16xi32>
      tpu.vector_store_idx %arg10[%broadcast_in_dim3A_517, %gather3A], %get3A_515 {add = true} : memref<16x272xf32, #tpu.memory_space<vmem>>[vector<16xi32>, vector<16xi32>], vector<16xf32>,
      %mul3A_518 = arith.constant 16 : i32
      %mul3A_519 = arith.muli %scan3A_465, %mul3A_518 : i32
      %get3A_520 = arith.constant 0 : i32
      %get3A_521 = arith.constant 4 : i32
      %get3A_522 = arith.index_cast %get3A_520 : i32 to index
      %get3A_523 = arith.index_cast %get3A_521 : i32 to index
      %get3A_524 = arith.index_cast %mul3A_519 : i32 to index
      %get3A_525 = tpu.vector_load %arg9[%get3A_522, %get3A_523, %get3A_524] {strides = array<i32>} : memref<3x16x2048xf32, #tpu.memory_space<vmem>>, vector<16xf32>,
      %broadcast_in_dim3A_526 = arith.constant 4 : i32
      %broadcast_in_dim3A_527 = vector.broadcast %broadcast_in_dim3A_526 : i32 to vector<16xi32>
      tpu.vector_store_idx %arg10[%broadcast_in_dim3A_527, %gather3A], %get3A_525 {add = true} : memref<16x272xf32, #tpu.memory_space<vmem>>[vector<16xi32>, vector<16xi32>], vector<16xf32>,
      %mul3A_528 = arith.constant 16 : i32
      %mul3A_529 = arith.muli %scan3A_465, %mul3A_528 : i32
      %get3A_530 = arith.constant 0 : i32
      %get3A_531 = arith.constant 5 : i32
      %get3A_532 = arith.index_cast %get3A_530 : i32 to index
      %get3A_533 = arith.index_cast %get3A_531 : i32 to index
      %get3A_534 = arith.index_cast %mul3A_529 : i32 to index
      %get3A_535 = tpu.vector_load %arg9[%get3A_532, %get3A_533, %get3A_534] {strides = array<i32>} : memref<3x16x2048xf32, #tpu.memory_space<vmem>>, vector<16xf32>,
      %broadcast_in_dim3A_536 = arith.constant 5 : i32
      %broadcast_in_dim3A_537 = vector.broadcast %broadcast_in_dim3A_536 : i32 to vector<16xi32>
      tpu.vector_store_idx %arg10[%broadcast_in_dim3A_537, %gather3A], %get3A_535 {add = true} : memref<16x272xf32, #tpu.memory_space<vmem>>[vector<16xi32>, vector<16xi32>], vector<16xf32>,
      %mul3A_538 = arith.constant 16 : i32
      %mul3A_539 = arith.muli %scan3A_465, %mul3A_538 : i32
      %get3A_540 = arith.constant 0 : i32
      %get3A_541 = arith.constant 6 : i32
      %get3A_542 = arith.index_cast %get3A_540 : i32 to index
      %get3A_543 = arith.index_cast %get3A_541 : i32 to index
      %get3A_544 = arith.index_cast %mul3A_539 : i32 to index
      %get3A_545 = tpu.vector_load %arg9[%get3A_542, %get3A_543, %get3A_544] {strides = array<i32>} : memref<3x16x2048xf32, #tpu.memory_space<vmem>>, vector<16xf32>,
      %broadcast_in_dim3A_546 = arith.constant 6 : i32
      %broadcast_in_dim3A_547 = vector.broadcast %broadcast_in_dim3A_546 : i32 to vector<16xi32>
      tpu.vector_store_idx %arg10[%broadcast_in_dim3A_547, %gather3A], %get3A_545 {add = true} : memref<16x272xf32, #tpu.memory_space<vmem>>[vector<16xi32>, vector<16xi32>], vector<16xf32>,
      %mul3A_548 = arith.constant 16 : i32
      %mul3A_549 = arith.muli %scan3A_465, %mul3A_548 : i32
      %get3A_550 = arith.constant 0 : i32
      %get3A_551 = arith.constant 7 : i32
      %get3A_552 = arith.index_cast %get3A_550 : i32 to index
      %get3A_553 = arith.index_cast %get3A_551 : i32 to index
      %get3A_554 = arith.index_cast %mul3A_549 : i32 to index
      %get3A_555 = tpu.vector_load %arg9[%get3A_552, %get3A_553, %get3A_554] {strides = array<i32>} : memref<3x16x2048xf32, #tpu.memory_space<vmem>>, vector<16xf32>,
      %broadcast_in_dim3A_556 = arith.constant 7 : i32
      %broadcast_in_dim3A_557 = vector.broadcast %broadcast_in_dim3A_556 : i32 to vector<16xi32>
      tpu.vector_store_idx %arg10[%broadcast_in_dim3A_557, %gather3A], %get3A_555 {add = true} : memref<16x272xf32, #tpu.memory_space<vmem>>[vector<16xi32>, vector<16xi32>], vector<16xf32>,
      %mul3A_558 = arith.constant 16 : i32
      %mul3A_559 = arith.muli %scan3A_465, %mul3A_558 : i32
      %get3A_560 = arith.constant 0 : i32
      %get3A_561 = arith.constant 8 : i32
      %get3A_562 = arith.index_cast %get3A_560 : i32 to index
      %get3A_563 = arith.index_cast %get3A_561 : i32 to index
      %get3A_564 = arith.index_cast %mul3A_559 : i32 to index
      %get3A_565 = tpu.vector_load %arg9[%get3A_562, %get3A_563, %get3A_564] {strides = array<i32>} : memref<3x16x2048xf32, #tpu.memory_space<vmem>>, vector<16xf32>,
      %broadcast_in_dim3A_566 = arith.constant 8 : i32
      %broadcast_in_dim3A_567 = vector.broadcast %broadcast_in_dim3A_566 : i32 to vector<16xi32>
      tpu.vector_store_idx %arg10[%broadcast_in_dim3A_567, %gather3A], %get3A_565 {add = true} : memref<16x272xf32, #tpu.memory_space<vmem>>[vector<16xi32>, vector<16xi32>], vector<16xf32>,
      %mul3A_568 = arith.constant 16 : i32
      %mul3A_569 = arith.muli %scan3A_465, %mul3A_568 : i32
      %get3A_570 = arith.constant 0 : i32
      %get3A_571 = arith.constant 9 : i32
      %get3A_572 = arith.index_cast %get3A_570 : i32 to index
      %get3A_573 = arith.index_cast %get3A_571 : i32 to index
      %get3A_574 = arith.index_cast %mul3A_569 : i32 to index
      %get3A_575 = tpu.vector_load %arg9[%get3A_572, %get3A_573, %get3A_574] {strides = array<i32>} : memref<3x16x2048xf32, #tpu.memory_space<vmem>>, vector<16xf32>,
      %broadcast_in_dim3A_576 = arith.constant 9 : i32
      %broadcast_in_dim3A_577 = vector.broadcast %broadcast_in_dim3A_576 : i32 to vector<16xi32>
      tpu.vector_store_idx %arg10[%broadcast_in_dim3A_577, %gather3A], %get3A_575 {add = true} : memref<16x272xf32, #tpu.memory_space<vmem>>[vector<16xi32>, vector<16xi32>], vector<16xf32>,
      %mul3A_578 = arith.constant 16 : i32
      %mul3A_579 = arith.muli %scan3A_465, %mul3A_578 : i32
      %get3A_580 = arith.constant 0 : i32
      %get3A_581 = arith.constant 10 : i32
      %get3A_582 = arith.index_cast %get3A_580 : i32 to index
      %get3A_583 = arith.index_cast %get3A_581 : i32 to index
      %get3A_584 = arith.index_cast %mul3A_579 : i32 to index
      %get3A_585 = tpu.vector_load %arg9[%get3A_582, %get3A_583, %get3A_584] {strides = array<i32>} : memref<3x16x2048xf32, #tpu.memory_space<vmem>>, vector<16xf32>,
      %broadcast_in_dim3A_586 = arith.constant 10 : i32
      %broadcast_in_dim3A_587 = vector.broadcast %broadcast_in_dim3A_586 : i32 to vector<16xi32>
      tpu.vector_store_idx %arg10[%broadcast_in_dim3A_587, %gather3A], %get3A_585 {add = true} : memref<16x272xf32, #tpu.memory_space<vmem>>[vector<16xi32>, vector<16xi32>], vector<16xf32>,
      %mul3A_588 = arith.constant 16 : i32
      %mul3A_589 = arith.muli %scan3A_465, %mul3A_588 : i32
      %get3A_590 = arith.constant 0 : i32
      %get3A_591 = arith.constant 11 : i32
      %get3A_592 = arith.index_cast %get3A_590 : i32 to index
      %get3A_593 = arith.index_cast %get3A_591 : i32 to index
      %get3A_594 = arith.index_cast %mul3A_589 : i32 to index
      %get3A_595 = tpu.vector_load %arg9[%get3A_592, %get3A_593, %get3A_594] {strides = array<i32>} : memref<3x16x2048xf32, #tpu.memory_space<vmem>>, vector<16xf32>,
      %broadcast_in_dim3A_596 = arith.constant 11 : i32
      %broadcast_in_dim3A_597 = vector.broadcast %broadcast_in_dim3A_596 : i32 to vector<16xi32>
      tpu.vector_store_idx %arg10[%broadcast_in_dim3A_597, %gather3A], %get3A_595 {add = true} : memref<16x272xf32, #tpu.memory_space<vmem>>[vector<16xi32>, vector<16xi32>], vector<16xf32>,
      %mul3A_598 = arith.constant 16 : i32
      %mul3A_599 = arith.muli %scan3A_465, %mul3A_598 : i32
      %get3A_600 = arith.constant 0 : i32
      %get3A_601 = arith.constant 12 : i32
      %get3A_602 = arith.index_cast %get3A_600 : i32 to index
      %get3A_603 = arith.index_cast %get3A_601 : i32 to index
      %get3A_604 = arith.index_cast %mul3A_599 : i32 to index
      %get3A_605 = tpu.vector_load %arg9[%get3A_602, %get3A_603, %get3A_604] {strides = array<i32>} : memref<3x16x2048xf32, #tpu.memory_space<vmem>>, vector<16xf32>,
      %broadcast_in_dim3A_606 = arith.constant 12 : i32
      %broadcast_in_dim3A_607 = vector.broadcast %broadcast_in_dim3A_606 : i32 to vector<16xi32>
      tpu.vector_store_idx %arg10[%broadcast_in_dim3A_607, %gather3A], %get3A_605 {add = true} : memref<16x272xf32, #tpu.memory_space<vmem>>[vector<16xi32>, vector<16xi32>], vector<16xf32>,
      %mul3A_608 = arith.constant 16 : i32
      %mul3A_609 = arith.muli %scan3A_465, %mul3A_608 : i32
      %get3A_610 = arith.constant 0 : i32
      %get3A_611 = arith.constant 13 : i32
      %get3A_612 = arith.index_cast %get3A_610 : i32 to index
      %get3A_613 = arith.index_cast %get3A_611 : i32 to index
      %get3A_614 = arith.index_cast %mul3A_609 : i32 to index
      %get3A_615 = tpu.vector_load %arg9[%get3A_612, %get3A_613, %get3A_614] {strides = array<i32>} : memref<3x16x2048xf32, #tpu.memory_space<vmem>>, vector<16xf32>,
      %broadcast_in_dim3A_616 = arith.constant 13 : i32
      %broadcast_in_dim3A_617 = vector.broadcast %broadcast_in_dim3A_616 : i32 to vector<16xi32>
      tpu.vector_store_idx %arg10[%broadcast_in_dim3A_617, %gather3A], %get3A_615 {add = true} : memref<16x272xf32, #tpu.memory_space<vmem>>[vector<16xi32>, vector<16xi32>], vector<16xf32>,
      %mul3A_618 = arith.constant 16 : i32
      %mul3A_619 = arith.muli %scan3A_465, %mul3A_618 : i32
      %get3A_620 = arith.constant 0 : i32
      %get3A_621 = arith.constant 14 : i32
      %get3A_622 = arith.index_cast %get3A_620 : i32 to index
      %get3A_623 = arith.index_cast %get3A_621 : i32 to index
      %get3A_624 = arith.index_cast %mul3A_619 : i32 to index
      %get3A_625 = tpu.vector_load %arg9[%get3A_622, %get3A_623, %get3A_624] {strides = array<i32>} : memref<3x16x2048xf32, #tpu.memory_space<vmem>>, vector<16xf32>,
      %broadcast_in_dim3A_626 = arith.constant 14 : i32
      %broadcast_in_dim3A_627 = vector.broadcast %broadcast_in_dim3A_626 : i32 to vector<16xi32>
      tpu.vector_store_idx %arg10[%broadcast_in_dim3A_627, %gather3A], %get3A_625 {add = true} : memref<16x272xf32, #tpu.memory_space<vmem>>[vector<16xi32>, vector<16xi32>], vector<16xf32>,
      %mul3A_628 = arith.constant 16 : i32
      %mul3A_629 = arith.muli %scan3A_465, %mul3A_628 : i32
      %get3A_630 = arith.constant 0 : i32
      %get3A_631 = arith.constant 15 : i32
      %get3A_632 = arith.index_cast %get3A_630 : i32 to index
      %get3A_633 = arith.index_cast %get3A_631 : i32 to index
      %get3A_634 = arith.index_cast %mul3A_629 : i32 to index
      %get3A_635 = tpu.vector_load %arg9[%get3A_632, %get3A_633, %get3A_634] {strides = array<i32>} : memref<3x16x2048xf32, #tpu.memory_space<vmem>>, vector<16xf32>,
      %broadcast_in_dim3A_636 = arith.constant 15 : i32
      %broadcast_in_dim3A_637 = vector.broadcast %broadcast_in_dim3A_636 : i32 to vector<16xi32>
      tpu.vector_store_idx %arg10[%broadcast_in_dim3A_637, %gather3A], %get3A_635 {add = true} : memref<16x272xf32, #tpu.memory_space<vmem>>[vector<16xi32>, vector<16xi32>], vector<16xf32>,
      %scan3A_638 = arith.constant 1 : i32
      %scan3A_639 = arith.addi %scan3A_465, %scan3A_638 : i32
      %get3A_640 = arith.constant 0 : i32
      %get3A_641 = arith.index_cast %get3A_640 : i32 to index
      %get3A_642 = arith.index_cast %scan3A_639 : i32 to index
      %get3A_643 = arith.constant 0 : index
      %get3A_644 = tpu.vector_load %arg8[%get3A_641, %get3A_642, %get3A_643] {strides = array<i32>} : memref<3x128x16xi32, #tpu.memory_space<vmem>>, vector<16xi32>,
      %gather3A_645 = tpu.vector_load_idx %arg7[%get3A_644] : memref<10000xi32, #tpu.memory_space<vmem>>[vector<16xi32>], vector<16xi32>,
      %broadcast_in_dim3A_646 = arith.constant true
      %broadcast_in_dim3A_647 = vector.broadcast %broadcast_in_dim3A_646 : i1 to vector<16xi1>
      %unique3A_648, %unique3A_649 = tpu.scan_count mask(%broadcast_in_dim3A_647 : vector<16xi1>) value(%gather3A_645 : vector<16xi32>) : vector<16xi1>, vector<16xi32>
      %shift_right_logical3A_650 = arith.constant 4 : i32
      %shift_right_logical3A_651 = vector.broadcast %shift_right_logical3A_650 : i32 to vector<16xi32>
      %shift_right_logical3A_652 = arith.shrui %gather3A_645, %shift_right_logical3A_651 : vector<16xi32>
      %and3A_653 = arith.constant 15 : i32
      %and3A_654 = vector.broadcast %and3A_653 : i32 to vector<16xi32>
      %and3A_655 = arith.andi %gather3A_645, %and3A_654 : vector<16xi32>
      %convert_element_type3A_656 = arith.sitofp %unique3A_649 : vector<16xi32> to vector<16xf32>
      tpu.vector_store_idx %arg12[%shift_right_logical3A_652, %and3A_655], %convert_element_type3A_656 masked %unique3A_648 {add = true} : memref<32x16xf32, #tpu.memory_space<vmem>>[vector<16xi32>, vector<16xi32>], vector<16xf32>, vector<16xi1>
      %mul3A_657 = arith.constant 16 : i32
      %mul3A_658 = arith.muli %scan3A_639, %mul3A_657 : i32
      %get3A_659 = arith.constant 0 : i32
      %get3A_660 = arith.constant 0 : i32
      %get3A_661 = arith.index_cast %get3A_659 : i32 to index
      %get3A_662 = arith.index_cast %get3A_660 : i32 to index
      %get3A_663 = arith.index_cast %mul3A_658 : i32 to index
      %get3A_664 = tpu.vector_load %arg9[%get3A_661, %get3A_662, %get3A_663] {strides = array<i32>} : memref<3x16x2048xf32, #tpu.memory_space<vmem>>, vector<16xf32>,
      %broadcast_in_dim3A_665 = arith.constant 0 : i32
      %broadcast_in_dim3A_666 = vector.broadcast %broadcast_in_dim3A_665 : i32 to vector<16xi32>
      tpu.vector_store_idx %arg10[%broadcast_in_dim3A_666, %gather3A_645], %get3A_664 {add = true} : memref<16x272xf32, #tpu.memory_space<vmem>>[vector<16xi32>, vector<16xi32>], vector<16xf32>,
      %mul3A_667 = arith.constant 16 : i32
      %mul3A_668 = arith.muli %scan3A_639, %mul3A_667 : i32
      %get3A_669 = arith.constant 0 : i32
      %get3A_670 = arith.constant 1 : i32
      %get3A_671 = arith.index_cast %get3A_669 : i32 to index
      %get3A_672 = arith.index_cast %get3A_670 : i32 to index
      %get3A_673 = arith.index_cast %mul3A_668 : i32 to index
      %get3A_674 = tpu.vector_load %arg9[%get3A_671, %get3A_672, %get3A_673] {strides = array<i32>} : memref<3x16x2048xf32, #tpu.memory_space<vmem>>, vector<16xf32>,
      %broadcast_in_dim3A_675 = arith.constant 1 : i32
      %broadcast_in_dim3A_676 = vector.broadcast %broadcast_in_dim3A_675 : i32 to vector<16xi32>
      tpu.vector_store_idx %arg10[%broadcast_in_dim3A_676, %gather3A_645], %get3A_674 {add = true} : memref<16x272xf32, #tpu.memory_space<vmem>>[vector<16xi32>, vector<16xi32>], vector<16xf32>,
      %mul3A_677 = arith.constant 16 : i32
      %mul3A_678 = arith.muli %scan3A_639, %mul3A_677 : i32
      %get3A_679 = arith.constant 0 : i32
      %get3A_680 = arith.constant 2 : i32
      %get3A_681 = arith.index_cast %get3A_679 : i32 to index
      %get3A_682 = arith.index_cast %get3A_680 : i32 to index
      %get3A_683 = arith.index_cast %mul3A_678 : i32 to index
      %get3A_684 = tpu.vector_load %arg9[%get3A_681, %get3A_682, %get3A_683] {strides = array<i32>} : memref<3x16x2048xf32, #tpu.memory_space<vmem>>, vector<16xf32>,
      %broadcast_in_dim3A_685 = arith.constant 2 : i32
      %broadcast_in_dim3A_686 = vector.broadcast %broadcast_in_dim3A_685 : i32 to vector<16xi32>
      tpu.vector_store_idx %arg10[%broadcast_in_dim3A_686, %gather3A_645], %get3A_684 {add = true} : memref<16x272xf32, #tpu.memory_space<vmem>>[vector<16xi32>, vector<16xi32>], vector<16xf32>,
      %mul3A_687 = arith.constant 16 : i32
      %mul3A_688 = arith.muli %scan3A_639, %mul3A_687 : i32
      %get3A_689 = arith.constant 0 : i32
      %get3A_690 = arith.constant 3 : i32
      %get3A_691 = arith.index_cast %get3A_689 : i32 to index
      %get3A_692 = arith.index_cast %get3A_690 : i32 to index
      %get3A_693 = arith.index_cast %mul3A_688 : i32 to index
      %get3A_694 = tpu.vector_load %arg9[%get3A_691, %get3A_692, %get3A_693] {strides = array<i32>} : memref<3x16x2048xf32, #tpu.memory_space<vmem>>, vector<16xf32>,
      %broadcast_in_dim3A_695 = arith.constant 3 : i32
      %broadcast_in_dim3A_696 = vector.broadcast %broadcast_in_dim3A_695 : i32 to vector<16xi32>
      tpu.vector_store_idx %arg10[%broadcast_in_dim3A_696, %gather3A_645], %get3A_694 {add = true} : memref<16x272xf32, #tpu.memory_space<vmem>>[vector<16xi32>, vector<16xi32>], vector<16xf32>,
      %mul3A_697 = arith.constant 16 : i32
      %mul3A_698 = arith.muli %scan3A_639, %mul3A_697 : i32
      %get3A_699 = arith.constant 0 : i32
      %get3A_700 = arith.constant 4 : i32
      %get3A_701 = arith.index_cast %get3A_699 : i32 to index
      %get3A_702 = arith.index_cast %get3A_700 : i32 to index
      %get3A_703 = arith.index_cast %mul3A_698 : i32 to index
      %get3A_704 = tpu.vector_load %arg9[%get3A_701, %get3A_702, %get3A_703] {strides = array<i32>} : memref<3x16x2048xf32, #tpu.memory_space<vmem>>, vector<16xf32>,
      %broadcast_in_dim3A_705 = arith.constant 4 : i32
      %broadcast_in_dim3A_706 = vector.broadcast %broadcast_in_dim3A_705 : i32 to vector<16xi32>
      tpu.vector_store_idx %arg10[%broadcast_in_dim3A_706, %gather3A_645], %get3A_704 {add = true} : memref<16x272xf32, #tpu.memory_space<vmem>>[vector<16xi32>, vector<16xi32>], vector<16xf32>,
      %mul3A_707 = arith.constant 16 : i32
      %mul3A_708 = arith.muli %scan3A_639, %mul3A_707 : i32
      %get3A_709 = arith.constant 0 : i32
      %get3A_710 = arith.constant 5 : i32
      %get3A_711 = arith.index_cast %get3A_709 : i32 to index
      %get3A_712 = arith.index_cast %get3A_710 : i32 to index
      %get3A_713 = arith.index_cast %mul3A_708 : i32 to index
      %get3A_714 = tpu.vector_load %arg9[%get3A_711, %get3A_712, %get3A_713] {strides = array<i32>} : memref<3x16x2048xf32, #tpu.memory_space<vmem>>, vector<16xf32>,
      %broadcast_in_dim3A_715 = arith.constant 5 : i32
      %broadcast_in_dim3A_716 = vector.broadcast %broadcast_in_dim3A_715 : i32 to vector<16xi32>
      tpu.vector_store_idx %arg10[%broadcast_in_dim3A_716, %gather3A_645], %get3A_714 {add = true} : memref<16x272xf32, #tpu.memory_space<vmem>>[vector<16xi32>, vector<16xi32>], vector<16xf32>,
      %mul3A_717 = arith.constant 16 : i32
      %mul3A_718 = arith.muli %scan3A_639, %mul3A_717 : i32
      %get3A_719 = arith.constant 0 : i32
      %get3A_720 = arith.constant 6 : i32
      %get3A_721 = arith.index_cast %get3A_719 : i32 to index
      %get3A_722 = arith.index_cast %get3A_720 : i32 to index
      %get3A_723 = arith.index_cast %mul3A_718 : i32 to index
      %get3A_724 = tpu.vector_load %arg9[%get3A_721, %get3A_722, %get3A_723] {strides = array<i32>} : memref<3x16x2048xf32, #tpu.memory_space<vmem>>, vector<16xf32>,
      %broadcast_in_dim3A_725 = arith.constant 6 : i32
      %broadcast_in_dim3A_726 = vector.broadcast %broadcast_in_dim3A_725 : i32 to vector<16xi32>
      tpu.vector_store_idx %arg10[%broadcast_in_dim3A_726, %gather3A_645], %get3A_724 {add = true} : memref<16x272xf32, #tpu.memory_space<vmem>>[vector<16xi32>, vector<16xi32>], vector<16xf32>,
      %mul3A_727 = arith.constant 16 : i32
      %mul3A_728 = arith.muli %scan3A_639, %mul3A_727 : i32
      %get3A_729 = arith.constant 0 : i32
      %get3A_730 = arith.constant 7 : i32
      %get3A_731 = arith.index_cast %get3A_729 : i32 to index
      %get3A_732 = arith.index_cast %get3A_730 : i32 to index
      %get3A_733 = arith.index_cast %mul3A_728 : i32 to index
      %get3A_734 = tpu.vector_load %arg9[%get3A_731, %get3A_732, %get3A_733] {strides = array<i32>} : memref<3x16x2048xf32, #tpu.memory_space<vmem>>, vector<16xf32>,
      %broadcast_in_dim3A_735 = arith.constant 7 : i32
      %broadcast_in_dim3A_736 = vector.broadcast %broadcast_in_dim3A_735 : i32 to vector<16xi32>
      tpu.vector_store_idx %arg10[%broadcast_in_dim3A_736, %gather3A_645], %get3A_734 {add = true} : memref<16x272xf32, #tpu.memory_space<vmem>>[vector<16xi32>, vector<16xi32>], vector<16xf32>,
      %mul3A_737 = arith.constant 16 : i32
      %mul3A_738 = arith.muli %scan3A_639, %mul3A_737 : i32
      %get3A_739 = arith.constant 0 : i32
      %get3A_740 = arith.constant 8 : i32
      %get3A_741 = arith.index_cast %get3A_739 : i32 to index
      %get3A_742 = arith.index_cast %get3A_740 : i32 to index
      %get3A_743 = arith.index_cast %mul3A_738 : i32 to index
      %get3A_744 = tpu.vector_load %arg9[%get3A_741, %get3A_742, %get3A_743] {strides = array<i32>} : memref<3x16x2048xf32, #tpu.memory_space<vmem>>, vector<16xf32>,
      %broadcast_in_dim3A_745 = arith.constant 8 : i32
      %broadcast_in_dim3A_746 = vector.broadcast %broadcast_in_dim3A_745 : i32 to vector<16xi32>
      tpu.vector_store_idx %arg10[%broadcast_in_dim3A_746, %gather3A_645], %get3A_744 {add = true} : memref<16x272xf32, #tpu.memory_space<vmem>>[vector<16xi32>, vector<16xi32>], vector<16xf32>,
      %mul3A_747 = arith.constant 16 : i32
      %mul3A_748 = arith.muli %scan3A_639, %mul3A_747 : i32
      %get3A_749 = arith.constant 0 : i32
      %get3A_750 = arith.constant 9 : i32
      %get3A_751 = arith.index_cast %get3A_749 : i32 to index
      %get3A_752 = arith.index_cast %get3A_750 : i32 to index
      %get3A_753 = arith.index_cast %mul3A_748 : i32 to index
      %get3A_754 = tpu.vector_load %arg9[%get3A_751, %get3A_752, %get3A_753] {strides = array<i32>} : memref<3x16x2048xf32, #tpu.memory_space<vmem>>, vector<16xf32>,
      %broadcast_in_dim3A_755 = arith.constant 9 : i32
      %broadcast_in_dim3A_756 = vector.broadcast %broadcast_in_dim3A_755 : i32 to vector<16xi32>
      tpu.vector_store_idx %arg10[%broadcast_in_dim3A_756, %gather3A_645], %get3A_754 {add = true} : memref<16x272xf32, #tpu.memory_space<vmem>>[vector<16xi32>, vector<16xi32>], vector<16xf32>,
      %mul3A_757 = arith.constant 16 : i32
      %mul3A_758 = arith.muli %scan3A_639, %mul3A_757 : i32
      %get3A_759 = arith.constant 0 : i32
      %get3A_760 = arith.constant 10 : i32
      %get3A_761 = arith.index_cast %get3A_759 : i32 to index
      %get3A_762 = arith.index_cast %get3A_760 : i32 to index
      %get3A_763 = arith.index_cast %mul3A_758 : i32 to index
      %get3A_764 = tpu.vector_load %arg9[%get3A_761, %get3A_762, %get3A_763] {strides = array<i32>} : memref<3x16x2048xf32, #tpu.memory_space<vmem>>, vector<16xf32>,
      %broadcast_in_dim3A_765 = arith.constant 10 : i32
      %broadcast_in_dim3A_766 = vector.broadcast %broadcast_in_dim3A_765 : i32 to vector<16xi32>
      tpu.vector_store_idx %arg10[%broadcast_in_dim3A_766, %gather3A_645], %get3A_764 {add = true} : memref<16x272xf32, #tpu.memory_space<vmem>>[vector<16xi32>, vector<16xi32>], vector<16xf32>,
      %mul3A_767 = arith.constant 16 : i32
      %mul3A_768 = arith.muli %scan3A_639, %mul3A_767 : i32
      %get3A_769 = arith.constant 0 : i32
      %get3A_770 = arith.constant 11 : i32
      %get3A_771 = arith.index_cast %get3A_769 : i32 to index
      %get3A_772 = arith.index_cast %get3A_770 : i32 to index
      %get3A_773 = arith.index_cast %mul3A_768 : i32 to index
      %get3A_774 = tpu.vector_load %arg9[%get3A_771, %get3A_772, %get3A_773] {strides = array<i32>} : memref<3x16x2048xf32, #tpu.memory_space<vmem>>, vector<16xf32>,
      %broadcast_in_dim3A_775 = arith.constant 11 : i32
      %broadcast_in_dim3A_776 = vector.broadcast %broadcast_in_dim3A_775 : i32 to vector<16xi32>
      tpu.vector_store_idx %arg10[%broadcast_in_dim3A_776, %gather3A_645], %get3A_774 {add = true} : memref<16x272xf32, #tpu.memory_space<vmem>>[vector<16xi32>, vector<16xi32>], vector<16xf32>,
      %mul3A_777 = arith.constant 16 : i32
      %mul3A_778 = arith.muli %scan3A_639, %mul3A_777 : i32
      %get3A_779 = arith.constant 0 : i32
      %get3A_780 = arith.constant 12 : i32
      %get3A_781 = arith.index_cast %get3A_779 : i32 to index
      %get3A_782 = arith.index_cast %get3A_780 : i32 to index
      %get3A_783 = arith.index_cast %mul3A_778 : i32 to index
      %get3A_784 = tpu.vector_load %arg9[%get3A_781, %get3A_782, %get3A_783] {strides = array<i32>} : memref<3x16x2048xf32, #tpu.memory_space<vmem>>, vector<16xf32>,
      %broadcast_in_dim3A_785 = arith.constant 12 : i32
      %broadcast_in_dim3A_786 = vector.broadcast %broadcast_in_dim3A_785 : i32 to vector<16xi32>
      tpu.vector_store_idx %arg10[%broadcast_in_dim3A_786, %gather3A_645], %get3A_784 {add = true} : memref<16x272xf32, #tpu.memory_space<vmem>>[vector<16xi32>, vector<16xi32>], vector<16xf32>,
      %mul3A_787 = arith.constant 16 : i32
      %mul3A_788 = arith.muli %scan3A_639, %mul3A_787 : i32
      %get3A_789 = arith.constant 0 : i32
      %get3A_790 = arith.constant 13 : i32
      %get3A_791 = arith.index_cast %get3A_789 : i32 to index
      %get3A_792 = arith.index_cast %get3A_790 : i32 to index
      %get3A_793 = arith.index_cast %mul3A_788 : i32 to index
      %get3A_794 = tpu.vector_load %arg9[%get3A_791, %get3A_792, %get3A_793] {strides = array<i32>} : memref<3x16x2048xf32, #tpu.memory_space<vmem>>, vector<16xf32>,
      %broadcast_in_dim3A_795 = arith.constant 13 : i32
      %broadcast_in_dim3A_796 = vector.broadcast %broadcast_in_dim3A_795 : i32 to vector<16xi32>
      tpu.vector_store_idx %arg10[%broadcast_in_dim3A_796, %gather3A_645], %get3A_794 {add = true} : memref<16x272xf32, #tpu.memory_space<vmem>>[vector<16xi32>, vector<16xi32>], vector<16xf32>,
      %mul3A_797 = arith.constant 16 : i32
      %mul3A_798 = arith.muli %scan3A_639, %mul3A_797 : i32
      %get3A_799 = arith.constant 0 : i32
      %get3A_800 = arith.constant 14 : i32
      %get3A_801 = arith.index_cast %get3A_799 : i32 to index
      %get3A_802 = arith.index_cast %get3A_800 : i32 to index
      %get3A_803 = arith.index_cast %mul3A_798 : i32 to index
      %get3A_804 = tpu.vector_load %arg9[%get3A_801, %get3A_802, %get3A_803] {strides = array<i32>} : memref<3x16x2048xf32, #tpu.memory_space<vmem>>, vector<16xf32>,
      %broadcast_in_dim3A_805 = arith.constant 14 : i32
      %broadcast_in_dim3A_806 = vector.broadcast %broadcast_in_dim3A_805 : i32 to vector<16xi32>
      tpu.vector_store_idx %arg10[%broadcast_in_dim3A_806, %gather3A_645], %get3A_804 {add = true} : memref<16x272xf32, #tpu.memory_space<vmem>>[vector<16xi32>, vector<16xi32>], vector<16xf32>,
      %mul3A_807 = arith.constant 16 : i32
      %mul3A_808 = arith.muli %scan3A_639, %mul3A_807 : i32
      %get3A_809 = arith.constant 0 : i32
      %get3A_810 = arith.constant 15 : i32
      %get3A_811 = arith.index_cast %get3A_809 : i32 to index
      %get3A_812 = arith.index_cast %get3A_810 : i32 to index
      %get3A_813 = arith.index_cast %mul3A_808 : i32 to index
      %get3A_814 = tpu.vector_load %arg9[%get3A_811, %get3A_812, %get3A_813] {strides = array<i32>} : memref<3x16x2048xf32, #tpu.memory_space<vmem>>, vector<16xf32>,
      %broadcast_in_dim3A_815 = arith.constant 15 : i32
      %broadcast_in_dim3A_816 = vector.broadcast %broadcast_in_dim3A_815 : i32 to vector<16xi32>
      tpu.vector_store_idx %arg10[%broadcast_in_dim3A_816, %gather3A_645], %get3A_814 {add = true} : memref<16x272xf32, #tpu.memory_space<vmem>>[vector<16xi32>, vector<16xi32>], vector<16xf32>,
    }
    %scan3A_161 = arith.constant 128 : i32
    %mul3A_162 = arith.constant 10000 : i32
    %mul3A_163 = arith.muli %add3A, %mul3A_162 : i32
    %add3A_164 = arith.constant 4096 : i32
    %add3A_165 = arith.addi %mul3A_163, %add3A_164 : i32
    %jit3A_166 = arith.constant 16 : i32
    %div3A_167 = arith.divsi %add3A_165, %jit3A_166 : i32
    %sign3A_168 = arith.constant 0 : i32
    %sign3A_169 = arith.cmpi sgt, %add3A_165, %sign3A_168 : i32
    %sign3A_170 = arith.extui %sign3A_169 : i1 to i32
    %sign3A_171 = arith.constant 0 : i32
    %sign3A_172 = arith.cmpi slt, %add3A_165, %sign3A_171 : i32
    %sign3A_173 = arith.extui %sign3A_172 : i1 to i32
    %sign3A_174 = arith.subi %sign3A_170, %sign3A_173 : i32
    %sign3A_175 = arith.constant 0 : i32
    %sign3A_176 = arith.cmpi sgt, %jit3A_166, %sign3A_175 : i32
    %sign3A_177 = arith.extui %sign3A_176 : i1 to i32
    %sign3A_178 = arith.constant 0 : i32
    %sign3A_179 = arith.cmpi slt, %jit3A_166, %sign3A_178 : i32
    %sign3A_180 = arith.extui %sign3A_179 : i1 to i32
    %sign3A_181 = arith.subi %sign3A_177, %sign3A_180 : i32
    %ne3A_182 = arith.cmpi ne, %sign3A_174, %sign3A_181 : i32
    %rem3A_183 = arith.remsi %add3A_165, %jit3A_166 : i32
    %ne3A_184 = arith.constant 0 : i32
    %ne3A_185 = arith.cmpi ne, %rem3A_183, %ne3A_184 : i32
    %and3A_186 = arith.andi %ne3A_182, %ne3A_185 : i1
    %sub3A_187 = arith.constant 1 : i32
    %sub3A_188 = arith.subi %div3A_167, %sub3A_187 : i32
    %select_n3A_189 = arith.select %and3A_186, %sub3A_188, %div3A_167 : i32
    %dma_start3A_190 = arith.constant 2 : i32
    %dma_start3A_191 = arith.constant 0 : i32
    %dma_start3A_192 = arith.constant 0 : i32
    %dma_start3A_193 = tpu.memref_slice %arg8[%dma_start3A_190, %dma_start3A_191, %dma_start3A_192] : memref<3x128x16xi32, #tpu.memory_space<vmem>> -> memref<1x128x16xi32, #tpu.memory_space<vmem>>
    %dma_start3A_194 = tpu.memref_squeeze %dma_start3A_193 : memref<1x128x16xi32, #tpu.memory_space<vmem>> -> memref<128x16xi32, #tpu.memory_space<vmem>>
    %dma_start3A_195 = arith.constant 0 : i32
    %dma_start3A_196 = tpu.memref_slice %arg2[%select_n3A_189, %dma_start3A_195] : memref<20000x16xi32, #tpu.memory_space<hbm>> -> memref<128x16xi32, #tpu.memory_space<hbm>>
    %dma_start3A_197 = arith.constant 0 : i32
    %dma_start3A_198 = arith.constant 0 : i32
    %dma_start3A_199 = tpu.memref_slice %arg8[%dma_start3A_190, %dma_start3A_197, %dma_start3A_198] : memref<3x128x16xi32, #tpu.memory_space<vmem>> -> memref<1x128x16xi32, #tpu.memory_space<vmem>>
    %dma_start3A_200 = tpu.memref_squeeze %dma_start3A_199 : memref<1x128x16xi32, #tpu.memory_space<vmem>> -> memref<128x16xi32, #tpu.memory_space<vmem>>
    %dma_start3A_201 = arith.constant 0 : i32
    %dma_start3A_202 = tpu.memref_slice %arg2[%select_n3A_189, %dma_start3A_201] : memref<20000x16xi32, #tpu.memory_space<hbm>> -> memref<128x16xi32, #tpu.memory_space<hbm>>
    tpu.enqueue_dma source(%dma_start3A_202 : memref<128x16xi32, #tpu.memory_space<hbm>>) target(%dma_start3A_200 : memref<128x16xi32, #tpu.memory_space<vmem>>) target_semaphore(%arg18 : memref<!tpu.dma_semaphore, #tpu.memory_space<semaphore_mem>>)
    %dma_start3A_203 = arith.constant 2 : i32
    %dma_start3A_204 = arith.constant 0 : i32
    %dma_start3A_205 = arith.constant 0 : i32
    %dma_start3A_206 = tpu.memref_slice %arg9[%dma_start3A_203, %dma_start3A_204, %dma_start3A_205] : memref<3x16x2048xf32, #tpu.memory_space<vmem>> -> memref<1x16x2048xf32, #tpu.memory_space<vmem>>
    %dma_start3A_207 = tpu.memref_squeeze %dma_start3A_206 : memref<1x16x2048xf32, #tpu.memory_space<vmem>> -> memref<16x2048xf32, #tpu.memory_space<vmem>>
    %dma_start3A_208 = arith.constant 0 : i32
    %dma_start3A_209 = tpu.memref_slice %arg3[%dma_start3A_208, %add3A_165] : memref<16x320000xf32, #tpu.memory_space<hbm>> -> memref<16x2048xf32, #tpu.memory_space<hbm>>
    %dma_start3A_210 = arith.constant 0 : i32
    %dma_start3A_211 = arith.constant 0 : i32
    %dma_start3A_212 = tpu.memref_slice %arg9[%dma_start3A_203, %dma_start3A_210, %dma_start3A_211] : memref<3x16x2048xf32, #tpu.memory_space<vmem>> -> memref<1x16x2048xf32, #tpu.memory_space<vmem>>
    %dma_start3A_213 = tpu.memref_squeeze %dma_start3A_212 : memref<1x16x2048xf32, #tpu.memory_space<vmem>> -> memref<16x2048xf32, #tpu.memory_space<vmem>>
    %dma_start3A_214 = arith.constant 0 : i32
    %dma_start3A_215 = tpu.memref_slice %arg3[%dma_start3A_214, %add3A_165] : memref<16x320000xf32, #tpu.memory_space<hbm>> -> memref<16x2048xf32, #tpu.memory_space<hbm>>
    tpu.enqueue_dma source(%dma_start3A_215 : memref<16x2048xf32, #tpu.memory_space<hbm>>) target(%dma_start3A_213 : memref<16x2048xf32, #tpu.memory_space<vmem>>) target_semaphore(%arg18 : memref<!tpu.dma_semaphore, #tpu.memory_space<semaphore_mem>>)
    %dma_wait3A_216 = arith.constant 1 : i32
    %dma_wait3A_217 = arith.constant 0 : i32
    %dma_wait3A_218 = arith.constant 0 : i32
    %dma_wait3A_219 = tpu.memref_slice %arg8[%dma_wait3A_216, %dma_wait3A_217, %dma_wait3A_218] : memref<3x128x16xi32, #tpu.memory_space<vmem>> -> memref<1x128x16xi32, #tpu.memory_space<vmem>>
    %dma_wait3A_220 = tpu.memref_squeeze %dma_wait3A_219 : memref<1x128x16xi32, #tpu.memory_space<vmem>> -> memref<128x16xi32, #tpu.memory_space<vmem>>
    %dma_wait3A_221 = arith.constant 0 : i32
    %dma_wait3A_222 = tpu.memref_slice %arg2[%select_n3A_104, %dma_wait3A_221] : memref<20000x16xi32, #tpu.memory_space<hbm>> -> memref<128x16xi32, #tpu.memory_space<hbm>>
    %dma_wait3A_223 = arith.constant 0 : i32
    %dma_wait3A_224 = arith.constant 0 : i32
    %dma_wait3A_225 = tpu.memref_slice %arg8[%dma_wait3A_216, %dma_wait3A_223, %dma_wait3A_224] : memref<3x128x16xi32, #tpu.memory_space<vmem>> -> memref<1x128x16xi32, #tpu.memory_space<vmem>>
    %dma_wait3A_226 = tpu.memref_squeeze %dma_wait3A_225 : memref<1x128x16xi32, #tpu.memory_space<vmem>> -> memref<128x16xi32, #tpu.memory_space<vmem>>
    %dma_wait3A_227 = arith.constant 0 : i32
    %dma_wait3A_228 = tpu.memref_slice %arg2[%select_n3A_104, %dma_wait3A_227] : memref<20000x16xi32, #tpu.memory_space<hbm>> -> memref<128x16xi32, #tpu.memory_space<hbm>>
    tpu.wait_dma2 semaphore(%arg17 : memref<!tpu.dma_semaphore, #tpu.memory_space<semaphore_mem>>) src(%dma_wait3A_228 : memref<128x16xi32, #tpu.memory_space<hbm>>) dst(%dma_wait3A_226 : memref<128x16xi32, #tpu.memory_space<vmem>>)
    %dma_wait3A_229 = arith.constant 1 : i32
    %dma_wait3A_230 = arith.constant 0 : i32
    %dma_wait3A_231 = arith.constant 0 : i32
    %dma_wait3A_232 = tpu.memref_slice %arg9[%dma_wait3A_229, %dma_wait3A_230, %dma_wait3A_231] : memref<3x16x2048xf32, #tpu.memory_space<vmem>> -> memref<1x16x2048xf32, #tpu.memory_space<vmem>>
    %dma_wait3A_233 = tpu.memref_squeeze %dma_wait3A_232 : memref<1x16x2048xf32, #tpu.memory_space<vmem>> -> memref<16x2048xf32, #tpu.memory_space<vmem>>
    %dma_wait3A_234 = arith.constant 0 : i32
    %dma_wait3A_235 = tpu.memref_slice %arg3[%dma_wait3A_234, %add3A_80] : memref<16x320000xf32, #tpu.memory_space<hbm>> -> memref<16x2048xf32, #tpu.memory_space<hbm>>
    %dma_wait3A_236 = arith.constant 0 : i32
    %dma_wait3A_237 = arith.constant 0 : i32
    %dma_wait3A_238 = tpu.memref_slice %arg9[%dma_wait3A_229, %dma_wait3A_236, %dma_wait3A_237] : memref<3x16x2048xf32, #tpu.memory_space<vmem>> -> memref<1x16x2048xf32, #tpu.memory_space<vmem>>
    %dma_wait3A_239 = tpu.memref_squeeze %dma_wait3A_238 : memref<1x16x2048xf32, #tpu.memory_space<vmem>> -> memref<16x2048xf32, #tpu.memory_space<vmem>>
    %dma_wait3A_240 = arith.constant 0 : i32
    %dma_wait3A_241 = tpu.memref_slice %arg3[%dma_wait3A_240, %add3A_80] : memref<16x320000xf32, #tpu.memory_space<hbm>> -> memref<16x2048xf32, #tpu.memory_space<hbm>>
    tpu.wait_dma2 semaphore(%arg17 : memref<!tpu.dma_semaphore, #tpu.memory_space<semaphore_mem>>) src(%dma_wait3A_241 : memref<16x2048xf32, #tpu.memory_space<hbm>>) dst(%dma_wait3A_239 : memref<16x2048xf32, #tpu.memory_space<vmem>>)
    %scan3A_242 = arith.constant 0 : i32
    %scan3A_243 = arith.constant 0 : i32
    %scan3A_244 = arith.constant 128 : i32
    %scan3A_245 = arith.addi %scan3A_243, %scan3A_244 : i32
    %scan3A_246 = arith.constant 2 : i32
    scf.for %scan3A_465 = %scan3A_243 to %scan3A_245 step %scan3A_246  : i32 {
      %get3A = arith.constant 1 : i32
      %get3A_466 = arith.index_cast %get3A : i32 to index
      %get3A_467 = arith.index_cast %scan3A_465 : i32 to index
      %get3A_468 = arith.constant 0 : index
      %get3A_469 = tpu.vector_load %arg8[%get3A_466, %get3A_467, %get3A_468] {strides = array<i32>} : memref<3x128x16xi32, #tpu.memory_space<vmem>>, vector<16xi32>,
      %gather3A = tpu.vector_load_idx %arg7[%get3A_469] : memref<10000xi32, #tpu.memory_space<vmem>>[vector<16xi32>], vector<16xi32>,
      %broadcast_in_dim3A = arith.constant true
      %broadcast_in_dim3A_470 = vector.broadcast %broadcast_in_dim3A : i1 to vector<16xi1>
      %unique3A, %unique3A_471 = tpu.scan_count mask(%broadcast_in_dim3A_470 : vector<16xi1>) value(%gather3A : vector<16xi32>) : vector<16xi1>, vector<16xi32>
      %shift_right_logical3A = arith.constant 4 : i32
      %shift_right_logical3A_472 = vector.broadcast %shift_right_logical3A : i32 to vector<16xi32>
      %shift_right_logical3A_473 = arith.shrui %gather3A, %shift_right_logical3A_472 : vector<16xi32>
      %and3A_474 = arith.constant 15 : i32
      %and3A_475 = vector.broadcast %and3A_474 : i32 to vector<16xi32>
      %and3A_476 = arith.andi %gather3A, %and3A_475 : vector<16xi32>
      %convert_element_type3A_477 = arith.sitofp %unique3A_471 : vector<16xi32> to vector<16xf32>
      tpu.vector_store_idx %arg12[%shift_right_logical3A_473, %and3A_476], %convert_element_type3A_477 masked %unique3A {add = true} : memref<32x16xf32, #tpu.memory_space<vmem>>[vector<16xi32>, vector<16xi32>], vector<16xf32>, vector<16xi1>
      %mul3A_478 = arith.constant 16 : i32
      %mul3A_479 = arith.muli %scan3A_465, %mul3A_478 : i32
      %get3A_480 = arith.constant 1 : i32
      %get3A_481 = arith.constant 0 : i32
      %get3A_482 = arith.index_cast %get3A_480 : i32 to index
      %get3A_483 = arith.index_cast %get3A_481 : i32 to index
      %get3A_484 = arith.index_cast %mul3A_479 : i32 to index
      %get3A_485 = tpu.vector_load %arg9[%get3A_482, %get3A_483, %get3A_484] {strides = array<i32>} : memref<3x16x2048xf32, #tpu.memory_space<vmem>>, vector<16xf32>,
      %broadcast_in_dim3A_486 = arith.constant 0 : i32
      %broadcast_in_dim3A_487 = vector.broadcast %broadcast_in_dim3A_486 : i32 to vector<16xi32>
      tpu.vector_store_idx %arg10[%broadcast_in_dim3A_487, %gather3A], %get3A_485 {add = true} : memref<16x272xf32, #tpu.memory_space<vmem>>[vector<16xi32>, vector<16xi32>], vector<16xf32>,
      %mul3A_488 = arith.constant 16 : i32
      %mul3A_489 = arith.muli %scan3A_465, %mul3A_488 : i32
      %get3A_490 = arith.constant 1 : i32
      %get3A_491 = arith.constant 1 : i32
      %get3A_492 = arith.index_cast %get3A_490 : i32 to index
      %get3A_493 = arith.index_cast %get3A_491 : i32 to index
      %get3A_494 = arith.index_cast %mul3A_489 : i32 to index
      %get3A_495 = tpu.vector_load %arg9[%get3A_492, %get3A_493, %get3A_494] {strides = array<i32>} : memref<3x16x2048xf32, #tpu.memory_space<vmem>>, vector<16xf32>,
      %broadcast_in_dim3A_496 = arith.constant 1 : i32
      %broadcast_in_dim3A_497 = vector.broadcast %broadcast_in_dim3A_496 : i32 to vector<16xi32>
      tpu.vector_store_idx %arg10[%broadcast_in_dim3A_497, %gather3A], %get3A_495 {add = true} : memref<16x272xf32, #tpu.memory_space<vmem>>[vector<16xi32>, vector<16xi32>], vector<16xf32>,
      %mul3A_498 = arith.constant 16 : i32
      %mul3A_499 = arith.muli %scan3A_465, %mul3A_498 : i32
      %get3A_500 = arith.constant 1 : i32
      %get3A_501 = arith.constant 2 : i32
      %get3A_502 = arith.index_cast %get3A_500 : i32 to index
      %get3A_503 = arith.index_cast %get3A_501 : i32 to index
      %get3A_504 = arith.index_cast %mul3A_499 : i32 to index
      %get3A_505 = tpu.vector_load %arg9[%get3A_502, %get3A_503, %get3A_504] {strides = array<i32>} : memref<3x16x2048xf32, #tpu.memory_space<vmem>>, vector<16xf32>,
      %broadcast_in_dim3A_506 = arith.constant 2 : i32
      %broadcast_in_dim3A_507 = vector.broadcast %broadcast_in_dim3A_506 : i32 to vector<16xi32>
      tpu.vector_store_idx %arg10[%broadcast_in_dim3A_507, %gather3A], %get3A_505 {add = true} : memref<16x272xf32, #tpu.memory_space<vmem>>[vector<16xi32>, vector<16xi32>], vector<16xf32>,
      %mul3A_508 = arith.constant 16 : i32
      %mul3A_509 = arith.muli %scan3A_465, %mul3A_508 : i32
      %get3A_510 = arith.constant 1 : i32
      %get3A_511 = arith.constant 3 : i32
      %get3A_512 = arith.index_cast %get3A_510 : i32 to index
      %get3A_513 = arith.index_cast %get3A_511 : i32 to index
      %get3A_514 = arith.index_cast %mul3A_509 : i32 to index
      %get3A_515 = tpu.vector_load %arg9[%get3A_512, %get3A_513, %get3A_514] {strides = array<i32>} : memref<3x16x2048xf32, #tpu.memory_space<vmem>>, vector<16xf32>,
      %broadcast_in_dim3A_516 = arith.constant 3 : i32
      %broadcast_in_dim3A_517 = vector.broadcast %broadcast_in_dim3A_516 : i32 to vector<16xi32>
      tpu.vector_store_idx %arg10[%broadcast_in_dim3A_517, %gather3A], %get3A_515 {add = true} : memref<16x272xf32, #tpu.memory_space<vmem>>[vector<16xi32>, vector<16xi32>], vector<16xf32>,
      %mul3A_518 = arith.constant 16 : i32
      %mul3A_519 = arith.muli %scan3A_465, %mul3A_518 : i32
      %get3A_520 = arith.constant 1 : i32
      %get3A_521 = arith.constant 4 : i32
      %get3A_522 = arith.index_cast %get3A_520 : i32 to index
      %get3A_523 = arith.index_cast %get3A_521 : i32 to index
      %get3A_524 = arith.index_cast %mul3A_519 : i32 to index
      %get3A_525 = tpu.vector_load %arg9[%get3A_522, %get3A_523, %get3A_524] {strides = array<i32>} : memref<3x16x2048xf32, #tpu.memory_space<vmem>>, vector<16xf32>,
      %broadcast_in_dim3A_526 = arith.constant 4 : i32
      %broadcast_in_dim3A_527 = vector.broadcast %broadcast_in_dim3A_526 : i32 to vector<16xi32>
      tpu.vector_store_idx %arg10[%broadcast_in_dim3A_527, %gather3A], %get3A_525 {add = true} : memref<16x272xf32, #tpu.memory_space<vmem>>[vector<16xi32>, vector<16xi32>], vector<16xf32>,
      %mul3A_528 = arith.constant 16 : i32
      %mul3A_529 = arith.muli %scan3A_465, %mul3A_528 : i32
      %get3A_530 = arith.constant 1 : i32
      %get3A_531 = arith.constant 5 : i32
      %get3A_532 = arith.index_cast %get3A_530 : i32 to index
      %get3A_533 = arith.index_cast %get3A_531 : i32 to index
      %get3A_534 = arith.index_cast %mul3A_529 : i32 to index
      %get3A_535 = tpu.vector_load %arg9[%get3A_532, %get3A_533, %get3A_534] {strides = array<i32>} : memref<3x16x2048xf32, #tpu.memory_space<vmem>>, vector<16xf32>,
      %broadcast_in_dim3A_536 = arith.constant 5 : i32
      %broadcast_in_dim3A_537 = vector.broadcast %broadcast_in_dim3A_536 : i32 to vector<16xi32>
      tpu.vector_store_idx %arg10[%broadcast_in_dim3A_537, %gather3A], %get3A_535 {add = true} : memref<16x272xf32, #tpu.memory_space<vmem>>[vector<16xi32>, vector<16xi32>], vector<16xf32>,
      %mul3A_538 = arith.constant 16 : i32
      %mul3A_539 = arith.muli %scan3A_465, %mul3A_538 : i32
      %get3A_540 = arith.constant 1 : i32
      %get3A_541 = arith.constant 6 : i32
      %get3A_542 = arith.index_cast %get3A_540 : i32 to index
      %get3A_543 = arith.index_cast %get3A_541 : i32 to index
      %get3A_544 = arith.index_cast %mul3A_539 : i32 to index
      %get3A_545 = tpu.vector_load %arg9[%get3A_542, %get3A_543, %get3A_544] {strides = array<i32>} : memref<3x16x2048xf32, #tpu.memory_space<vmem>>, vector<16xf32>,
      %broadcast_in_dim3A_546 = arith.constant 6 : i32
      %broadcast_in_dim3A_547 = vector.broadcast %broadcast_in_dim3A_546 : i32 to vector<16xi32>
      tpu.vector_store_idx %arg10[%broadcast_in_dim3A_547, %gather3A], %get3A_545 {add = true} : memref<16x272xf32, #tpu.memory_space<vmem>>[vector<16xi32>, vector<16xi32>], vector<16xf32>,
      %mul3A_548 = arith.constant 16 : i32
      %mul3A_549 = arith.muli %scan3A_465, %mul3A_548 : i32
      %get3A_550 = arith.constant 1 : i32
      %get3A_551 = arith.constant 7 : i32
      %get3A_552 = arith.index_cast %get3A_550 : i32 to index
      %get3A_553 = arith.index_cast %get3A_551 : i32 to index
      %get3A_554 = arith.index_cast %mul3A_549 : i32 to index
      %get3A_555 = tpu.vector_load %arg9[%get3A_552, %get3A_553, %get3A_554] {strides = array<i32>} : memref<3x16x2048xf32, #tpu.memory_space<vmem>>, vector<16xf32>,
      %broadcast_in_dim3A_556 = arith.constant 7 : i32
      %broadcast_in_dim3A_557 = vector.broadcast %broadcast_in_dim3A_556 : i32 to vector<16xi32>
      tpu.vector_store_idx %arg10[%broadcast_in_dim3A_557, %gather3A], %get3A_555 {add = true} : memref<16x272xf32, #tpu.memory_space<vmem>>[vector<16xi32>, vector<16xi32>], vector<16xf32>,
      %mul3A_558 = arith.constant 16 : i32
      %mul3A_559 = arith.muli %scan3A_465, %mul3A_558 : i32
      %get3A_560 = arith.constant 1 : i32
      %get3A_561 = arith.constant 8 : i32
      %get3A_562 = arith.index_cast %get3A_560 : i32 to index
      %get3A_563 = arith.index_cast %get3A_561 : i32 to index
      %get3A_564 = arith.index_cast %mul3A_559 : i32 to index
      %get3A_565 = tpu.vector_load %arg9[%get3A_562, %get3A_563, %get3A_564] {strides = array<i32>} : memref<3x16x2048xf32, #tpu.memory_space<vmem>>, vector<16xf32>,
      %broadcast_in_dim3A_566 = arith.constant 8 : i32
      %broadcast_in_dim3A_567 = vector.broadcast %broadcast_in_dim3A_566 : i32 to vector<16xi32>
      tpu.vector_store_idx %arg10[%broadcast_in_dim3A_567, %gather3A], %get3A_565 {add = true} : memref<16x272xf32, #tpu.memory_space<vmem>>[vector<16xi32>, vector<16xi32>], vector<16xf32>,
      %mul3A_568 = arith.constant 16 : i32
      %mul3A_569 = arith.muli %scan3A_465, %mul3A_568 : i32
      %get3A_570 = arith.constant 1 : i32
      %get3A_571 = arith.constant 9 : i32
      %get3A_572 = arith.index_cast %get3A_570 : i32 to index
      %get3A_573 = arith.index_cast %get3A_571 : i32 to index
      %get3A_574 = arith.index_cast %mul3A_569 : i32 to index
      %get3A_575 = tpu.vector_load %arg9[%get3A_572, %get3A_573, %get3A_574] {strides = array<i32>} : memref<3x16x2048xf32, #tpu.memory_space<vmem>>, vector<16xf32>,
      %broadcast_in_dim3A_576 = arith.constant 9 : i32
      %broadcast_in_dim3A_577 = vector.broadcast %broadcast_in_dim3A_576 : i32 to vector<16xi32>
      tpu.vector_store_idx %arg10[%broadcast_in_dim3A_577, %gather3A], %get3A_575 {add = true} : memref<16x272xf32, #tpu.memory_space<vmem>>[vector<16xi32>, vector<16xi32>], vector<16xf32>,
      %mul3A_578 = arith.constant 16 : i32
      %mul3A_579 = arith.muli %scan3A_465, %mul3A_578 : i32
      %get3A_580 = arith.constant 1 : i32
      %get3A_581 = arith.constant 10 : i32
      %get3A_582 = arith.index_cast %get3A_580 : i32 to index
      %get3A_583 = arith.index_cast %get3A_581 : i32 to index
      %get3A_584 = arith.index_cast %mul3A_579 : i32 to index
      %get3A_585 = tpu.vector_load %arg9[%get3A_582, %get3A_583, %get3A_584] {strides = array<i32>} : memref<3x16x2048xf32, #tpu.memory_space<vmem>>, vector<16xf32>,
      %broadcast_in_dim3A_586 = arith.constant 10 : i32
      %broadcast_in_dim3A_587 = vector.broadcast %broadcast_in_dim3A_586 : i32 to vector<16xi32>
      tpu.vector_store_idx %arg10[%broadcast_in_dim3A_587, %gather3A], %get3A_585 {add = true} : memref<16x272xf32, #tpu.memory_space<vmem>>[vector<16xi32>, vector<16xi32>], vector<16xf32>,
      %mul3A_588 = arith.constant 16 : i32
      %mul3A_589 = arith.muli %scan3A_465, %mul3A_588 : i32
      %get3A_590 = arith.constant 1 : i32
      %get3A_591 = arith.constant 11 : i32
      %get3A_592 = arith.index_cast %get3A_590 : i32 to index
      %get3A_593 = arith.index_cast %get3A_591 : i32 to index
      %get3A_594 = arith.index_cast %mul3A_589 : i32 to index
      %get3A_595 = tpu.vector_load %arg9[%get3A_592, %get3A_593, %get3A_594] {strides = array<i32>} : memref<3x16x2048xf32, #tpu.memory_space<vmem>>, vector<16xf32>,
      %broadcast_in_dim3A_596 = arith.constant 11 : i32
      %broadcast_in_dim3A_597 = vector.broadcast %broadcast_in_dim3A_596 : i32 to vector<16xi32>
      tpu.vector_store_idx %arg10[%broadcast_in_dim3A_597, %gather3A], %get3A_595 {add = true} : memref<16x272xf32, #tpu.memory_space<vmem>>[vector<16xi32>, vector<16xi32>], vector<16xf32>,
      %mul3A_598 = arith.constant 16 : i32
      %mul3A_599 = arith.muli %scan3A_465, %mul3A_598 : i32
      %get3A_600 = arith.constant 1 : i32
      %get3A_601 = arith.constant 12 : i32
      %get3A_602 = arith.index_cast %get3A_600 : i32 to index
      %get3A_603 = arith.index_cast %get3A_601 : i32 to index
      %get3A_604 = arith.index_cast %mul3A_599 : i32 to index
      %get3A_605 = tpu.vector_load %arg9[%get3A_602, %get3A_603, %get3A_604] {strides = array<i32>} : memref<3x16x2048xf32, #tpu.memory_space<vmem>>, vector<16xf32>,
      %broadcast_in_dim3A_606 = arith.constant 12 : i32
      %broadcast_in_dim3A_607 = vector.broadcast %broadcast_in_dim3A_606 : i32 to vector<16xi32>
      tpu.vector_store_idx %arg10[%broadcast_in_dim3A_607, %gather3A], %get3A_605 {add = true} : memref<16x272xf32, #tpu.memory_space<vmem>>[vector<16xi32>, vector<16xi32>], vector<16xf32>,
      %mul3A_608 = arith.constant 16 : i32
      %mul3A_609 = arith.muli %scan3A_465, %mul3A_608 : i32
      %get3A_610 = arith.constant 1 : i32
      %get3A_611 = arith.constant 13 : i32
      %get3A_612 = arith.index_cast %get3A_610 : i32 to index
      %get3A_613 = arith.index_cast %get3A_611 : i32 to index
      %get3A_614 = arith.index_cast %mul3A_609 : i32 to index
      %get3A_615 = tpu.vector_load %arg9[%get3A_612, %get3A_613, %get3A_614] {strides = array<i32>} : memref<3x16x2048xf32, #tpu.memory_space<vmem>>, vector<16xf32>,
      %broadcast_in_dim3A_616 = arith.constant 13 : i32
      %broadcast_in_dim3A_617 = vector.broadcast %broadcast_in_dim3A_616 : i32 to vector<16xi32>
      tpu.vector_store_idx %arg10[%broadcast_in_dim3A_617, %gather3A], %get3A_615 {add = true} : memref<16x272xf32, #tpu.memory_space<vmem>>[vector<16xi32>, vector<16xi32>], vector<16xf32>,
      %mul3A_618 = arith.constant 16 : i32
      %mul3A_619 = arith.muli %scan3A_465, %mul3A_618 : i32
      %get3A_620 = arith.constant 1 : i32
      %get3A_621 = arith.constant 14 : i32
      %get3A_622 = arith.index_cast %get3A_620 : i32 to index
      %get3A_623 = arith.index_cast %get3A_621 : i32 to index
      %get3A_624 = arith.index_cast %mul3A_619 : i32 to index
      %get3A_625 = tpu.vector_load %arg9[%get3A_622, %get3A_623, %get3A_624] {strides = array<i32>} : memref<3x16x2048xf32, #tpu.memory_space<vmem>>, vector<16xf32>,
      %broadcast_in_dim3A_626 = arith.constant 14 : i32
      %broadcast_in_dim3A_627 = vector.broadcast %broadcast_in_dim3A_626 : i32 to vector<16xi32>
      tpu.vector_store_idx %arg10[%broadcast_in_dim3A_627, %gather3A], %get3A_625 {add = true} : memref<16x272xf32, #tpu.memory_space<vmem>>[vector<16xi32>, vector<16xi32>], vector<16xf32>,
      %mul3A_628 = arith.constant 16 : i32
      %mul3A_629 = arith.muli %scan3A_465, %mul3A_628 : i32
      %get3A_630 = arith.constant 1 : i32
      %get3A_631 = arith.constant 15 : i32
      %get3A_632 = arith.index_cast %get3A_630 : i32 to index
      %get3A_633 = arith.index_cast %get3A_631 : i32 to index
      %get3A_634 = arith.index_cast %mul3A_629 : i32 to index
      %get3A_635 = tpu.vector_load %arg9[%get3A_632, %get3A_633, %get3A_634] {strides = array<i32>} : memref<3x16x2048xf32, #tpu.memory_space<vmem>>, vector<16xf32>,
      %broadcast_in_dim3A_636 = arith.constant 15 : i32
      %broadcast_in_dim3A_637 = vector.broadcast %broadcast_in_dim3A_636 : i32 to vector<16xi32>
      tpu.vector_store_idx %arg10[%broadcast_in_dim3A_637, %gather3A], %get3A_635 {add = true} : memref<16x272xf32, #tpu.memory_space<vmem>>[vector<16xi32>, vector<16xi32>], vector<16xf32>,
      %scan3A_638 = arith.constant 1 : i32
      %scan3A_639 = arith.addi %scan3A_465, %scan3A_638 : i32
      %get3A_640 = arith.constant 1 : i32
      %get3A_641 = arith.index_cast %get3A_640 : i32 to index
      %get3A_642 = arith.index_cast %scan3A_639 : i32 to index
      %get3A_643 = arith.constant 0 : index
      %get3A_644 = tpu.vector_load %arg8[%get3A_641, %get3A_642, %get3A_643] {strides = array<i32>} : memref<3x128x16xi32, #tpu.memory_space<vmem>>, vector<16xi32>,
      %gather3A_645 = tpu.vector_load_idx %arg7[%get3A_644] : memref<10000xi32, #tpu.memory_space<vmem>>[vector<16xi32>], vector<16xi32>,
      %broadcast_in_dim3A_646 = arith.constant true
      %broadcast_in_dim3A_647 = vector.broadcast %broadcast_in_dim3A_646 : i1 to vector<16xi1>
      %unique3A_648, %unique3A_649 = tpu.scan_count mask(%broadcast_in_dim3A_647 : vector<16xi1>) value(%gather3A_645 : vector<16xi32>) : vector<16xi1>, vector<16xi32>
      %shift_right_logical3A_650 = arith.constant 4 : i32
      %shift_right_logical3A_651 = vector.broadcast %shift_right_logical3A_650 : i32 to vector<16xi32>
      %shift_right_logical3A_652 = arith.shrui %gather3A_645, %shift_right_logical3A_651 : vector<16xi32>
      %and3A_653 = arith.constant 15 : i32
      %and3A_654 = vector.broadcast %and3A_653 : i32 to vector<16xi32>
      %and3A_655 = arith.andi %gather3A_645, %and3A_654 : vector<16xi32>
      %convert_element_type3A_656 = arith.sitofp %unique3A_649 : vector<16xi32> to vector<16xf32>
      tpu.vector_store_idx %arg12[%shift_right_logical3A_652, %and3A_655], %convert_element_type3A_656 masked %unique3A_648 {add = true} : memref<32x16xf32, #tpu.memory_space<vmem>>[vector<16xi32>, vector<16xi32>], vector<16xf32>, vector<16xi1>
      %mul3A_657 = arith.constant 16 : i32
      %mul3A_658 = arith.muli %scan3A_639, %mul3A_657 : i32
      %get3A_659 = arith.constant 1 : i32
      %get3A_660 = arith.constant 0 : i32
      %get3A_661 = arith.index_cast %get3A_659 : i32 to index
      %get3A_662 = arith.index_cast %get3A_660 : i32 to index
      %get3A_663 = arith.index_cast %mul3A_658 : i32 to index
      %get3A_664 = tpu.vector_load %arg9[%get3A_661, %get3A_662, %get3A_663] {strides = array<i32>} : memref<3x16x2048xf32, #tpu.memory_space<vmem>>, vector<16xf32>,
      %broadcast_in_dim3A_665 = arith.constant 0 : i32
      %broadcast_in_dim3A_666 = vector.broadcast %broadcast_in_dim3A_665 : i32 to vector<16xi32>
      tpu.vector_store_idx %arg10[%broadcast_in_dim3A_666, %gather3A_645], %get3A_664 {add = true} : memref<16x272xf32, #tpu.memory_space<vmem>>[vector<16xi32>, vector<16xi32>], vector<16xf32>,
      %mul3A_667 = arith.constant 16 : i32
      %mul3A_668 = arith.muli %scan3A_639, %mul3A_667 : i32
      %get3A_669 = arith.constant 1 : i32
      %get3A_670 = arith.constant 1 : i32
      %get3A_671 = arith.index_cast %get3A_669 : i32 to index
      %get3A_672 = arith.index_cast %get3A_670 : i32 to index
      %get3A_673 = arith.index_cast %mul3A_668 : i32 to index
      %get3A_674 = tpu.vector_load %arg9[%get3A_671, %get3A_672, %get3A_673] {strides = array<i32>} : memref<3x16x2048xf32, #tpu.memory_space<vmem>>, vector<16xf32>,
      %broadcast_in_dim3A_675 = arith.constant 1 : i32
      %broadcast_in_dim3A_676 = vector.broadcast %broadcast_in_dim3A_675 : i32 to vector<16xi32>
      tpu.vector_store_idx %arg10[%broadcast_in_dim3A_676, %gather3A_645], %get3A_674 {add = true} : memref<16x272xf32, #tpu.memory_space<vmem>>[vector<16xi32>, vector<16xi32>], vector<16xf32>,
      %mul3A_677 = arith.constant 16 : i32
      %mul3A_678 = arith.muli %scan3A_639, %mul3A_677 : i32
      %get3A_679 = arith.constant 1 : i32
      %get3A_680 = arith.constant 2 : i32
      %get3A_681 = arith.index_cast %get3A_679 : i32 to index
      %get3A_682 = arith.index_cast %get3A_680 : i32 to index
      %get3A_683 = arith.index_cast %mul3A_678 : i32 to index
      %get3A_684 = tpu.vector_load %arg9[%get3A_681, %get3A_682, %get3A_683] {strides = array<i32>} : memref<3x16x2048xf32, #tpu.memory_space<vmem>>, vector<16xf32>,
      %broadcast_in_dim3A_685 = arith.constant 2 : i32
      %broadcast_in_dim3A_686 = vector.broadcast %broadcast_in_dim3A_685 : i32 to vector<16xi32>
      tpu.vector_store_idx %arg10[%broadcast_in_dim3A_686, %gather3A_645], %get3A_684 {add = true} : memref<16x272xf32, #tpu.memory_space<vmem>>[vector<16xi32>, vector<16xi32>], vector<16xf32>,
      %mul3A_687 = arith.constant 16 : i32
      %mul3A_688 = arith.muli %scan3A_639, %mul3A_687 : i32
      %get3A_689 = arith.constant 1 : i32
      %get3A_690 = arith.constant 3 : i32
      %get3A_691 = arith.index_cast %get3A_689 : i32 to index
      %get3A_692 = arith.index_cast %get3A_690 : i32 to index
      %get3A_693 = arith.index_cast %mul3A_688 : i32 to index
      %get3A_694 = tpu.vector_load %arg9[%get3A_691, %get3A_692, %get3A_693] {strides = array<i32>} : memref<3x16x2048xf32, #tpu.memory_space<vmem>>, vector<16xf32>,
      %broadcast_in_dim3A_695 = arith.constant 3 : i32
      %broadcast_in_dim3A_696 = vector.broadcast %broadcast_in_dim3A_695 : i32 to vector<16xi32>
      tpu.vector_store_idx %arg10[%broadcast_in_dim3A_696, %gather3A_645], %get3A_694 {add = true} : memref<16x272xf32, #tpu.memory_space<vmem>>[vector<16xi32>, vector<16xi32>], vector<16xf32>,
      %mul3A_697 = arith.constant 16 : i32
      %mul3A_698 = arith.muli %scan3A_639, %mul3A_697 : i32
      %get3A_699 = arith.constant 1 : i32
      %get3A_700 = arith.constant 4 : i32
      %get3A_701 = arith.index_cast %get3A_699 : i32 to index
      %get3A_702 = arith.index_cast %get3A_700 : i32 to index
      %get3A_703 = arith.index_cast %mul3A_698 : i32 to index
      %get3A_704 = tpu.vector_load %arg9[%get3A_701, %get3A_702, %get3A_703] {strides = array<i32>} : memref<3x16x2048xf32, #tpu.memory_space<vmem>>, vector<16xf32>,
      %broadcast_in_dim3A_705 = arith.constant 4 : i32
      %broadcast_in_dim3A_706 = vector.broadcast %broadcast_in_dim3A_705 : i32 to vector<16xi32>
      tpu.vector_store_idx %arg10[%broadcast_in_dim3A_706, %gather3A_645], %get3A_704 {add = true} : memref<16x272xf32, #tpu.memory_space<vmem>>[vector<16xi32>, vector<16xi32>], vector<16xf32>,
      %mul3A_707 = arith.constant 16 : i32
      %mul3A_708 = arith.muli %scan3A_639, %mul3A_707 : i32
      %get3A_709 = arith.constant 1 : i32
      %get3A_710 = arith.constant 5 : i32
      %get3A_711 = arith.index_cast %get3A_709 : i32 to index
      %get3A_712 = arith.index_cast %get3A_710 : i32 to index
      %get3A_713 = arith.index_cast %mul3A_708 : i32 to index
      %get3A_714 = tpu.vector_load %arg9[%get3A_711, %get3A_712, %get3A_713] {strides = array<i32>} : memref<3x16x2048xf32, #tpu.memory_space<vmem>>, vector<16xf32>,
      %broadcast_in_dim3A_715 = arith.constant 5 : i32
      %broadcast_in_dim3A_716 = vector.broadcast %broadcast_in_dim3A_715 : i32 to vector<16xi32>
      tpu.vector_store_idx %arg10[%broadcast_in_dim3A_716, %gather3A_645], %get3A_714 {add = true} : memref<16x272xf32, #tpu.memory_space<vmem>>[vector<16xi32>, vector<16xi32>], vector<16xf32>,
      %mul3A_717 = arith.constant 16 : i32
      %mul3A_718 = arith.muli %scan3A_639, %mul3A_717 : i32
      %get3A_719 = arith.constant 1 : i32
      %get3A_720 = arith.constant 6 : i32
      %get3A_721 = arith.index_cast %get3A_719 : i32 to index
      %get3A_722 = arith.index_cast %get3A_720 : i32 to index
      %get3A_723 = arith.index_cast %mul3A_718 : i32 to index
      %get3A_724 = tpu.vector_load %arg9[%get3A_721, %get3A_722, %get3A_723] {strides = array<i32>} : memref<3x16x2048xf32, #tpu.memory_space<vmem>>, vector<16xf32>,
      %broadcast_in_dim3A_725 = arith.constant 6 : i32
      %broadcast_in_dim3A_726 = vector.broadcast %broadcast_in_dim3A_725 : i32 to vector<16xi32>
      tpu.vector_store_idx %arg10[%broadcast_in_dim3A_726, %gather3A_645], %get3A_724 {add = true} : memref<16x272xf32, #tpu.memory_space<vmem>>[vector<16xi32>, vector<16xi32>], vector<16xf32>,
      %mul3A_727 = arith.constant 16 : i32
      %mul3A_728 = arith.muli %scan3A_639, %mul3A_727 : i32
      %get3A_729 = arith.constant 1 : i32
      %get3A_730 = arith.constant 7 : i32
      %get3A_731 = arith.index_cast %get3A_729 : i32 to index
      %get3A_732 = arith.index_cast %get3A_730 : i32 to index
      %get3A_733 = arith.index_cast %mul3A_728 : i32 to index
      %get3A_734 = tpu.vector_load %arg9[%get3A_731, %get3A_732, %get3A_733] {strides = array<i32>} : memref<3x16x2048xf32, #tpu.memory_space<vmem>>, vector<16xf32>,
      %broadcast_in_dim3A_735 = arith.constant 7 : i32
      %broadcast_in_dim3A_736 = vector.broadcast %broadcast_in_dim3A_735 : i32 to vector<16xi32>
      tpu.vector_store_idx %arg10[%broadcast_in_dim3A_736, %gather3A_645], %get3A_734 {add = true} : memref<16x272xf32, #tpu.memory_space<vmem>>[vector<16xi32>, vector<16xi32>], vector<16xf32>,
      %mul3A_737 = arith.constant 16 : i32
      %mul3A_738 = arith.muli %scan3A_639, %mul3A_737 : i32
      %get3A_739 = arith.constant 1 : i32
      %get3A_740 = arith.constant 8 : i32
      %get3A_741 = arith.index_cast %get3A_739 : i32 to index
      %get3A_742 = arith.index_cast %get3A_740 : i32 to index
      %get3A_743 = arith.index_cast %mul3A_738 : i32 to index
      %get3A_744 = tpu.vector_load %arg9[%get3A_741, %get3A_742, %get3A_743] {strides = array<i32>} : memref<3x16x2048xf32, #tpu.memory_space<vmem>>, vector<16xf32>,
      %broadcast_in_dim3A_745 = arith.constant 8 : i32
      %broadcast_in_dim3A_746 = vector.broadcast %broadcast_in_dim3A_745 : i32 to vector<16xi32>
      tpu.vector_store_idx %arg10[%broadcast_in_dim3A_746, %gather3A_645], %get3A_744 {add = true} : memref<16x272xf32, #tpu.memory_space<vmem>>[vector<16xi32>, vector<16xi32>], vector<16xf32>,
      %mul3A_747 = arith.constant 16 : i32
      %mul3A_748 = arith.muli %scan3A_639, %mul3A_747 : i32
      %get3A_749 = arith.constant 1 : i32
      %get3A_750 = arith.constant 9 : i32
      %get3A_751 = arith.index_cast %get3A_749 : i32 to index
      %get3A_752 = arith.index_cast %get3A_750 : i32 to index
      %get3A_753 = arith.index_cast %mul3A_748 : i32 to index
      %get3A_754 = tpu.vector_load %arg9[%get3A_751, %get3A_752, %get3A_753] {strides = array<i32>} : memref<3x16x2048xf32, #tpu.memory_space<vmem>>, vector<16xf32>,
      %broadcast_in_dim3A_755 = arith.constant 9 : i32
      %broadcast_in_dim3A_756 = vector.broadcast %broadcast_in_dim3A_755 : i32 to vector<16xi32>
      tpu.vector_store_idx %arg10[%broadcast_in_dim3A_756, %gather3A_645], %get3A_754 {add = true} : memref<16x272xf32, #tpu.memory_space<vmem>>[vector<16xi32>, vector<16xi32>], vector<16xf32>,
      %mul3A_757 = arith.constant 16 : i32
      %mul3A_758 = arith.muli %scan3A_639, %mul3A_757 : i32
      %get3A_759 = arith.constant 1 : i32
      %get3A_760 = arith.constant 10 : i32
      %get3A_761 = arith.index_cast %get3A_759 : i32 to index
      %get3A_762 = arith.index_cast %get3A_760 : i32 to index
      %get3A_763 = arith.index_cast %mul3A_758 : i32 to index
      %get3A_764 = tpu.vector_load %arg9[%get3A_761, %get3A_762, %get3A_763] {strides = array<i32>} : memref<3x16x2048xf32, #tpu.memory_space<vmem>>, vector<16xf32>,
      %broadcast_in_dim3A_765 = arith.constant 10 : i32
      %broadcast_in_dim3A_766 = vector.broadcast %broadcast_in_dim3A_765 : i32 to vector<16xi32>
      tpu.vector_store_idx %arg10[%broadcast_in_dim3A_766, %gather3A_645], %get3A_764 {add = true} : memref<16x272xf32, #tpu.memory_space<vmem>>[vector<16xi32>, vector<16xi32>], vector<16xf32>,
      %mul3A_767 = arith.constant 16 : i32
      %mul3A_768 = arith.muli %scan3A_639, %mul3A_767 : i32
      %get3A_769 = arith.constant 1 : i32
      %get3A_770 = arith.constant 11 : i32
      %get3A_771 = arith.index_cast %get3A_769 : i32 to index
      %get3A_772 = arith.index_cast %get3A_770 : i32 to index
      %get3A_773 = arith.index_cast %mul3A_768 : i32 to index
      %get3A_774 = tpu.vector_load %arg9[%get3A_771, %get3A_772, %get3A_773] {strides = array<i32>} : memref<3x16x2048xf32, #tpu.memory_space<vmem>>, vector<16xf32>,
      %broadcast_in_dim3A_775 = arith.constant 11 : i32
      %broadcast_in_dim3A_776 = vector.broadcast %broadcast_in_dim3A_775 : i32 to vector<16xi32>
      tpu.vector_store_idx %arg10[%broadcast_in_dim3A_776, %gather3A_645], %get3A_774 {add = true} : memref<16x272xf32, #tpu.memory_space<vmem>>[vector<16xi32>, vector<16xi32>], vector<16xf32>,
      %mul3A_777 = arith.constant 16 : i32
      %mul3A_778 = arith.muli %scan3A_639, %mul3A_777 : i32
      %get3A_779 = arith.constant 1 : i32
      %get3A_780 = arith.constant 12 : i32
      %get3A_781 = arith.index_cast %get3A_779 : i32 to index
      %get3A_782 = arith.index_cast %get3A_780 : i32 to index
      %get3A_783 = arith.index_cast %mul3A_778 : i32 to index
      %get3A_784 = tpu.vector_load %arg9[%get3A_781, %get3A_782, %get3A_783] {strides = array<i32>} : memref<3x16x2048xf32, #tpu.memory_space<vmem>>, vector<16xf32>,
      %broadcast_in_dim3A_785 = arith.constant 12 : i32
      %broadcast_in_dim3A_786 = vector.broadcast %broadcast_in_dim3A_785 : i32 to vector<16xi32>
      tpu.vector_store_idx %arg10[%broadcast_in_dim3A_786, %gather3A_645], %get3A_784 {add = true} : memref<16x272xf32, #tpu.memory_space<vmem>>[vector<16xi32>, vector<16xi32>], vector<16xf32>,
      %mul3A_787 = arith.constant 16 : i32
      %mul3A_788 = arith.muli %scan3A_639, %mul3A_787 : i32
      %get3A_789 = arith.constant 1 : i32
      %get3A_790 = arith.constant 13 : i32
      %get3A_791 = arith.index_cast %get3A_789 : i32 to index
      %get3A_792 = arith.index_cast %get3A_790 : i32 to index
      %get3A_793 = arith.index_cast %mul3A_788 : i32 to index
      %get3A_794 = tpu.vector_load %arg9[%get3A_791, %get3A_792, %get3A_793] {strides = array<i32>} : memref<3x16x2048xf32, #tpu.memory_space<vmem>>, vector<16xf32>,
      %broadcast_in_dim3A_795 = arith.constant 13 : i32
      %broadcast_in_dim3A_796 = vector.broadcast %broadcast_in_dim3A_795 : i32 to vector<16xi32>
      tpu.vector_store_idx %arg10[%broadcast_in_dim3A_796, %gather3A_645], %get3A_794 {add = true} : memref<16x272xf32, #tpu.memory_space<vmem>>[vector<16xi32>, vector<16xi32>], vector<16xf32>,
      %mul3A_797 = arith.constant 16 : i32
      %mul3A_798 = arith.muli %scan3A_639, %mul3A_797 : i32
      %get3A_799 = arith.constant 1 : i32
      %get3A_800 = arith.constant 14 : i32
      %get3A_801 = arith.index_cast %get3A_799 : i32 to index
      %get3A_802 = arith.index_cast %get3A_800 : i32 to index
      %get3A_803 = arith.index_cast %mul3A_798 : i32 to index
      %get3A_804 = tpu.vector_load %arg9[%get3A_801, %get3A_802, %get3A_803] {strides = array<i32>} : memref<3x16x2048xf32, #tpu.memory_space<vmem>>, vector<16xf32>,
      %broadcast_in_dim3A_805 = arith.constant 14 : i32
      %broadcast_in_dim3A_806 = vector.broadcast %broadcast_in_dim3A_805 : i32 to vector<16xi32>
      tpu.vector_store_idx %arg10[%broadcast_in_dim3A_806, %gather3A_645], %get3A_804 {add = true} : memref<16x272xf32, #tpu.memory_space<vmem>>[vector<16xi32>, vector<16xi32>], vector<16xf32>,
      %mul3A_807 = arith.constant 16 : i32
      %mul3A_808 = arith.muli %scan3A_639, %mul3A_807 : i32
      %get3A_809 = arith.constant 1 : i32
      %get3A_810 = arith.constant 15 : i32
      %get3A_811 = arith.index_cast %get3A_809 : i32 to index
      %get3A_812 = arith.index_cast %get3A_810 : i32 to index
      %get3A_813 = arith.index_cast %mul3A_808 : i32 to index
      %get3A_814 = tpu.vector_load %arg9[%get3A_811, %get3A_812, %get3A_813] {strides = array<i32>} : memref<3x16x2048xf32, #tpu.memory_space<vmem>>, vector<16xf32>,
      %broadcast_in_dim3A_815 = arith.constant 15 : i32
      %broadcast_in_dim3A_816 = vector.broadcast %broadcast_in_dim3A_815 : i32 to vector<16xi32>
      tpu.vector_store_idx %arg10[%broadcast_in_dim3A_816, %gather3A_645], %get3A_814 {add = true} : memref<16x272xf32, #tpu.memory_space<vmem>>[vector<16xi32>, vector<16xi32>], vector<16xf32>,
    }
    %scan3A_247 = arith.constant 128 : i32
    %mul3A_248 = arith.constant 10000 : i32
    %mul3A_249 = arith.muli %add3A, %mul3A_248 : i32
    %add3A_250 = arith.constant 6144 : i32
    %add3A_251 = arith.addi %mul3A_249, %add3A_250 : i32
    %jit3A_252 = arith.constant 16 : i32
    %div3A_253 = arith.divsi %add3A_251, %jit3A_252 : i32
    %sign3A_254 = arith.constant 0 : i32
    %sign3A_255 = arith.cmpi sgt, %add3A_251, %sign3A_254 : i32
    %sign3A_256 = arith.extui %sign3A_255 : i1 to i32
    %sign3A_257 = arith.constant 0 : i32
    %sign3A_258 = arith.cmpi slt, %add3A_251, %sign3A_257 : i32
    %sign3A_259 = arith.extui %sign3A_258 : i1 to i32
    %sign3A_260 = arith.subi %sign3A_256, %sign3A_259 : i32
    %sign3A_261 = arith.constant 0 : i32
    %sign3A_262 = arith.cmpi sgt, %jit3A_252, %sign3A_261 : i32
    %sign3A_263 = arith.extui %sign3A_262 : i1 to i32
    %sign3A_264 = arith.constant 0 : i32
    %sign3A_265 = arith.cmpi slt, %jit3A_252, %sign3A_264 : i32
    %sign3A_266 = arith.extui %sign3A_265 : i1 to i32
    %sign3A_267 = arith.subi %sign3A_263, %sign3A_266 : i32
    %ne3A_268 = arith.cmpi ne, %sign3A_260, %sign3A_267 : i32
    %rem3A_269 = arith.remsi %add3A_251, %jit3A_252 : i32
    %ne3A_270 = arith.constant 0 : i32
    %ne3A_271 = arith.cmpi ne, %rem3A_269, %ne3A_270 : i32
    %and3A_272 = arith.andi %ne3A_268, %ne3A_271 : i1
    %sub3A_273 = arith.constant 1 : i32
    %sub3A_274 = arith.subi %div3A_253, %sub3A_273 : i32
    %select_n3A_275 = arith.select %and3A_272, %sub3A_274, %div3A_253 : i32
    %dma_start3A_276 = arith.constant 0 : i32
    %dma_start3A_277 = arith.constant 0 : i32
    %dma_start3A_278 = arith.constant 0 : i32
    %dma_start3A_279 = tpu.memref_slice %arg8[%dma_start3A_276, %dma_start3A_277, %dma_start3A_278] : memref<3x128x16xi32, #tpu.memory_space<vmem>> -> memref<1x128x16xi32, #tpu.memory_space<vmem>>
    %dma_start3A_280 = tpu.memref_squeeze %dma_start3A_279 : memref<1x128x16xi32, #tpu.memory_space<vmem>> -> memref<128x16xi32, #tpu.memory_space<vmem>>
    %dma_start3A_281 = arith.constant 0 : i32
    %dma_start3A_282 = tpu.memref_slice %arg2[%select_n3A_275, %dma_start3A_281] : memref<20000x16xi32, #tpu.memory_space<hbm>> -> memref<128x16xi32, #tpu.memory_space<hbm>>
    %dma_start3A_283 = arith.constant 0 : i32
    %dma_start3A_284 = arith.constant 0 : i32
    %dma_start3A_285 = tpu.memref_slice %arg8[%dma_start3A_276, %dma_start3A_283, %dma_start3A_284] : memref<3x128x16xi32, #tpu.memory_space<vmem>> -> memref<1x128x16xi32, #tpu.memory_space<vmem>>
    %dma_start3A_286 = tpu.memref_squeeze %dma_start3A_285 : memref<1x128x16xi32, #tpu.memory_space<vmem>> -> memref<128x16xi32, #tpu.memory_space<vmem>>
    %dma_start3A_287 = arith.constant 0 : i32
    %dma_start3A_288 = tpu.memref_slice %arg2[%select_n3A_275, %dma_start3A_287] : memref<20000x16xi32, #tpu.memory_space<hbm>> -> memref<128x16xi32, #tpu.memory_space<hbm>>
    tpu.enqueue_dma source(%dma_start3A_288 : memref<128x16xi32, #tpu.memory_space<hbm>>) target(%dma_start3A_286 : memref<128x16xi32, #tpu.memory_space<vmem>>) target_semaphore(%arg16 : memref<!tpu.dma_semaphore, #tpu.memory_space<semaphore_mem>>)
    %dma_start3A_289 = arith.constant 0 : i32
    %dma_start3A_290 = arith.constant 0 : i32
    %dma_start3A_291 = arith.constant 0 : i32
    %dma_start3A_292 = tpu.memref_slice %arg9[%dma_start3A_289, %dma_start3A_290, %dma_start3A_291] : memref<3x16x2048xf32, #tpu.memory_space<vmem>> -> memref<1x16x2048xf32, #tpu.memory_space<vmem>>
    %dma_start3A_293 = tpu.memref_squeeze %dma_start3A_292 : memref<1x16x2048xf32, #tpu.memory_space<vmem>> -> memref<16x2048xf32, #tpu.memory_space<vmem>>
    %dma_start3A_294 = arith.constant 0 : i32
    %dma_start3A_295 = tpu.memref_slice %arg3[%dma_start3A_294, %add3A_251] : memref<16x320000xf32, #tpu.memory_space<hbm>> -> memref<16x2048xf32, #tpu.memory_space<hbm>>
    %dma_start3A_296 = arith.constant 0 : i32
    %dma_start3A_297 = arith.constant 0 : i32
    %dma_start3A_298 = tpu.memref_slice %arg9[%dma_start3A_289, %dma_start3A_296, %dma_start3A_297] : memref<3x16x2048xf32, #tpu.memory_space<vmem>> -> memref<1x16x2048xf32, #tpu.memory_space<vmem>>
    %dma_start3A_299 = tpu.memref_squeeze %dma_start3A_298 : memref<1x16x2048xf32, #tpu.memory_space<vmem>> -> memref<16x2048xf32, #tpu.memory_space<vmem>>
    %dma_start3A_300 = arith.constant 0 : i32
    %dma_start3A_301 = tpu.memref_slice %arg3[%dma_start3A_300, %add3A_251] : memref<16x320000xf32, #tpu.memory_space<hbm>> -> memref<16x2048xf32, #tpu.memory_space<hbm>>
    tpu.enqueue_dma source(%dma_start3A_301 : memref<16x2048xf32, #tpu.memory_space<hbm>>) target(%dma_start3A_299 : memref<16x2048xf32, #tpu.memory_space<vmem>>) target_semaphore(%arg16 : memref<!tpu.dma_semaphore, #tpu.memory_space<semaphore_mem>>)
    %dma_wait3A_302 = arith.constant 2 : i32
    %dma_wait3A_303 = arith.constant 0 : i32
    %dma_wait3A_304 = arith.constant 0 : i32
    %dma_wait3A_305 = tpu.memref_slice %arg8[%dma_wait3A_302, %dma_wait3A_303, %dma_wait3A_304] : memref<3x128x16xi32, #tpu.memory_space<vmem>> -> memref<1x128x16xi32, #tpu.memory_space<vmem>>
    %dma_wait3A_306 = tpu.memref_squeeze %dma_wait3A_305 : memref<1x128x16xi32, #tpu.memory_space<vmem>> -> memref<128x16xi32, #tpu.memory_space<vmem>>
    %dma_wait3A_307 = arith.constant 0 : i32
    %dma_wait3A_308 = tpu.memref_slice %arg2[%select_n3A_189, %dma_wait3A_307] : memref<20000x16xi32, #tpu.memory_space<hbm>> -> memref<128x16xi32, #tpu.memory_space<hbm>>
    %dma_wait3A_309 = arith.constant 0 : i32
    %dma_wait3A_310 = arith.constant 0 : i32
    %dma_wait3A_311 = tpu.memref_slice %arg8[%dma_wait3A_302, %dma_wait3A_309, %dma_wait3A_310] : memref<3x128x16xi32, #tpu.memory_space<vmem>> -> memref<1x128x16xi32, #tpu.memory_space<vmem>>
    %dma_wait3A_312 = tpu.memref_squeeze %dma_wait3A_311 : memref<1x128x16xi32, #tpu.memory_space<vmem>> -> memref<128x16xi32, #tpu.memory_space<vmem>>
    %dma_wait3A_313 = arith.constant 0 : i32
    %dma_wait3A_314 = tpu.memref_slice %arg2[%select_n3A_189, %dma_wait3A_313] : memref<20000x16xi32, #tpu.memory_space<hbm>> -> memref<128x16xi32, #tpu.memory_space<hbm>>
    tpu.wait_dma2 semaphore(%arg18 : memref<!tpu.dma_semaphore, #tpu.memory_space<semaphore_mem>>) src(%dma_wait3A_314 : memref<128x16xi32, #tpu.memory_space<hbm>>) dst(%dma_wait3A_312 : memref<128x16xi32, #tpu.memory_space<vmem>>)
    %dma_wait3A_315 = arith.constant 2 : i32
    %dma_wait3A_316 = arith.constant 0 : i32
    %dma_wait3A_317 = arith.constant 0 : i32
    %dma_wait3A_318 = tpu.memref_slice %arg9[%dma_wait3A_315, %dma_wait3A_316, %dma_wait3A_317] : memref<3x16x2048xf32, #tpu.memory_space<vmem>> -> memref<1x16x2048xf32, #tpu.memory_space<vmem>>
    %dma_wait3A_319 = tpu.memref_squeeze %dma_wait3A_318 : memref<1x16x2048xf32, #tpu.memory_space<vmem>> -> memref<16x2048xf32, #tpu.memory_space<vmem>>
    %dma_wait3A_320 = arith.constant 0 : i32
    %dma_wait3A_321 = tpu.memref_slice %arg3[%dma_wait3A_320, %add3A_165] : memref<16x320000xf32, #tpu.memory_space<hbm>> -> memref<16x2048xf32, #tpu.memory_space<hbm>>
    %dma_wait3A_322 = arith.constant 0 : i32
    %dma_wait3A_323 = arith.constant 0 : i32
    %dma_wait3A_324 = tpu.memref_slice %arg9[%dma_wait3A_315, %dma_wait3A_322, %dma_wait3A_323] : memref<3x16x2048xf32, #tpu.memory_space<vmem>> -> memref<1x16x2048xf32, #tpu.memory_space<vmem>>
    %dma_wait3A_325 = tpu.memref_squeeze %dma_wait3A_324 : memref<1x16x2048xf32, #tpu.memory_space<vmem>> -> memref<16x2048xf32, #tpu.memory_space<vmem>>
    %dma_wait3A_326 = arith.constant 0 : i32
    %dma_wait3A_327 = tpu.memref_slice %arg3[%dma_wait3A_326, %add3A_165] : memref<16x320000xf32, #tpu.memory_space<hbm>> -> memref<16x2048xf32, #tpu.memory_space<hbm>>
    tpu.wait_dma2 semaphore(%arg18 : memref<!tpu.dma_semaphore, #tpu.memory_space<semaphore_mem>>) src(%dma_wait3A_327 : memref<16x2048xf32, #tpu.memory_space<hbm>>) dst(%dma_wait3A_325 : memref<16x2048xf32, #tpu.memory_space<vmem>>)
    %scan3A_328 = arith.constant 0 : i32
    %scan3A_329 = arith.constant 0 : i32
    %scan3A_330 = arith.constant 128 : i32
    %scan3A_331 = arith.addi %scan3A_329, %scan3A_330 : i32
    %scan3A_332 = arith.constant 2 : i32
    scf.for %scan3A_465 = %scan3A_329 to %scan3A_331 step %scan3A_332  : i32 {
      %get3A = arith.constant 2 : i32
      %get3A_466 = arith.index_cast %get3A : i32 to index
      %get3A_467 = arith.index_cast %scan3A_465 : i32 to index
      %get3A_468 = arith.constant 0 : index
      %get3A_469 = tpu.vector_load %arg8[%get3A_466, %get3A_467, %get3A_468] {strides = array<i32>} : memref<3x128x16xi32, #tpu.memory_space<vmem>>, vector<16xi32>,
      %gather3A = tpu.vector_load_idx %arg7[%get3A_469] : memref<10000xi32, #tpu.memory_space<vmem>>[vector<16xi32>], vector<16xi32>,
      %broadcast_in_dim3A = arith.constant true
      %broadcast_in_dim3A_470 = vector.broadcast %broadcast_in_dim3A : i1 to vector<16xi1>
      %unique3A, %unique3A_471 = tpu.scan_count mask(%broadcast_in_dim3A_470 : vector<16xi1>) value(%gather3A : vector<16xi32>) : vector<16xi1>, vector<16xi32>
      %shift_right_logical3A = arith.constant 4 : i32
      %shift_right_logical3A_472 = vector.broadcast %shift_right_logical3A : i32 to vector<16xi32>
      %shift_right_logical3A_473 = arith.shrui %gather3A, %shift_right_logical3A_472 : vector<16xi32>
      %and3A_474 = arith.constant 15 : i32
      %and3A_475 = vector.broadcast %and3A_474 : i32 to vector<16xi32>
      %and3A_476 = arith.andi %gather3A, %and3A_475 : vector<16xi32>
      %convert_element_type3A_477 = arith.sitofp %unique3A_471 : vector<16xi32> to vector<16xf32>
      tpu.vector_store_idx %arg12[%shift_right_logical3A_473, %and3A_476], %convert_element_type3A_477 masked %unique3A {add = true} : memref<32x16xf32, #tpu.memory_space<vmem>>[vector<16xi32>, vector<16xi32>], vector<16xf32>, vector<16xi1>
      %mul3A_478 = arith.constant 16 : i32
      %mul3A_479 = arith.muli %scan3A_465, %mul3A_478 : i32
      %get3A_480 = arith.constant 2 : i32
      %get3A_481 = arith.constant 0 : i32
      %get3A_482 = arith.index_cast %get3A_480 : i32 to index
      %get3A_483 = arith.index_cast %get3A_481 : i32 to index
      %get3A_484 = arith.index_cast %mul3A_479 : i32 to index
      %get3A_485 = tpu.vector_load %arg9[%get3A_482, %get3A_483, %get3A_484] {strides = array<i32>} : memref<3x16x2048xf32, #tpu.memory_space<vmem>>, vector<16xf32>,
      %broadcast_in_dim3A_486 = arith.constant 0 : i32
      %broadcast_in_dim3A_487 = vector.broadcast %broadcast_in_dim3A_486 : i32 to vector<16xi32>
      tpu.vector_store_idx %arg10[%broadcast_in_dim3A_487, %gather3A], %get3A_485 {add = true} : memref<16x272xf32, #tpu.memory_space<vmem>>[vector<16xi32>, vector<16xi32>], vector<16xf32>,
      %mul3A_488 = arith.constant 16 : i32
      %mul3A_489 = arith.muli %scan3A_465, %mul3A_488 : i32
      %get3A_490 = arith.constant 2 : i32
      %get3A_491 = arith.constant 1 : i32
      %get3A_492 = arith.index_cast %get3A_490 : i32 to index
      %get3A_493 = arith.index_cast %get3A_491 : i32 to index
      %get3A_494 = arith.index_cast %mul3A_489 : i32 to index
      %get3A_495 = tpu.vector_load %arg9[%get3A_492, %get3A_493, %get3A_494] {strides = array<i32>} : memref<3x16x2048xf32, #tpu.memory_space<vmem>>, vector<16xf32>,
      %broadcast_in_dim3A_496 = arith.constant 1 : i32
      %broadcast_in_dim3A_497 = vector.broadcast %broadcast_in_dim3A_496 : i32 to vector<16xi32>
      tpu.vector_store_idx %arg10[%broadcast_in_dim3A_497, %gather3A], %get3A_495 {add = true} : memref<16x272xf32, #tpu.memory_space<vmem>>[vector<16xi32>, vector<16xi32>], vector<16xf32>,
      %mul3A_498 = arith.constant 16 : i32
      %mul3A_499 = arith.muli %scan3A_465, %mul3A_498 : i32
      %get3A_500 = arith.constant 2 : i32
      %get3A_501 = arith.constant 2 : i32
      %get3A_502 = arith.index_cast %get3A_500 : i32 to index
      %get3A_503 = arith.index_cast %get3A_501 : i32 to index
      %get3A_504 = arith.index_cast %mul3A_499 : i32 to index
      %get3A_505 = tpu.vector_load %arg9[%get3A_502, %get3A_503, %get3A_504] {strides = array<i32>} : memref<3x16x2048xf32, #tpu.memory_space<vmem>>, vector<16xf32>,
      %broadcast_in_dim3A_506 = arith.constant 2 : i32
      %broadcast_in_dim3A_507 = vector.broadcast %broadcast_in_dim3A_506 : i32 to vector<16xi32>
      tpu.vector_store_idx %arg10[%broadcast_in_dim3A_507, %gather3A], %get3A_505 {add = true} : memref<16x272xf32, #tpu.memory_space<vmem>>[vector<16xi32>, vector<16xi32>], vector<16xf32>,
      %mul3A_508 = arith.constant 16 : i32
      %mul3A_509 = arith.muli %scan3A_465, %mul3A_508 : i32
      %get3A_510 = arith.constant 2 : i32
      %get3A_511 = arith.constant 3 : i32
      %get3A_512 = arith.index_cast %get3A_510 : i32 to index
      %get3A_513 = arith.index_cast %get3A_511 : i32 to index
      %get3A_514 = arith.index_cast %mul3A_509 : i32 to index
      %get3A_515 = tpu.vector_load %arg9[%get3A_512, %get3A_513, %get3A_514] {strides = array<i32>} : memref<3x16x2048xf32, #tpu.memory_space<vmem>>, vector<16xf32>,
      %broadcast_in_dim3A_516 = arith.constant 3 : i32
      %broadcast_in_dim3A_517 = vector.broadcast %broadcast_in_dim3A_516 : i32 to vector<16xi32>
      tpu.vector_store_idx %arg10[%broadcast_in_dim3A_517, %gather3A], %get3A_515 {add = true} : memref<16x272xf32, #tpu.memory_space<vmem>>[vector<16xi32>, vector<16xi32>], vector<16xf32>,
      %mul3A_518 = arith.constant 16 : i32
      %mul3A_519 = arith.muli %scan3A_465, %mul3A_518 : i32
      %get3A_520 = arith.constant 2 : i32
      %get3A_521 = arith.constant 4 : i32
      %get3A_522 = arith.index_cast %get3A_520 : i32 to index
      %get3A_523 = arith.index_cast %get3A_521 : i32 to index
      %get3A_524 = arith.index_cast %mul3A_519 : i32 to index
      %get3A_525 = tpu.vector_load %arg9[%get3A_522, %get3A_523, %get3A_524] {strides = array<i32>} : memref<3x16x2048xf32, #tpu.memory_space<vmem>>, vector<16xf32>,
      %broadcast_in_dim3A_526 = arith.constant 4 : i32
      %broadcast_in_dim3A_527 = vector.broadcast %broadcast_in_dim3A_526 : i32 to vector<16xi32>
      tpu.vector_store_idx %arg10[%broadcast_in_dim3A_527, %gather3A], %get3A_525 {add = true} : memref<16x272xf32, #tpu.memory_space<vmem>>[vector<16xi32>, vector<16xi32>], vector<16xf32>,
      %mul3A_528 = arith.constant 16 : i32
      %mul3A_529 = arith.muli %scan3A_465, %mul3A_528 : i32
      %get3A_530 = arith.constant 2 : i32
      %get3A_531 = arith.constant 5 : i32
      %get3A_532 = arith.index_cast %get3A_530 : i32 to index
      %get3A_533 = arith.index_cast %get3A_531 : i32 to index
      %get3A_534 = arith.index_cast %mul3A_529 : i32 to index
      %get3A_535 = tpu.vector_load %arg9[%get3A_532, %get3A_533, %get3A_534] {strides = array<i32>} : memref<3x16x2048xf32, #tpu.memory_space<vmem>>, vector<16xf32>,
      %broadcast_in_dim3A_536 = arith.constant 5 : i32
      %broadcast_in_dim3A_537 = vector.broadcast %broadcast_in_dim3A_536 : i32 to vector<16xi32>
      tpu.vector_store_idx %arg10[%broadcast_in_dim3A_537, %gather3A], %get3A_535 {add = true} : memref<16x272xf32, #tpu.memory_space<vmem>>[vector<16xi32>, vector<16xi32>], vector<16xf32>,
      %mul3A_538 = arith.constant 16 : i32
      %mul3A_539 = arith.muli %scan3A_465, %mul3A_538 : i32
      %get3A_540 = arith.constant 2 : i32
      %get3A_541 = arith.constant 6 : i32
      %get3A_542 = arith.index_cast %get3A_540 : i32 to index
      %get3A_543 = arith.index_cast %get3A_541 : i32 to index
      %get3A_544 = arith.index_cast %mul3A_539 : i32 to index
      %get3A_545 = tpu.vector_load %arg9[%get3A_542, %get3A_543, %get3A_544] {strides = array<i32>} : memref<3x16x2048xf32, #tpu.memory_space<vmem>>, vector<16xf32>,
      %broadcast_in_dim3A_546 = arith.constant 6 : i32
      %broadcast_in_dim3A_547 = vector.broadcast %broadcast_in_dim3A_546 : i32 to vector<16xi32>
      tpu.vector_store_idx %arg10[%broadcast_in_dim3A_547, %gather3A], %get3A_545 {add = true} : memref<16x272xf32, #tpu.memory_space<vmem>>[vector<16xi32>, vector<16xi32>], vector<16xf32>,
      %mul3A_548 = arith.constant 16 : i32
      %mul3A_549 = arith.muli %scan3A_465, %mul3A_548 : i32
      %get3A_550 = arith.constant 2 : i32
      %get3A_551 = arith.constant 7 : i32
      %get3A_552 = arith.index_cast %get3A_550 : i32 to index
      %get3A_553 = arith.index_cast %get3A_551 : i32 to index
      %get3A_554 = arith.index_cast %mul3A_549 : i32 to index
      %get3A_555 = tpu.vector_load %arg9[%get3A_552, %get3A_553, %get3A_554] {strides = array<i32>} : memref<3x16x2048xf32, #tpu.memory_space<vmem>>, vector<16xf32>,
      %broadcast_in_dim3A_556 = arith.constant 7 : i32
      %broadcast_in_dim3A_557 = vector.broadcast %broadcast_in_dim3A_556 : i32 to vector<16xi32>
      tpu.vector_store_idx %arg10[%broadcast_in_dim3A_557, %gather3A], %get3A_555 {add = true} : memref<16x272xf32, #tpu.memory_space<vmem>>[vector<16xi32>, vector<16xi32>], vector<16xf32>,
      %mul3A_558 = arith.constant 16 : i32
      %mul3A_559 = arith.muli %scan3A_465, %mul3A_558 : i32
      %get3A_560 = arith.constant 2 : i32
      %get3A_561 = arith.constant 8 : i32
      %get3A_562 = arith.index_cast %get3A_560 : i32 to index
      %get3A_563 = arith.index_cast %get3A_561 : i32 to index
      %get3A_564 = arith.index_cast %mul3A_559 : i32 to index
      %get3A_565 = tpu.vector_load %arg9[%get3A_562, %get3A_563, %get3A_564] {strides = array<i32>} : memref<3x16x2048xf32, #tpu.memory_space<vmem>>, vector<16xf32>,
      %broadcast_in_dim3A_566 = arith.constant 8 : i32
      %broadcast_in_dim3A_567 = vector.broadcast %broadcast_in_dim3A_566 : i32 to vector<16xi32>
      tpu.vector_store_idx %arg10[%broadcast_in_dim3A_567, %gather3A], %get3A_565 {add = true} : memref<16x272xf32, #tpu.memory_space<vmem>>[vector<16xi32>, vector<16xi32>], vector<16xf32>,
      %mul3A_568 = arith.constant 16 : i32
      %mul3A_569 = arith.muli %scan3A_465, %mul3A_568 : i32
      %get3A_570 = arith.constant 2 : i32
      %get3A_571 = arith.constant 9 : i32
      %get3A_572 = arith.index_cast %get3A_570 : i32 to index
      %get3A_573 = arith.index_cast %get3A_571 : i32 to index
      %get3A_574 = arith.index_cast %mul3A_569 : i32 to index
      %get3A_575 = tpu.vector_load %arg9[%get3A_572, %get3A_573, %get3A_574] {strides = array<i32>} : memref<3x16x2048xf32, #tpu.memory_space<vmem>>, vector<16xf32>,
      %broadcast_in_dim3A_576 = arith.constant 9 : i32
      %broadcast_in_dim3A_577 = vector.broadcast %broadcast_in_dim3A_576 : i32 to vector<16xi32>
      tpu.vector_store_idx %arg10[%broadcast_in_dim3A_577, %gather3A], %get3A_575 {add = true} : memref<16x272xf32, #tpu.memory_space<vmem>>[vector<16xi32>, vector<16xi32>], vector<16xf32>,
      %mul3A_578 = arith.constant 16 : i32
      %mul3A_579 = arith.muli %scan3A_465, %mul3A_578 : i32
      %get3A_580 = arith.constant 2 : i32
      %get3A_581 = arith.constant 10 : i32
      %get3A_582 = arith.index_cast %get3A_580 : i32 to index
      %get3A_583 = arith.index_cast %get3A_581 : i32 to index
      %get3A_584 = arith.index_cast %mul3A_579 : i32 to index
      %get3A_585 = tpu.vector_load %arg9[%get3A_582, %get3A_583, %get3A_584] {strides = array<i32>} : memref<3x16x2048xf32, #tpu.memory_space<vmem>>, vector<16xf32>,
      %broadcast_in_dim3A_586 = arith.constant 10 : i32
      %broadcast_in_dim3A_587 = vector.broadcast %broadcast_in_dim3A_586 : i32 to vector<16xi32>
      tpu.vector_store_idx %arg10[%broadcast_in_dim3A_587, %gather3A], %get3A_585 {add = true} : memref<16x272xf32, #tpu.memory_space<vmem>>[vector<16xi32>, vector<16xi32>], vector<16xf32>,
      %mul3A_588 = arith.constant 16 : i32
      %mul3A_589 = arith.muli %scan3A_465, %mul3A_588 : i32
      %get3A_590 = arith.constant 2 : i32
      %get3A_591 = arith.constant 11 : i32
      %get3A_592 = arith.index_cast %get3A_590 : i32 to index
      %get3A_593 = arith.index_cast %get3A_591 : i32 to index
      %get3A_594 = arith.index_cast %mul3A_589 : i32 to index
      %get3A_595 = tpu.vector_load %arg9[%get3A_592, %get3A_593, %get3A_594] {strides = array<i32>} : memref<3x16x2048xf32, #tpu.memory_space<vmem>>, vector<16xf32>,
      %broadcast_in_dim3A_596 = arith.constant 11 : i32
      %broadcast_in_dim3A_597 = vector.broadcast %broadcast_in_dim3A_596 : i32 to vector<16xi32>
      tpu.vector_store_idx %arg10[%broadcast_in_dim3A_597, %gather3A], %get3A_595 {add = true} : memref<16x272xf32, #tpu.memory_space<vmem>>[vector<16xi32>, vector<16xi32>], vector<16xf32>,
      %mul3A_598 = arith.constant 16 : i32
      %mul3A_599 = arith.muli %scan3A_465, %mul3A_598 : i32
      %get3A_600 = arith.constant 2 : i32
      %get3A_601 = arith.constant 12 : i32
      %get3A_602 = arith.index_cast %get3A_600 : i32 to index
      %get3A_603 = arith.index_cast %get3A_601 : i32 to index
      %get3A_604 = arith.index_cast %mul3A_599 : i32 to index
      %get3A_605 = tpu.vector_load %arg9[%get3A_602, %get3A_603, %get3A_604] {strides = array<i32>} : memref<3x16x2048xf32, #tpu.memory_space<vmem>>, vector<16xf32>,
      %broadcast_in_dim3A_606 = arith.constant 12 : i32
      %broadcast_in_dim3A_607 = vector.broadcast %broadcast_in_dim3A_606 : i32 to vector<16xi32>
      tpu.vector_store_idx %arg10[%broadcast_in_dim3A_607, %gather3A], %get3A_605 {add = true} : memref<16x272xf32, #tpu.memory_space<vmem>>[vector<16xi32>, vector<16xi32>], vector<16xf32>,
      %mul3A_608 = arith.constant 16 : i32
      %mul3A_609 = arith.muli %scan3A_465, %mul3A_608 : i32
      %get3A_610 = arith.constant 2 : i32
      %get3A_611 = arith.constant 13 : i32
      %get3A_612 = arith.index_cast %get3A_610 : i32 to index
      %get3A_613 = arith.index_cast %get3A_611 : i32 to index
      %get3A_614 = arith.index_cast %mul3A_609 : i32 to index
      %get3A_615 = tpu.vector_load %arg9[%get3A_612, %get3A_613, %get3A_614] {strides = array<i32>} : memref<3x16x2048xf32, #tpu.memory_space<vmem>>, vector<16xf32>,
      %broadcast_in_dim3A_616 = arith.constant 13 : i32
      %broadcast_in_dim3A_617 = vector.broadcast %broadcast_in_dim3A_616 : i32 to vector<16xi32>
      tpu.vector_store_idx %arg10[%broadcast_in_dim3A_617, %gather3A], %get3A_615 {add = true} : memref<16x272xf32, #tpu.memory_space<vmem>>[vector<16xi32>, vector<16xi32>], vector<16xf32>,
      %mul3A_618 = arith.constant 16 : i32
      %mul3A_619 = arith.muli %scan3A_465, %mul3A_618 : i32
      %get3A_620 = arith.constant 2 : i32
      %get3A_621 = arith.constant 14 : i32
      %get3A_622 = arith.index_cast %get3A_620 : i32 to index
      %get3A_623 = arith.index_cast %get3A_621 : i32 to index
      %get3A_624 = arith.index_cast %mul3A_619 : i32 to index
      %get3A_625 = tpu.vector_load %arg9[%get3A_622, %get3A_623, %get3A_624] {strides = array<i32>} : memref<3x16x2048xf32, #tpu.memory_space<vmem>>, vector<16xf32>,
      %broadcast_in_dim3A_626 = arith.constant 14 : i32
      %broadcast_in_dim3A_627 = vector.broadcast %broadcast_in_dim3A_626 : i32 to vector<16xi32>
      tpu.vector_store_idx %arg10[%broadcast_in_dim3A_627, %gather3A], %get3A_625 {add = true} : memref<16x272xf32, #tpu.memory_space<vmem>>[vector<16xi32>, vector<16xi32>], vector<16xf32>,
      %mul3A_628 = arith.constant 16 : i32
      %mul3A_629 = arith.muli %scan3A_465, %mul3A_628 : i32
      %get3A_630 = arith.constant 2 : i32
      %get3A_631 = arith.constant 15 : i32
      %get3A_632 = arith.index_cast %get3A_630 : i32 to index
      %get3A_633 = arith.index_cast %get3A_631 : i32 to index
      %get3A_634 = arith.index_cast %mul3A_629 : i32 to index
      %get3A_635 = tpu.vector_load %arg9[%get3A_632, %get3A_633, %get3A_634] {strides = array<i32>} : memref<3x16x2048xf32, #tpu.memory_space<vmem>>, vector<16xf32>,
      %broadcast_in_dim3A_636 = arith.constant 15 : i32
      %broadcast_in_dim3A_637 = vector.broadcast %broadcast_in_dim3A_636 : i32 to vector<16xi32>
      tpu.vector_store_idx %arg10[%broadcast_in_dim3A_637, %gather3A], %get3A_635 {add = true} : memref<16x272xf32, #tpu.memory_space<vmem>>[vector<16xi32>, vector<16xi32>], vector<16xf32>,
      %scan3A_638 = arith.constant 1 : i32
      %scan3A_639 = arith.addi %scan3A_465, %scan3A_638 : i32
      %get3A_640 = arith.constant 2 : i32
      %get3A_641 = arith.index_cast %get3A_640 : i32 to index
      %get3A_642 = arith.index_cast %scan3A_639 : i32 to index
      %get3A_643 = arith.constant 0 : index
      %get3A_644 = tpu.vector_load %arg8[%get3A_641, %get3A_642, %get3A_643] {strides = array<i32>} : memref<3x128x16xi32, #tpu.memory_space<vmem>>, vector<16xi32>,
      %gather3A_645 = tpu.vector_load_idx %arg7[%get3A_644] : memref<10000xi32, #tpu.memory_space<vmem>>[vector<16xi32>], vector<16xi32>,
      %broadcast_in_dim3A_646 = arith.constant true
      %broadcast_in_dim3A_647 = vector.broadcast %broadcast_in_dim3A_646 : i1 to vector<16xi1>
      %unique3A_648, %unique3A_649 = tpu.scan_count mask(%broadcast_in_dim3A_647 : vector<16xi1>) value(%gather3A_645 : vector<16xi32>) : vector<16xi1>, vector<16xi32>
      %shift_right_logical3A_650 = arith.constant 4 : i32
      %shift_right_logical3A_651 = vector.broadcast %shift_right_logical3A_650 : i32 to vector<16xi32>
      %shift_right_logical3A_652 = arith.shrui %gather3A_645, %shift_right_logical3A_651 : vector<16xi32>
      %and3A_653 = arith.constant 15 : i32
      %and3A_654 = vector.broadcast %and3A_653 : i32 to vector<16xi32>
      %and3A_655 = arith.andi %gather3A_645, %and3A_654 : vector<16xi32>
      %convert_element_type3A_656 = arith.sitofp %unique3A_649 : vector<16xi32> to vector<16xf32>
      tpu.vector_store_idx %arg12[%shift_right_logical3A_652, %and3A_655], %convert_element_type3A_656 masked %unique3A_648 {add = true} : memref<32x16xf32, #tpu.memory_space<vmem>>[vector<16xi32>, vector<16xi32>], vector<16xf32>, vector<16xi1>
      %mul3A_657 = arith.constant 16 : i32
      %mul3A_658 = arith.muli %scan3A_639, %mul3A_657 : i32
      %get3A_659 = arith.constant 2 : i32
      %get3A_660 = arith.constant 0 : i32
      %get3A_661 = arith.index_cast %get3A_659 : i32 to index
      %get3A_662 = arith.index_cast %get3A_660 : i32 to index
      %get3A_663 = arith.index_cast %mul3A_658 : i32 to index
      %get3A_664 = tpu.vector_load %arg9[%get3A_661, %get3A_662, %get3A_663] {strides = array<i32>} : memref<3x16x2048xf32, #tpu.memory_space<vmem>>, vector<16xf32>,
      %broadcast_in_dim3A_665 = arith.constant 0 : i32
      %broadcast_in_dim3A_666 = vector.broadcast %broadcast_in_dim3A_665 : i32 to vector<16xi32>
      tpu.vector_store_idx %arg10[%broadcast_in_dim3A_666, %gather3A_645], %get3A_664 {add = true} : memref<16x272xf32, #tpu.memory_space<vmem>>[vector<16xi32>, vector<16xi32>], vector<16xf32>,
      %mul3A_667 = arith.constant 16 : i32
      %mul3A_668 = arith.muli %scan3A_639, %mul3A_667 : i32
      %get3A_669 = arith.constant 2 : i32
      %get3A_670 = arith.constant 1 : i32
      %get3A_671 = arith.index_cast %get3A_669 : i32 to index
      %get3A_672 = arith.index_cast %get3A_670 : i32 to index
      %get3A_673 = arith.index_cast %mul3A_668 : i32 to index
      %get3A_674 = tpu.vector_load %arg9[%get3A_671, %get3A_672, %get3A_673] {strides = array<i32>} : memref<3x16x2048xf32, #tpu.memory_space<vmem>>, vector<16xf32>,
      %broadcast_in_dim3A_675 = arith.constant 1 : i32
      %broadcast_in_dim3A_676 = vector.broadcast %broadcast_in_dim3A_675 : i32 to vector<16xi32>
      tpu.vector_store_idx %arg10[%broadcast_in_dim3A_676, %gather3A_645], %get3A_674 {add = true} : memref<16x272xf32, #tpu.memory_space<vmem>>[vector<16xi32>, vector<16xi32>], vector<16xf32>,
      %mul3A_677 = arith.constant 16 : i32
      %mul3A_678 = arith.muli %scan3A_639, %mul3A_677 : i32
      %get3A_679 = arith.constant 2 : i32
      %get3A_680 = arith.constant 2 : i32
      %get3A_681 = arith.index_cast %get3A_679 : i32 to index
      %get3A_682 = arith.index_cast %get3A_680 : i32 to index
      %get3A_683 = arith.index_cast %mul3A_678 : i32 to index
      %get3A_684 = tpu.vector_load %arg9[%get3A_681, %get3A_682, %get3A_683] {strides = array<i32>} : memref<3x16x2048xf32, #tpu.memory_space<vmem>>, vector<16xf32>,
      %broadcast_in_dim3A_685 = arith.constant 2 : i32
      %broadcast_in_dim3A_686 = vector.broadcast %broadcast_in_dim3A_685 : i32 to vector<16xi32>
      tpu.vector_store_idx %arg10[%broadcast_in_dim3A_686, %gather3A_645], %get3A_684 {add = true} : memref<16x272xf32, #tpu.memory_space<vmem>>[vector<16xi32>, vector<16xi32>], vector<16xf32>,
      %mul3A_687 = arith.constant 16 : i32
      %mul3A_688 = arith.muli %scan3A_639, %mul3A_687 : i32
      %get3A_689 = arith.constant 2 : i32
      %get3A_690 = arith.constant 3 : i32
      %get3A_691 = arith.index_cast %get3A_689 : i32 to index
      %get3A_692 = arith.index_cast %get3A_690 : i32 to index
      %get3A_693 = arith.index_cast %mul3A_688 : i32 to index
      %get3A_694 = tpu.vector_load %arg9[%get3A_691, %get3A_692, %get3A_693] {strides = array<i32>} : memref<3x16x2048xf32, #tpu.memory_space<vmem>>, vector<16xf32>,
      %broadcast_in_dim3A_695 = arith.constant 3 : i32
      %broadcast_in_dim3A_696 = vector.broadcast %broadcast_in_dim3A_695 : i32 to vector<16xi32>
      tpu.vector_store_idx %arg10[%broadcast_in_dim3A_696, %gather3A_645], %get3A_694 {add = true} : memref<16x272xf32, #tpu.memory_space<vmem>>[vector<16xi32>, vector<16xi32>], vector<16xf32>,
      %mul3A_697 = arith.constant 16 : i32
      %mul3A_698 = arith.muli %scan3A_639, %mul3A_697 : i32
      %get3A_699 = arith.constant 2 : i32
      %get3A_700 = arith.constant 4 : i32
      %get3A_701 = arith.index_cast %get3A_699 : i32 to index
      %get3A_702 = arith.index_cast %get3A_700 : i32 to index
      %get3A_703 = arith.index_cast %mul3A_698 : i32 to index
      %get3A_704 = tpu.vector_load %arg9[%get3A_701, %get3A_702, %get3A_703] {strides = array<i32>} : memref<3x16x2048xf32, #tpu.memory_space<vmem>>, vector<16xf32>,
      %broadcast_in_dim3A_705 = arith.constant 4 : i32
      %broadcast_in_dim3A_706 = vector.broadcast %broadcast_in_dim3A_705 : i32 to vector<16xi32>
      tpu.vector_store_idx %arg10[%broadcast_in_dim3A_706, %gather3A_645], %get3A_704 {add = true} : memref<16x272xf32, #tpu.memory_space<vmem>>[vector<16xi32>, vector<16xi32>], vector<16xf32>,
      %mul3A_707 = arith.constant 16 : i32
      %mul3A_708 = arith.muli %scan3A_639, %mul3A_707 : i32
      %get3A_709 = arith.constant 2 : i32
      %get3A_710 = arith.constant 5 : i32
      %get3A_711 = arith.index_cast %get3A_709 : i32 to index
      %get3A_712 = arith.index_cast %get3A_710 : i32 to index
      %get3A_713 = arith.index_cast %mul3A_708 : i32 to index
      %get3A_714 = tpu.vector_load %arg9[%get3A_711, %get3A_712, %get3A_713] {strides = array<i32>} : memref<3x16x2048xf32, #tpu.memory_space<vmem>>, vector<16xf32>,
      %broadcast_in_dim3A_715 = arith.constant 5 : i32
      %broadcast_in_dim3A_716 = vector.broadcast %broadcast_in_dim3A_715 : i32 to vector<16xi32>
      tpu.vector_store_idx %arg10[%broadcast_in_dim3A_716, %gather3A_645], %get3A_714 {add = true} : memref<16x272xf32, #tpu.memory_space<vmem>>[vector<16xi32>, vector<16xi32>], vector<16xf32>,
      %mul3A_717 = arith.constant 16 : i32
      %mul3A_718 = arith.muli %scan3A_639, %mul3A_717 : i32
      %get3A_719 = arith.constant 2 : i32
      %get3A_720 = arith.constant 6 : i32
      %get3A_721 = arith.index_cast %get3A_719 : i32 to index
      %get3A_722 = arith.index_cast %get3A_720 : i32 to index
      %get3A_723 = arith.index_cast %mul3A_718 : i32 to index
      %get3A_724 = tpu.vector_load %arg9[%get3A_721, %get3A_722, %get3A_723] {strides = array<i32>} : memref<3x16x2048xf32, #tpu.memory_space<vmem>>, vector<16xf32>,
      %broadcast_in_dim3A_725 = arith.constant 6 : i32
      %broadcast_in_dim3A_726 = vector.broadcast %broadcast_in_dim3A_725 : i32 to vector<16xi32>
      tpu.vector_store_idx %arg10[%broadcast_in_dim3A_726, %gather3A_645], %get3A_724 {add = true} : memref<16x272xf32, #tpu.memory_space<vmem>>[vector<16xi32>, vector<16xi32>], vector<16xf32>,
      %mul3A_727 = arith.constant 16 : i32
      %mul3A_728 = arith.muli %scan3A_639, %mul3A_727 : i32
      %get3A_729 = arith.constant 2 : i32
      %get3A_730 = arith.constant 7 : i32
      %get3A_731 = arith.index_cast %get3A_729 : i32 to index
      %get3A_732 = arith.index_cast %get3A_730 : i32 to index
      %get3A_733 = arith.index_cast %mul3A_728 : i32 to index
      %get3A_734 = tpu.vector_load %arg9[%get3A_731, %get3A_732, %get3A_733] {strides = array<i32>} : memref<3x16x2048xf32, #tpu.memory_space<vmem>>, vector<16xf32>,
      %broadcast_in_dim3A_735 = arith.constant 7 : i32
      %broadcast_in_dim3A_736 = vector.broadcast %broadcast_in_dim3A_735 : i32 to vector<16xi32>
      tpu.vector_store_idx %arg10[%broadcast_in_dim3A_736, %gather3A_645], %get3A_734 {add = true} : memref<16x272xf32, #tpu.memory_space<vmem>>[vector<16xi32>, vector<16xi32>], vector<16xf32>,
      %mul3A_737 = arith.constant 16 : i32
      %mul3A_738 = arith.muli %scan3A_639, %mul3A_737 : i32
      %get3A_739 = arith.constant 2 : i32
      %get3A_740 = arith.constant 8 : i32
      %get3A_741 = arith.index_cast %get3A_739 : i32 to index
      %get3A_742 = arith.index_cast %get3A_740 : i32 to index
      %get3A_743 = arith.index_cast %mul3A_738 : i32 to index
      %get3A_744 = tpu.vector_load %arg9[%get3A_741, %get3A_742, %get3A_743] {strides = array<i32>} : memref<3x16x2048xf32, #tpu.memory_space<vmem>>, vector<16xf32>,
      %broadcast_in_dim3A_745 = arith.constant 8 : i32
      %broadcast_in_dim3A_746 = vector.broadcast %broadcast_in_dim3A_745 : i32 to vector<16xi32>
      tpu.vector_store_idx %arg10[%broadcast_in_dim3A_746, %gather3A_645], %get3A_744 {add = true} : memref<16x272xf32, #tpu.memory_space<vmem>>[vector<16xi32>, vector<16xi32>], vector<16xf32>,
      %mul3A_747 = arith.constant 16 : i32
      %mul3A_748 = arith.muli %scan3A_639, %mul3A_747 : i32
      %get3A_749 = arith.constant 2 : i32
      %get3A_750 = arith.constant 9 : i32
      %get3A_751 = arith.index_cast %get3A_749 : i32 to index
      %get3A_752 = arith.index_cast %get3A_750 : i32 to index
      %get3A_753 = arith.index_cast %mul3A_748 : i32 to index
      %get3A_754 = tpu.vector_load %arg9[%get3A_751, %get3A_752, %get3A_753] {strides = array<i32>} : memref<3x16x2048xf32, #tpu.memory_space<vmem>>, vector<16xf32>,
      %broadcast_in_dim3A_755 = arith.constant 9 : i32
      %broadcast_in_dim3A_756 = vector.broadcast %broadcast_in_dim3A_755 : i32 to vector<16xi32>
      tpu.vector_store_idx %arg10[%broadcast_in_dim3A_756, %gather3A_645], %get3A_754 {add = true} : memref<16x272xf32, #tpu.memory_space<vmem>>[vector<16xi32>, vector<16xi32>], vector<16xf32>,
      %mul3A_757 = arith.constant 16 : i32
      %mul3A_758 = arith.muli %scan3A_639, %mul3A_757 : i32
      %get3A_759 = arith.constant 2 : i32
      %get3A_760 = arith.constant 10 : i32
      %get3A_761 = arith.index_cast %get3A_759 : i32 to index
      %get3A_762 = arith.index_cast %get3A_760 : i32 to index
      %get3A_763 = arith.index_cast %mul3A_758 : i32 to index
      %get3A_764 = tpu.vector_load %arg9[%get3A_761, %get3A_762, %get3A_763] {strides = array<i32>} : memref<3x16x2048xf32, #tpu.memory_space<vmem>>, vector<16xf32>,
      %broadcast_in_dim3A_765 = arith.constant 10 : i32
      %broadcast_in_dim3A_766 = vector.broadcast %broadcast_in_dim3A_765 : i32 to vector<16xi32>
      tpu.vector_store_idx %arg10[%broadcast_in_dim3A_766, %gather3A_645], %get3A_764 {add = true} : memref<16x272xf32, #tpu.memory_space<vmem>>[vector<16xi32>, vector<16xi32>], vector<16xf32>,
      %mul3A_767 = arith.constant 16 : i32
      %mul3A_768 = arith.muli %scan3A_639, %mul3A_767 : i32
      %get3A_769 = arith.constant 2 : i32
      %get3A_770 = arith.constant 11 : i32
      %get3A_771 = arith.index_cast %get3A_769 : i32 to index
      %get3A_772 = arith.index_cast %get3A_770 : i32 to index
      %get3A_773 = arith.index_cast %mul3A_768 : i32 to index
      %get3A_774 = tpu.vector_load %arg9[%get3A_771, %get3A_772, %get3A_773] {strides = array<i32>} : memref<3x16x2048xf32, #tpu.memory_space<vmem>>, vector<16xf32>,
      %broadcast_in_dim3A_775 = arith.constant 11 : i32
      %broadcast_in_dim3A_776 = vector.broadcast %broadcast_in_dim3A_775 : i32 to vector<16xi32>
      tpu.vector_store_idx %arg10[%broadcast_in_dim3A_776, %gather3A_645], %get3A_774 {add = true} : memref<16x272xf32, #tpu.memory_space<vmem>>[vector<16xi32>, vector<16xi32>], vector<16xf32>,
      %mul3A_777 = arith.constant 16 : i32
      %mul3A_778 = arith.muli %scan3A_639, %mul3A_777 : i32
      %get3A_779 = arith.constant 2 : i32
      %get3A_780 = arith.constant 12 : i32
      %get3A_781 = arith.index_cast %get3A_779 : i32 to index
      %get3A_782 = arith.index_cast %get3A_780 : i32 to index
      %get3A_783 = arith.index_cast %mul3A_778 : i32 to index
      %get3A_784 = tpu.vector_load %arg9[%get3A_781, %get3A_782, %get3A_783] {strides = array<i32>} : memref<3x16x2048xf32, #tpu.memory_space<vmem>>, vector<16xf32>,
      %broadcast_in_dim3A_785 = arith.constant 12 : i32
      %broadcast_in_dim3A_786 = vector.broadcast %broadcast_in_dim3A_785 : i32 to vector<16xi32>
      tpu.vector_store_idx %arg10[%broadcast_in_dim3A_786, %gather3A_645], %get3A_784 {add = true} : memref<16x272xf32, #tpu.memory_space<vmem>>[vector<16xi32>, vector<16xi32>], vector<16xf32>,
      %mul3A_787 = arith.constant 16 : i32
      %mul3A_788 = arith.muli %scan3A_639, %mul3A_787 : i32
      %get3A_789 = arith.constant 2 : i32
      %get3A_790 = arith.constant 13 : i32
      %get3A_791 = arith.index_cast %get3A_789 : i32 to index
      %get3A_792 = arith.index_cast %get3A_790 : i32 to index
      %get3A_793 = arith.index_cast %mul3A_788 : i32 to index
      %get3A_794 = tpu.vector_load %arg9[%get3A_791, %get3A_792, %get3A_793] {strides = array<i32>} : memref<3x16x2048xf32, #tpu.memory_space<vmem>>, vector<16xf32>,
      %broadcast_in_dim3A_795 = arith.constant 13 : i32
      %broadcast_in_dim3A_796 = vector.broadcast %broadcast_in_dim3A_795 : i32 to vector<16xi32>
      tpu.vector_store_idx %arg10[%broadcast_in_dim3A_796, %gather3A_645], %get3A_794 {add = true} : memref<16x272xf32, #tpu.memory_space<vmem>>[vector<16xi32>, vector<16xi32>], vector<16xf32>,
      %mul3A_797 = arith.constant 16 : i32
      %mul3A_798 = arith.muli %scan3A_639, %mul3A_797 : i32
      %get3A_799 = arith.constant 2 : i32
      %get3A_800 = arith.constant 14 : i32
      %get3A_801 = arith.index_cast %get3A_799 : i32 to index
      %get3A_802 = arith.index_cast %get3A_800 : i32 to index
      %get3A_803 = arith.index_cast %mul3A_798 : i32 to index
      %get3A_804 = tpu.vector_load %arg9[%get3A_801, %get3A_802, %get3A_803] {strides = array<i32>} : memref<3x16x2048xf32, #tpu.memory_space<vmem>>, vector<16xf32>,
      %broadcast_in_dim3A_805 = arith.constant 14 : i32
      %broadcast_in_dim3A_806 = vector.broadcast %broadcast_in_dim3A_805 : i32 to vector<16xi32>
      tpu.vector_store_idx %arg10[%broadcast_in_dim3A_806, %gather3A_645], %get3A_804 {add = true} : memref<16x272xf32, #tpu.memory_space<vmem>>[vector<16xi32>, vector<16xi32>], vector<16xf32>,
      %mul3A_807 = arith.constant 16 : i32
      %mul3A_808 = arith.muli %scan3A_639, %mul3A_807 : i32
      %get3A_809 = arith.constant 2 : i32
      %get3A_810 = arith.constant 15 : i32
      %get3A_811 = arith.index_cast %get3A_809 : i32 to index
      %get3A_812 = arith.index_cast %get3A_810 : i32 to index
      %get3A_813 = arith.index_cast %mul3A_808 : i32 to index
      %get3A_814 = tpu.vector_load %arg9[%get3A_811, %get3A_812, %get3A_813] {strides = array<i32>} : memref<3x16x2048xf32, #tpu.memory_space<vmem>>, vector<16xf32>,
      %broadcast_in_dim3A_815 = arith.constant 15 : i32
      %broadcast_in_dim3A_816 = vector.broadcast %broadcast_in_dim3A_815 : i32 to vector<16xi32>
      tpu.vector_store_idx %arg10[%broadcast_in_dim3A_816, %gather3A_645], %get3A_814 {add = true} : memref<16x272xf32, #tpu.memory_space<vmem>>[vector<16xi32>, vector<16xi32>], vector<16xf32>,
    }
    %scan3A_333 = arith.constant 128 : i32
    %mul3A_334 = arith.constant 10000 : i32
    %mul3A_335 = arith.muli %add3A, %mul3A_334 : i32
    %add3A_336 = arith.constant 8192 : i32
    %add3A_337 = arith.addi %mul3A_335, %add3A_336 : i32
    %jit3A_338 = arith.constant 16 : i32
    %div3A_339 = arith.divsi %add3A_337, %jit3A_338 : i32
    %sign3A_340 = arith.constant 0 : i32
    %sign3A_341 = arith.cmpi sgt, %add3A_337, %sign3A_340 : i32
    %sign3A_342 = arith.extui %sign3A_341 : i1 to i32
    %sign3A_343 = arith.constant 0 : i32
    %sign3A_344 = arith.cmpi slt, %add3A_337, %sign3A_343 : i32
    %sign3A_345 = arith.extui %sign3A_344 : i1 to i32
    %sign3A_346 = arith.subi %sign3A_342, %sign3A_345 : i32
    %sign3A_347 = arith.constant 0 : i32
    %sign3A_348 = arith.cmpi sgt, %jit3A_338, %sign3A_347 : i32
    %sign3A_349 = arith.extui %sign3A_348 : i1 to i32
    %sign3A_350 = arith.constant 0 : i32
    %sign3A_351 = arith.cmpi slt, %jit3A_338, %sign3A_350 : i32
    %sign3A_352 = arith.extui %sign3A_351 : i1 to i32
    %sign3A_353 = arith.subi %sign3A_349, %sign3A_352 : i32
    %ne3A_354 = arith.cmpi ne, %sign3A_346, %sign3A_353 : i32
    %rem3A_355 = arith.remsi %add3A_337, %jit3A_338 : i32
    %ne3A_356 = arith.constant 0 : i32
    %ne3A_357 = arith.cmpi ne, %rem3A_355, %ne3A_356 : i32
    %and3A_358 = arith.andi %ne3A_354, %ne3A_357 : i1
    %sub3A_359 = arith.constant 1 : i32
    %sub3A_360 = arith.subi %div3A_339, %sub3A_359 : i32
    %select_n3A_361 = arith.select %and3A_358, %sub3A_360, %div3A_339 : i32
    %dma_start3A_362 = arith.constant 1 : i32
    %dma_start3A_363 = arith.constant 0 : i32
    %dma_start3A_364 = arith.constant 0 : i32
    %dma_start3A_365 = tpu.memref_slice %arg8[%dma_start3A_362, %dma_start3A_363, %dma_start3A_364] : memref<3x128x16xi32, #tpu.memory_space<vmem>> -> memref<1x113x16xi32, #tpu.memory_space<vmem>>
    %dma_start3A_366 = tpu.memref_squeeze %dma_start3A_365 : memref<1x113x16xi32, #tpu.memory_space<vmem>> -> memref<113x16xi32, #tpu.memory_space<vmem>>
    %dma_start3A_367 = arith.constant 0 : i32
    %dma_start3A_368 = tpu.memref_slice %arg2[%select_n3A_361, %dma_start3A_367] : memref<20000x16xi32, #tpu.memory_space<hbm>> -> memref<113x16xi32, #tpu.memory_space<hbm>>
    %dma_start3A_369 = arith.constant 0 : i32
    %dma_start3A_370 = arith.constant 0 : i32
    %dma_start3A_371 = tpu.memref_slice %arg8[%dma_start3A_362, %dma_start3A_369, %dma_start3A_370] : memref<3x128x16xi32, #tpu.memory_space<vmem>> -> memref<1x113x16xi32, #tpu.memory_space<vmem>>
    %dma_start3A_372 = tpu.memref_squeeze %dma_start3A_371 : memref<1x113x16xi32, #tpu.memory_space<vmem>> -> memref<113x16xi32, #tpu.memory_space<vmem>>
    %dma_start3A_373 = arith.constant 0 : i32
    %dma_start3A_374 = tpu.memref_slice %arg2[%select_n3A_361, %dma_start3A_373] : memref<20000x16xi32, #tpu.memory_space<hbm>> -> memref<113x16xi32, #tpu.memory_space<hbm>>
    tpu.enqueue_dma source(%dma_start3A_374 : memref<113x16xi32, #tpu.memory_space<hbm>>) target(%dma_start3A_372 : memref<113x16xi32, #tpu.memory_space<vmem>>) target_semaphore(%arg17 : memref<!tpu.dma_semaphore, #tpu.memory_space<semaphore_mem>>)
    %dma_start3A_375 = arith.constant 1 : i32
    %dma_start3A_376 = arith.constant 0 : i32
    %dma_start3A_377 = arith.constant 0 : i32
    %dma_start3A_378 = tpu.memref_slice %arg9[%dma_start3A_375, %dma_start3A_376, %dma_start3A_377] : memref<3x16x2048xf32, #tpu.memory_space<vmem>> -> memref<1x16x1808xf32, #tpu.memory_space<vmem>>
    %dma_start3A_379 = tpu.memref_squeeze %dma_start3A_378 : memref<1x16x1808xf32, #tpu.memory_space<vmem>> -> memref<16x1808xf32, #tpu.memory_space<vmem>>
    %dma_start3A_380 = arith.constant 0 : i32
    %dma_start3A_381 = tpu.memref_slice %arg3[%dma_start3A_380, %add3A_337] : memref<16x320000xf32, #tpu.memory_space<hbm>> -> memref<16x1808xf32, #tpu.memory_space<hbm>>
    %dma_start3A_382 = arith.constant 0 : i32
    %dma_start3A_383 = arith.constant 0 : i32
    %dma_start3A_384 = tpu.memref_slice %arg9[%dma_start3A_375, %dma_start3A_382, %dma_start3A_383] : memref<3x16x2048xf32, #tpu.memory_space<vmem>> -> memref<1x16x1808xf32, #tpu.memory_space<vmem>>
    %dma_start3A_385 = tpu.memref_squeeze %dma_start3A_384 : memref<1x16x1808xf32, #tpu.memory_space<vmem>> -> memref<16x1808xf32, #tpu.memory_space<vmem>>
    %dma_start3A_386 = arith.constant 0 : i32
    %dma_start3A_387 = tpu.memref_slice %arg3[%dma_start3A_386, %add3A_337] : memref<16x320000xf32, #tpu.memory_space<hbm>> -> memref<16x1808xf32, #tpu.memory_space<hbm>>
    tpu.enqueue_dma source(%dma_start3A_387 : memref<16x1808xf32, #tpu.memory_space<hbm>>) target(%dma_start3A_385 : memref<16x1808xf32, #tpu.memory_space<vmem>>) target_semaphore(%arg17 : memref<!tpu.dma_semaphore, #tpu.memory_space<semaphore_mem>>)
    %dma_wait3A_388 = arith.constant 0 : i32
    %dma_wait3A_389 = arith.constant 0 : i32
    %dma_wait3A_390 = arith.constant 0 : i32
    %dma_wait3A_391 = tpu.memref_slice %arg8[%dma_wait3A_388, %dma_wait3A_389, %dma_wait3A_390] : memref<3x128x16xi32, #tpu.memory_space<vmem>> -> memref<1x128x16xi32, #tpu.memory_space<vmem>>
    %dma_wait3A_392 = tpu.memref_squeeze %dma_wait3A_391 : memref<1x128x16xi32, #tpu.memory_space<vmem>> -> memref<128x16xi32, #tpu.memory_space<vmem>>
    %dma_wait3A_393 = arith.constant 0 : i32
    %dma_wait3A_394 = tpu.memref_slice %arg2[%select_n3A_275, %dma_wait3A_393] : memref<20000x16xi32, #tpu.memory_space<hbm>> -> memref<128x16xi32, #tpu.memory_space<hbm>>
    %dma_wait3A_395 = arith.constant 0 : i32
    %dma_wait3A_396 = arith.constant 0 : i32
    %dma_wait3A_397 = tpu.memref_slice %arg8[%dma_wait3A_388, %dma_wait3A_395, %dma_wait3A_396] : memref<3x128x16xi32, #tpu.memory_space<vmem>> -> memref<1x128x16xi32, #tpu.memory_space<vmem>>
    %dma_wait3A_398 = tpu.memref_squeeze %dma_wait3A_397 : memref<1x128x16xi32, #tpu.memory_space<vmem>> -> memref<128x16xi32, #tpu.memory_space<vmem>>
    %dma_wait3A_399 = arith.constant 0 : i32
    %dma_wait3A_400 = tpu.memref_slice %arg2[%select_n3A_275, %dma_wait3A_399] : memref<20000x16xi32, #tpu.memory_space<hbm>> -> memref<128x16xi32, #tpu.memory_space<hbm>>
    tpu.wait_dma2 semaphore(%arg16 : memref<!tpu.dma_semaphore, #tpu.memory_space<semaphore_mem>>) src(%dma_wait3A_400 : memref<128x16xi32, #tpu.memory_space<hbm>>) dst(%dma_wait3A_398 : memref<128x16xi32, #tpu.memory_space<vmem>>)
    %dma_wait3A_401 = arith.constant 0 : i32
    %dma_wait3A_402 = arith.constant 0 : i32
    %dma_wait3A_403 = arith.constant 0 : i32
    %dma_wait3A_404 = tpu.memref_slice %arg9[%dma_wait3A_401, %dma_wait3A_402, %dma_wait3A_403] : memref<3x16x2048xf32, #tpu.memory_space<vmem>> -> memref<1x16x2048xf32, #tpu.memory_space<vmem>>
    %dma_wait3A_405 = tpu.memref_squeeze %dma_wait3A_404 : memref<1x16x2048xf32, #tpu.memory_space<vmem>> -> memref<16x2048xf32, #tpu.memory_space<vmem>>
    %dma_wait3A_406 = arith.constant 0 : i32
    %dma_wait3A_407 = tpu.memref_slice %arg3[%dma_wait3A_406, %add3A_251] : memref<16x320000xf32, #tpu.memory_space<hbm>> -> memref<16x2048xf32, #tpu.memory_space<hbm>>
    %dma_wait3A_408 = arith.constant 0 : i32
    %dma_wait3A_409 = arith.constant 0 : i32
    %dma_wait3A_410 = tpu.memref_slice %arg9[%dma_wait3A_401, %dma_wait3A_408, %dma_wait3A_409] : memref<3x16x2048xf32, #tpu.memory_space<vmem>> -> memref<1x16x2048xf32, #tpu.memory_space<vmem>>
    %dma_wait3A_411 = tpu.memref_squeeze %dma_wait3A_410 : memref<1x16x2048xf32, #tpu.memory_space<vmem>> -> memref<16x2048xf32, #tpu.memory_space<vmem>>
    %dma_wait3A_412 = arith.constant 0 : i32
    %dma_wait3A_413 = tpu.memref_slice %arg3[%dma_wait3A_412, %add3A_251] : memref<16x320000xf32, #tpu.memory_space<hbm>> -> memref<16x2048xf32, #tpu.memory_space<hbm>>
    tpu.wait_dma2 semaphore(%arg16 : memref<!tpu.dma_semaphore, #tpu.memory_space<semaphore_mem>>) src(%dma_wait3A_413 : memref<16x2048xf32, #tpu.memory_space<hbm>>) dst(%dma_wait3A_411 : memref<16x2048xf32, #tpu.memory_space<vmem>>)
    %scan3A_414 = arith.constant 0 : i32
    %scan3A_415 = arith.constant 0 : i32
    %scan3A_416 = arith.constant 128 : i32
    %scan3A_417 = arith.addi %scan3A_415, %scan3A_416 : i32
    %scan3A_418 = arith.constant 2 : i32
    scf.for %scan3A_465 = %scan3A_415 to %scan3A_417 step %scan3A_418  : i32 {
      %get3A = arith.constant 0 : i32
      %get3A_466 = arith.index_cast %get3A : i32 to index
      %get3A_467 = arith.index_cast %scan3A_465 : i32 to index
      %get3A_468 = arith.constant 0 : index
      %get3A_469 = tpu.vector_load %arg8[%get3A_466, %get3A_467, %get3A_468] {strides = array<i32>} : memref<3x128x16xi32, #tpu.memory_space<vmem>>, vector<16xi32>,
      %gather3A = tpu.vector_load_idx %arg7[%get3A_469] : memref<10000xi32, #tpu.memory_space<vmem>>[vector<16xi32>], vector<16xi32>,
      %broadcast_in_dim3A = arith.constant true
      %broadcast_in_dim3A_470 = vector.broadcast %broadcast_in_dim3A : i1 to vector<16xi1>
      %unique3A, %unique3A_471 = tpu.scan_count mask(%broadcast_in_dim3A_470 : vector<16xi1>) value(%gather3A : vector<16xi32>) : vector<16xi1>, vector<16xi32>
      %shift_right_logical3A = arith.constant 4 : i32
      %shift_right_logical3A_472 = vector.broadcast %shift_right_logical3A : i32 to vector<16xi32>
      %shift_right_logical3A_473 = arith.shrui %gather3A, %shift_right_logical3A_472 : vector<16xi32>
      %and3A_474 = arith.constant 15 : i32
      %and3A_475 = vector.broadcast %and3A_474 : i32 to vector<16xi32>
      %and3A_476 = arith.andi %gather3A, %and3A_475 : vector<16xi32>
      %convert_element_type3A_477 = arith.sitofp %unique3A_471 : vector<16xi32> to vector<16xf32>
      tpu.vector_store_idx %arg12[%shift_right_logical3A_473, %and3A_476], %convert_element_type3A_477 masked %unique3A {add = true} : memref<32x16xf32, #tpu.memory_space<vmem>>[vector<16xi32>, vector<16xi32>], vector<16xf32>, vector<16xi1>
      %mul3A_478 = arith.constant 16 : i32
      %mul3A_479 = arith.muli %scan3A_465, %mul3A_478 : i32
      %get3A_480 = arith.constant 0 : i32
      %get3A_481 = arith.constant 0 : i32
      %get3A_482 = arith.index_cast %get3A_480 : i32 to index
      %get3A_483 = arith.index_cast %get3A_481 : i32 to index
      %get3A_484 = arith.index_cast %mul3A_479 : i32 to index
      %get3A_485 = tpu.vector_load %arg9[%get3A_482, %get3A_483, %get3A_484] {strides = array<i32>} : memref<3x16x2048xf32, #tpu.memory_space<vmem>>, vector<16xf32>,
      %broadcast_in_dim3A_486 = arith.constant 0 : i32
      %broadcast_in_dim3A_487 = vector.broadcast %broadcast_in_dim3A_486 : i32 to vector<16xi32>
      tpu.vector_store_idx %arg10[%broadcast_in_dim3A_487, %gather3A], %get3A_485 {add = true} : memref<16x272xf32, #tpu.memory_space<vmem>>[vector<16xi32>, vector<16xi32>], vector<16xf32>,
      %mul3A_488 = arith.constant 16 : i32
      %mul3A_489 = arith.muli %scan3A_465, %mul3A_488 : i32
      %get3A_490 = arith.constant 0 : i32
      %get3A_491 = arith.constant 1 : i32
      %get3A_492 = arith.index_cast %get3A_490 : i32 to index
      %get3A_493 = arith.index_cast %get3A_491 : i32 to index
      %get3A_494 = arith.index_cast %mul3A_489 : i32 to index
      %get3A_495 = tpu.vector_load %arg9[%get3A_492, %get3A_493, %get3A_494] {strides = array<i32>} : memref<3x16x2048xf32, #tpu.memory_space<vmem>>, vector<16xf32>,
      %broadcast_in_dim3A_496 = arith.constant 1 : i32
      %broadcast_in_dim3A_497 = vector.broadcast %broadcast_in_dim3A_496 : i32 to vector<16xi32>
      tpu.vector_store_idx %arg10[%broadcast_in_dim3A_497, %gather3A], %get3A_495 {add = true} : memref<16x272xf32, #tpu.memory_space<vmem>>[vector<16xi32>, vector<16xi32>], vector<16xf32>,
      %mul3A_498 = arith.constant 16 : i32
      %mul3A_499 = arith.muli %scan3A_465, %mul3A_498 : i32
      %get3A_500 = arith.constant 0 : i32
      %get3A_501 = arith.constant 2 : i32
      %get3A_502 = arith.index_cast %get3A_500 : i32 to index
      %get3A_503 = arith.index_cast %get3A_501 : i32 to index
      %get3A_504 = arith.index_cast %mul3A_499 : i32 to index
      %get3A_505 = tpu.vector_load %arg9[%get3A_502, %get3A_503, %get3A_504] {strides = array<i32>} : memref<3x16x2048xf32, #tpu.memory_space<vmem>>, vector<16xf32>,
      %broadcast_in_dim3A_506 = arith.constant 2 : i32
      %broadcast_in_dim3A_507 = vector.broadcast %broadcast_in_dim3A_506 : i32 to vector<16xi32>
      tpu.vector_store_idx %arg10[%broadcast_in_dim3A_507, %gather3A], %get3A_505 {add = true} : memref<16x272xf32, #tpu.memory_space<vmem>>[vector<16xi32>, vector<16xi32>], vector<16xf32>,
      %mul3A_508 = arith.constant 16 : i32
      %mul3A_509 = arith.muli %scan3A_465, %mul3A_508 : i32
      %get3A_510 = arith.constant 0 : i32
      %get3A_511 = arith.constant 3 : i32
      %get3A_512 = arith.index_cast %get3A_510 : i32 to index
      %get3A_513 = arith.index_cast %get3A_511 : i32 to index
      %get3A_514 = arith.index_cast %mul3A_509 : i32 to index
      %get3A_515 = tpu.vector_load %arg9[%get3A_512, %get3A_513, %get3A_514] {strides = array<i32>} : memref<3x16x2048xf32, #tpu.memory_space<vmem>>, vector<16xf32>,
      %broadcast_in_dim3A_516 = arith.constant 3 : i32
      %broadcast_in_dim3A_517 = vector.broadcast %broadcast_in_dim3A_516 : i32 to vector<16xi32>
      tpu.vector_store_idx %arg10[%broadcast_in_dim3A_517, %gather3A], %get3A_515 {add = true} : memref<16x272xf32, #tpu.memory_space<vmem>>[vector<16xi32>, vector<16xi32>], vector<16xf32>,
      %mul3A_518 = arith.constant 16 : i32
      %mul3A_519 = arith.muli %scan3A_465, %mul3A_518 : i32
      %get3A_520 = arith.constant 0 : i32
      %get3A_521 = arith.constant 4 : i32
      %get3A_522 = arith.index_cast %get3A_520 : i32 to index
      %get3A_523 = arith.index_cast %get3A_521 : i32 to index
      %get3A_524 = arith.index_cast %mul3A_519 : i32 to index
      %get3A_525 = tpu.vector_load %arg9[%get3A_522, %get3A_523, %get3A_524] {strides = array<i32>} : memref<3x16x2048xf32, #tpu.memory_space<vmem>>, vector<16xf32>,
      %broadcast_in_dim3A_526 = arith.constant 4 : i32
      %broadcast_in_dim3A_527 = vector.broadcast %broadcast_in_dim3A_526 : i32 to vector<16xi32>
      tpu.vector_store_idx %arg10[%broadcast_in_dim3A_527, %gather3A], %get3A_525 {add = true} : memref<16x272xf32, #tpu.memory_space<vmem>>[vector<16xi32>, vector<16xi32>], vector<16xf32>,
      %mul3A_528 = arith.constant 16 : i32
      %mul3A_529 = arith.muli %scan3A_465, %mul3A_528 : i32
      %get3A_530 = arith.constant 0 : i32
      %get3A_531 = arith.constant 5 : i32
      %get3A_532 = arith.index_cast %get3A_530 : i32 to index
      %get3A_533 = arith.index_cast %get3A_531 : i32 to index
      %get3A_534 = arith.index_cast %mul3A_529 : i32 to index
      %get3A_535 = tpu.vector_load %arg9[%get3A_532, %get3A_533, %get3A_534] {strides = array<i32>} : memref<3x16x2048xf32, #tpu.memory_space<vmem>>, vector<16xf32>,
      %broadcast_in_dim3A_536 = arith.constant 5 : i32
      %broadcast_in_dim3A_537 = vector.broadcast %broadcast_in_dim3A_536 : i32 to vector<16xi32>
      tpu.vector_store_idx %arg10[%broadcast_in_dim3A_537, %gather3A], %get3A_535 {add = true} : memref<16x272xf32, #tpu.memory_space<vmem>>[vector<16xi32>, vector<16xi32>], vector<16xf32>,
      %mul3A_538 = arith.constant 16 : i32
      %mul3A_539 = arith.muli %scan3A_465, %mul3A_538 : i32
      %get3A_540 = arith.constant 0 : i32
      %get3A_541 = arith.constant 6 : i32
      %get3A_542 = arith.index_cast %get3A_540 : i32 to index
      %get3A_543 = arith.index_cast %get3A_541 : i32 to index
      %get3A_544 = arith.index_cast %mul3A_539 : i32 to index
      %get3A_545 = tpu.vector_load %arg9[%get3A_542, %get3A_543, %get3A_544] {strides = array<i32>} : memref<3x16x2048xf32, #tpu.memory_space<vmem>>, vector<16xf32>,
      %broadcast_in_dim3A_546 = arith.constant 6 : i32
      %broadcast_in_dim3A_547 = vector.broadcast %broadcast_in_dim3A_546 : i32 to vector<16xi32>
      tpu.vector_store_idx %arg10[%broadcast_in_dim3A_547, %gather3A], %get3A_545 {add = true} : memref<16x272xf32, #tpu.memory_space<vmem>>[vector<16xi32>, vector<16xi32>], vector<16xf32>,
      %mul3A_548 = arith.constant 16 : i32
      %mul3A_549 = arith.muli %scan3A_465, %mul3A_548 : i32
      %get3A_550 = arith.constant 0 : i32
      %get3A_551 = arith.constant 7 : i32
      %get3A_552 = arith.index_cast %get3A_550 : i32 to index
      %get3A_553 = arith.index_cast %get3A_551 : i32 to index
      %get3A_554 = arith.index_cast %mul3A_549 : i32 to index
      %get3A_555 = tpu.vector_load %arg9[%get3A_552, %get3A_553, %get3A_554] {strides = array<i32>} : memref<3x16x2048xf32, #tpu.memory_space<vmem>>, vector<16xf32>,
      %broadcast_in_dim3A_556 = arith.constant 7 : i32
      %broadcast_in_dim3A_557 = vector.broadcast %broadcast_in_dim3A_556 : i32 to vector<16xi32>
      tpu.vector_store_idx %arg10[%broadcast_in_dim3A_557, %gather3A], %get3A_555 {add = true} : memref<16x272xf32, #tpu.memory_space<vmem>>[vector<16xi32>, vector<16xi32>], vector<16xf32>,
      %mul3A_558 = arith.constant 16 : i32
      %mul3A_559 = arith.muli %scan3A_465, %mul3A_558 : i32
      %get3A_560 = arith.constant 0 : i32
      %get3A_561 = arith.constant 8 : i32
      %get3A_562 = arith.index_cast %get3A_560 : i32 to index
      %get3A_563 = arith.index_cast %get3A_561 : i32 to index
      %get3A_564 = arith.index_cast %mul3A_559 : i32 to index
      %get3A_565 = tpu.vector_load %arg9[%get3A_562, %get3A_563, %get3A_564] {strides = array<i32>} : memref<3x16x2048xf32, #tpu.memory_space<vmem>>, vector<16xf32>,
      %broadcast_in_dim3A_566 = arith.constant 8 : i32
      %broadcast_in_dim3A_567 = vector.broadcast %broadcast_in_dim3A_566 : i32 to vector<16xi32>
      tpu.vector_store_idx %arg10[%broadcast_in_dim3A_567, %gather3A], %get3A_565 {add = true} : memref<16x272xf32, #tpu.memory_space<vmem>>[vector<16xi32>, vector<16xi32>], vector<16xf32>,
      %mul3A_568 = arith.constant 16 : i32
      %mul3A_569 = arith.muli %scan3A_465, %mul3A_568 : i32
      %get3A_570 = arith.constant 0 : i32
      %get3A_571 = arith.constant 9 : i32
      %get3A_572 = arith.index_cast %get3A_570 : i32 to index
      %get3A_573 = arith.index_cast %get3A_571 : i32 to index
      %get3A_574 = arith.index_cast %mul3A_569 : i32 to index
      %get3A_575 = tpu.vector_load %arg9[%get3A_572, %get3A_573, %get3A_574] {strides = array<i32>} : memref<3x16x2048xf32, #tpu.memory_space<vmem>>, vector<16xf32>,
      %broadcast_in_dim3A_576 = arith.constant 9 : i32
      %broadcast_in_dim3A_577 = vector.broadcast %broadcast_in_dim3A_576 : i32 to vector<16xi32>
      tpu.vector_store_idx %arg10[%broadcast_in_dim3A_577, %gather3A], %get3A_575 {add = true} : memref<16x272xf32, #tpu.memory_space<vmem>>[vector<16xi32>, vector<16xi32>], vector<16xf32>,
      %mul3A_578 = arith.constant 16 : i32
      %mul3A_579 = arith.muli %scan3A_465, %mul3A_578 : i32
      %get3A_580 = arith.constant 0 : i32
      %get3A_581 = arith.constant 10 : i32
      %get3A_582 = arith.index_cast %get3A_580 : i32 to index
      %get3A_583 = arith.index_cast %get3A_581 : i32 to index
      %get3A_584 = arith.index_cast %mul3A_579 : i32 to index
      %get3A_585 = tpu.vector_load %arg9[%get3A_582, %get3A_583, %get3A_584] {strides = array<i32>} : memref<3x16x2048xf32, #tpu.memory_space<vmem>>, vector<16xf32>,
      %broadcast_in_dim3A_586 = arith.constant 10 : i32
      %broadcast_in_dim3A_587 = vector.broadcast %broadcast_in_dim3A_586 : i32 to vector<16xi32>
      tpu.vector_store_idx %arg10[%broadcast_in_dim3A_587, %gather3A], %get3A_585 {add = true} : memref<16x272xf32, #tpu.memory_space<vmem>>[vector<16xi32>, vector<16xi32>], vector<16xf32>,
      %mul3A_588 = arith.constant 16 : i32
      %mul3A_589 = arith.muli %scan3A_465, %mul3A_588 : i32
      %get3A_590 = arith.constant 0 : i32
      %get3A_591 = arith.constant 11 : i32
      %get3A_592 = arith.index_cast %get3A_590 : i32 to index
      %get3A_593 = arith.index_cast %get3A_591 : i32 to index
      %get3A_594 = arith.index_cast %mul3A_589 : i32 to index
      %get3A_595 = tpu.vector_load %arg9[%get3A_592, %get3A_593, %get3A_594] {strides = array<i32>} : memref<3x16x2048xf32, #tpu.memory_space<vmem>>, vector<16xf32>,
      %broadcast_in_dim3A_596 = arith.constant 11 : i32
      %broadcast_in_dim3A_597 = vector.broadcast %broadcast_in_dim3A_596 : i32 to vector<16xi32>
      tpu.vector_store_idx %arg10[%broadcast_in_dim3A_597, %gather3A], %get3A_595 {add = true} : memref<16x272xf32, #tpu.memory_space<vmem>>[vector<16xi32>, vector<16xi32>], vector<16xf32>,
      %mul3A_598 = arith.constant 16 : i32
      %mul3A_599 = arith.muli %scan3A_465, %mul3A_598 : i32
      %get3A_600 = arith.constant 0 : i32
      %get3A_601 = arith.constant 12 : i32
      %get3A_602 = arith.index_cast %get3A_600 : i32 to index
      %get3A_603 = arith.index_cast %get3A_601 : i32 to index
      %get3A_604 = arith.index_cast %mul3A_599 : i32 to index
      %get3A_605 = tpu.vector_load %arg9[%get3A_602, %get3A_603, %get3A_604] {strides = array<i32>} : memref<3x16x2048xf32, #tpu.memory_space<vmem>>, vector<16xf32>,
      %broadcast_in_dim3A_606 = arith.constant 12 : i32
      %broadcast_in_dim3A_607 = vector.broadcast %broadcast_in_dim3A_606 : i32 to vector<16xi32>
      tpu.vector_store_idx %arg10[%broadcast_in_dim3A_607, %gather3A], %get3A_605 {add = true} : memref<16x272xf32, #tpu.memory_space<vmem>>[vector<16xi32>, vector<16xi32>], vector<16xf32>,
      %mul3A_608 = arith.constant 16 : i32
      %mul3A_609 = arith.muli %scan3A_465, %mul3A_608 : i32
      %get3A_610 = arith.constant 0 : i32
      %get3A_611 = arith.constant 13 : i32
      %get3A_612 = arith.index_cast %get3A_610 : i32 to index
      %get3A_613 = arith.index_cast %get3A_611 : i32 to index
      %get3A_614 = arith.index_cast %mul3A_609 : i32 to index
      %get3A_615 = tpu.vector_load %arg9[%get3A_612, %get3A_613, %get3A_614] {strides = array<i32>} : memref<3x16x2048xf32, #tpu.memory_space<vmem>>, vector<16xf32>,
      %broadcast_in_dim3A_616 = arith.constant 13 : i32
      %broadcast_in_dim3A_617 = vector.broadcast %broadcast_in_dim3A_616 : i32 to vector<16xi32>
      tpu.vector_store_idx %arg10[%broadcast_in_dim3A_617, %gather3A], %get3A_615 {add = true} : memref<16x272xf32, #tpu.memory_space<vmem>>[vector<16xi32>, vector<16xi32>], vector<16xf32>,
      %mul3A_618 = arith.constant 16 : i32
      %mul3A_619 = arith.muli %scan3A_465, %mul3A_618 : i32
      %get3A_620 = arith.constant 0 : i32
      %get3A_621 = arith.constant 14 : i32
      %get3A_622 = arith.index_cast %get3A_620 : i32 to index
      %get3A_623 = arith.index_cast %get3A_621 : i32 to index
      %get3A_624 = arith.index_cast %mul3A_619 : i32 to index
      %get3A_625 = tpu.vector_load %arg9[%get3A_622, %get3A_623, %get3A_624] {strides = array<i32>} : memref<3x16x2048xf32, #tpu.memory_space<vmem>>, vector<16xf32>,
      %broadcast_in_dim3A_626 = arith.constant 14 : i32
      %broadcast_in_dim3A_627 = vector.broadcast %broadcast_in_dim3A_626 : i32 to vector<16xi32>
      tpu.vector_store_idx %arg10[%broadcast_in_dim3A_627, %gather3A], %get3A_625 {add = true} : memref<16x272xf32, #tpu.memory_space<vmem>>[vector<16xi32>, vector<16xi32>], vector<16xf32>,
      %mul3A_628 = arith.constant 16 : i32
      %mul3A_629 = arith.muli %scan3A_465, %mul3A_628 : i32
      %get3A_630 = arith.constant 0 : i32
      %get3A_631 = arith.constant 15 : i32
      %get3A_632 = arith.index_cast %get3A_630 : i32 to index
      %get3A_633 = arith.index_cast %get3A_631 : i32 to index
      %get3A_634 = arith.index_cast %mul3A_629 : i32 to index
      %get3A_635 = tpu.vector_load %arg9[%get3A_632, %get3A_633, %get3A_634] {strides = array<i32>} : memref<3x16x2048xf32, #tpu.memory_space<vmem>>, vector<16xf32>,
      %broadcast_in_dim3A_636 = arith.constant 15 : i32
      %broadcast_in_dim3A_637 = vector.broadcast %broadcast_in_dim3A_636 : i32 to vector<16xi32>
      tpu.vector_store_idx %arg10[%broadcast_in_dim3A_637, %gather3A], %get3A_635 {add = true} : memref<16x272xf32, #tpu.memory_space<vmem>>[vector<16xi32>, vector<16xi32>], vector<16xf32>,
      %scan3A_638 = arith.constant 1 : i32
      %scan3A_639 = arith.addi %scan3A_465, %scan3A_638 : i32
      %get3A_640 = arith.constant 0 : i32
      %get3A_641 = arith.index_cast %get3A_640 : i32 to index
      %get3A_642 = arith.index_cast %scan3A_639 : i32 to index
      %get3A_643 = arith.constant 0 : index
      %get3A_644 = tpu.vector_load %arg8[%get3A_641, %get3A_642, %get3A_643] {strides = array<i32>} : memref<3x128x16xi32, #tpu.memory_space<vmem>>, vector<16xi32>,
      %gather3A_645 = tpu.vector_load_idx %arg7[%get3A_644] : memref<10000xi32, #tpu.memory_space<vmem>>[vector<16xi32>], vector<16xi32>,
      %broadcast_in_dim3A_646 = arith.constant true
      %broadcast_in_dim3A_647 = vector.broadcast %broadcast_in_dim3A_646 : i1 to vector<16xi1>
      %unique3A_648, %unique3A_649 = tpu.scan_count mask(%broadcast_in_dim3A_647 : vector<16xi1>) value(%gather3A_645 : vector<16xi32>) : vector<16xi1>, vector<16xi32>
      %shift_right_logical3A_650 = arith.constant 4 : i32
      %shift_right_logical3A_651 = vector.broadcast %shift_right_logical3A_650 : i32 to vector<16xi32>
      %shift_right_logical3A_652 = arith.shrui %gather3A_645, %shift_right_logical3A_651 : vector<16xi32>
      %and3A_653 = arith.constant 15 : i32
      %and3A_654 = vector.broadcast %and3A_653 : i32 to vector<16xi32>
      %and3A_655 = arith.andi %gather3A_645, %and3A_654 : vector<16xi32>
      %convert_element_type3A_656 = arith.sitofp %unique3A_649 : vector<16xi32> to vector<16xf32>
      tpu.vector_store_idx %arg12[%shift_right_logical3A_652, %and3A_655], %convert_element_type3A_656 masked %unique3A_648 {add = true} : memref<32x16xf32, #tpu.memory_space<vmem>>[vector<16xi32>, vector<16xi32>], vector<16xf32>, vector<16xi1>
      %mul3A_657 = arith.constant 16 : i32
      %mul3A_658 = arith.muli %scan3A_639, %mul3A_657 : i32
      %get3A_659 = arith.constant 0 : i32
      %get3A_660 = arith.constant 0 : i32
      %get3A_661 = arith.index_cast %get3A_659 : i32 to index
      %get3A_662 = arith.index_cast %get3A_660 : i32 to index
      %get3A_663 = arith.index_cast %mul3A_658 : i32 to index
      %get3A_664 = tpu.vector_load %arg9[%get3A_661, %get3A_662, %get3A_663] {strides = array<i32>} : memref<3x16x2048xf32, #tpu.memory_space<vmem>>, vector<16xf32>,
      %broadcast_in_dim3A_665 = arith.constant 0 : i32
      %broadcast_in_dim3A_666 = vector.broadcast %broadcast_in_dim3A_665 : i32 to vector<16xi32>
      tpu.vector_store_idx %arg10[%broadcast_in_dim3A_666, %gather3A_645], %get3A_664 {add = true} : memref<16x272xf32, #tpu.memory_space<vmem>>[vector<16xi32>, vector<16xi32>], vector<16xf32>,
      %mul3A_667 = arith.constant 16 : i32
      %mul3A_668 = arith.muli %scan3A_639, %mul3A_667 : i32
      %get3A_669 = arith.constant 0 : i32
      %get3A_670 = arith.constant 1 : i32
      %get3A_671 = arith.index_cast %get3A_669 : i32 to index
      %get3A_672 = arith.index_cast %get3A_670 : i32 to index
      %get3A_673 = arith.index_cast %mul3A_668 : i32 to index
      %get3A_674 = tpu.vector_load %arg9[%get3A_671, %get3A_672, %get3A_673] {strides = array<i32>} : memref<3x16x2048xf32, #tpu.memory_space<vmem>>, vector<16xf32>,
      %broadcast_in_dim3A_675 = arith.constant 1 : i32
      %broadcast_in_dim3A_676 = vector.broadcast %broadcast_in_dim3A_675 : i32 to vector<16xi32>
      tpu.vector_store_idx %arg10[%broadcast_in_dim3A_676, %gather3A_645], %get3A_674 {add = true} : memref<16x272xf32, #tpu.memory_space<vmem>>[vector<16xi32>, vector<16xi32>], vector<16xf32>,
      %mul3A_677 = arith.constant 16 : i32
      %mul3A_678 = arith.muli %scan3A_639, %mul3A_677 : i32
      %get3A_679 = arith.constant 0 : i32
      %get3A_680 = arith.constant 2 : i32
      %get3A_681 = arith.index_cast %get3A_679 : i32 to index
      %get3A_682 = arith.index_cast %get3A_680 : i32 to index
      %get3A_683 = arith.index_cast %mul3A_678 : i32 to index
      %get3A_684 = tpu.vector_load %arg9[%get3A_681, %get3A_682, %get3A_683] {strides = array<i32>} : memref<3x16x2048xf32, #tpu.memory_space<vmem>>, vector<16xf32>,
      %broadcast_in_dim3A_685 = arith.constant 2 : i32
      %broadcast_in_dim3A_686 = vector.broadcast %broadcast_in_dim3A_685 : i32 to vector<16xi32>
      tpu.vector_store_idx %arg10[%broadcast_in_dim3A_686, %gather3A_645], %get3A_684 {add = true} : memref<16x272xf32, #tpu.memory_space<vmem>>[vector<16xi32>, vector<16xi32>], vector<16xf32>,
      %mul3A_687 = arith.constant 16 : i32
      %mul3A_688 = arith.muli %scan3A_639, %mul3A_687 : i32
      %get3A_689 = arith.constant 0 : i32
      %get3A_690 = arith.constant 3 : i32
      %get3A_691 = arith.index_cast %get3A_689 : i32 to index
      %get3A_692 = arith.index_cast %get3A_690 : i32 to index
      %get3A_693 = arith.index_cast %mul3A_688 : i32 to index
      %get3A_694 = tpu.vector_load %arg9[%get3A_691, %get3A_692, %get3A_693] {strides = array<i32>} : memref<3x16x2048xf32, #tpu.memory_space<vmem>>, vector<16xf32>,
      %broadcast_in_dim3A_695 = arith.constant 3 : i32
      %broadcast_in_dim3A_696 = vector.broadcast %broadcast_in_dim3A_695 : i32 to vector<16xi32>
      tpu.vector_store_idx %arg10[%broadcast_in_dim3A_696, %gather3A_645], %get3A_694 {add = true} : memref<16x272xf32, #tpu.memory_space<vmem>>[vector<16xi32>, vector<16xi32>], vector<16xf32>,
      %mul3A_697 = arith.constant 16 : i32
      %mul3A_698 = arith.muli %scan3A_639, %mul3A_697 : i32
      %get3A_699 = arith.constant 0 : i32
      %get3A_700 = arith.constant 4 : i32
      %get3A_701 = arith.index_cast %get3A_699 : i32 to index
      %get3A_702 = arith.index_cast %get3A_700 : i32 to index
      %get3A_703 = arith.index_cast %mul3A_698 : i32 to index
      %get3A_704 = tpu.vector_load %arg9[%get3A_701, %get3A_702, %get3A_703] {strides = array<i32>} : memref<3x16x2048xf32, #tpu.memory_space<vmem>>, vector<16xf32>,
      %broadcast_in_dim3A_705 = arith.constant 4 : i32
      %broadcast_in_dim3A_706 = vector.broadcast %broadcast_in_dim3A_705 : i32 to vector<16xi32>
      tpu.vector_store_idx %arg10[%broadcast_in_dim3A_706, %gather3A_645], %get3A_704 {add = true} : memref<16x272xf32, #tpu.memory_space<vmem>>[vector<16xi32>, vector<16xi32>], vector<16xf32>,
      %mul3A_707 = arith.constant 16 : i32
      %mul3A_708 = arith.muli %scan3A_639, %mul3A_707 : i32
      %get3A_709 = arith.constant 0 : i32
      %get3A_710 = arith.constant 5 : i32
      %get3A_711 = arith.index_cast %get3A_709 : i32 to index
      %get3A_712 = arith.index_cast %get3A_710 : i32 to index
      %get3A_713 = arith.index_cast %mul3A_708 : i32 to index
      %get3A_714 = tpu.vector_load %arg9[%get3A_711, %get3A_712, %get3A_713] {strides = array<i32>} : memref<3x16x2048xf32, #tpu.memory_space<vmem>>, vector<16xf32>,
      %broadcast_in_dim3A_715 = arith.constant 5 : i32
      %broadcast_in_dim3A_716 = vector.broadcast %broadcast_in_dim3A_715 : i32 to vector<16xi32>
      tpu.vector_store_idx %arg10[%broadcast_in_dim3A_716, %gather3A_645], %get3A_714 {add = true} : memref<16x272xf32, #tpu.memory_space<vmem>>[vector<16xi32>, vector<16xi32>], vector<16xf32>,
      %mul3A_717 = arith.constant 16 : i32
      %mul3A_718 = arith.muli %scan3A_639, %mul3A_717 : i32
      %get3A_719 = arith.constant 0 : i32
      %get3A_720 = arith.constant 6 : i32
      %get3A_721 = arith.index_cast %get3A_719 : i32 to index
      %get3A_722 = arith.index_cast %get3A_720 : i32 to index
      %get3A_723 = arith.index_cast %mul3A_718 : i32 to index
      %get3A_724 = tpu.vector_load %arg9[%get3A_721, %get3A_722, %get3A_723] {strides = array<i32>} : memref<3x16x2048xf32, #tpu.memory_space<vmem>>, vector<16xf32>,
      %broadcast_in_dim3A_725 = arith.constant 6 : i32
      %broadcast_in_dim3A_726 = vector.broadcast %broadcast_in_dim3A_725 : i32 to vector<16xi32>
      tpu.vector_store_idx %arg10[%broadcast_in_dim3A_726, %gather3A_645], %get3A_724 {add = true} : memref<16x272xf32, #tpu.memory_space<vmem>>[vector<16xi32>, vector<16xi32>], vector<16xf32>,
      %mul3A_727 = arith.constant 16 : i32
      %mul3A_728 = arith.muli %scan3A_639, %mul3A_727 : i32
      %get3A_729 = arith.constant 0 : i32
      %get3A_730 = arith.constant 7 : i32
      %get3A_731 = arith.index_cast %get3A_729 : i32 to index
      %get3A_732 = arith.index_cast %get3A_730 : i32 to index
      %get3A_733 = arith.index_cast %mul3A_728 : i32 to index
      %get3A_734 = tpu.vector_load %arg9[%get3A_731, %get3A_732, %get3A_733] {strides = array<i32>} : memref<3x16x2048xf32, #tpu.memory_space<vmem>>, vector<16xf32>,
      %broadcast_in_dim3A_735 = arith.constant 7 : i32
      %broadcast_in_dim3A_736 = vector.broadcast %broadcast_in_dim3A_735 : i32 to vector<16xi32>
      tpu.vector_store_idx %arg10[%broadcast_in_dim3A_736, %gather3A_645], %get3A_734 {add = true} : memref<16x272xf32, #tpu.memory_space<vmem>>[vector<16xi32>, vector<16xi32>], vector<16xf32>,
      %mul3A_737 = arith.constant 16 : i32
      %mul3A_738 = arith.muli %scan3A_639, %mul3A_737 : i32
      %get3A_739 = arith.constant 0 : i32
      %get3A_740 = arith.constant 8 : i32
      %get3A_741 = arith.index_cast %get3A_739 : i32 to index
      %get3A_742 = arith.index_cast %get3A_740 : i32 to index
      %get3A_743 = arith.index_cast %mul3A_738 : i32 to index
      %get3A_744 = tpu.vector_load %arg9[%get3A_741, %get3A_742, %get3A_743] {strides = array<i32>} : memref<3x16x2048xf32, #tpu.memory_space<vmem>>, vector<16xf32>,
      %broadcast_in_dim3A_745 = arith.constant 8 : i32
      %broadcast_in_dim3A_746 = vector.broadcast %broadcast_in_dim3A_745 : i32 to vector<16xi32>
      tpu.vector_store_idx %arg10[%broadcast_in_dim3A_746, %gather3A_645], %get3A_744 {add = true} : memref<16x272xf32, #tpu.memory_space<vmem>>[vector<16xi32>, vector<16xi32>], vector<16xf32>,
      %mul3A_747 = arith.constant 16 : i32
      %mul3A_748 = arith.muli %scan3A_639, %mul3A_747 : i32
      %get3A_749 = arith.constant 0 : i32
      %get3A_750 = arith.constant 9 : i32
      %get3A_751 = arith.index_cast %get3A_749 : i32 to index
      %get3A_752 = arith.index_cast %get3A_750 : i32 to index
      %get3A_753 = arith.index_cast %mul3A_748 : i32 to index
      %get3A_754 = tpu.vector_load %arg9[%get3A_751, %get3A_752, %get3A_753] {strides = array<i32>} : memref<3x16x2048xf32, #tpu.memory_space<vmem>>, vector<16xf32>,
      %broadcast_in_dim3A_755 = arith.constant 9 : i32
      %broadcast_in_dim3A_756 = vector.broadcast %broadcast_in_dim3A_755 : i32 to vector<16xi32>
      tpu.vector_store_idx %arg10[%broadcast_in_dim3A_756, %gather3A_645], %get3A_754 {add = true} : memref<16x272xf32, #tpu.memory_space<vmem>>[vector<16xi32>, vector<16xi32>], vector<16xf32>,
      %mul3A_757 = arith.constant 16 : i32
      %mul3A_758 = arith.muli %scan3A_639, %mul3A_757 : i32
      %get3A_759 = arith.constant 0 : i32
      %get3A_760 = arith.constant 10 : i32
      %get3A_761 = arith.index_cast %get3A_759 : i32 to index
      %get3A_762 = arith.index_cast %get3A_760 : i32 to index
      %get3A_763 = arith.index_cast %mul3A_758 : i32 to index
      %get3A_764 = tpu.vector_load %arg9[%get3A_761, %get3A_762, %get3A_763] {strides = array<i32>} : memref<3x16x2048xf32, #tpu.memory_space<vmem>>, vector<16xf32>,
      %broadcast_in_dim3A_765 = arith.constant 10 : i32
      %broadcast_in_dim3A_766 = vector.broadcast %broadcast_in_dim3A_765 : i32 to vector<16xi32>
      tpu.vector_store_idx %arg10[%broadcast_in_dim3A_766, %gather3A_645], %get3A_764 {add = true} : memref<16x272xf32, #tpu.memory_space<vmem>>[vector<16xi32>, vector<16xi32>], vector<16xf32>,
      %mul3A_767 = arith.constant 16 : i32
      %mul3A_768 = arith.muli %scan3A_639, %mul3A_767 : i32
      %get3A_769 = arith.constant 0 : i32
      %get3A_770 = arith.constant 11 : i32
      %get3A_771 = arith.index_cast %get3A_769 : i32 to index
      %get3A_772 = arith.index_cast %get3A_770 : i32 to index
      %get3A_773 = arith.index_cast %mul3A_768 : i32 to index
      %get3A_774 = tpu.vector_load %arg9[%get3A_771, %get3A_772, %get3A_773] {strides = array<i32>} : memref<3x16x2048xf32, #tpu.memory_space<vmem>>, vector<16xf32>,
      %broadcast_in_dim3A_775 = arith.constant 11 : i32
      %broadcast_in_dim3A_776 = vector.broadcast %broadcast_in_dim3A_775 : i32 to vector<16xi32>
      tpu.vector_store_idx %arg10[%broadcast_in_dim3A_776, %gather3A_645], %get3A_774 {add = true} : memref<16x272xf32, #tpu.memory_space<vmem>>[vector<16xi32>, vector<16xi32>], vector<16xf32>,
      %mul3A_777 = arith.constant 16 : i32
      %mul3A_778 = arith.muli %scan3A_639, %mul3A_777 : i32
      %get3A_779 = arith.constant 0 : i32
      %get3A_780 = arith.constant 12 : i32
      %get3A_781 = arith.index_cast %get3A_779 : i32 to index
      %get3A_782 = arith.index_cast %get3A_780 : i32 to index
      %get3A_783 = arith.index_cast %mul3A_778 : i32 to index
      %get3A_784 = tpu.vector_load %arg9[%get3A_781, %get3A_782, %get3A_783] {strides = array<i32>} : memref<3x16x2048xf32, #tpu.memory_space<vmem>>, vector<16xf32>,
      %broadcast_in_dim3A_785 = arith.constant 12 : i32
      %broadcast_in_dim3A_786 = vector.broadcast %broadcast_in_dim3A_785 : i32 to vector<16xi32>
      tpu.vector_store_idx %arg10[%broadcast_in_dim3A_786, %gather3A_645], %get3A_784 {add = true} : memref<16x272xf32, #tpu.memory_space<vmem>>[vector<16xi32>, vector<16xi32>], vector<16xf32>,
      %mul3A_787 = arith.constant 16 : i32
      %mul3A_788 = arith.muli %scan3A_639, %mul3A_787 : i32
      %get3A_789 = arith.constant 0 : i32
      %get3A_790 = arith.constant 13 : i32
      %get3A_791 = arith.index_cast %get3A_789 : i32 to index
      %get3A_792 = arith.index_cast %get3A_790 : i32 to index
      %get3A_793 = arith.index_cast %mul3A_788 : i32 to index
      %get3A_794 = tpu.vector_load %arg9[%get3A_791, %get3A_792, %get3A_793] {strides = array<i32>} : memref<3x16x2048xf32, #tpu.memory_space<vmem>>, vector<16xf32>,
      %broadcast_in_dim3A_795 = arith.constant 13 : i32
      %broadcast_in_dim3A_796 = vector.broadcast %broadcast_in_dim3A_795 : i32 to vector<16xi32>
      tpu.vector_store_idx %arg10[%broadcast_in_dim3A_796, %gather3A_645], %get3A_794 {add = true} : memref<16x272xf32, #tpu.memory_space<vmem>>[vector<16xi32>, vector<16xi32>], vector<16xf32>,
      %mul3A_797 = arith.constant 16 : i32
      %mul3A_798 = arith.muli %scan3A_639, %mul3A_797 : i32
      %get3A_799 = arith.constant 0 : i32
      %get3A_800 = arith.constant 14 : i32
      %get3A_801 = arith.index_cast %get3A_799 : i32 to index
      %get3A_802 = arith.index_cast %get3A_800 : i32 to index
      %get3A_803 = arith.index_cast %mul3A_798 : i32 to index
      %get3A_804 = tpu.vector_load %arg9[%get3A_801, %get3A_802, %get3A_803] {strides = array<i32>} : memref<3x16x2048xf32, #tpu.memory_space<vmem>>, vector<16xf32>,
      %broadcast_in_dim3A_805 = arith.constant 14 : i32
      %broadcast_in_dim3A_806 = vector.broadcast %broadcast_in_dim3A_805 : i32 to vector<16xi32>
      tpu.vector_store_idx %arg10[%broadcast_in_dim3A_806, %gather3A_645], %get3A_804 {add = true} : memref<16x272xf32, #tpu.memory_space<vmem>>[vector<16xi32>, vector<16xi32>], vector<16xf32>,
      %mul3A_807 = arith.constant 16 : i32
      %mul3A_808 = arith.muli %scan3A_639, %mul3A_807 : i32
      %get3A_809 = arith.constant 0 : i32
      %get3A_810 = arith.constant 15 : i32
      %get3A_811 = arith.index_cast %get3A_809 : i32 to index
      %get3A_812 = arith.index_cast %get3A_810 : i32 to index
      %get3A_813 = arith.index_cast %mul3A_808 : i32 to index
      %get3A_814 = tpu.vector_load %arg9[%get3A_811, %get3A_812, %get3A_813] {strides = array<i32>} : memref<3x16x2048xf32, #tpu.memory_space<vmem>>, vector<16xf32>,
      %broadcast_in_dim3A_815 = arith.constant 15 : i32
      %broadcast_in_dim3A_816 = vector.broadcast %broadcast_in_dim3A_815 : i32 to vector<16xi32>
      tpu.vector_store_idx %arg10[%broadcast_in_dim3A_816, %gather3A_645], %get3A_814 {add = true} : memref<16x272xf32, #tpu.memory_space<vmem>>[vector<16xi32>, vector<16xi32>], vector<16xf32>,
    }
    %scan3A_419 = arith.constant 128 : i32
    %dma_wait3A_420 = arith.constant 1 : i32
    %dma_wait3A_421 = arith.constant 0 : i32
    %dma_wait3A_422 = arith.constant 0 : i32
    %dma_wait3A_423 = tpu.memref_slice %arg8[%dma_wait3A_420, %dma_wait3A_421, %dma_wait3A_422] : memref<3x128x16xi32, #tpu.memory_space<vmem>> -> memref<1x113x16xi32, #tpu.memory_space<vmem>>
    %dma_wait3A_424 = tpu.memref_squeeze %dma_wait3A_423 : memref<1x113x16xi32, #tpu.memory_space<vmem>> -> memref<113x16xi32, #tpu.memory_space<vmem>>
    %dma_wait3A_425 = arith.constant 0 : i32
    %dma_wait3A_426 = tpu.memref_slice %arg2[%select_n3A_361, %dma_wait3A_425] : memref<20000x16xi32, #tpu.memory_space<hbm>> -> memref<113x16xi32, #tpu.memory_space<hbm>>
    %dma_wait3A_427 = arith.constant 0 : i32
    %dma_wait3A_428 = arith.constant 0 : i32
    %dma_wait3A_429 = tpu.memref_slice %arg8[%dma_wait3A_420, %dma_wait3A_427, %dma_wait3A_428] : memref<3x128x16xi32, #tpu.memory_space<vmem>> -> memref<1x113x16xi32, #tpu.memory_space<vmem>>
    %dma_wait3A_430 = tpu.memref_squeeze %dma_wait3A_429 : memref<1x113x16xi32, #tpu.memory_space<vmem>> -> memref<113x16xi32, #tpu.memory_space<vmem>>
    %dma_wait3A_431 = arith.constant 0 : i32
    %dma_wait3A_432 = tpu.memref_slice %arg2[%select_n3A_361, %dma_wait3A_431] : memref<20000x16xi32, #tpu.memory_space<hbm>> -> memref<113x16xi32, #tpu.memory_space<hbm>>
    tpu.wait_dma2 semaphore(%arg17 : memref<!tpu.dma_semaphore, #tpu.memory_space<semaphore_mem>>) src(%dma_wait3A_432 : memref<113x16xi32, #tpu.memory_space<hbm>>) dst(%dma_wait3A_430 : memref<113x16xi32, #tpu.memory_space<vmem>>)
    %dma_wait3A_433 = arith.constant 1 : i32
    %dma_wait3A_434 = arith.constant 0 : i32
    %dma_wait3A_435 = arith.constant 0 : i32
    %dma_wait3A_436 = tpu.memref_slice %arg9[%dma_wait3A_433, %dma_wait3A_434, %dma_wait3A_435] : memref<3x16x2048xf32, #tpu.memory_space<vmem>> -> memref<1x16x1808xf32, #tpu.memory_space<vmem>>
    %dma_wait3A_437 = tpu.memref_squeeze %dma_wait3A_436 : memref<1x16x1808xf32, #tpu.memory_space<vmem>> -> memref<16x1808xf32, #tpu.memory_space<vmem>>
    %dma_wait3A_438 = arith.constant 0 : i32
    %dma_wait3A_439 = tpu.memref_slice %arg3[%dma_wait3A_438, %add3A_337] : memref<16x320000xf32, #tpu.memory_space<hbm>> -> memref<16x1808xf32, #tpu.memory_space<hbm>>
    %dma_wait3A_440 = arith.constant 0 : i32
    %dma_wait3A_441 = arith.constant 0 : i32
    %dma_wait3A_442 = tpu.memref_slice %arg9[%dma_wait3A_433, %dma_wait3A_440, %dma_wait3A_441] : memref<3x16x2048xf32, #tpu.memory_space<vmem>> -> memref<1x16x1808xf32, #tpu.memory_space<vmem>>
    %dma_wait3A_443 = tpu.memref_squeeze %dma_wait3A_442 : memref<1x16x1808xf32, #tpu.memory_space<vmem>> -> memref<16x1808xf32, #tpu.memory_space<vmem>>
    %dma_wait3A_444 = arith.constant 0 : i32
    %dma_wait3A_445 = tpu.memref_slice %arg3[%dma_wait3A_444, %add3A_337] : memref<16x320000xf32, #tpu.memory_space<hbm>> -> memref<16x1808xf32, #tpu.memory_space<hbm>>
    tpu.wait_dma2 semaphore(%arg17 : memref<!tpu.dma_semaphore, #tpu.memory_space<semaphore_mem>>) src(%dma_wait3A_445 : memref<16x1808xf32, #tpu.memory_space<hbm>>) dst(%dma_wait3A_443 : memref<16x1808xf32, #tpu.memory_space<vmem>>)
    %scan3A_446 = arith.constant 0 : i32
    %scan3A_447 = arith.constant 0 : i32
    %scan3A_448 = arith.constant 128 : i32
    %scan3A_449 = arith.addi %scan3A_447, %scan3A_448 : i32
    %scan3A_450 = arith.constant 2 : i32
    scf.for %scan3A_465 = %scan3A_447 to %scan3A_449 step %scan3A_450  : i32 {
      %get3A = arith.constant 1 : i32
      %get3A_466 = arith.index_cast %get3A : i32 to index
      %get3A_467 = arith.index_cast %scan3A_465 : i32 to index
      %get3A_468 = arith.constant 0 : index
      %get3A_469 = tpu.vector_load %arg8[%get3A_466, %get3A_467, %get3A_468] {strides = array<i32>} : memref<3x128x16xi32, #tpu.memory_space<vmem>>, vector<16xi32>,
      %gather3A = tpu.vector_load_idx %arg7[%get3A_469] : memref<10000xi32, #tpu.memory_space<vmem>>[vector<16xi32>], vector<16xi32>,
      %mul3A_470 = arith.constant 16 : i32
      %mul3A_471 = arith.muli %scan3A_465, %mul3A_470 : i32
      %add3A_472 = vector.broadcast %mul3A_471 : i32 to vector<16xi32>
      %add3A_473 = arith.addi %add3A_472, %iota3A : vector<16xi32>
      %lt3A = arith.constant 1808 : i32
      %lt3A_474 = vector.broadcast %lt3A : i32 to vector<16xi32>
      %lt3A_475 = arith.cmpi slt, %add3A_473, %lt3A_474 : vector<16xi32>
      %broadcast_in_dim3A = arith.constant 256 : i32
      %broadcast_in_dim3A_476 = vector.broadcast %broadcast_in_dim3A : i32 to vector<16xi32>
      %select_n3A_477 = arith.select %lt3A_475, %gather3A, %broadcast_in_dim3A_476 : vector<16xi1>, vector<16xi32>
      %broadcast_in_dim3A_478 = arith.constant true
      %broadcast_in_dim3A_479 = vector.broadcast %broadcast_in_dim3A_478 : i1 to vector<16xi1>
      %unique3A, %unique3A_480 = tpu.scan_count mask(%broadcast_in_dim3A_479 : vector<16xi1>) value(%select_n3A_477 : vector<16xi32>) : vector<16xi1>, vector<16xi32>
      %shift_right_logical3A = arith.constant 4 : i32
      %shift_right_logical3A_481 = vector.broadcast %shift_right_logical3A : i32 to vector<16xi32>
      %shift_right_logical3A_482 = arith.shrui %select_n3A_477, %shift_right_logical3A_481 : vector<16xi32>
      %and3A_483 = arith.constant 15 : i32
      %and3A_484 = vector.broadcast %and3A_483 : i32 to vector<16xi32>
      %and3A_485 = arith.andi %select_n3A_477, %and3A_484 : vector<16xi32>
      %convert_element_type3A_486 = arith.sitofp %unique3A_480 : vector<16xi32> to vector<16xf32>
      tpu.vector_store_idx %arg12[%shift_right_logical3A_482, %and3A_485], %convert_element_type3A_486 masked %unique3A {add = true} : memref<32x16xf32, #tpu.memory_space<vmem>>[vector<16xi32>, vector<16xi32>], vector<16xf32>, vector<16xi1>
      %mul3A_487 = arith.constant 16 : i32
      %mul3A_488 = arith.muli %scan3A_465, %mul3A_487 : i32
      %get3A_489 = arith.constant 1 : i32
      %get3A_490 = arith.constant 0 : i32
      %get3A_491 = arith.index_cast %get3A_489 : i32 to index
      %get3A_492 = arith.index_cast %get3A_490 : i32 to index
      %get3A_493 = arith.index_cast %mul3A_488 : i32 to index
      %get3A_494 = tpu.vector_load %arg9[%get3A_491, %get3A_492, %get3A_493] {strides = array<i32>} : memref<3x16x2048xf32, #tpu.memory_space<vmem>>, vector<16xf32>,
      %broadcast_in_dim3A_495 = arith.constant 0 : i32
      %broadcast_in_dim3A_496 = vector.broadcast %broadcast_in_dim3A_495 : i32 to vector<16xi32>
      tpu.vector_store_idx %arg10[%broadcast_in_dim3A_496, %select_n3A_477], %get3A_494 {add = true} : memref<16x272xf32, #tpu.memory_space<vmem>>[vector<16xi32>, vector<16xi32>], vector<16xf32>,
      %mul3A_497 = arith.constant 16 : i32
      %mul3A_498 = arith.muli %scan3A_465, %mul3A_497 : i32
      %get3A_499 = arith.constant 1 : i32
      %get3A_500 = arith.constant 1 : i32
      %get3A_501 = arith.index_cast %get3A_499 : i32 to index
      %get3A_502 = arith.index_cast %get3A_500 : i32 to index
      %get3A_503 = arith.index_cast %mul3A_498 : i32 to index
      %get3A_504 = tpu.vector_load %arg9[%get3A_501, %get3A_502, %get3A_503] {strides = array<i32>} : memref<3x16x2048xf32, #tpu.memory_space<vmem>>, vector<16xf32>,
      %broadcast_in_dim3A_505 = arith.constant 1 : i32
      %broadcast_in_dim3A_506 = vector.broadcast %broadcast_in_dim3A_505 : i32 to vector<16xi32>
      tpu.vector_store_idx %arg10[%broadcast_in_dim3A_506, %select_n3A_477], %get3A_504 {add = true} : memref<16x272xf32, #tpu.memory_space<vmem>>[vector<16xi32>, vector<16xi32>], vector<16xf32>,
      %mul3A_507 = arith.constant 16 : i32
      %mul3A_508 = arith.muli %scan3A_465, %mul3A_507 : i32
      %get3A_509 = arith.constant 1 : i32
      %get3A_510 = arith.constant 2 : i32
      %get3A_511 = arith.index_cast %get3A_509 : i32 to index
      %get3A_512 = arith.index_cast %get3A_510 : i32 to index
      %get3A_513 = arith.index_cast %mul3A_508 : i32 to index
      %get3A_514 = tpu.vector_load %arg9[%get3A_511, %get3A_512, %get3A_513] {strides = array<i32>} : memref<3x16x2048xf32, #tpu.memory_space<vmem>>, vector<16xf32>,
      %broadcast_in_dim3A_515 = arith.constant 2 : i32
      %broadcast_in_dim3A_516 = vector.broadcast %broadcast_in_dim3A_515 : i32 to vector<16xi32>
      tpu.vector_store_idx %arg10[%broadcast_in_dim3A_516, %select_n3A_477], %get3A_514 {add = true} : memref<16x272xf32, #tpu.memory_space<vmem>>[vector<16xi32>, vector<16xi32>], vector<16xf32>,
      %mul3A_517 = arith.constant 16 : i32
      %mul3A_518 = arith.muli %scan3A_465, %mul3A_517 : i32
      %get3A_519 = arith.constant 1 : i32
      %get3A_520 = arith.constant 3 : i32
      %get3A_521 = arith.index_cast %get3A_519 : i32 to index
      %get3A_522 = arith.index_cast %get3A_520 : i32 to index
      %get3A_523 = arith.index_cast %mul3A_518 : i32 to index
      %get3A_524 = tpu.vector_load %arg9[%get3A_521, %get3A_522, %get3A_523] {strides = array<i32>} : memref<3x16x2048xf32, #tpu.memory_space<vmem>>, vector<16xf32>,
      %broadcast_in_dim3A_525 = arith.constant 3 : i32
      %broadcast_in_dim3A_526 = vector.broadcast %broadcast_in_dim3A_525 : i32 to vector<16xi32>
      tpu.vector_store_idx %arg10[%broadcast_in_dim3A_526, %select_n3A_477], %get3A_524 {add = true} : memref<16x272xf32, #tpu.memory_space<vmem>>[vector<16xi32>, vector<16xi32>], vector<16xf32>,
      %mul3A_527 = arith.constant 16 : i32
      %mul3A_528 = arith.muli %scan3A_465, %mul3A_527 : i32
      %get3A_529 = arith.constant 1 : i32
      %get3A_530 = arith.constant 4 : i32
      %get3A_531 = arith.index_cast %get3A_529 : i32 to index
      %get3A_532 = arith.index_cast %get3A_530 : i32 to index
      %get3A_533 = arith.index_cast %mul3A_528 : i32 to index
      %get3A_534 = tpu.vector_load %arg9[%get3A_531, %get3A_532, %get3A_533] {strides = array<i32>} : memref<3x16x2048xf32, #tpu.memory_space<vmem>>, vector<16xf32>,
      %broadcast_in_dim3A_535 = arith.constant 4 : i32
      %broadcast_in_dim3A_536 = vector.broadcast %broadcast_in_dim3A_535 : i32 to vector<16xi32>
      tpu.vector_store_idx %arg10[%broadcast_in_dim3A_536, %select_n3A_477], %get3A_534 {add = true} : memref<16x272xf32, #tpu.memory_space<vmem>>[vector<16xi32>, vector<16xi32>], vector<16xf32>,
      %mul3A_537 = arith.constant 16 : i32
      %mul3A_538 = arith.muli %scan3A_465, %mul3A_537 : i32
      %get3A_539 = arith.constant 1 : i32
      %get3A_540 = arith.constant 5 : i32
      %get3A_541 = arith.index_cast %get3A_539 : i32 to index
      %get3A_542 = arith.index_cast %get3A_540 : i32 to index
      %get3A_543 = arith.index_cast %mul3A_538 : i32 to index
      %get3A_544 = tpu.vector_load %arg9[%get3A_541, %get3A_542, %get3A_543] {strides = array<i32>} : memref<3x16x2048xf32, #tpu.memory_space<vmem>>, vector<16xf32>,
      %broadcast_in_dim3A_545 = arith.constant 5 : i32
      %broadcast_in_dim3A_546 = vector.broadcast %broadcast_in_dim3A_545 : i32 to vector<16xi32>
      tpu.vector_store_idx %arg10[%broadcast_in_dim3A_546, %select_n3A_477], %get3A_544 {add = true} : memref<16x272xf32, #tpu.memory_space<vmem>>[vector<16xi32>, vector<16xi32>], vector<16xf32>,
      %mul3A_547 = arith.constant 16 : i32
      %mul3A_548 = arith.muli %scan3A_465, %mul3A_547 : i32
      %get3A_549 = arith.constant 1 : i32
      %get3A_550 = arith.constant 6 : i32
      %get3A_551 = arith.index_cast %get3A_549 : i32 to index
      %get3A_552 = arith.index_cast %get3A_550 : i32 to index
      %get3A_553 = arith.index_cast %mul3A_548 : i32 to index
      %get3A_554 = tpu.vector_load %arg9[%get3A_551, %get3A_552, %get3A_553] {strides = array<i32>} : memref<3x16x2048xf32, #tpu.memory_space<vmem>>, vector<16xf32>,
      %broadcast_in_dim3A_555 = arith.constant 6 : i32
      %broadcast_in_dim3A_556 = vector.broadcast %broadcast_in_dim3A_555 : i32 to vector<16xi32>
      tpu.vector_store_idx %arg10[%broadcast_in_dim3A_556, %select_n3A_477], %get3A_554 {add = true} : memref<16x272xf32, #tpu.memory_space<vmem>>[vector<16xi32>, vector<16xi32>], vector<16xf32>,
      %mul3A_557 = arith.constant 16 : i32
      %mul3A_558 = arith.muli %scan3A_465, %mul3A_557 : i32
      %get3A_559 = arith.constant 1 : i32
      %get3A_560 = arith.constant 7 : i32
      %get3A_561 = arith.index_cast %get3A_559 : i32 to index
      %get3A_562 = arith.index_cast %get3A_560 : i32 to index
      %get3A_563 = arith.index_cast %mul3A_558 : i32 to index
      %get3A_564 = tpu.vector_load %arg9[%get3A_561, %get3A_562, %get3A_563] {strides = array<i32>} : memref<3x16x2048xf32, #tpu.memory_space<vmem>>, vector<16xf32>,
      %broadcast_in_dim3A_565 = arith.constant 7 : i32
      %broadcast_in_dim3A_566 = vector.broadcast %broadcast_in_dim3A_565 : i32 to vector<16xi32>
      tpu.vector_store_idx %arg10[%broadcast_in_dim3A_566, %select_n3A_477], %get3A_564 {add = true} : memref<16x272xf32, #tpu.memory_space<vmem>>[vector<16xi32>, vector<16xi32>], vector<16xf32>,
      %mul3A_567 = arith.constant 16 : i32
      %mul3A_568 = arith.muli %scan3A_465, %mul3A_567 : i32
      %get3A_569 = arith.constant 1 : i32
      %get3A_570 = arith.constant 8 : i32
      %get3A_571 = arith.index_cast %get3A_569 : i32 to index
      %get3A_572 = arith.index_cast %get3A_570 : i32 to index
      %get3A_573 = arith.index_cast %mul3A_568 : i32 to index
      %get3A_574 = tpu.vector_load %arg9[%get3A_571, %get3A_572, %get3A_573] {strides = array<i32>} : memref<3x16x2048xf32, #tpu.memory_space<vmem>>, vector<16xf32>,
      %broadcast_in_dim3A_575 = arith.constant 8 : i32
      %broadcast_in_dim3A_576 = vector.broadcast %broadcast_in_dim3A_575 : i32 to vector<16xi32>
      tpu.vector_store_idx %arg10[%broadcast_in_dim3A_576, %select_n3A_477], %get3A_574 {add = true} : memref<16x272xf32, #tpu.memory_space<vmem>>[vector<16xi32>, vector<16xi32>], vector<16xf32>,
      %mul3A_577 = arith.constant 16 : i32
      %mul3A_578 = arith.muli %scan3A_465, %mul3A_577 : i32
      %get3A_579 = arith.constant 1 : i32
      %get3A_580 = arith.constant 9 : i32
      %get3A_581 = arith.index_cast %get3A_579 : i32 to index
      %get3A_582 = arith.index_cast %get3A_580 : i32 to index
      %get3A_583 = arith.index_cast %mul3A_578 : i32 to index
      %get3A_584 = tpu.vector_load %arg9[%get3A_581, %get3A_582, %get3A_583] {strides = array<i32>} : memref<3x16x2048xf32, #tpu.memory_space<vmem>>, vector<16xf32>,
      %broadcast_in_dim3A_585 = arith.constant 9 : i32
      %broadcast_in_dim3A_586 = vector.broadcast %broadcast_in_dim3A_585 : i32 to vector<16xi32>
      tpu.vector_store_idx %arg10[%broadcast_in_dim3A_586, %select_n3A_477], %get3A_584 {add = true} : memref<16x272xf32, #tpu.memory_space<vmem>>[vector<16xi32>, vector<16xi32>], vector<16xf32>,
      %mul3A_587 = arith.constant 16 : i32
      %mul3A_588 = arith.muli %scan3A_465, %mul3A_587 : i32
      %get3A_589 = arith.constant 1 : i32
      %get3A_590 = arith.constant 10 : i32
      %get3A_591 = arith.index_cast %get3A_589 : i32 to index
      %get3A_592 = arith.index_cast %get3A_590 : i32 to index
      %get3A_593 = arith.index_cast %mul3A_588 : i32 to index
      %get3A_594 = tpu.vector_load %arg9[%get3A_591, %get3A_592, %get3A_593] {strides = array<i32>} : memref<3x16x2048xf32, #tpu.memory_space<vmem>>, vector<16xf32>,
      %broadcast_in_dim3A_595 = arith.constant 10 : i32
      %broadcast_in_dim3A_596 = vector.broadcast %broadcast_in_dim3A_595 : i32 to vector<16xi32>
      tpu.vector_store_idx %arg10[%broadcast_in_dim3A_596, %select_n3A_477], %get3A_594 {add = true} : memref<16x272xf32, #tpu.memory_space<vmem>>[vector<16xi32>, vector<16xi32>], vector<16xf32>,
      %mul3A_597 = arith.constant 16 : i32
      %mul3A_598 = arith.muli %scan3A_465, %mul3A_597 : i32
      %get3A_599 = arith.constant 1 : i32
      %get3A_600 = arith.constant 11 : i32
      %get3A_601 = arith.index_cast %get3A_599 : i32 to index
      %get3A_602 = arith.index_cast %get3A_600 : i32 to index
      %get3A_603 = arith.index_cast %mul3A_598 : i32 to index
      %get3A_604 = tpu.vector_load %arg9[%get3A_601, %get3A_602, %get3A_603] {strides = array<i32>} : memref<3x16x2048xf32, #tpu.memory_space<vmem>>, vector<16xf32>,
      %broadcast_in_dim3A_605 = arith.constant 11 : i32
      %broadcast_in_dim3A_606 = vector.broadcast %broadcast_in_dim3A_605 : i32 to vector<16xi32>
      tpu.vector_store_idx %arg10[%broadcast_in_dim3A_606, %select_n3A_477], %get3A_604 {add = true} : memref<16x272xf32, #tpu.memory_space<vmem>>[vector<16xi32>, vector<16xi32>], vector<16xf32>,
      %mul3A_607 = arith.constant 16 : i32
      %mul3A_608 = arith.muli %scan3A_465, %mul3A_607 : i32
      %get3A_609 = arith.constant 1 : i32
      %get3A_610 = arith.constant 12 : i32
      %get3A_611 = arith.index_cast %get3A_609 : i32 to index
      %get3A_612 = arith.index_cast %get3A_610 : i32 to index
      %get3A_613 = arith.index_cast %mul3A_608 : i32 to index
      %get3A_614 = tpu.vector_load %arg9[%get3A_611, %get3A_612, %get3A_613] {strides = array<i32>} : memref<3x16x2048xf32, #tpu.memory_space<vmem>>, vector<16xf32>,
      %broadcast_in_dim3A_615 = arith.constant 12 : i32
      %broadcast_in_dim3A_616 = vector.broadcast %broadcast_in_dim3A_615 : i32 to vector<16xi32>
      tpu.vector_store_idx %arg10[%broadcast_in_dim3A_616, %select_n3A_477], %get3A_614 {add = true} : memref<16x272xf32, #tpu.memory_space<vmem>>[vector<16xi32>, vector<16xi32>], vector<16xf32>,
      %mul3A_617 = arith.constant 16 : i32
      %mul3A_618 = arith.muli %scan3A_465, %mul3A_617 : i32
      %get3A_619 = arith.constant 1 : i32
      %get3A_620 = arith.constant 13 : i32
      %get3A_621 = arith.index_cast %get3A_619 : i32 to index
      %get3A_622 = arith.index_cast %get3A_620 : i32 to index
      %get3A_623 = arith.index_cast %mul3A_618 : i32 to index
      %get3A_624 = tpu.vector_load %arg9[%get3A_621, %get3A_622, %get3A_623] {strides = array<i32>} : memref<3x16x2048xf32, #tpu.memory_space<vmem>>, vector<16xf32>,
      %broadcast_in_dim3A_625 = arith.constant 13 : i32
      %broadcast_in_dim3A_626 = vector.broadcast %broadcast_in_dim3A_625 : i32 to vector<16xi32>
      tpu.vector_store_idx %arg10[%broadcast_in_dim3A_626, %select_n3A_477], %get3A_624 {add = true} : memref<16x272xf32, #tpu.memory_space<vmem>>[vector<16xi32>, vector<16xi32>], vector<16xf32>,
      %mul3A_627 = arith.constant 16 : i32
      %mul3A_628 = arith.muli %scan3A_465, %mul3A_627 : i32
      %get3A_629 = arith.constant 1 : i32
      %get3A_630 = arith.constant 14 : i32
      %get3A_631 = arith.index_cast %get3A_629 : i32 to index
      %get3A_632 = arith.index_cast %get3A_630 : i32 to index
      %get3A_633 = arith.index_cast %mul3A_628 : i32 to index
      %get3A_634 = tpu.vector_load %arg9[%get3A_631, %get3A_632, %get3A_633] {strides = array<i32>} : memref<3x16x2048xf32, #tpu.memory_space<vmem>>, vector<16xf32>,
      %broadcast_in_dim3A_635 = arith.constant 14 : i32
      %broadcast_in_dim3A_636 = vector.broadcast %broadcast_in_dim3A_635 : i32 to vector<16xi32>
      tpu.vector_store_idx %arg10[%broadcast_in_dim3A_636, %select_n3A_477], %get3A_634 {add = true} : memref<16x272xf32, #tpu.memory_space<vmem>>[vector<16xi32>, vector<16xi32>], vector<16xf32>,
      %mul3A_637 = arith.constant 16 : i32
      %mul3A_638 = arith.muli %scan3A_465, %mul3A_637 : i32
      %get3A_639 = arith.constant 1 : i32
      %get3A_640 = arith.constant 15 : i32
      %get3A_641 = arith.index_cast %get3A_639 : i32 to index
      %get3A_642 = arith.index_cast %get3A_640 : i32 to index
      %get3A_643 = arith.index_cast %mul3A_638 : i32 to index
      %get3A_644 = tpu.vector_load %arg9[%get3A_641, %get3A_642, %get3A_643] {strides = array<i32>} : memref<3x16x2048xf32, #tpu.memory_space<vmem>>, vector<16xf32>,
      %broadcast_in_dim3A_645 = arith.constant 15 : i32
      %broadcast_in_dim3A_646 = vector.broadcast %broadcast_in_dim3A_645 : i32 to vector<16xi32>
      tpu.vector_store_idx %arg10[%broadcast_in_dim3A_646, %select_n3A_477], %get3A_644 {add = true} : memref<16x272xf32, #tpu.memory_space<vmem>>[vector<16xi32>, vector<16xi32>], vector<16xf32>,
      %scan3A_647 = arith.constant 1 : i32
      %scan3A_648 = arith.addi %scan3A_465, %scan3A_647 : i32
      %get3A_649 = arith.constant 1 : i32
      %get3A_650 = arith.index_cast %get3A_649 : i32 to index
      %get3A_651 = arith.index_cast %scan3A_648 : i32 to index
      %get3A_652 = arith.constant 0 : index
      %get3A_653 = tpu.vector_load %arg8[%get3A_650, %get3A_651, %get3A_652] {strides = array<i32>} : memref<3x128x16xi32, #tpu.memory_space<vmem>>, vector<16xi32>,
      %gather3A_654 = tpu.vector_load_idx %arg7[%get3A_653] : memref<10000xi32, #tpu.memory_space<vmem>>[vector<16xi32>], vector<16xi32>,
      %mul3A_655 = arith.constant 16 : i32
      %mul3A_656 = arith.muli %scan3A_648, %mul3A_655 : i32
      %add3A_657 = vector.broadcast %mul3A_656 : i32 to vector<16xi32>
      %add3A_658 = arith.addi %add3A_657, %iota3A : vector<16xi32>
      %lt3A_659 = arith.constant 1808 : i32
      %lt3A_660 = vector.broadcast %lt3A_659 : i32 to vector<16xi32>
      %lt3A_661 = arith.cmpi slt, %add3A_658, %lt3A_660 : vector<16xi32>
      %broadcast_in_dim3A_662 = arith.constant 256 : i32
      %broadcast_in_dim3A_663 = vector.broadcast %broadcast_in_dim3A_662 : i32 to vector<16xi32>
      %select_n3A_664 = arith.select %lt3A_661, %gather3A_654, %broadcast_in_dim3A_663 : vector<16xi1>, vector<16xi32>
      %broadcast_in_dim3A_665 = arith.constant true
      %broadcast_in_dim3A_666 = vector.broadcast %broadcast_in_dim3A_665 : i1 to vector<16xi1>
      %unique3A_667, %unique3A_668 = tpu.scan_count mask(%broadcast_in_dim3A_666 : vector<16xi1>) value(%select_n3A_664 : vector<16xi32>) : vector<16xi1>, vector<16xi32>
      %shift_right_logical3A_669 = arith.constant 4 : i32
      %shift_right_logical3A_670 = vector.broadcast %shift_right_logical3A_669 : i32 to vector<16xi32>
      %shift_right_logical3A_671 = arith.shrui %select_n3A_664, %shift_right_logical3A_670 : vector<16xi32>
      %and3A_672 = arith.constant 15 : i32
      %and3A_673 = vector.broadcast %and3A_672 : i32 to vector<16xi32>
      %and3A_674 = arith.andi %select_n3A_664, %and3A_673 : vector<16xi32>
      %convert_element_type3A_675 = arith.sitofp %unique3A_668 : vector<16xi32> to vector<16xf32>
      tpu.vector_store_idx %arg12[%shift_right_logical3A_671, %and3A_674], %convert_element_type3A_675 masked %unique3A_667 {add = true} : memref<32x16xf32, #tpu.memory_space<vmem>>[vector<16xi32>, vector<16xi32>], vector<16xf32>, vector<16xi1>
      %mul3A_676 = arith.constant 16 : i32
      %mul3A_677 = arith.muli %scan3A_648, %mul3A_676 : i32
      %get3A_678 = arith.constant 1 : i32
      %get3A_679 = arith.constant 0 : i32
      %get3A_680 = arith.index_cast %get3A_678 : i32 to index
      %get3A_681 = arith.index_cast %get3A_679 : i32 to index
      %get3A_682 = arith.index_cast %mul3A_677 : i32 to index
      %get3A_683 = tpu.vector_load %arg9[%get3A_680, %get3A_681, %get3A_682] {strides = array<i32>} : memref<3x16x2048xf32, #tpu.memory_space<vmem>>, vector<16xf32>,
      %broadcast_in_dim3A_684 = arith.constant 0 : i32
      %broadcast_in_dim3A_685 = vector.broadcast %broadcast_in_dim3A_684 : i32 to vector<16xi32>
      tpu.vector_store_idx %arg10[%broadcast_in_dim3A_685, %select_n3A_664], %get3A_683 {add = true} : memref<16x272xf32, #tpu.memory_space<vmem>>[vector<16xi32>, vector<16xi32>], vector<16xf32>,
      %mul3A_686 = arith.constant 16 : i32
      %mul3A_687 = arith.muli %scan3A_648, %mul3A_686 : i32
      %get3A_688 = arith.constant 1 : i32
      %get3A_689 = arith.constant 1 : i32
      %get3A_690 = arith.index_cast %get3A_688 : i32 to index
      %get3A_691 = arith.index_cast %get3A_689 : i32 to index
      %get3A_692 = arith.index_cast %mul3A_687 : i32 to index
      %get3A_693 = tpu.vector_load %arg9[%get3A_690, %get3A_691, %get3A_692] {strides = array<i32>} : memref<3x16x2048xf32, #tpu.memory_space<vmem>>, vector<16xf32>,
      %broadcast_in_dim3A_694 = arith.constant 1 : i32
      %broadcast_in_dim3A_695 = vector.broadcast %broadcast_in_dim3A_694 : i32 to vector<16xi32>
      tpu.vector_store_idx %arg10[%broadcast_in_dim3A_695, %select_n3A_664], %get3A_693 {add = true} : memref<16x272xf32, #tpu.memory_space<vmem>>[vector<16xi32>, vector<16xi32>], vector<16xf32>,
      %mul3A_696 = arith.constant 16 : i32
      %mul3A_697 = arith.muli %scan3A_648, %mul3A_696 : i32
      %get3A_698 = arith.constant 1 : i32
      %get3A_699 = arith.constant 2 : i32
      %get3A_700 = arith.index_cast %get3A_698 : i32 to index
      %get3A_701 = arith.index_cast %get3A_699 : i32 to index
      %get3A_702 = arith.index_cast %mul3A_697 : i32 to index
      %get3A_703 = tpu.vector_load %arg9[%get3A_700, %get3A_701, %get3A_702] {strides = array<i32>} : memref<3x16x2048xf32, #tpu.memory_space<vmem>>, vector<16xf32>,
      %broadcast_in_dim3A_704 = arith.constant 2 : i32
      %broadcast_in_dim3A_705 = vector.broadcast %broadcast_in_dim3A_704 : i32 to vector<16xi32>
      tpu.vector_store_idx %arg10[%broadcast_in_dim3A_705, %select_n3A_664], %get3A_703 {add = true} : memref<16x272xf32, #tpu.memory_space<vmem>>[vector<16xi32>, vector<16xi32>], vector<16xf32>,
      %mul3A_706 = arith.constant 16 : i32
      %mul3A_707 = arith.muli %scan3A_648, %mul3A_706 : i32
      %get3A_708 = arith.constant 1 : i32
      %get3A_709 = arith.constant 3 : i32
      %get3A_710 = arith.index_cast %get3A_708 : i32 to index
      %get3A_711 = arith.index_cast %get3A_709 : i32 to index
      %get3A_712 = arith.index_cast %mul3A_707 : i32 to index
      %get3A_713 = tpu.vector_load %arg9[%get3A_710, %get3A_711, %get3A_712] {strides = array<i32>} : memref<3x16x2048xf32, #tpu.memory_space<vmem>>, vector<16xf32>,
      %broadcast_in_dim3A_714 = arith.constant 3 : i32
      %broadcast_in_dim3A_715 = vector.broadcast %broadcast_in_dim3A_714 : i32 to vector<16xi32>
      tpu.vector_store_idx %arg10[%broadcast_in_dim3A_715, %select_n3A_664], %get3A_713 {add = true} : memref<16x272xf32, #tpu.memory_space<vmem>>[vector<16xi32>, vector<16xi32>], vector<16xf32>,
      %mul3A_716 = arith.constant 16 : i32
      %mul3A_717 = arith.muli %scan3A_648, %mul3A_716 : i32
      %get3A_718 = arith.constant 1 : i32
      %get3A_719 = arith.constant 4 : i32
      %get3A_720 = arith.index_cast %get3A_718 : i32 to index
      %get3A_721 = arith.index_cast %get3A_719 : i32 to index
      %get3A_722 = arith.index_cast %mul3A_717 : i32 to index
      %get3A_723 = tpu.vector_load %arg9[%get3A_720, %get3A_721, %get3A_722] {strides = array<i32>} : memref<3x16x2048xf32, #tpu.memory_space<vmem>>, vector<16xf32>,
      %broadcast_in_dim3A_724 = arith.constant 4 : i32
      %broadcast_in_dim3A_725 = vector.broadcast %broadcast_in_dim3A_724 : i32 to vector<16xi32>
      tpu.vector_store_idx %arg10[%broadcast_in_dim3A_725, %select_n3A_664], %get3A_723 {add = true} : memref<16x272xf32, #tpu.memory_space<vmem>>[vector<16xi32>, vector<16xi32>], vector<16xf32>,
      %mul3A_726 = arith.constant 16 : i32
      %mul3A_727 = arith.muli %scan3A_648, %mul3A_726 : i32
      %get3A_728 = arith.constant 1 : i32
      %get3A_729 = arith.constant 5 : i32
      %get3A_730 = arith.index_cast %get3A_728 : i32 to index
      %get3A_731 = arith.index_cast %get3A_729 : i32 to index
      %get3A_732 = arith.index_cast %mul3A_727 : i32 to index
      %get3A_733 = tpu.vector_load %arg9[%get3A_730, %get3A_731, %get3A_732] {strides = array<i32>} : memref<3x16x2048xf32, #tpu.memory_space<vmem>>, vector<16xf32>,
      %broadcast_in_dim3A_734 = arith.constant 5 : i32
      %broadcast_in_dim3A_735 = vector.broadcast %broadcast_in_dim3A_734 : i32 to vector<16xi32>
      tpu.vector_store_idx %arg10[%broadcast_in_dim3A_735, %select_n3A_664], %get3A_733 {add = true} : memref<16x272xf32, #tpu.memory_space<vmem>>[vector<16xi32>, vector<16xi32>], vector<16xf32>,
      %mul3A_736 = arith.constant 16 : i32
      %mul3A_737 = arith.muli %scan3A_648, %mul3A_736 : i32
      %get3A_738 = arith.constant 1 : i32
      %get3A_739 = arith.constant 6 : i32
      %get3A_740 = arith.index_cast %get3A_738 : i32 to index
      %get3A_741 = arith.index_cast %get3A_739 : i32 to index
      %get3A_742 = arith.index_cast %mul3A_737 : i32 to index
      %get3A_743 = tpu.vector_load %arg9[%get3A_740, %get3A_741, %get3A_742] {strides = array<i32>} : memref<3x16x2048xf32, #tpu.memory_space<vmem>>, vector<16xf32>,
      %broadcast_in_dim3A_744 = arith.constant 6 : i32
      %broadcast_in_dim3A_745 = vector.broadcast %broadcast_in_dim3A_744 : i32 to vector<16xi32>
      tpu.vector_store_idx %arg10[%broadcast_in_dim3A_745, %select_n3A_664], %get3A_743 {add = true} : memref<16x272xf32, #tpu.memory_space<vmem>>[vector<16xi32>, vector<16xi32>], vector<16xf32>,
      %mul3A_746 = arith.constant 16 : i32
      %mul3A_747 = arith.muli %scan3A_648, %mul3A_746 : i32
      %get3A_748 = arith.constant 1 : i32
      %get3A_749 = arith.constant 7 : i32
      %get3A_750 = arith.index_cast %get3A_748 : i32 to index
      %get3A_751 = arith.index_cast %get3A_749 : i32 to index
      %get3A_752 = arith.index_cast %mul3A_747 : i32 to index
      %get3A_753 = tpu.vector_load %arg9[%get3A_750, %get3A_751, %get3A_752] {strides = array<i32>} : memref<3x16x2048xf32, #tpu.memory_space<vmem>>, vector<16xf32>,
      %broadcast_in_dim3A_754 = arith.constant 7 : i32
      %broadcast_in_dim3A_755 = vector.broadcast %broadcast_in_dim3A_754 : i32 to vector<16xi32>
      tpu.vector_store_idx %arg10[%broadcast_in_dim3A_755, %select_n3A_664], %get3A_753 {add = true} : memref<16x272xf32, #tpu.memory_space<vmem>>[vector<16xi32>, vector<16xi32>], vector<16xf32>,
      %mul3A_756 = arith.constant 16 : i32
      %mul3A_757 = arith.muli %scan3A_648, %mul3A_756 : i32
      %get3A_758 = arith.constant 1 : i32
      %get3A_759 = arith.constant 8 : i32
      %get3A_760 = arith.index_cast %get3A_758 : i32 to index
      %get3A_761 = arith.index_cast %get3A_759 : i32 to index
      %get3A_762 = arith.index_cast %mul3A_757 : i32 to index
      %get3A_763 = tpu.vector_load %arg9[%get3A_760, %get3A_761, %get3A_762] {strides = array<i32>} : memref<3x16x2048xf32, #tpu.memory_space<vmem>>, vector<16xf32>,
      %broadcast_in_dim3A_764 = arith.constant 8 : i32
      %broadcast_in_dim3A_765 = vector.broadcast %broadcast_in_dim3A_764 : i32 to vector<16xi32>
      tpu.vector_store_idx %arg10[%broadcast_in_dim3A_765, %select_n3A_664], %get3A_763 {add = true} : memref<16x272xf32, #tpu.memory_space<vmem>>[vector<16xi32>, vector<16xi32>], vector<16xf32>,
      %mul3A_766 = arith.constant 16 : i32
      %mul3A_767 = arith.muli %scan3A_648, %mul3A_766 : i32
      %get3A_768 = arith.constant 1 : i32
      %get3A_769 = arith.constant 9 : i32
      %get3A_770 = arith.index_cast %get3A_768 : i32 to index
      %get3A_771 = arith.index_cast %get3A_769 : i32 to index
      %get3A_772 = arith.index_cast %mul3A_767 : i32 to index
      %get3A_773 = tpu.vector_load %arg9[%get3A_770, %get3A_771, %get3A_772] {strides = array<i32>} : memref<3x16x2048xf32, #tpu.memory_space<vmem>>, vector<16xf32>,
      %broadcast_in_dim3A_774 = arith.constant 9 : i32
      %broadcast_in_dim3A_775 = vector.broadcast %broadcast_in_dim3A_774 : i32 to vector<16xi32>
      tpu.vector_store_idx %arg10[%broadcast_in_dim3A_775, %select_n3A_664], %get3A_773 {add = true} : memref<16x272xf32, #tpu.memory_space<vmem>>[vector<16xi32>, vector<16xi32>], vector<16xf32>,
      %mul3A_776 = arith.constant 16 : i32
      %mul3A_777 = arith.muli %scan3A_648, %mul3A_776 : i32
      %get3A_778 = arith.constant 1 : i32
      %get3A_779 = arith.constant 10 : i32
      %get3A_780 = arith.index_cast %get3A_778 : i32 to index
      %get3A_781 = arith.index_cast %get3A_779 : i32 to index
      %get3A_782 = arith.index_cast %mul3A_777 : i32 to index
      %get3A_783 = tpu.vector_load %arg9[%get3A_780, %get3A_781, %get3A_782] {strides = array<i32>} : memref<3x16x2048xf32, #tpu.memory_space<vmem>>, vector<16xf32>,
      %broadcast_in_dim3A_784 = arith.constant 10 : i32
      %broadcast_in_dim3A_785 = vector.broadcast %broadcast_in_dim3A_784 : i32 to vector<16xi32>
      tpu.vector_store_idx %arg10[%broadcast_in_dim3A_785, %select_n3A_664], %get3A_783 {add = true} : memref<16x272xf32, #tpu.memory_space<vmem>>[vector<16xi32>, vector<16xi32>], vector<16xf32>,
      %mul3A_786 = arith.constant 16 : i32
      %mul3A_787 = arith.muli %scan3A_648, %mul3A_786 : i32
      %get3A_788 = arith.constant 1 : i32
      %get3A_789 = arith.constant 11 : i32
      %get3A_790 = arith.index_cast %get3A_788 : i32 to index
      %get3A_791 = arith.index_cast %get3A_789 : i32 to index
      %get3A_792 = arith.index_cast %mul3A_787 : i32 to index
      %get3A_793 = tpu.vector_load %arg9[%get3A_790, %get3A_791, %get3A_792] {strides = array<i32>} : memref<3x16x2048xf32, #tpu.memory_space<vmem>>, vector<16xf32>,
      %broadcast_in_dim3A_794 = arith.constant 11 : i32
      %broadcast_in_dim3A_795 = vector.broadcast %broadcast_in_dim3A_794 : i32 to vector<16xi32>
      tpu.vector_store_idx %arg10[%broadcast_in_dim3A_795, %select_n3A_664], %get3A_793 {add = true} : memref<16x272xf32, #tpu.memory_space<vmem>>[vector<16xi32>, vector<16xi32>], vector<16xf32>,
      %mul3A_796 = arith.constant 16 : i32
      %mul3A_797 = arith.muli %scan3A_648, %mul3A_796 : i32
      %get3A_798 = arith.constant 1 : i32
      %get3A_799 = arith.constant 12 : i32
      %get3A_800 = arith.index_cast %get3A_798 : i32 to index
      %get3A_801 = arith.index_cast %get3A_799 : i32 to index
      %get3A_802 = arith.index_cast %mul3A_797 : i32 to index
      %get3A_803 = tpu.vector_load %arg9[%get3A_800, %get3A_801, %get3A_802] {strides = array<i32>} : memref<3x16x2048xf32, #tpu.memory_space<vmem>>, vector<16xf32>,
      %broadcast_in_dim3A_804 = arith.constant 12 : i32
      %broadcast_in_dim3A_805 = vector.broadcast %broadcast_in_dim3A_804 : i32 to vector<16xi32>
      tpu.vector_store_idx %arg10[%broadcast_in_dim3A_805, %select_n3A_664], %get3A_803 {add = true} : memref<16x272xf32, #tpu.memory_space<vmem>>[vector<16xi32>, vector<16xi32>], vector<16xf32>,
      %mul3A_806 = arith.constant 16 : i32
      %mul3A_807 = arith.muli %scan3A_648, %mul3A_806 : i32
      %get3A_808 = arith.constant 1 : i32
      %get3A_809 = arith.constant 13 : i32
      %get3A_810 = arith.index_cast %get3A_808 : i32 to index
      %get3A_811 = arith.index_cast %get3A_809 : i32 to index
      %get3A_812 = arith.index_cast %mul3A_807 : i32 to index
      %get3A_813 = tpu.vector_load %arg9[%get3A_810, %get3A_811, %get3A_812] {strides = array<i32>} : memref<3x16x2048xf32, #tpu.memory_space<vmem>>, vector<16xf32>,
      %broadcast_in_dim3A_814 = arith.constant 13 : i32
      %broadcast_in_dim3A_815 = vector.broadcast %broadcast_in_dim3A_814 : i32 to vector<16xi32>
      tpu.vector_store_idx %arg10[%broadcast_in_dim3A_815, %select_n3A_664], %get3A_813 {add = true} : memref<16x272xf32, #tpu.memory_space<vmem>>[vector<16xi32>, vector<16xi32>], vector<16xf32>,
      %mul3A_816 = arith.constant 16 : i32
      %mul3A_817 = arith.muli %scan3A_648, %mul3A_816 : i32
      %get3A_818 = arith.constant 1 : i32
      %get3A_819 = arith.constant 14 : i32
      %get3A_820 = arith.index_cast %get3A_818 : i32 to index
      %get3A_821 = arith.index_cast %get3A_819 : i32 to index
      %get3A_822 = arith.index_cast %mul3A_817 : i32 to index
      %get3A_823 = tpu.vector_load %arg9[%get3A_820, %get3A_821, %get3A_822] {strides = array<i32>} : memref<3x16x2048xf32, #tpu.memory_space<vmem>>, vector<16xf32>,
      %broadcast_in_dim3A_824 = arith.constant 14 : i32
      %broadcast_in_dim3A_825 = vector.broadcast %broadcast_in_dim3A_824 : i32 to vector<16xi32>
      tpu.vector_store_idx %arg10[%broadcast_in_dim3A_825, %select_n3A_664], %get3A_823 {add = true} : memref<16x272xf32, #tpu.memory_space<vmem>>[vector<16xi32>, vector<16xi32>], vector<16xf32>,
      %mul3A_826 = arith.constant 16 : i32
      %mul3A_827 = arith.muli %scan3A_648, %mul3A_826 : i32
      %get3A_828 = arith.constant 1 : i32
      %get3A_829 = arith.constant 15 : i32
      %get3A_830 = arith.index_cast %get3A_828 : i32 to index
      %get3A_831 = arith.index_cast %get3A_829 : i32 to index
      %get3A_832 = arith.index_cast %mul3A_827 : i32 to index
      %get3A_833 = tpu.vector_load %arg9[%get3A_830, %get3A_831, %get3A_832] {strides = array<i32>} : memref<3x16x2048xf32, #tpu.memory_space<vmem>>, vector<16xf32>,
      %broadcast_in_dim3A_834 = arith.constant 15 : i32
      %broadcast_in_dim3A_835 = vector.broadcast %broadcast_in_dim3A_834 : i32 to vector<16xi32>
      tpu.vector_store_idx %arg10[%broadcast_in_dim3A_835, %select_n3A_664], %get3A_833 {add = true} : memref<16x272xf32, #tpu.memory_space<vmem>>[vector<16xi32>, vector<16xi32>], vector<16xf32>,
    }
    %scan3A_451 = arith.constant 128 : i32
    %scan3A_452 = arith.constant 0 : i32
    %scan3A_453 = arith.constant 0 : i32
    %scan3A_454 = arith.constant 256 : i32
    %scan3A_455 = arith.addi %scan3A_453, %scan3A_454 : i32
    %scan3A_456 = arith.constant 4 : i32
    scf.for %scan3A_465 = %scan3A_453 to %scan3A_455 step %scan3A_456  : i32 {
      %broadcast_in_dim3A = arith.constant 0 : i32
      %broadcast_in_dim3A_466 = vector.broadcast %broadcast_in_dim3A : i32 to vector<16xi32>
      %add3A_467 = vector.broadcast %scan3A_465 : i32 to vector<16xi32>
      %add3A_468 = arith.addi %broadcast_in_dim3A_466, %add3A_467 : vector<16xi32>
      %gather3A = tpu.vector_load_idx %arg10[%iota3A, %add3A_468] : memref<16x272xf32, #tpu.memory_space<vmem>>[vector<16xi32>, vector<16xi32>], vector<16xf32>,
      %swap3A_469 = arith.index_cast %scan3A_465 : i32 to index
      %swap3A_470 = arith.constant 0 : index
      %swap3A_471 = tpu.vector_load %arg11[%swap3A_469, %swap3A_470] {strides = array<i32>} : memref<272x16xf32, #tpu.memory_space<vmem>>, vector<16xf32>,
      tpu.vector_store %arg11[%swap3A_469, %swap3A_470], %gather3A {strides = array<i32>} : memref<272x16xf32, #tpu.memory_space<vmem>>, vector<16xf32>,
      %scan3A_472 = arith.constant 1 : i32
      %scan3A_473 = arith.addi %scan3A_465, %scan3A_472 : i32
      %broadcast_in_dim3A_474 = arith.constant 0 : i32
      %broadcast_in_dim3A_475 = vector.broadcast %broadcast_in_dim3A_474 : i32 to vector<16xi32>
      %add3A_476 = vector.broadcast %scan3A_473 : i32 to vector<16xi32>
      %add3A_477 = arith.addi %broadcast_in_dim3A_475, %add3A_476 : vector<16xi32>
      %gather3A_478 = tpu.vector_load_idx %arg10[%iota3A, %add3A_477] : memref<16x272xf32, #tpu.memory_space<vmem>>[vector<16xi32>, vector<16xi32>], vector<16xf32>,
      %swap3A_479 = arith.index_cast %scan3A_473 : i32 to index
      %swap3A_480 = arith.constant 0 : index
      %swap3A_481 = tpu.vector_load %arg11[%swap3A_479, %swap3A_480] {strides = array<i32>} : memref<272x16xf32, #tpu.memory_space<vmem>>, vector<16xf32>,
      tpu.vector_store %arg11[%swap3A_479, %swap3A_480], %gather3A_478 {strides = array<i32>} : memref<272x16xf32, #tpu.memory_space<vmem>>, vector<16xf32>,
      %scan3A_482 = arith.constant 2 : i32
      %scan3A_483 = arith.addi %scan3A_465, %scan3A_482 : i32
      %broadcast_in_dim3A_484 = arith.constant 0 : i32
      %broadcast_in_dim3A_485 = vector.broadcast %broadcast_in_dim3A_484 : i32 to vector<16xi32>
      %add3A_486 = vector.broadcast %scan3A_483 : i32 to vector<16xi32>
      %add3A_487 = arith.addi %broadcast_in_dim3A_485, %add3A_486 : vector<16xi32>
      %gather3A_488 = tpu.vector_load_idx %arg10[%iota3A, %add3A_487] : memref<16x272xf32, #tpu.memory_space<vmem>>[vector<16xi32>, vector<16xi32>], vector<16xf32>,
      %swap3A_489 = arith.index_cast %scan3A_483 : i32 to index
      %swap3A_490 = arith.constant 0 : index
      %swap3A_491 = tpu.vector_load %arg11[%swap3A_489, %swap3A_490] {strides = array<i32>} : memref<272x16xf32, #tpu.memory_space<vmem>>, vector<16xf32>,
      tpu.vector_store %arg11[%swap3A_489, %swap3A_490], %gather3A_488 {strides = array<i32>} : memref<272x16xf32, #tpu.memory_space<vmem>>, vector<16xf32>,
      %scan3A_492 = arith.constant 3 : i32
      %scan3A_493 = arith.addi %scan3A_465, %scan3A_492 : i32
      %broadcast_in_dim3A_494 = arith.constant 0 : i32
      %broadcast_in_dim3A_495 = vector.broadcast %broadcast_in_dim3A_494 : i32 to vector<16xi32>
      %add3A_496 = vector.broadcast %scan3A_493 : i32 to vector<16xi32>
      %add3A_497 = arith.addi %broadcast_in_dim3A_495, %add3A_496 : vector<16xi32>
      %gather3A_498 = tpu.vector_load_idx %arg10[%iota3A, %add3A_497] : memref<16x272xf32, #tpu.memory_space<vmem>>[vector<16xi32>, vector<16xi32>], vector<16xf32>,
      %swap3A_499 = arith.index_cast %scan3A_493 : i32 to index
      %swap3A_500 = arith.constant 0 : index
      %swap3A_501 = tpu.vector_load %arg11[%swap3A_499, %swap3A_500] {strides = array<i32>} : memref<272x16xf32, #tpu.memory_space<vmem>>, vector<16xf32>,
      tpu.vector_store %arg11[%swap3A_499, %swap3A_500], %gather3A_498 {strides = array<i32>} : memref<272x16xf32, #tpu.memory_space<vmem>>, vector<16xf32>,
    }
    %scan3A_457 = arith.constant 256 : i32
    %run_scoped3A = arith.constant 0 : i32
    "tpu.region"() ({
      %run_scoped3A_465 = tpu.sem_alloc : memref<!tpu.dma_semaphore, #tpu.memory_space<semaphore_mem>>
      %dma_start3A_466 = arith.constant 0 : i32
      %dma_start3A_467 = arith.constant 0 : i32
      %dma_start3A_468 = tpu.memref_slice %arg11[%dma_start3A_466, %dma_start3A_467] : memref<272x16xf32, #tpu.memory_space<vmem>> -> memref<128x16xf32, #tpu.memory_space<vmem>>
      %dma_start3A_469 = arith.constant 0 : i32
      %dma_start3A_470 = tpu.memref_slice %arg15[%run_scoped3A, %dma_start3A_469] : memref<2x128xi32, #tpu.memory_space<vmem>> -> memref<1x128xi32, #tpu.memory_space<vmem>>
      %dma_start3A_471 = tpu.memref_squeeze %dma_start3A_470 : memref<1x128xi32, #tpu.memory_space<vmem>> -> memref<128xi32, #tpu.memory_space<vmem>>
      %dma_start3A_472 = arith.constant 0 : i32
      %dma_start3A_473 = arith.constant 0 : i32
      %dma_start3A_474 = tpu.memref_slice %arg19[%dma_start3A_472, %dma_start3A_473] : memref<272x16xf32, #tpu.memory_space<vmem_shared>> -> memref<272x16xf32, #tpu.memory_space<vmem_shared>>
      tpu.enqueue_indirect_dma source(%dma_start3A_468 : memref<128x16xf32, #tpu.memory_space<vmem>>) target(%dma_start3A_474 : memref<272x16xf32, #tpu.memory_space<vmem_shared>>) offsets(%dma_start3A_471 : memref<128xi32, #tpu.memory_space<vmem>>) semaphore(%run_scoped3A_465 : memref<!tpu.dma_semaphore, #tpu.memory_space<semaphore_mem>>) {add = true}
      %dma_wait3A_475 = arith.constant 0 : i32
      %dma_wait3A_476 = arith.constant 0 : i32
      %dma_wait3A_477 = tpu.memref_slice %arg11[%dma_wait3A_475, %dma_wait3A_476] : memref<272x16xf32, #tpu.memory_space<vmem>> -> memref<128x16xf32, #tpu.memory_space<vmem>>
      %dma_wait3A_478 = arith.constant 0 : i32
      %dma_wait3A_479 = tpu.memref_slice %arg15[%run_scoped3A, %dma_wait3A_478] : memref<2x128xi32, #tpu.memory_space<vmem>> -> memref<1x128xi32, #tpu.memory_space<vmem>>
      %dma_wait3A_480 = tpu.memref_squeeze %dma_wait3A_479 : memref<1x128xi32, #tpu.memory_space<vmem>> -> memref<128xi32, #tpu.memory_space<vmem>>
      %dma_wait3A_481 = arith.constant 0 : i32
      %dma_wait3A_482 = arith.constant 0 : i32
      %dma_wait3A_483 = tpu.memref_slice %arg19[%dma_wait3A_481, %dma_wait3A_482] : memref<272x16xf32, #tpu.memory_space<vmem_shared>> -> memref<272x16xf32, #tpu.memory_space<vmem_shared>>
      tpu.wait_indirect_dma semaphore(%run_scoped3A_465 : memref<!tpu.dma_semaphore, #tpu.memory_space<semaphore_mem>>) src(%dma_wait3A_477 : memref<128x16xf32, #tpu.memory_space<vmem>>) dst(%dma_wait3A_483 : memref<272x16xf32, #tpu.memory_space<vmem_shared>>)
      tpu.yield
    }) : () -> ()
    %run_scoped3A_458 = arith.constant 1 : i32
    "tpu.region"() ({
      %run_scoped3A_465 = tpu.sem_alloc : memref<!tpu.dma_semaphore, #tpu.memory_space<semaphore_mem>>
      %dma_start3A_466 = arith.constant 128 : i32
      %dma_start3A_467 = arith.constant 0 : i32
      %dma_start3A_468 = tpu.memref_slice %arg11[%dma_start3A_466, %dma_start3A_467] : memref<272x16xf32, #tpu.memory_space<vmem>> -> memref<128x16xf32, #tpu.memory_space<vmem>>
      %dma_start3A_469 = arith.constant 0 : i32
      %dma_start3A_470 = tpu.memref_slice %arg15[%run_scoped3A_458, %dma_start3A_469] : memref<2x128xi32, #tpu.memory_space<vmem>> -> memref<1x128xi32, #tpu.memory_space<vmem>>
      %dma_start3A_471 = tpu.memref_squeeze %dma_start3A_470 : memref<1x128xi32, #tpu.memory_space<vmem>> -> memref<128xi32, #tpu.memory_space<vmem>>
      %dma_start3A_472 = arith.constant 0 : i32
      %dma_start3A_473 = arith.constant 0 : i32
      %dma_start3A_474 = tpu.memref_slice %arg19[%dma_start3A_472, %dma_start3A_473] : memref<272x16xf32, #tpu.memory_space<vmem_shared>> -> memref<272x16xf32, #tpu.memory_space<vmem_shared>>
      tpu.enqueue_indirect_dma source(%dma_start3A_468 : memref<128x16xf32, #tpu.memory_space<vmem>>) target(%dma_start3A_474 : memref<272x16xf32, #tpu.memory_space<vmem_shared>>) offsets(%dma_start3A_471 : memref<128xi32, #tpu.memory_space<vmem>>) semaphore(%run_scoped3A_465 : memref<!tpu.dma_semaphore, #tpu.memory_space<semaphore_mem>>) {add = true}
      %dma_wait3A_475 = arith.constant 128 : i32
      %dma_wait3A_476 = arith.constant 0 : i32
      %dma_wait3A_477 = tpu.memref_slice %arg11[%dma_wait3A_475, %dma_wait3A_476] : memref<272x16xf32, #tpu.memory_space<vmem>> -> memref<128x16xf32, #tpu.memory_space<vmem>>
      %dma_wait3A_478 = arith.constant 0 : i32
      %dma_wait3A_479 = tpu.memref_slice %arg15[%run_scoped3A_458, %dma_wait3A_478] : memref<2x128xi32, #tpu.memory_space<vmem>> -> memref<1x128xi32, #tpu.memory_space<vmem>>
      %dma_wait3A_480 = tpu.memref_squeeze %dma_wait3A_479 : memref<1x128xi32, #tpu.memory_space<vmem>> -> memref<128xi32, #tpu.memory_space<vmem>>
      %dma_wait3A_481 = arith.constant 0 : i32
      %dma_wait3A_482 = arith.constant 0 : i32
      %dma_wait3A_483 = tpu.memref_slice %arg19[%dma_wait3A_481, %dma_wait3A_482] : memref<272x16xf32, #tpu.memory_space<vmem_shared>> -> memref<272x16xf32, #tpu.memory_space<vmem_shared>>
      tpu.wait_indirect_dma semaphore(%run_scoped3A_465 : memref<!tpu.dma_semaphore, #tpu.memory_space<semaphore_mem>>) src(%dma_wait3A_477 : memref<128x16xf32, #tpu.memory_space<vmem>>) dst(%dma_wait3A_483 : memref<272x16xf32, #tpu.memory_space<vmem_shared>>)
      tpu.yield
    }) : () -> ()
    "tpu.region"() ({
      %run_scoped3A_465 = tpu.sem_alloc : memref<!tpu.dma_semaphore, #tpu.memory_space<semaphore_mem>>
      %dma_start3A_466 = arith.constant 0 : i32
      %dma_start3A_467 = arith.constant 0 : i32
      %dma_start3A_468 = tpu.memref_slice %arg20[%dma_start3A_466, %dma_start3A_467] : memref<32x16xf32, #tpu.memory_space<vmem_shared>> -> memref<32x16xf32, #tpu.memory_space<vmem_shared>>
      tpu.enqueue_indirect_dma source(%arg12 : memref<32x16xf32, #tpu.memory_space<vmem>>) target(%dma_start3A_468 : memref<32x16xf32, #tpu.memory_space<vmem_shared>>) offsets(%arg14 : memref<32xi32, #tpu.memory_space<vmem>>) semaphore(%run_scoped3A_465 : memref<!tpu.dma_semaphore, #tpu.memory_space<semaphore_mem>>) {add = true}
      %dma_wait3A_469 = arith.constant 0 : i32
      %dma_wait3A_470 = arith.constant 0 : i32
      %dma_wait3A_471 = tpu.memref_slice %arg20[%dma_wait3A_469, %dma_wait3A_470] : memref<32x16xf32, #tpu.memory_space<vmem_shared>> -> memref<32x16xf32, #tpu.memory_space<vmem_shared>>
      tpu.wait_indirect_dma semaphore(%run_scoped3A_465 : memref<!tpu.dma_semaphore, #tpu.memory_space<semaphore_mem>>) src(%arg12 : memref<32x16xf32, #tpu.memory_space<vmem>>) dst(%dma_wait3A_471 : memref<32x16xf32, #tpu.memory_space<vmem_shared>>)
      tpu.yield
    }) : () -> ()
    %barrier3A_459 = arith.constant 0 : index
    tpu.barrier barrier_id(%barrier3A_459)
    %eq3A_460 = arith.constant 0 : i32
    %eq3A_461 = arith.cmpi eq, %arg1, %eq3A_460 : i32
    %convert_element_type3A_462 = arith.extui %eq3A_461 : i1 to i32
    %cond3A_463 = arith.constant 0 : i32
    %cond3A_464 = arith.cmpi ne, %convert_element_type3A_462, %cond3A_463 : i32
    scf.if %cond3A_464 {
      "tpu.region"() ({
        %run_scoped3A_465 = tpu.sem_alloc : memref<!tpu.dma_semaphore, #tpu.memory_space<semaphore_mem>>
        %dma_start3A_466 = arith.constant 0 : i32
        %dma_start3A_467 = arith.constant 0 : i32
        %dma_start3A_468 = tpu.memref_slice %arg5[%arg0, %dma_start3A_466, %dma_start3A_467] : memref<2x256x16xf32, #tpu.memory_space<hbm>> -> memref<1x256x16xf32, #tpu.memory_space<hbm>>
        %dma_start3A_469 = tpu.memref_squeeze %dma_start3A_468 : memref<1x256x16xf32, #tpu.memory_space<hbm>> -> memref<256x16xf32, #tpu.memory_space<hbm>>
        %dma_start3A_470 = arith.constant 0 : i32
        %dma_start3A_471 = arith.constant 0 : i32
        %dma_start3A_472 = tpu.memref_slice %arg19[%dma_start3A_470, %dma_start3A_471] : memref<272x16xf32, #tpu.memory_space<vmem_shared>> -> memref<256x16xf32, #tpu.memory_space<vmem_shared>>
        tpu.enqueue_dma source(%dma_start3A_472 : memref<256x16xf32, #tpu.memory_space<vmem_shared>>) target(%dma_start3A_469 : memref<256x16xf32, #tpu.memory_space<hbm>>) target_semaphore(%run_scoped3A_465 : memref<!tpu.dma_semaphore, #tpu.memory_space<semaphore_mem>>)
        %dma_wait3A_473 = arith.constant 0 : i32
        %dma_wait3A_474 = arith.constant 0 : i32
        %dma_wait3A_475 = tpu.memref_slice %arg5[%arg0, %dma_wait3A_473, %dma_wait3A_474] : memref<2x256x16xf32, #tpu.memory_space<hbm>> -> memref<1x256x16xf32, #tpu.memory_space<hbm>>
        %dma_wait3A_476 = tpu.memref_squeeze %dma_wait3A_475 : memref<1x256x16xf32, #tpu.memory_space<hbm>> -> memref<256x16xf32, #tpu.memory_space<hbm>>
        %dma_wait3A_477 = arith.constant 0 : i32
        %dma_wait3A_478 = arith.constant 0 : i32
        %dma_wait3A_479 = tpu.memref_slice %arg19[%dma_wait3A_477, %dma_wait3A_478] : memref<272x16xf32, #tpu.memory_space<vmem_shared>> -> memref<256x16xf32, #tpu.memory_space<vmem_shared>>
        tpu.wait_dma2 semaphore(%run_scoped3A_465 : memref<!tpu.dma_semaphore, #tpu.memory_space<semaphore_mem>>) src(%dma_wait3A_479 : memref<256x16xf32, #tpu.memory_space<vmem_shared>>) dst(%dma_wait3A_476 : memref<256x16xf32, #tpu.memory_space<hbm>>)
        tpu.yield
      }) : () -> ()
      "tpu.region"() ({
        %run_scoped3A_465 = tpu.sem_alloc : memref<!tpu.dma_semaphore, #tpu.memory_space<semaphore_mem>>
        %dma_start3A_466 = arith.constant 0 : i32
        %dma_start3A_467 = arith.constant 0 : i32
        %dma_start3A_468 = tpu.memref_slice %arg6[%arg0, %dma_start3A_466, %dma_start3A_467] : memref<2x32x16xf32, #tpu.memory_space<hbm>> -> memref<1x32x16xf32, #tpu.memory_space<hbm>>
        %dma_start3A_469 = tpu.memref_squeeze %dma_start3A_468 : memref<1x32x16xf32, #tpu.memory_space<hbm>> -> memref<32x16xf32, #tpu.memory_space<hbm>>
        tpu.enqueue_dma source(%arg20 : memref<32x16xf32, #tpu.memory_space<vmem_shared>>) target(%dma_start3A_469 : memref<32x16xf32, #tpu.memory_space<hbm>>) target_semaphore(%run_scoped3A_465 : memref<!tpu.dma_semaphore, #tpu.memory_space<semaphore_mem>>)
        %dma_wait3A_470 = arith.constant 0 : i32
        %dma_wait3A_471 = arith.constant 0 : i32
        %dma_wait3A_472 = tpu.memref_slice %arg6[%arg0, %dma_wait3A_470, %dma_wait3A_471] : memref<2x32x16xf32, #tpu.memory_space<hbm>> -> memref<1x32x16xf32, #tpu.memory_space<hbm>>
        %dma_wait3A_473 = tpu.memref_squeeze %dma_wait3A_472 : memref<1x32x16xf32, #tpu.memory_space<hbm>> -> memref<32x16xf32, #tpu.memory_space<hbm>>
        tpu.wait_dma2 semaphore(%run_scoped3A_465 : memref<!tpu.dma_semaphore, #tpu.memory_space<semaphore_mem>>) src(%arg20 : memref<32x16xf32, #tpu.memory_space<vmem_shared>>) dst(%dma_wait3A_473 : memref<32x16xf32, #tpu.memory_space<hbm>>)
        tpu.yield
      }) : () -> ()
    } else {
    }
    return
  }
}

module attributes {stable_mosaic.version = 14 : i64} {
  func.func @body(%arg0: i32, %arg1: memref<1x1x1000xi32, #tpu.memory_space<vmem>>, %arg2: memref<1000x128xf32, #tpu.memory_space<vmem>>, %arg3: memref<256x128xf32, #tpu.memory_space<vmem>>, %arg4: memref<256x1xf32, #tpu.memory_space<vmem>>) attributes {dimension_semantics = [#tpu.dimension_semantics<arbitrary>], iteration_bounds = array<i64: 10>, scalar_prefetch = 0 : i64, scratch_operands = 0 : i64, tpu.core_type = #tpu.core_type<tc>, window_params = [{transform_indices = @transform_0, window_bounds = array<i64: 1, 1, 1000>}, {transform_indices = @transform_1, window_bounds = array<i64: 1000, 128>}, {pipeline_mode = #tpu.pipeline_mode<synchronous>, transform_indices = @transform_2, window_bounds = array<i64: 256, 128>}, {pipeline_mode = #tpu.pipeline_mode<synchronous>, transform_indices = @transform_3, window_bounds = array<i64: 256, 1>}]} {
    %get3A = arith.constant 0 : index
    %get3A_0 = arith.constant 0 : index
    %get3A_1 = arith.constant 0 : index
    %get3A_2 = vector.load %arg1[%get3A, %get3A_0, %get3A_1] : memref<1x1x1000xi32, #tpu.memory_space<vmem>>, vector<1x1x1000xi32>
    %get3A_3 = vector.shape_cast %get3A_2 : vector<1x1x1000xi32> to vector<1x1000xi32>
    %iota3A = tpu.iota {dimensions = array<i32: 0>} : vector<256x1000xi32>
    %eq3A = vector.broadcast %get3A_3 : vector<1x1000xi32> to vector<256x1000xi32>
    %eq3A_4 = arith.cmpi eq, %iota3A, %eq3A : vector<256x1000xi32>
    %convert_element_type3A = arith.extui %eq3A_4 : vector<256x1000xi1> to vector<256x1000xi32>
    %convert_element_type3A_5 = arith.sitofp %convert_element_type3A : vector<256x1000xi32> to vector<256x1000xf32>
    %get3A_6 = arith.constant 0 : index
    %get3A_7 = arith.constant 0 : index
    %get3A_8 = vector.load %arg2[%get3A_6, %get3A_7] : memref<1000x128xf32, #tpu.memory_space<vmem>>, vector<1000x128xf32>
    %dot_general3A = arith.constant dense<0.000000e+00> : vector<256x128xf32>
    %dot_general3A_9 = tpu.matmul %convert_element_type3A_5, %get3A_8, %dot_general3A {dimension_numbers = #tpu.dot_dimension_numbers<[1], [0], [0], [1], [0, 0, 1, 1], [], []>, transpose_lhs_hint = false} : vector<256x1000xf32>, vector<1000x128xf32>, vector<256x128xf32> -> vector<256x128xf32>
    %reduce_sum3A = arith.constant dense<0.000000e+00> : vector<256xf32>
    %reduce_sum3A_10 = vector.multi_reduction <add>, %convert_element_type3A_5, %reduce_sum3A [1] : vector<256x1000xf32> to vector<256xf32>
    %broadcast_in_dim3A = vector.shape_cast %reduce_sum3A_10 : vector<256xf32> to vector<256x1xf32>
    %eq3A_11 = arith.constant 0 : i32
    %eq3A_12 = arith.cmpi eq, %arg0, %eq3A_11 : i32
    %convert_element_type3A_13 = arith.extui %eq3A_12 : i1 to i32
    %cond3A = arith.constant 0 : i32
    %cond3A_14 = arith.cmpi ne, %convert_element_type3A_13, %cond3A : i32
    scf.if %cond3A_14 {
      %broadcast_in_dim3A_27 = arith.constant 0.000000e+00 : f32
      %broadcast_in_dim3A_28 = vector.broadcast %broadcast_in_dim3A_27 : f32 to vector<256x128xf32>
      %swap3A_29 = arith.constant 0 : index
      %swap3A_30 = arith.constant 0 : index
      %swap3A_31 = vector.load %arg3[%swap3A_29, %swap3A_30] : memref<256x128xf32, #tpu.memory_space<vmem>>, vector<256x128xf32>
      tpu.vector_store %arg3[%swap3A_29, %swap3A_30], %broadcast_in_dim3A_28 {strides = array<i32>} : memref<256x128xf32, #tpu.memory_space<vmem>>, vector<256x128xf32>,
      %broadcast_in_dim3A_32 = arith.constant 0.000000e+00 : f32
      %broadcast_in_dim3A_33 = vector.broadcast %broadcast_in_dim3A_32 : f32 to vector<256x1xf32>
      %swap3A_34 = arith.constant 0 : index
      %swap3A_35 = arith.constant 0 : index
      %swap3A_36 = vector.load %arg4[%swap3A_34, %swap3A_35] : memref<256x1xf32, #tpu.memory_space<vmem>>, vector<256x1xf32>
      tpu.vector_store %arg4[%swap3A_34, %swap3A_35], %broadcast_in_dim3A_33 {strides = array<i32>} : memref<256x1xf32, #tpu.memory_space<vmem>>, vector<256x1xf32>,
    } else {
    }
    %get3A_15 = arith.constant 0 : index
    %get3A_16 = arith.constant 0 : index
    %get3A_17 = vector.load %arg3[%get3A_15, %get3A_16] : memref<256x128xf32, #tpu.memory_space<vmem>>, vector<256x128xf32>
    %add3A = arith.addf %get3A_17, %dot_general3A_9 : vector<256x128xf32>
    %swap3A = arith.constant 0 : index
    %swap3A_18 = arith.constant 0 : index
    %swap3A_19 = vector.load %arg3[%swap3A, %swap3A_18] : memref<256x128xf32, #tpu.memory_space<vmem>>, vector<256x128xf32>
    tpu.vector_store %arg3[%swap3A, %swap3A_18], %add3A {strides = array<i32>} : memref<256x128xf32, #tpu.memory_space<vmem>>, vector<256x128xf32>,
    %get3A_20 = arith.constant 0 : index
    %get3A_21 = arith.constant 0 : index
    %get3A_22 = vector.load %arg4[%get3A_20, %get3A_21] : memref<256x1xf32, #tpu.memory_space<vmem>>, vector<256x1xf32>
    %add3A_23 = arith.addf %get3A_22, %broadcast_in_dim3A : vector<256x1xf32>
    %swap3A_24 = arith.constant 0 : index
    %swap3A_25 = arith.constant 0 : index
    %swap3A_26 = vector.load %arg4[%swap3A_24, %swap3A_25] : memref<256x1xf32, #tpu.memory_space<vmem>>, vector<256x1xf32>
    tpu.vector_store %arg4[%swap3A_24, %swap3A_25], %add3A_23 {strides = array<i32>} : memref<256x1xf32, #tpu.memory_space<vmem>>, vector<256x1xf32>,
    return
  }
  func.func @transform_0(%arg0: i32) -> (i32, i32, i32) {
    %c0_i32 = arith.constant 0 : i32
    %c0_i32_0 = arith.constant 0 : i32
    %c0_i32_1 = arith.constant 0 : i32
    return %arg0, %c0_i32, %c0_i32_0 : i32, i32, i32
  }
  func.func @transform_1(%arg0: i32) -> (i32, i32) {
    %c0_i32 = arith.constant 0 : i32
    %c0_i32_0 = arith.constant 0 : i32
    return %arg0, %c0_i32 : i32, i32
  }
  func.func @transform_2(%arg0: i32) -> (i32, i32) {
    %c0_i32 = arith.constant 0 : i32
    %c0_i32_0 = arith.constant 0 : i32
    %c0_i32_1 = arith.constant 0 : i32
    return %c0_i32, %c0_i32_0 : i32, i32
  }
  func.func @transform_3(%arg0: i32) -> (i32, i32) {
    %c0_i32 = arith.constant 0 : i32
    %c0_i32_0 = arith.constant 0 : i32
    %c0_i32_1 = arith.constant 0 : i32
    return %c0_i32, %c0_i32_0 : i32, i32
  }
}

module attributes {stable_mosaic.version = 14 : i64} {
  func.func @body(%arg0: memref<256x128xf32, #tpu.memory_space<vmem>>, %arg1: memref<256x128xf32, #tpu.memory_space<vmem>>, %arg2: memref<256x1xf32, #tpu.memory_space<vmem>>, %arg3: memref<2x256x16xf32, #tpu.memory_space<vmem>>, %arg4: memref<2x32x16xf32, #tpu.memory_space<vmem>>, %arg5: memref<272x256xf32, #tpu.memory_space<vmem>>, %arg6: memref<1x256xf32, #tpu.memory_space<vmem>>, %arg7: memref<1x256xf32, #tpu.memory_space<vmem>>, %arg8: memref<1x256xf32, #tpu.memory_space<vmem>>, %arg9: memref<256x128xf32, #tpu.memory_space<vmem>>, %arg10: memref<1x128xf32, #tpu.memory_space<vmem>>, %arg11: memref<256x128xf32, #tpu.memory_space<vmem>>) attributes {dimension_semantics = [], scalar_prefetch = 0 : i64, scratch_operands = 0 : i64, tpu.core_type = #tpu.core_type<tc>} {
    %get3A = arith.constant 0 : index
    %get3A_0 = arith.constant 0 : index
    %get3A_1 = vector.load %arg1[%get3A, %get3A_0] : memref<256x128xf32, #tpu.memory_space<vmem>>, vector<256x128xf32>
    %get3A_2 = arith.constant 0 : index
    %get3A_3 = arith.constant 0 : index
    %get3A_4 = vector.load %arg2[%get3A_2, %get3A_3] : memref<256x1xf32, #tpu.memory_space<vmem>>, vector<256x1xf32>
    %max3A = arith.constant 1.000000e+00 : f32
    %max3A_5 = vector.broadcast %max3A : f32 to vector<256x1xf32>
    %max3A_6 = arith.maximumf %get3A_4, %max3A_5 : vector<256x1xf32>
    %div3A = vector.broadcast %max3A_6 : vector<256x1xf32> to vector<256x128xf32>
    %div3A_7 = arith.divf %get3A_1, %div3A : vector<256x128xf32>
    %get3A_8 = arith.constant 0 : index
    %get3A_9 = arith.constant 0 : index
    %get3A_10 = arith.constant 0 : index
    %get3A_11 = vector.load %arg3[%get3A_8, %get3A_9, %get3A_10] : memref<2x256x16xf32, #tpu.memory_space<vmem>>, vector<1x256x16xf32>
    %get3A_12 = vector.shape_cast %get3A_11 : vector<1x256x16xf32> to vector<256x16xf32>
    %get3A_13 = arith.constant 1 : index
    %get3A_14 = arith.constant 0 : index
    %get3A_15 = arith.constant 0 : index
    %get3A_16 = vector.load %arg3[%get3A_13, %get3A_14, %get3A_15] : memref<2x256x16xf32, #tpu.memory_space<vmem>>, vector<1x256x16xf32>
    %get3A_17 = vector.shape_cast %get3A_16 : vector<1x256x16xf32> to vector<256x16xf32>
    %add3A = arith.addf %get3A_12, %get3A_17 : vector<256x16xf32>
    %get3A_18 = arith.constant 0 : index
    %get3A_19 = arith.constant 0 : index
    %get3A_20 = arith.constant 0 : index
    %get3A_21 = vector.load %arg4[%get3A_18, %get3A_19, %get3A_20] : memref<2x32x16xf32, #tpu.memory_space<vmem>>, vector<1x32x16xf32>
    %get3A_22 = vector.shape_cast %get3A_21 : vector<1x32x16xf32> to vector<32x16xf32>
    %get3A_23 = arith.constant 1 : index
    %get3A_24 = arith.constant 0 : index
    %get3A_25 = arith.constant 0 : index
    %get3A_26 = vector.load %arg4[%get3A_23, %get3A_24, %get3A_25] : memref<2x32x16xf32, #tpu.memory_space<vmem>>, vector<1x32x16xf32>
    %get3A_27 = vector.shape_cast %get3A_26 : vector<1x32x16xf32> to vector<32x16xf32>
    %add3A_28 = arith.addf %get3A_22, %get3A_27 : vector<32x16xf32>
    %iota3A = tpu.iota {dimensions = array<i32: 0>} : vector<256x32xi32>
    %shift_right_logical3A = arith.constant 4 : i32
    %shift_right_logical3A_29 = vector.broadcast %shift_right_logical3A : i32 to vector<256x32xi32>
    %shift_right_logical3A_30 = arith.shrui %iota3A, %shift_right_logical3A_29 : vector<256x32xi32>
    %iota3A_31 = tpu.iota {dimensions = array<i32: 1>} : vector<256x32xi32>
    %eq3A = arith.cmpi eq, %shift_right_logical3A_30, %iota3A_31 : vector<256x32xi32>
    %convert_element_type3A = arith.extui %eq3A : vector<256x32xi1> to vector<256x32xi32>
    %convert_element_type3A_32 = arith.sitofp %convert_element_type3A : vector<256x32xi32> to vector<256x32xf32>
    %dot_general3A = arith.constant dense<0.000000e+00> : vector<256x16xf32>
    %dot_general3A_33 = tpu.matmul %convert_element_type3A_32, %add3A_28, %dot_general3A {dimension_numbers = #tpu.dot_dimension_numbers<[1], [0], [0], [1], [0, 0, 1, 1], [], []>, transpose_lhs_hint = false} : vector<256x32xf32>, vector<32x16xf32>, vector<256x16xf32> -> vector<256x16xf32>
    %iota3A_34 = tpu.iota {dimensions = array<i32: 0>} : vector<256x16xi32>
    %and3A = arith.constant 15 : i32
    %and3A_35 = vector.broadcast %and3A : i32 to vector<256x16xi32>
    %and3A_36 = arith.andi %iota3A_34, %and3A_35 : vector<256x16xi32>
    %iota3A_37 = tpu.iota {dimensions = array<i32: 1>} : vector<256x16xi32>
    %eq3A_38 = arith.cmpi eq, %and3A_36, %iota3A_37 : vector<256x16xi32>
    %convert_element_type3A_39 = arith.extui %eq3A_38 : vector<256x16xi1> to vector<256x16xi32>
    %convert_element_type3A_40 = arith.sitofp %convert_element_type3A_39 : vector<256x16xi32> to vector<256x16xf32>
    %mul3A = arith.mulf %dot_general3A_33, %convert_element_type3A_40 : vector<256x16xf32>
    %reduce_sum3A = arith.constant dense<0.000000e+00> : vector<256xf32>
    %reduce_sum3A_41 = vector.multi_reduction <add>, %mul3A, %reduce_sum3A [1] : vector<256x16xf32> to vector<256xf32>
    %broadcast_in_dim3A = vector.shape_cast %reduce_sum3A_41 : vector<256xf32> to vector<256x1xf32>
    %max3A_42 = arith.constant 1.000000e+00 : f32
    %max3A_43 = vector.broadcast %max3A_42 : f32 to vector<256x1xf32>
    %max3A_44 = arith.maximumf %broadcast_in_dim3A, %max3A_43 : vector<256x1xf32>
    %div3A_45 = vector.broadcast %max3A_44 : vector<256x1xf32> to vector<256x16xf32>
    %div3A_46 = arith.divf %add3A, %div3A_45 : vector<256x16xf32>
    %get3A_47 = arith.constant 0 : index
    %get3A_48 = arith.constant 0 : index
    %get3A_49 = vector.load %arg0[%get3A_47, %get3A_48] : memref<256x128xf32, #tpu.memory_space<vmem>>, vector<256x128xf32>
    %get3A_50 = arith.constant 0 : index
    %get3A_51 = arith.constant 0 : index
    %get3A_52 = vector.load %arg5[%get3A_50, %get3A_51] : memref<272x256xf32, #tpu.memory_space<vmem>>, vector<128x256xf32>
    %dot_general3A_53 = arith.constant dense<0.000000e+00> : vector<256x256xf32>
    %dot_general3A_54 = tpu.matmul %get3A_49, %get3A_52, %dot_general3A_53 {dimension_numbers = #tpu.dot_dimension_numbers<[1], [0], [0], [1], [0, 0, 1, 1], [], []>, transpose_lhs_hint = false} : vector<256x128xf32>, vector<128x256xf32>, vector<256x256xf32> -> vector<256x256xf32>
    %get3A_55 = arith.constant 128 : index
    %get3A_56 = arith.constant 0 : index
    %get3A_57 = vector.load %arg5[%get3A_55, %get3A_56] : memref<272x256xf32, #tpu.memory_space<vmem>>, vector<128x256xf32>
    %dot_general3A_58 = arith.constant dense<0.000000e+00> : vector<256x256xf32>
    %dot_general3A_59 = tpu.matmul %div3A_7, %get3A_57, %dot_general3A_58 {dimension_numbers = #tpu.dot_dimension_numbers<[1], [0], [0], [1], [0, 0, 1, 1], [], []>, transpose_lhs_hint = false} : vector<256x128xf32>, vector<128x256xf32>, vector<256x256xf32> -> vector<256x256xf32>
    %add3A_60 = arith.addf %dot_general3A_54, %dot_general3A_59 : vector<256x256xf32>
    %get3A_61 = arith.constant 256 : index
    %get3A_62 = arith.constant 0 : index
    %get3A_63 = vector.load %arg5[%get3A_61, %get3A_62] : memref<272x256xf32, #tpu.memory_space<vmem>>, vector<16x256xf32>
    %dot_general3A_64 = arith.constant dense<0.000000e+00> : vector<256x256xf32>
    %dot_general3A_65 = tpu.matmul %div3A_46, %get3A_63, %dot_general3A_64 {dimension_numbers = #tpu.dot_dimension_numbers<[1], [0], [0], [1], [0, 0, 1, 1], [], []>, transpose_lhs_hint = false} : vector<256x16xf32>, vector<16x256xf32>, vector<256x256xf32> -> vector<256x256xf32>
    %add3A_66 = arith.addf %add3A_60, %dot_general3A_65 : vector<256x256xf32>
    %get3A_67 = arith.constant 0 : index
    %get3A_68 = arith.constant 0 : index
    %get3A_69 = vector.load %arg6[%get3A_67, %get3A_68] : memref<1x256xf32, #tpu.memory_space<vmem>>, vector<1x256xf32>
    %add3A_70 = vector.broadcast %get3A_69 : vector<1x256xf32> to vector<256x256xf32>
    %add3A_71 = arith.addf %add3A_66, %add3A_70 : vector<256x256xf32>
    %reduce_sum3A_72 = arith.constant dense<0.000000e+00> : vector<256xf32>
    %reduce_sum3A_73 = vector.multi_reduction <add>, %add3A_71, %reduce_sum3A_72 [1] : vector<256x256xf32> to vector<256xf32>
    %broadcast_in_dim3A_74 = vector.shape_cast %reduce_sum3A_73 : vector<256xf32> to vector<256x1xf32>
    %div3A_75 = arith.constant 2.560000e+02 : f32
    %div3A_76 = vector.broadcast %div3A_75 : f32 to vector<256x1xf32>
    %div3A_77 = arith.divf %broadcast_in_dim3A_74, %div3A_76 : vector<256x1xf32>
    %sub3A = vector.broadcast %div3A_77 : vector<256x1xf32> to vector<256x256xf32>
    %sub3A_78 = arith.subf %add3A_71, %sub3A : vector<256x256xf32>
    %mul3A_79 = arith.mulf %sub3A_78, %sub3A_78 : vector<256x256xf32>
    %reduce_sum3A_80 = arith.constant dense<0.000000e+00> : vector<256xf32>
    %reduce_sum3A_81 = vector.multi_reduction <add>, %mul3A_79, %reduce_sum3A_80 [1] : vector<256x256xf32> to vector<256xf32>
    %broadcast_in_dim3A_82 = vector.shape_cast %reduce_sum3A_81 : vector<256xf32> to vector<256x1xf32>
    %div3A_83 = arith.constant 2.560000e+02 : f32
    %div3A_84 = vector.broadcast %div3A_83 : f32 to vector<256x1xf32>
    %div3A_85 = arith.divf %broadcast_in_dim3A_82, %div3A_84 : vector<256x1xf32>
    %add3A_86 = arith.constant 9.99999974E-6 : f32
    %add3A_87 = vector.broadcast %add3A_86 : f32 to vector<256x1xf32>
    %add3A_88 = arith.addf %div3A_85, %add3A_87 : vector<256x1xf32>
    %sqrt3A = math.sqrt %add3A_88 : vector<256x1xf32>
    %div3A_89 = vector.broadcast %sqrt3A : vector<256x1xf32> to vector<256x256xf32>
    %div3A_90 = arith.divf %sub3A_78, %div3A_89 : vector<256x256xf32>
    %get3A_91 = arith.constant 0 : index
    %get3A_92 = arith.constant 0 : index
    %get3A_93 = vector.load %arg7[%get3A_91, %get3A_92] : memref<1x256xf32, #tpu.memory_space<vmem>>, vector<1x256xf32>
    %mul3A_94 = vector.broadcast %get3A_93 : vector<1x256xf32> to vector<256x256xf32>
    %mul3A_95 = arith.mulf %div3A_90, %mul3A_94 : vector<256x256xf32>
    %get3A_96 = arith.constant 0 : index
    %get3A_97 = arith.constant 0 : index
    %get3A_98 = vector.load %arg8[%get3A_96, %get3A_97] : memref<1x256xf32, #tpu.memory_space<vmem>>, vector<1x256xf32>
    %add3A_99 = vector.broadcast %get3A_98 : vector<1x256xf32> to vector<256x256xf32>
    %add3A_100 = arith.addf %mul3A_95, %add3A_99 : vector<256x256xf32>
    %max3A_101 = arith.constant 0.000000e+00 : f32
    %max3A_102 = vector.broadcast %max3A_101 : f32 to vector<256x256xf32>
    %max3A_103 = arith.maximumf %add3A_100, %max3A_102 : vector<256x256xf32>
    %get3A_104 = arith.constant 0 : index
    %get3A_105 = arith.constant 0 : index
    %get3A_106 = vector.load %arg9[%get3A_104, %get3A_105] : memref<256x128xf32, #tpu.memory_space<vmem>>, vector<256x128xf32>
    %dot_general3A_107 = arith.constant dense<0.000000e+00> : vector<256x128xf32>
    %dot_general3A_108 = tpu.matmul %max3A_103, %get3A_106, %dot_general3A_107 {dimension_numbers = #tpu.dot_dimension_numbers<[1], [0], [0], [1], [0, 0, 1, 1], [], []>, transpose_lhs_hint = false} : vector<256x256xf32>, vector<256x128xf32>, vector<256x128xf32> -> vector<256x128xf32>
    %get3A_109 = arith.constant 0 : index
    %get3A_110 = arith.constant 0 : index
    %get3A_111 = vector.load %arg10[%get3A_109, %get3A_110] : memref<1x128xf32, #tpu.memory_space<vmem>>, vector<1x128xf32>
    %add3A_112 = vector.broadcast %get3A_111 : vector<1x128xf32> to vector<256x128xf32>
    %add3A_113 = arith.addf %dot_general3A_108, %add3A_112 : vector<256x128xf32>
    %swap3A = arith.constant 0 : index
    %swap3A_114 = arith.constant 0 : index
    %swap3A_115 = vector.load %arg11[%swap3A, %swap3A_114] : memref<256x128xf32, #tpu.memory_space<vmem>>, vector<256x128xf32>
    tpu.vector_store %arg11[%swap3A, %swap3A_114], %add3A_113 {strides = array<i32>} : memref<256x128xf32, #tpu.memory_space<vmem>>, vector<256x128xf32>,
    return
  }
}

</mosaic_0001>

<sc_bundles>
// kernel: kernel.5.cloned.1.call-start
scs
__scs_entry_jumppad:
0x0: {  	(pc) =	sbr.rel $0x88, $3  }
0x1: {  	(tag) =	ssettag $0x0;
	lr =	simm.s32 $0x1  }
0x2: {  	[smem:$0x3F96] =	sst lr;
	_ =	strace $0xD0000000  }
0x3: {  	_ = 	snop  }
0x4: {  	_ = 	snop  }
0x5: {  	_ = 	snop  }
0x6: {  	_ = 	snop  }
0x7: {  	_ = 	snop  }
__scs_overlays_trampoline_lowered:
0x8: {  	[smem:$0x3FA5] =	sst s0  }
0x9: {  	[smem:$0x3FA6] =	sst s1  }
0xa: {  	[smem:$0x3FA7] =	sst s2  }
0xb: {  	[smem:$0x3FA8] =	sst s3  }
0xc: {  	[smem:$0x3FA9] =	sst s4  }
0xd: {  	[smem:$0x3FAA] =	sst s5  }
0xe: {  	[smem:$0x3FAB] =	sst s6  }
0xf: {  	[smem:$0x3FAC] =	sst s7  }
0x10: {  	[smem:$0x3FAD] =	sst s8  }
0x11: {  	[smem:$0x3FAE] =	sst s9;
	s0 =	simm.s32 @!p0 $0x0  }
0x12: {  	s1 =	sld [smem:$0x3F94];
	s0 =	simm.s32 @p0 $0x1  }
0x13: {  	[smem:$0x3FAF] =	sst s0;
	s0 =	simm.s32 @!p1 $0x0  }
0x14: {  	s2 =	sld [smem:$0x3F93];
	s0 =	simm.s32 @p1 $0x1  }
0x15: {  	[smem:$0x3FB0] =	sst s0;
	s0 =	simm.s32 @!p2 $0x0  }
0x16: {  	s3 =	sld [smem:$0x3FDB];
	s0 =	simm.s32 @p2 $0x1  }
0x17: {  	s4 =	simm.s32 $0x1BF5;
	[smem:$0x3FB2] =	sst s0  }
0x18: {  	s0 =	sld [smem:$0x3F95];
	_ =	swait.ge [sflag:s4], $0x0  }
0x19: {  	s7 =	sld [smem:$0x3F96]  }
0x1a: {  	s8 =	sadd.s32 $0xFFFFE003, lr  }
0x1b: {  	s9 =	sadd.s32 $0xFFFFFEF7, lr;
	s5 =	simm.s32 $0xFFFFFFFF;
	p2 =	slt.u32 s8, $0xFFFFF086  }
0x1c: {  	p1 =	slt.u32 s9, $0xF7A;
	s5 =	simm.s32 @!p2 $0x0  }
0x1d: {  	s5 =	simm.s32 @p1 $0x1;
	p0 =	seq.s32 s7, s2  }
0x1e: {  	s7 =	smul.u32 @!p0 $0xF7A, s2;
	p2 =	seq.s32 @!p0 s5, $0x0  }
0x1f: {  	s9 =	smul.u32 $0xF7A, s1;
	s8 =	simm.s32 @!p0 $0x1BF5;
	p2 =	por !p2, p0  }
0x20: {  	[sflag:s8] =	ssyncset.s32 @!p0 $0xFFFFF086;
	s6 =	sadd.s32 @!p0 s3, s7;
	s7 =	simm.s32 @!p0 $0x108  }
0x21: {  	s3 =	sadd.s32 s3, s9;
	s6 =	sadd.s32 @!p0 $0x88, s6;
	s7 =	simm.s32 @p2 $0x1082  }
0x22: {  	[simem:s7], [sflag:s8] =	dma.local @!p0 [hbm:s6], $0xF7A  }
0x23: {  	s9 =	sor.u32 $0xD0000000, s2;
	s6 =	simm.s32 $0x108;
	_ =	swait.ge @!p0 [sflag:s8], $0x0  }
0x24: {  	s3 =	sadd.s32 $0x88, s3;
	s6 =	simm.s32 @!p1 $0x1082;
	[sflag:s4] =	ssyncset.s32 $0xFFFFF086  }
0x25: {  	[simem:s6], [sflag:s4] =	dma.local [hbm:s3], $0xF7A  }
0x26: {  	[smem:$0x3F96] =	sst s1;
	(tag) =	ssettag s2;
	_ =	strace s9  }
0x27: {  	s1 =	sld [smem:$0x3FA6]  }
0x28: {  	s2 =	sld [smem:$0x3FA7]  }
0x29: {  	s4 =	sld [smem:$0x3FA9]  }
0x2a: {  	p0 =	seq.s32 s5, $0x0;
	s5 =	sld [smem:$0x3FAA]  }
0x2b: {  	s6 =	sld [smem:$0x3FAB]  }
0x2c: {  	s7 =	sld [smem:$0x3FAC]  }
0x2d: {  	s3 =	simm.s32 $0x108;
	s8 =	sld [smem:$0x3FAD]  }
0x2e: {  	s3 =	simm.s32 @!p0 $0x1082;
	s9 =	sld [smem:$0x3FAE]  }
0x2f: {  	lr =	sadd.s32 s0, s3;
	s0 =	sld [smem:$0x3FA5]  }
0x30: {  	s3 =	sld [smem:$0x3FA8]  }
0x31: {  	[smem:$0x3FB1] =	sst s10  }
0x32: {  	s10 =	sld [smem:$0x3FAF];
	_ =	sdelay $0x3  }
0x33: {  	p0 =	seq.s32 s10, $0x1;
	s10 =	sld [smem:$0x3FB1];
	_ =	sdelay $0x3  }
0x34: {  	[smem:$0x3FB1] =	sst s10  }
0x35: {  	s10 =	sld [smem:$0x3FB0];
	_ =	sdelay $0x3  }
0x36: {  	p1 =	seq.s32 s10, $0x1;
	s10 =	sld [smem:$0x3FB1];
	_ =	sdelay $0x3  }
0x37: {  	[smem:$0x3FB1] =	sst s10  }
0x38: {  	s10 =	sld [smem:$0x3FB2]  }
0x39: {  	_ = 	snop;
	(pc) =	sbr.ind lr, $3  }
0x3a: {  	_ = 	snop  }
0x3b: {  	_ = 	snop  }
0x3c: {  	p2 =	seq.s32 s10, $0x1;
	s10 =	sld [smem:$0x3FB1]  }
0x3d: {  	_ =	shalt  }
0x3e: {  	_ =	shalt  }
0x3f: {  	_ =	shalt  }
0x40: {  	_ =	shalt  }
0x41: {  	_ =	shalt  }
0x42: {  	_ =	shalt  }
0x43: {  	_ =	shalt  }
0x44: {  	_ =	shalt  }
0x45: {  	_ =	shalt  }
0x46: {  	_ =	shalt  }
0x47: {  	_ =	shalt  }
0x48: {  	_ =	shalt  }
0x49: {  	_ =	shalt  }
0x4a: {  	_ =	shalt  }
0x4b: {  	_ =	shalt  }
0x4c: {  	_ =	shalt  }
0x4d: {  	_ =	shalt  }
0x4e: {  	_ =	shalt  }
0x4f: {  	_ =	shalt  }
0x50: {  	_ =	shalt  }
0x51: {  	_ =	shalt  }
0x52: {  	_ =	shalt  }
0x53: {  	_ =	shalt  }
0x54: {  	_ =	shalt  }
0x55: {  	_ =	shalt  }
0x56: {  	_ =	shalt  }
0x57: {  	_ =	shalt  }
0x58: {  	_ =	shalt  }
0x59: {  	_ =	shalt  }
0x5a: {  	_ =	shalt  }
0x5b: {  	_ =	shalt  }
0x5c: {  	_ =	shalt  }
0x5d: {  	_ =	shalt  }
0x5e: {  	_ =	shalt  }
0x5f: {  	_ =	shalt  }
0x60: {  	_ =	shalt  }
0x61: {  	_ =	shalt  }
0x62: {  	_ =	shalt  }
0x63: {  	_ =	shalt  }
0x64: {  	_ =	shalt  }
0x65: {  	_ =	shalt  }
0x66: {  	_ =	shalt  }
0x67: {  	_ =	shalt  }
0x68: {  	_ =	shalt  }
0x69: {  	_ =	shalt  }
0x6a: {  	_ =	shalt  }
0x6b: {  	_ =	shalt  }
0x6c: {  	_ =	shalt  }
0x6d: {  	_ =	shalt  }
0x6e: {  	_ =	shalt  }
0x6f: {  	_ =	shalt  }
0x70: {  	_ =	shalt  }
0x71: {  	_ =	shalt  }
0x72: {  	_ =	shalt  }
0x73: {  	_ =	shalt  }
0x74: {  	_ =	shalt  }
0x75: {  	_ =	shalt  }
0x76: {  	_ =	shalt  }
0x77: {  	_ =	shalt  }
0x78: {  	_ =	shalt  }
0x79: {  	_ =	shalt  }
0x7a: {  	_ =	shalt  }
0x7b: {  	_ =	shalt  }
0x7c: {  	_ =	shalt  }
0x7d: {  	_ =	shalt  }
0x7e: {  	_ =	shalt  }
0x7f: {  	_ =	shalt  }
0x80: {  	_ =	shalt  }
0x81: {  	_ =	shalt  }
0x82: {  	_ =	shalt  }
0x83: {  	_ =	shalt  }
0x84: {  	_ =	shalt  }
0x85: {  	_ =	shalt  }
0x86: {  	_ =	shalt  }
0x87: {  	_ =	shalt  }
.Lfunc_end0:
.L_simem_size_0:
called_computation_lowered:
.L_overlay_start_0:
0x88: {  	s2 =	sld [smem:$0x3FD9]  }
0x89: {  	s3 =	sld [smem:$0x3FFE];
	_ =	sdelay $0x1  }
0x8a: {  	s1 =	srdreg.scid  }
0x8b: {  	s0 =	sand.u32 $0x1, s1  }
0x8c: {  	s17 =	sshll.u32 s0, $0xA;
	s2 =	sadd.s32 s3, s2  }
0x8d: {  	s2 =	sadd.s32 s2, s17  }
0x8e: {  	[smem:$0x3FBD] =	sst s2  }
0x8f: {  	_ = 	snop  }
0x90: {  	s2 =	sld [smem:$0x3FC5]  }
0x91: {  	s18 =	sld [smem:$0x3FD0];
	(tm) =	ssettm $0x1  }
0x92: {  	s4 =	sld [smem:$0x3FFB];
	_ =	sdelay $0x3  }
0x93: {  	_ =	strace s4  }
0x94: {  	s4 =	sld [smem:$0x3FFC];
	_ =	sdelay $0x3  }
0x95: {  	_ =	strace s4  }
0x96: {  	s4 =	sld [smem:$0x3FFD];
	_ =	sdelay $0x3  }
0x97: {  	_ =	strace s4  }
0x98: {  	_ =	strace $0x8FFFFFFF  }
0x99: {  	s19 =	sld [smem:$0x3FDB];
	_ =	sdelay $0x1  }
0x9a: {  	s5 =	simm.s32 $_scs_section_size  }
0x9b: {  	s6 =	simm.s32 $_size__tile_overlayer_lowered;
	s7 =	simm.s32 $_tile_overlayer_lowered  }
0x9c: {  	s22 =	simm.s32 $0x1BFF;
	s21 =	sshll.u32 s7, $0x1;
	s4 =	sadd.s32 s5, s19  }
0x9d: {  	s8 =	simm.s32 $0x0;
	s20 =	sshll.u32 s6, $0x1;
	s6 =	sadd.s32 s21, s4  }
0x9e: {  	[timem:s8], [sflag:s22] =	dma.local [hbm:s6], s20  }
0x9f: {  	_ =	swait.ge [sflag:s22], s20  }
0xa0: {  	s5 =	ssub.s32 $0x0, s20;
	[sflag:s22] =	ssyncset.done $0x0  }
0xa1: {  	[sflag:s22] =	ssyncadd.s32 s5;
	_ =	sdelay $0x1  }
0xa2: {  	s23 =	simm.s32 $0x1B8B  }
0xa3: {  	_ =	swait.ge [sflag:s23], $0x1  }
0xa4: {  	[sflag:s23] =	ssyncset.done $0x0  }
0xa5: {  	s25 =	simm.s32 $0x1B8E;
	s24 =	sld [smem:$0x3FFE];
	[sflag:s23] =	ssyncadd.s32 $0xFFFFFFFF  }
0xa6: {  	s26 =	simm.s32 $execute0_lowered;
	[smem:$0x3FD2] =	sst s25  }
0xa7: {  	s6 =	sshll.u32 s26, $0x1;
	_ =	strace $0x80000046;
	[dreg:$0x1] =	wrdreg $0xFFFFFFFF  }
0xa8: {  	s28 =	simm.s32 $_size_execute0_lowered;
	s4 =	sadd.s32 s4, s6;
	[dreg:$0x0] =	wrdreg $0x0  }
0xa9: {  	s6 =	sshll.u32 s28, $0x1;
	[dreg:$0x2] =	wrdreg s4  }
0xaa: {  	[dreg:$0x3] =	wrdreg s6  }
0xab: {  	[dreg:$0x4] =	wrdreg $0xC0  }
0xac: {  	_ =	task [dreg:s8], $0x5FFFF  }
0xad: {  	[dreg:$0x1] =	wrdreg $0xFFFFFFFF  }
0xae: {  	[dreg:$0x0] =	wrdreg $0x60  }
0xaf: {  	[dreg:$0x2] =	wrdreg s24  }
0xb0: {  	[dreg:$0x3] =	wrdreg s2  }
0xb1: {  	[dreg:$0x4] =	wrdreg s18  }
0xb2: {  	[dreg:$0x5] =	wrdreg $0x1F5300  }
0xb3: {  	[dreg:$0x6] =	wrdreg $0x1F6400  }
0xb4: {  	[dreg:$0x7] =	wrdreg $0x9  }
0xb5: {  	_ =	task.clear_ibuf [dreg:s8], $0x8FFFF;
	_ =	strace $0x90000046  }
0xb6: {  	s29 =	simm.s32 $0x9;
	_ =	strace $0x80000048  }
0xb7: {  	_ =	swait.ge [sflag:s29], $0x1  }
0xb8: {  	[sflag:s29] =	ssyncadd.s32 $0xFFFFFFFF  }
0xb9: {  	_ =	strace $0x90000048  }
0xba: {  	_ =	sfence  }
0xbb: {  	s30 =	sld [smem:$0x0];
	_ =	sdelay $0x2  }
0xbc: {  	s31 =	sshll.u32 s1, $0xD;
	s1 =	sshrl.u32 s1, $0x2  }
0xbd: {  	s3 =	sand.u32 $0x4000, s31;
	s1 =	sadd.s32 s1, s30  }
0xbe: {  	s0 =	sor.u32 s3, s0;
	s1 =	sshll.u32 s1, $0x11  }
0xbf: {  	s0 =	sor.u32 s1, s0  }
0xc0: {  	s0 =	sadd.s32 $0x8F2B, s0  }
0xc1: {  	[sflag:s0] =	ssyncadd.remote.s32 $0x1  }
0xc2: {  	_ =	sfence.sel $0xFFFF  }
0xc3: {  	[dreg:$0x0] =	wrdreg $0xFFFFFFFF;
	(pc) =	sbr.abs _section_cstart, $3  }
0xc4: {  	[dreg:$0x1] =	wrdreg $0xFFFFFFFF  }
0xc5: {  	_ =	task.clear_ibuf [dreg:s8], $0x2FFFF;
	_ =	strace $0x9FFFFFFF  }
0xc6: {  	(tm) =	ssettm $0x7FFFFFFF  }
0xc7: {  	_ =	shalt  }
tec
execute0_lowered:
.L_overlay_start_1:
0x0: {  	(tag) =	ssettag $0x1  }
0x1: {  	s0 =	rddreg [dreg:$0x0]  }
0x2: {  	s1 =	rddreg [dreg:$0x2]  }
0x3: {  	s2 =	rddreg [dreg:$0x3]  }
0x4: {  	s3 =	rddreg [dreg:$0x4]  }
0x5: {  	s5 =	srdreg.scid;
	s6 =	stileid.u32;
	s4 =	simm.s32 $0x0  }
0x6: {  	s18 =	simm.s32 $0x4;
	s20 =	simm.s32 $0x800;
	s21 =	simm.s32 $0x4E200  }
0x7: {  	s22 =	simm.s32 $0x3F10;
	s28 =	simm.s32 $0x1BF10;
	s31 =	simm.s32 $0x2  }
0x8: {  	s29 =	simm.s32 $0x0;
	s5 =	sand.u32 $0x1, s5;
	s7 =	sshll.u32 s6, $0x1  }
0x9: {  	[smem:$0x7FF] =	sst s4;
	s13 =	sadd.s32 $0x9E400, s0;
	s14 =	sadd.s32 $0x2000, s0  }
0xa: {  	p0 =	sne.s32 s6, $0x0;
	s7 =	sor.u32 s5, s7;
	_ =	strace $0x80000047  }
0xb: {  	s8 =	sshll.u32 s5, $0x6;
	s9 =	ssub.s32 $0x2, s5;
	s5 =	sshll.u32 s5, $0x9  }
0xc: {  	s7 =	smul.u32 $0x2710, s7;
	s0 =	sadd.s32 s8, s0;
	s23 =	sshrl.u32 s9, $0x1  }
0xd: {  	s15 =	sadd.s32 s1, s5;
	s1 =	simm.s32 $0x80;
	s17 =	ssub.s32 s9, s23  }
0xe: {  	s16 =	sadd.s32 $0xA8200, s0;
	s23 =	simm.s32 $0x2F10;
	s7 =	sshrl.u32 s7, $0x3  }
0xf: {  	s0 =	simm.s32 $0x3;
	s17 =	smax.u32 s17, $0x1;
	s24 =	sadd.s32 s13, s7  }
0x10: {  	s25 =	sadd.s32 $0x100, s7;
	s26 =	sadd.s32 s14, s7;
	s10 =	sadd.s32 $0x200, s7  }
0x11: {  	s12 =	sadd.s32 $0x300, s7;
	s7 =	sadd.s32 $0x400, s7;
	[dreg:$0x6] =	wrdreg s24  }
0x12: {  	[dreg:$0x7] =	wrdreg s26;
	s30 =	sadd.s32 s13, s25;
	s8 =	sadd.s32 s14, s25  }
0x13: {  	s9 =	sadd.s32 s13, s10;
	s10 =	sadd.s32 s14, s10;
	s11 =	sadd.s32 s13, s12  }
0x14: {  	s12 =	sadd.s32 s14, s12;
	s13 =	sadd.s32 s13, s7;
	s14 =	sadd.s32 s14, s7  }
0x15: {  	v0 =	vlaneseq.u32;
	s24 =	simm.s32 $0xBF10;
	s25 =	simm.s32 $0x1;
	[dreg:$0x8] =	wrdreg s30  }
0x16: {  	v1 =	vimm.f32 $0.0e+00;
	v2 =	vor.u32 $0x10, v0;
	v3 =	vmul.u32 $0x110, v0;
	s26 =	simm.s32 $0x1E110;
	[dreg:$0x9] =	wrdreg s8;
	s8 =	simm.s32 $0x2710  }
.LBB2_1:
0x17: {  	s5 =	simm.s32 $0x0  }
.LBB2_2:
0x18: {  	p1 =	sne.s32 s5, $0x43C0  }
.Ltmp0:
0x19: {  	_ = 	snop;
	(pc) =	sbr.rel @p1 .LBB2_2-.Ltmp0, $3  }
0x1a: {  	_ =	sdelay $0x1  }
0x1b: {  	s6 =	sshra.s32 s5, $0x2  }
0x1c: {  	s5 =	sadd.s32 $0x40, s5;
	[tilespmem:s6+$0x1E310] =	vst v1  }
0x1d: {  	s5 =	simm.s32 $0xFFFFFEF0;
	s6 =	simm.s32 $0xFFFFFC00  }
.LBB2_4:
0x1e: {  	p1 =	sne.s32 s6, $0xFFFFFFC0;
	[tilespmem:s5+$0x1D010] =	vst v1  }
0x1f: {  	[tilespmem:s5+$0x1C020] =	vst v1  }
0x20: {  	[tilespmem:s5+$0x1C130] =	vst v1  }
0x21: {  	[tilespmem:s5+$0x1C240] =	vst v1  }
0x22: {  	[tilespmem:s5+$0x1C350] =	vst v1  }
0x23: {  	[tilespmem:s5+$0x1C460] =	vst v1  }
0x24: {  	[tilespmem:s5+$0x1C570] =	vst v1  }
0x25: {  	[tilespmem:s5+$0x1C680] =	vst v1  }
0x26: {  	[tilespmem:s5+$0x1C790] =	vst v1  }
0x27: {  	[tilespmem:s5+$0x1C8A0] =	vst v1  }
0x28: {  	[tilespmem:s5+$0x1C9B0] =	vst v1  }
.Ltmp1:
0x29: {  	[tilespmem:s5+$0x1CAC0] =	vst v1;
	(pc) =	sbr.rel @p1 .LBB2_4-.Ltmp1, $4  }
0x2a: {  	[tilespmem:s5+$0x1CBD0] =	vst v1  }
0x2b: {  	[tilespmem:s5+$0x1CCE0] =	vst v1  }
0x2c: {  	[tilespmem:s5+$0x1CDF0] =	vst v1  }
0x2d: {  	[tilespmem:s5+$0x1CF00] =	vst v1;
	s5 =	sshra.s32 s6, $0x2;
	s6 =	sadd.s32 $0x40, s6  }
0x2e: {  	[tilespmem:s5+$0x1D010] =	vst v1  }
0x2f: {  	[tilespmem:s5+$0x1C020] =	vst v1  }
0x30: {  	[tilespmem:s5+$0x1C130] =	vst v1  }
0x31: {  	[tilespmem:s5+$0x1C240] =	vst v1  }
0x32: {  	[tilespmem:s5+$0x1C350] =	vst v1  }
0x33: {  	[tilespmem:s5+$0x1C460] =	vst v1  }
0x34: {  	[tilespmem:s5+$0x1C570] =	vst v1  }
0x35: {  	[tilespmem:s5+$0x1C680] =	vst v1  }
0x36: {  	[tilespmem:s5+$0x1C790] =	vst v1  }
0x37: {  	[tilespmem:s5+$0x1C8A0] =	vst v1  }
0x38: {  	[tilespmem:s5+$0x1C9B0] =	vst v1  }
0x39: {  	[tilespmem:s5+$0x1CAC0] =	vst v1  }
0x3a: {  	[tilespmem:s5+$0x1CBD0] =	vst v1  }
0x3b: {  	[tilespmem:s5+$0x1CCE0] =	vst v1  }
0x3c: {  	[tilespmem:s5+$0x1CDF0] =	vst v1  }
0x3d: {  	[tilespmem:s5+$0x1CF00] =	vst v1  }
0x3e: {  	[tilespmem:$0x1E110] =	vst v1  }
0x3f: {  	[tilespmem:$0x1E120] =	vst v1  }
0x40: {  	[tilespmem:$0x1E130] =	vst v1  }
0x41: {  	[tilespmem:$0x1E140] =	vst v1  }
0x42: {  	[tilespmem:$0x1E150] =	vst v1  }
0x43: {  	[tilespmem:$0x1E160] =	vst v1  }
0x44: {  	[tilespmem:$0x1E170] =	vst v1  }
0x45: {  	[tilespmem:$0x1E180] =	vst v1  }
0x46: {  	[tilespmem:$0x1E190] =	vst v1  }
0x47: {  	[tilespmem:$0x1E1A0] =	vst v1  }
0x48: {  	[tilespmem:$0x1E1B0] =	vst v1  }
0x49: {  	[tilespmem:$0x1E1C0] =	vst v1  }
0x4a: {  	[tilespmem:$0x1E1D0] =	vst v1  }
0x4b: {  	[tilespmem:$0x1E1E0] =	vst v1  }
0x4c: {  	[tilespmem:$0x1E1F0] =	vst v1  }
0x4d: {  	[tilespmem:$0x1E200] =	vst v1  }
0x4e: {  	[tilespmem:$0x1E210] =	vst v1  }
0x4f: {  	[tilespmem:$0x1E220] =	vst v1  }
0x50: {  	[tilespmem:$0x1E230] =	vst v1  }
0x51: {  	[tilespmem:$0x1E240] =	vst v1  }
0x52: {  	[tilespmem:$0x1E250] =	vst v1  }
0x53: {  	[tilespmem:$0x1E260] =	vst v1  }
0x54: {  	[tilespmem:$0x1E270] =	vst v1  }
0x55: {  	[tilespmem:$0x1E280] =	vst v1  }
0x56: {  	[tilespmem:$0x1E290] =	vst v1  }
0x57: {  	[tilespmem:$0x1E2A0] =	vst v1  }
0x58: {  	[tilespmem:$0x1E2B0] =	vst v1  }
0x59: {  	[tilespmem:$0x1E2C0] =	vst v1  }
0x5a: {  	[tilespmem:$0x1E2D0] =	vst v1  }
0x5b: {  	[tilespmem:$0x1E2E0] =	vst v1  }
0x5c: {  	[tilespmem:$0x1E2F0] =	vst v1  }
0x5d: {  	[tilespmem:$0x1E300] =	vst v1  }
0x5e: {  	s6 =	simm.s32 $0x0;
	[tilespmem:$0x1F410] =	vst v0  }
0x5f: {  	s5 =	simm.s32 $0x10;
	[tilespmem:$0x1F420] =	vst v2;
	v4 =	vor.u32 s6, v0;
	s6 =	sand.u32 $0xF0, s6  }
.LBB2_6:
0x60: {  	p1 =	sne.s32 s5, $0xF0;
	[tilespmem:s6+$0x1F430] =	vst v4;
	s6 =	smov.u32 s5;
	s5 =	sadd.s32 $0x10, s5  }
.Ltmp2:
0x61: {  	(pc) =	sbr.rel @p1 .LBB2_6-.Ltmp2, $2  }
0x62: {  	_ =	sdelay $0x2  }
0x63: {  	v4 =	vor.u32 s6, v0;
	s6 =	sand.u32 $0xF0, s6  }
0x64: {  	[tilespmem:s6+$0x1F430] =	vst v4;
	s5 =	simm.s32 @!p0 $0x1E310;
	s6 =	simm.s32 @!p0 $0x4  }
0x65: {  	[spmem:s2] =	stream.linear.scatter @!p0 [tilespmem:s5], [sflag:$0x4], $0x1100, $0x38;
	[tilespmem:$0x1F660] =	vst v63  }
0x66: {  	_ =	swait.ge @!p0 [sflag:s6], $0x1100  }
0x67: {  	[sflag:s6] =	ssyncset.done @!p0 $0x0  }
0x68: {  	[sflag:s6] =	ssyncadd.s32 @!p0 $0xFFFFEF00  }
0x69: {  	[spmem:s3] =	stream.linear.scatter @!p0 [tilespmem:s5], [sflag:$0x4], $0x200, $0x38;
	[tilespmem:$0x1F660] =	vst v63  }
0x6a: {  	_ =	swait.ge @!p0 [sflag:s6], $0x200  }
0x6b: {  	[sflag:s6] =	ssyncset.done @!p0 $0x0  }
0x6c: {  	[sflag:s6] =	ssyncadd.s32 @!p0 $0xFFFFFE00  }
0x6d: {  	s30 =	simm.s32 $0x0;
	s7 =	rddreg [dreg:$0x1]  }
0x6e: {  	[tilespmem:s30], [sflag:$0x4] =	stream.linear.gather [hbm4b:s7+s30], $0x2710, $0x38;
	[tilespmem:$0x1F660] =	vst v63  }
0x6f: {  	_ =	swait.ge [sflag:s18], $0x2710  }
0x70: {  	[sflag:s18] =	ssyncset.done $0x0  }
0x71: {  	[sflag:s18] =	ssyncadd.s32 $0xFFFFD8F0  }
0x72: {  	[bflag:$0x0] =	sbarrier.arrive $0xFFFF  }
0x73: {  	s19 =	rddreg [dreg:$0x6]  }
0x74: {  	[tilespmem:s8], [sflag:$0x1] =	stream.linear.gather [hbm4b:s19+s30], $0x800, $0x38;
	[tilespmem:$0x1F660] =	vst v63  }
0x75: {  	s6 =	rddreg [dreg:$0x7]  }
0x76: {  	[tilespmem:s22], [sflag:$0x1] =	stream.strided.gather [hbm4b:s6+s20], $0x8000, s21, s20, $0x38;
	[tilespmem:$0x1F660] =	vst v63  }
0x77: {  	s7 =	rddreg [dreg:$0x8]  }
0x78: {  	[tilespmem:s23], [sflag:$0x2] =	stream.linear.gather [hbm4b:s7+s30], $0x800, $0x38;
	[tilespmem:$0x1F660] =	vst v63  }
0x79: {  	s19 =	rddreg [dreg:$0x9]  }
0x7a: {  	[tilespmem:s24], [sflag:$0x2] =	stream.strided.gather [hbm4b:s19+s20], $0x8000, s21, s20, $0x38;
	[tilespmem:$0x1F660] =	vst v63  }
0x7b: {  	_ =	swait.ge [sflag:s25], $0x800  }
0x7c: {  	[sflag:s25] =	ssyncset.done $0x0  }
0x7d: {  	[sflag:s25] =	ssyncadd.s32 $0xFFFFF800  }
0x7e: {  	_ =	swait.ge [sflag:s25], $0x8000  }
0x7f: {  	[sflag:s25] =	ssyncset.done $0x0  }
0x80: {  	s5 =	simm.s32 $0xFFFFFFFE;
	[sflag:s25] =	ssyncadd.s32 $0xFFFF8000  }
.LBB2_8:
0x81: {  	s6 =	sshra.s32 s30, $0x2  }
0x82: {  	v4 =	vld [tilespmem:s6+$0x2710];
	_ =	sdelay $0x7  }
0x83: {  	v4 =	vld.idx.msk [tilespmem:v4+s4+$0x0], $0xffff;
	_ =	sdelay $0x4  }
0x84: {  	(xrf1) =	vunique.msk.u32 $0xffff, v4;
	_ =	sdelay $0xd  }
0x85: {  	_, v5, vm0 =	vpop (xrf1);
	_ =	sdelay $0x3  }
0x86: {  	v5 =	vcvt.s32.f32 v5;
	_ =	sdelay $0x1  }
0x87: {  	[tilespmem:v4+s26+$0x0] =	vst.idx.add.f32.msk vm0, v5  }
0x88: {  	v5 =	vld [tilespmem:s6+$0x3F10];
	_ =	sdelay $0x4  }
0x89: {  	[tilespmem:v4+s28+$0x0] =	vst.idx.add.f32.msk $0xffff, v5  }
0x8a: {  	v6 =	vadd.s32 $0x110, v4;
	v5 =	vld [tilespmem:s6+$0x4710];
	_ =	sdelay $0x4  }
0x8b: {  	[tilespmem:v6+s28+$0x0] =	vst.idx.add.f32.msk $0xffff, v5  }
0x8c: {  	v37 =	vadd.s32 $0x220, v4;
	v5 =	vld [tilespmem:s6+$0x4F10];
	_ =	sdelay $0x4  }
0x8d: {  	[tilespmem:v37+s28+$0x0] =	vst.idx.add.f32.msk $0xffff, v5  }
0x8e: {  	v38 =	vadd.s32 $0x330, v4;
	v5 =	vld [tilespmem:s6+$0x5710];
	_ =	sdelay $0x4  }
0x8f: {  	[tilespmem:v38+s28+$0x0] =	vst.idx.add.f32.msk $0xffff, v5  }
0x90: {  	v39 =	vadd.s32 $0x440, v4;
	v5 =	vld [tilespmem:s6+$0x5F10];
	_ =	sdelay $0x4  }
0x91: {  	[tilespmem:v39+s28+$0x0] =	vst.idx.add.f32.msk $0xffff, v5  }
0x92: {  	v40 =	vadd.s32 $0x550, v4;
	v5 =	vld [tilespmem:s6+$0x6710];
	_ =	sdelay $0x4  }
0x93: {  	[tilespmem:v40+s28+$0x0] =	vst.idx.add.f32.msk $0xffff, v5  }
0x94: {  	v41 =	vadd.s32 $0x660, v4;
	v5 =	vld [tilespmem:s6+$0x6F10];
	_ =	sdelay $0x4  }
0x95: {  	[tilespmem:v41+s28+$0x0] =	vst.idx.add.f32.msk $0xffff, v5  }
0x96: {  	v42 =	vadd.s32 $0x770, v4;
	v5 =	vld [tilespmem:s6+$0x7710];
	_ =	sdelay $0x4  }
0x97: {  	[tilespmem:v42+s28+$0x0] =	vst.idx.add.f32.msk $0xffff, v5  }
0x98: {  	v43 =	vadd.s32 $0x880, v4;
	v5 =	vld [tilespmem:s6+$0x7F10];
	_ =	sdelay $0x4  }
0x99: {  	[tilespmem:v43+s28+$0x0] =	vst.idx.add.f32.msk $0xffff, v5  }
0x9a: {  	v44 =	vadd.s32 $0x990, v4;
	v5 =	vld [tilespmem:s6+$0x8710];
	_ =	sdelay $0x4  }
0x9b: {  	[tilespmem:v44+s28+$0x0] =	vst.idx.add.f32.msk $0xffff, v5  }
0x9c: {  	v45 =	vadd.s32 $0xAA0, v4;
	v5 =	vld [tilespmem:s6+$0x8F10];
	_ =	sdelay $0x4  }
0x9d: {  	[tilespmem:v45+s28+$0x0] =	vst.idx.add.f32.msk $0xffff, v5  }
0x9e: {  	v46 =	vadd.s32 $0xBB0, v4;
	v5 =	vld [tilespmem:s6+$0x9710];
	_ =	sdelay $0x4  }
0x9f: {  	[tilespmem:v46+s28+$0x0] =	vst.idx.add.f32.msk $0xffff, v5  }
0xa0: {  	v47 =	vadd.s32 $0xCC0, v4;
	v5 =	vld [tilespmem:s6+$0x9F10];
	_ =	sdelay $0x4  }
0xa1: {  	[tilespmem:v47+s28+$0x0] =	vst.idx.add.f32.msk $0xffff, v5  }
0xa2: {  	v48 =	vadd.s32 $0xDD0, v4;
	v5 =	vld [tilespmem:s6+$0xA710];
	_ =	sdelay $0x4  }
0xa3: {  	[tilespmem:v48+s28+$0x0] =	vst.idx.add.f32.msk $0xffff, v5  }
0xa4: {  	v49 =	vadd.s32 $0xEE0, v4;
	v5 =	vld [tilespmem:s6+$0xAF10];
	_ =	sdelay $0x4  }
0xa5: {  	[tilespmem:v49+s28+$0x0] =	vst.idx.add.f32.msk $0xffff, v5  }
0xa6: {  	v4 =	vadd.s32 $0xFF0, v4;
	v5 =	vld [tilespmem:s6+$0xB710];
	_ =	sdelay $0x4  }
0xa7: {  	[tilespmem:v4+s28+$0x0] =	vst.idx.add.f32.msk $0xffff, v5  }
0xa8: {  	v4 =	vld [tilespmem:s6+$0x2720];
	_ =	sdelay $0x7  }
0xa9: {  	v4 =	vld.idx.msk [tilespmem:v4+s4+$0x0], $0xffff;
	_ =	sdelay $0x4  }
0xaa: {  	(xrf1) =	vunique.msk.u32 $0xffff, v4;
	_ =	sdelay $0xd  }
0xab: {  	_, v5, vm15 =	vpop (xrf1);
	_ =	sdelay $0x3  }
0xac: {  	v5 =	vcvt.s32.f32 v5;
	_ =	sdelay $0x1  }
0xad: {  	[tilespmem:v4+s26+$0x0] =	vst.idx.add.f32.msk vm15, v5  }
0xae: {  	v5 =	vld [tilespmem:s6+$0x3F20];
	_ =	sdelay $0x4  }
0xaf: {  	[tilespmem:v4+s28+$0x0] =	vst.idx.add.f32.msk $0xffff, v5  }
0xb0: {  	v50 =	vadd.s32 $0x110, v4;
	v5 =	vld [tilespmem:s6+$0x4720];
	_ =	sdelay $0x4  }
0xb1: {  	[tilespmem:v50+s28+$0x0] =	vst.idx.add.f32.msk $0xffff, v5  }
0xb2: {  	v51 =	vadd.s32 $0x220, v4;
	v5 =	vld [tilespmem:s6+$0x4F20];
	_ =	sdelay $0x4  }
0xb3: {  	[tilespmem:v51+s28+$0x0] =	vst.idx.add.f32.msk $0xffff, v5  }
0xb4: {  	v52 =	vadd.s32 $0x330, v4;
	v5 =	vld [tilespmem:s6+$0x5720];
	_ =	sdelay $0x4  }
0xb5: {  	[tilespmem:v52+s28+$0x0] =	vst.idx.add.f32.msk $0xffff, v5  }
0xb6: {  	v53 =	vadd.s32 $0x440, v4;
	v5 =	vld [tilespmem:s6+$0x5F20];
	_ =	sdelay $0x4  }
0xb7: {  	[tilespmem:v53+s28+$0x0] =	vst.idx.add.f32.msk $0xffff, v5  }
0xb8: {  	v54 =	vadd.s32 $0x550, v4;
	v5 =	vld [tilespmem:s6+$0x6720];
	_ =	sdelay $0x4  }
0xb9: {  	[tilespmem:v54+s28+$0x0] =	vst.idx.add.f32.msk $0xffff, v5  }
0xba: {  	v55 =	vadd.s32 $0x660, v4;
	v5 =	vld [tilespmem:s6+$0x6F20];
	_ =	sdelay $0x4  }
0xbb: {  	[tilespmem:v55+s28+$0x0] =	vst.idx.add.f32.msk $0xffff, v5  }
0xbc: {  	v56 =	vadd.s32 $0x770, v4;
	v5 =	vld [tilespmem:s6+$0x7720];
	_ =	sdelay $0x4  }
0xbd: {  	[tilespmem:v56+s28+$0x0] =	vst.idx.add.f32.msk $0xffff, v5  }
0xbe: {  	v57 =	vadd.s32 $0x880, v4;
	v5 =	vld [tilespmem:s6+$0x7F20];
	_ =	sdelay $0x4  }
0xbf: {  	[tilespmem:v57+s28+$0x0] =	vst.idx.add.f32.msk $0xffff, v5  }
0xc0: {  	v58 =	vadd.s32 $0x990, v4;
	v5 =	vld [tilespmem:s6+$0x8720];
	_ =	sdelay $0x4  }
0xc1: {  	[tilespmem:v58+s28+$0x0] =	vst.idx.add.f32.msk $0xffff, v5  }
0xc2: {  	v59 =	vadd.s32 $0xAA0, v4;
	v5 =	vld [tilespmem:s6+$0x8F20];
	_ =	sdelay $0x4  }
0xc3: {  	[tilespmem:v59+s28+$0x0] =	vst.idx.add.f32.msk $0xffff, v5  }
0xc4: {  	v60 =	vadd.s32 $0xBB0, v4;
	v5 =	vld [tilespmem:s6+$0x9720];
	_ =	sdelay $0x4  }
0xc5: {  	[tilespmem:v60+s28+$0x0] =	vst.idx.add.f32.msk $0xffff, v5  }
0xc6: {  	v61 =	vadd.s32 $0xCC0, v4;
	v5 =	vld [tilespmem:s6+$0x9F20];
	_ =	sdelay $0x4  }
0xc7: {  	[tilespmem:v61+s28+$0x0] =	vst.idx.add.f32.msk $0xffff, v5  }
0xc8: {  	v62 =	vadd.s32 $0xDD0, v4;
	v5 =	vld [tilespmem:s6+$0xA720];
	_ =	sdelay $0x4  }
0xc9: {  	[tilespmem:v62+s28+$0x0] =	vst.idx.add.f32.msk $0xffff, v5  }
0xca: {  	v63 =	vadd.s32 $0xEE0, v4;
	v5 =	vld [tilespmem:s6+$0xAF20];
	_ =	sdelay $0x4  }
0xcb: {  	s5 =	sadd.s32 $0x2, s5;
	[tilespmem:v63+s28+$0x0] =	vst.idx.add.f32.msk $0xffff, v5  }
0xcc: {  	p1 =	slt.u32 s5, $0x7E;
	v4 =	vadd.s32 $0xFF0, v4;
	v5 =	vld [tilespmem:s6+$0xB720]  }
.Ltmp3:
0xcd: {  	_ = 	snop;
	(pc) =	sbr.rel @p1 .LBB2_8-.Ltmp3, $2  }
0xce: {  	_ =	sdelay $0x2  }
0xcf: {  	s30 =	sadd.s32 $0x80, s30;
	[tilespmem:v4+s28+$0x0] =	vst.idx.add.f32.msk $0xffff, v5  }
0xd0: {  	s5 =	simm.s32 $0x0;
	s6 =	simm.s32 $0x3710  }
0xd1: {  	[tilespmem:s6], [sflag:$0x3] =	stream.linear.gather [hbm4b:s9+s5], $0x800, $0x38;
	[tilespmem:$0x1F660] =	vst v63  }
0xd2: {  	s30 =	simm.s32 $0x13F10  }
0xd3: {  	[tilespmem:s30], [sflag:$0x3] =	stream.strided.gather [hbm4b:s10+s20], $0x8000, s21, s20, $0x38;
	[tilespmem:$0x1F660] =	vst v63  }
0xd4: {  	_ =	swait.ge [sflag:s31], $0x800  }
0xd5: {  	[sflag:s31] =	ssyncset.done $0x0  }
0xd6: {  	[sflag:s31] =	ssyncadd.s32 $0xFFFFF800  }
0xd7: {  	_ =	swait.ge [sflag:s31], $0x8000  }
0xd8: {  	[sflag:s31] =	ssyncset.done $0x0  }
0xd9: {  	s6 =	simm.s32 $0xFFFFFFFE;
	[sflag:s31] =	ssyncadd.s32 $0xFFFF8000  }
.LBB2_10:
0xda: {  	s7 =	sshra.s32 s5, $0x2  }
0xdb: {  	v4 =	vld [tilespmem:s7+$0x2F10];
	_ =	sdelay $0x7  }
0xdc: {  	v4 =	vld.idx.msk [tilespmem:v4+s4+$0x0], $0xffff;
	_ =	sdelay $0x4  }
0xdd: {  	(xrf1) =	vunique.msk.u32 $0xffff, v4;
	_ =	sdelay $0xd  }
0xde: {  	_, v5, vm0 =	vpop (xrf1);
	_ =	sdelay $0x3  }
0xdf: {  	v5 =	vcvt.s32.f32 v5;
	_ =	sdelay $0x1  }
0xe0: {  	[tilespmem:v4+s26+$0x0] =	vst.idx.add.f32.msk vm0, v5  }
0xe1: {  	v5 =	vld [tilespmem:s7+$0xBF10];
	_ =	sdelay $0x4  }
0xe2: {  	[tilespmem:v4+s28+$0x0] =	vst.idx.add.f32.msk $0xffff, v5  }
0xe3: {  	v6 =	vadd.s32 $0x110, v4;
	v5 =	vld [tilespmem:s7+$0xC710];
	_ =	sdelay $0x4  }
0xe4: {  	[tilespmem:v6+s28+$0x0] =	vst.idx.add.f32.msk $0xffff, v5  }
0xe5: {  	v37 =	vadd.s32 $0x220, v4;
	v5 =	vld [tilespmem:s7+$0xCF10];
	_ =	sdelay $0x4  }
0xe6: {  	[tilespmem:v37+s28+$0x0] =	vst.idx.add.f32.msk $0xffff, v5  }
0xe7: {  	v38 =	vadd.s32 $0x330, v4;
	v5 =	vld [tilespmem:s7+$0xD710];
	_ =	sdelay $0x4  }
0xe8: {  	[tilespmem:v38+s28+$0x0] =	vst.idx.add.f32.msk $0xffff, v5  }
0xe9: {  	v39 =	vadd.s32 $0x440, v4;
	v5 =	vld [tilespmem:s7+$0xDF10];
	_ =	sdelay $0x4  }
0xea: {  	[tilespmem:v39+s28+$0x0] =	vst.idx.add.f32.msk $0xffff, v5  }
0xeb: {  	v40 =	vadd.s32 $0x550, v4;
	v5 =	vld [tilespmem:s7+$0xE710];
	_ =	sdelay $0x4  }
0xec: {  	[tilespmem:v40+s28+$0x0] =	vst.idx.add.f32.msk $0xffff, v5  }
0xed: {  	v41 =	vadd.s32 $0x660, v4;
	v5 =	vld [tilespmem:s7+$0xEF10];
	_ =	sdelay $0x4  }
0xee: {  	[tilespmem:v41+s28+$0x0] =	vst.idx.add.f32.msk $0xffff, v5  }
0xef: {  	v42 =	vadd.s32 $0x770, v4;
	v5 =	vld [tilespmem:s7+$0xF710];
	_ =	sdelay $0x4  }
0xf0: {  	[tilespmem:v42+s28+$0x0] =	vst.idx.add.f32.msk $0xffff, v5  }
0xf1: {  	v43 =	vadd.s32 $0x880, v4;
	v5 =	vld [tilespmem:s7+$0xFF10];
	_ =	sdelay $0x4  }
0xf2: {  	[tilespmem:v43+s28+$0x0] =	vst.idx.add.f32.msk $0xffff, v5  }
0xf3: {  	v44 =	vadd.s32 $0x990, v4;
	v5 =	vld [tilespmem:s7+$0x10710];
	_ =	sdelay $0x4  }
0xf4: {  	[tilespmem:v44+s28+$0x0] =	vst.idx.add.f32.msk $0xffff, v5  }
0xf5: {  	v45 =	vadd.s32 $0xAA0, v4;
	v5 =	vld [tilespmem:s7+$0x10F10];
	_ =	sdelay $0x4  }
0xf6: {  	[tilespmem:v45+s28+$0x0] =	vst.idx.add.f32.msk $0xffff, v5  }
0xf7: {  	v46 =	vadd.s32 $0xBB0, v4;
	v5 =	vld [tilespmem:s7+$0x11710];
	_ =	sdelay $0x4  }
0xf8: {  	[tilespmem:v46+s28+$0x0] =	vst.idx.add.f32.msk $0xffff, v5  }
0xf9: {  	v47 =	vadd.s32 $0xCC0, v4;
	v5 =	vld [tilespmem:s7+$0x11F10];
	_ =	sdelay $0x4  }
0xfa: {  	[tilespmem:v47+s28+$0x0] =	vst.idx.add.f32.msk $0xffff, v5  }
0xfb: {  	v48 =	vadd.s32 $0xDD0, v4;
	v5 =	vld [tilespmem:s7+$0x12710];
	_ =	sdelay $0x4  }
0xfc: {  	[tilespmem:v48+s28+$0x0] =	vst.idx.add.f32.msk $0xffff, v5  }
0xfd: {  	v49 =	vadd.s32 $0xEE0, v4;
	v5 =	vld [tilespmem:s7+$0x12F10];
	_ =	sdelay $0x4  }
0xfe: {  	[tilespmem:v49+s28+$0x0] =	vst.idx.add.f32.msk $0xffff, v5  }
0xff: {  	v4 =	vadd.s32 $0xFF0, v4;
	v5 =	vld [tilespmem:s7+$0x13710];
	_ =	sdelay $0x4  }
0x100: {  	[tilespmem:v4+s28+$0x0] =	vst.idx.add.f32.msk $0xffff, v5  }
0x101: {  	v4 =	vld [tilespmem:s7+$0x2F20];
	_ =	sdelay $0x7  }
0x102: {  	v4 =	vld.idx.msk [tilespmem:v4+s4+$0x0], $0xffff;
	_ =	sdelay $0x4  }
0x103: {  	(xrf1) =	vunique.msk.u32 $0xffff, v4;
	_ =	sdelay $0xd  }
0x104: {  	_, v5, vm15 =	vpop (xrf1);
	_ =	sdelay $0x3  }
0x105: {  	v5 =	vcvt.s32.f32 v5;
	_ =	sdelay $0x1  }
0x106: {  	[tilespmem:v4+s26+$0x0] =	vst.idx.add.f32.msk vm15, v5  }
0x107: {  	v5 =	vld [tilespmem:s7+$0xBF20];
	_ =	sdelay $0x4  }
0x108: {  	[tilespmem:v4+s28+$0x0] =	vst.idx.add.f32.msk $0xffff, v5  }
0x109: {  	v50 =	vadd.s32 $0x110, v4;
	v5 =	vld [tilespmem:s7+$0xC720];
	_ =	sdelay $0x4  }
0x10a: {  	[tilespmem:v50+s28+$0x0] =	vst.idx.add.f32.msk $0xffff, v5  }
0x10b: {  	v51 =	vadd.s32 $0x220, v4;
	v5 =	vld [tilespmem:s7+$0xCF20];
	_ =	sdelay $0x4  }
0x10c: {  	[tilespmem:v51+s28+$0x0] =	vst.idx.add.f32.msk $0xffff, v5  }
0x10d: {  	v52 =	vadd.s32 $0x330, v4;
	v5 =	vld [tilespmem:s7+$0xD720];
	_ =	sdelay $0x4  }
0x10e: {  	[tilespmem:v52+s28+$0x0] =	vst.idx.add.f32.msk $0xffff, v5  }
0x10f: {  	v53 =	vadd.s32 $0x440, v4;
	v5 =	vld [tilespmem:s7+$0xDF20];
	_ =	sdelay $0x4  }
0x110: {  	[tilespmem:v53+s28+$0x0] =	vst.idx.add.f32.msk $0xffff, v5  }
0x111: {  	v54 =	vadd.s32 $0x550, v4;
	v5 =	vld [tilespmem:s7+$0xE720];
	_ =	sdelay $0x4  }
0x112: {  	[tilespmem:v54+s28+$0x0] =	vst.idx.add.f32.msk $0xffff, v5  }
0x113: {  	v55 =	vadd.s32 $0x660, v4;
	v5 =	vld [tilespmem:s7+$0xEF20];
	_ =	sdelay $0x4  }
0x114: {  	[tilespmem:v55+s28+$0x0] =	vst.idx.add.f32.msk $0xffff, v5  }
0x115: {  	v56 =	vadd.s32 $0x770, v4;
	v5 =	vld [tilespmem:s7+$0xF720];
	_ =	sdelay $0x4  }
0x116: {  	[tilespmem:v56+s28+$0x0] =	vst.idx.add.f32.msk $0xffff, v5  }
0x117: {  	v57 =	vadd.s32 $0x880, v4;
	v5 =	vld [tilespmem:s7+$0xFF20];
	_ =	sdelay $0x4  }
0x118: {  	[tilespmem:v57+s28+$0x0] =	vst.idx.add.f32.msk $0xffff, v5  }
0x119: {  	v58 =	vadd.s32 $0x990, v4;
	v5 =	vld [tilespmem:s7+$0x10720];
	_ =	sdelay $0x4  }
0x11a: {  	[tilespmem:v58+s28+$0x0] =	vst.idx.add.f32.msk $0xffff, v5  }
0x11b: {  	v59 =	vadd.s32 $0xAA0, v4;
	v5 =	vld [tilespmem:s7+$0x10F20];
	_ =	sdelay $0x4  }
0x11c: {  	[tilespmem:v59+s28+$0x0] =	vst.idx.add.f32.msk $0xffff, v5  }
0x11d: {  	v60 =	vadd.s32 $0xBB0, v4;
	v5 =	vld [tilespmem:s7+$0x11720];
	_ =	sdelay $0x4  }
0x11e: {  	[tilespmem:v60+s28+$0x0] =	vst.idx.add.f32.msk $0xffff, v5  }
0x11f: {  	v61 =	vadd.s32 $0xCC0, v4;
	v5 =	vld [tilespmem:s7+$0x11F20];
	_ =	sdelay $0x4  }
0x120: {  	[tilespmem:v61+s28+$0x0] =	vst.idx.add.f32.msk $0xffff, v5  }
0x121: {  	v62 =	vadd.s32 $0xDD0, v4;
	v5 =	vld [tilespmem:s7+$0x12720];
	_ =	sdelay $0x4  }
0x122: {  	[tilespmem:v62+s28+$0x0] =	vst.idx.add.f32.msk $0xffff, v5  }
0x123: {  	v63 =	vadd.s32 $0xEE0, v4;
	v5 =	vld [tilespmem:s7+$0x12F20];
	_ =	sdelay $0x4  }
0x124: {  	s6 =	sadd.s32 $0x2, s6;
	[tilespmem:v63+s28+$0x0] =	vst.idx.add.f32.msk $0xffff, v5  }
0x125: {  	p1 =	slt.u32 s6, $0x7E;
	v4 =	vadd.s32 $0xFF0, v4;
	v5 =	vld [tilespmem:s7+$0x13720]  }
.Ltmp4:
0x126: {  	_ = 	snop;
	(pc) =	sbr.rel @p1 .LBB2_10-.Ltmp4, $2  }
0x127: {  	_ =	sdelay $0x2  }
0x128: {  	s5 =	sadd.s32 $0x80, s5;
	[tilespmem:v4+s28+$0x0] =	vst.idx.add.f32.msk $0xffff, v5  }
0x129: {  	s5 =	simm.s32 $0x0  }
0x12a: {  	[tilespmem:s8], [sflag:$0x1] =	stream.linear.gather [hbm4b:s11+s5], $0x800, $0x38;
	[tilespmem:$0x1F660] =	vst v63  }
0x12b: {  	_ = 	snop  }
0x12c: {  	[tilespmem:s22], [sflag:$0x1] =	stream.strided.gather [hbm4b:s12+s20], $0x8000, s21, s20, $0x38;
	[tilespmem:$0x1F660] =	vst v63  }
0x12d: {  	_ =	swait.ge [sflag:s0], $0x800  }
0x12e: {  	[sflag:s0] =	ssyncset.done $0x0  }
0x12f: {  	[sflag:s0] =	ssyncadd.s32 $0xFFFFF800  }
0x130: {  	_ =	swait.ge [sflag:s0], $0x8000  }
0x131: {  	[sflag:s0] =	ssyncset.done $0x0  }
0x132: {  	s6 =	simm.s32 $0xFFFFFFFE;
	[sflag:s0] =	ssyncadd.s32 $0xFFFF8000  }
.LBB2_12:
0x133: {  	s7 =	sshra.s32 s5, $0x2  }
0x134: {  	v4 =	vld [tilespmem:s7+$0x3710];
	_ =	sdelay $0x7  }
0x135: {  	v4 =	vld.idx.msk [tilespmem:v4+s4+$0x0], $0xffff;
	_ =	sdelay $0x4  }
0x136: {  	(xrf1) =	vunique.msk.u32 $0xffff, v4;
	_ =	sdelay $0xd  }
0x137: {  	_, v5, vm0 =	vpop (xrf1);
	_ =	sdelay $0x3  }
0x138: {  	v5 =	vcvt.s32.f32 v5;
	_ =	sdelay $0x1  }
0x139: {  	[tilespmem:v4+s26+$0x0] =	vst.idx.add.f32.msk vm0, v5  }
0x13a: {  	v5 =	vld [tilespmem:s7+$0x13F10];
	_ =	sdelay $0x4  }
0x13b: {  	[tilespmem:v4+s28+$0x0] =	vst.idx.add.f32.msk $0xffff, v5  }
0x13c: {  	v6 =	vadd.s32 $0x110, v4;
	v5 =	vld [tilespmem:s7+$0x14710];
	_ =	sdelay $0x4  }
0x13d: {  	[tilespmem:v6+s28+$0x0] =	vst.idx.add.f32.msk $0xffff, v5  }
0x13e: {  	v37 =	vadd.s32 $0x220, v4;
	v5 =	vld [tilespmem:s7+$0x14F10];
	_ =	sdelay $0x4  }
0x13f: {  	[tilespmem:v37+s28+$0x0] =	vst.idx.add.f32.msk $0xffff, v5  }
0x140: {  	v38 =	vadd.s32 $0x330, v4;
	v5 =	vld [tilespmem:s7+$0x15710];
	_ =	sdelay $0x4  }
0x141: {  	[tilespmem:v38+s28+$0x0] =	vst.idx.add.f32.msk $0xffff, v5  }
0x142: {  	v39 =	vadd.s32 $0x440, v4;
	v5 =	vld [tilespmem:s7+$0x15F10];
	_ =	sdelay $0x4  }
0x143: {  	[tilespmem:v39+s28+$0x0] =	vst.idx.add.f32.msk $0xffff, v5  }
0x144: {  	v40 =	vadd.s32 $0x550, v4;
	v5 =	vld [tilespmem:s7+$0x16710];
	_ =	sdelay $0x4  }
0x145: {  	[tilespmem:v40+s28+$0x0] =	vst.idx.add.f32.msk $0xffff, v5  }
0x146: {  	v41 =	vadd.s32 $0x660, v4;
	v5 =	vld [tilespmem:s7+$0x16F10];
	_ =	sdelay $0x4  }
0x147: {  	[tilespmem:v41+s28+$0x0] =	vst.idx.add.f32.msk $0xffff, v5  }
0x148: {  	v42 =	vadd.s32 $0x770, v4;
	v5 =	vld [tilespmem:s7+$0x17710];
	_ =	sdelay $0x4  }
0x149: {  	[tilespmem:v42+s28+$0x0] =	vst.idx.add.f32.msk $0xffff, v5  }
0x14a: {  	v43 =	vadd.s32 $0x880, v4;
	v5 =	vld [tilespmem:s7+$0x17F10];
	_ =	sdelay $0x4  }
0x14b: {  	[tilespmem:v43+s28+$0x0] =	vst.idx.add.f32.msk $0xffff, v5  }
0x14c: {  	v44 =	vadd.s32 $0x990, v4;
	v5 =	vld [tilespmem:s7+$0x18710];
	_ =	sdelay $0x4  }
0x14d: {  	[tilespmem:v44+s28+$0x0] =	vst.idx.add.f32.msk $0xffff, v5  }
0x14e: {  	v45 =	vadd.s32 $0xAA0, v4;
	v5 =	vld [tilespmem:s7+$0x18F10];
	_ =	sdelay $0x4  }
0x14f: {  	[tilespmem:v45+s28+$0x0] =	vst.idx.add.f32.msk $0xffff, v5  }
0x150: {  	v46 =	vadd.s32 $0xBB0, v4;
	v5 =	vld [tilespmem:s7+$0x19710];
	_ =	sdelay $0x4  }
0x151: {  	[tilespmem:v46+s28+$0x0] =	vst.idx.add.f32.msk $0xffff, v5  }
0x152: {  	v47 =	vadd.s32 $0xCC0, v4;
	v5 =	vld [tilespmem:s7+$0x19F10];
	_ =	sdelay $0x4  }
0x153: {  	[tilespmem:v47+s28+$0x0] =	vst.idx.add.f32.msk $0xffff, v5  }
0x154: {  	v48 =	vadd.s32 $0xDD0, v4;
	v5 =	vld [tilespmem:s7+$0x1A710];
	_ =	sdelay $0x4  }
0x155: {  	[tilespmem:v48+s28+$0x0] =	vst.idx.add.f32.msk $0xffff, v5  }
0x156: {  	v49 =	vadd.s32 $0xEE0, v4;
	v5 =	vld [tilespmem:s7+$0x1AF10];
	_ =	sdelay $0x4  }
0x157: {  	[tilespmem:v49+s28+$0x0] =	vst.idx.add.f32.msk $0xffff, v5  }
0x158: {  	v4 =	vadd.s32 $0xFF0, v4;
	v5 =	vld [tilespmem:s7+$0x1B710];
	_ =	sdelay $0x4  }
0x159: {  	[tilespmem:v4+s28+$0x0] =	vst.idx.add.f32.msk $0xffff, v5  }
0x15a: {  	v4 =	vld [tilespmem:s7+$0x3720];
	_ =	sdelay $0x7  }
0x15b: {  	v4 =	vld.idx.msk [tilespmem:v4+s4+$0x0], $0xffff;
	_ =	sdelay $0x4  }
0x15c: {  	(xrf1) =	vunique.msk.u32 $0xffff, v4;
	_ =	sdelay $0xd  }
0x15d: {  	_, v5, vm15 =	vpop (xrf1);
	_ =	sdelay $0x3  }
0x15e: {  	v5 =	vcvt.s32.f32 v5;
	_ =	sdelay $0x1  }
0x15f: {  	[tilespmem:v4+s26+$0x0] =	vst.idx.add.f32.msk vm15, v5  }
0x160: {  	v5 =	vld [tilespmem:s7+$0x13F20];
	_ =	sdelay $0x4  }
0x161: {  	[tilespmem:v4+s28+$0x0] =	vst.idx.add.f32.msk $0xffff, v5  }
0x162: {  	v50 =	vadd.s32 $0x110, v4;
	v5 =	vld [tilespmem:s7+$0x14720];
	_ =	sdelay $0x4  }
0x163: {  	[tilespmem:v50+s28+$0x0] =	vst.idx.add.f32.msk $0xffff, v5  }
0x164: {  	v51 =	vadd.s32 $0x220, v4;
	v5 =	vld [tilespmem:s7+$0x14F20];
	_ =	sdelay $0x4  }
0x165: {  	[tilespmem:v51+s28+$0x0] =	vst.idx.add.f32.msk $0xffff, v5  }
0x166: {  	v52 =	vadd.s32 $0x330, v4;
	v5 =	vld [tilespmem:s7+$0x15720];
	_ =	sdelay $0x4  }
0x167: {  	[tilespmem:v52+s28+$0x0] =	vst.idx.add.f32.msk $0xffff, v5  }
0x168: {  	v53 =	vadd.s32 $0x440, v4;
	v5 =	vld [tilespmem:s7+$0x15F20];
	_ =	sdelay $0x4  }
0x169: {  	[tilespmem:v53+s28+$0x0] =	vst.idx.add.f32.msk $0xffff, v5  }
0x16a: {  	v54 =	vadd.s32 $0x550, v4;
	v5 =	vld [tilespmem:s7+$0x16720];
	_ =	sdelay $0x4  }
0x16b: {  	[tilespmem:v54+s28+$0x0] =	vst.idx.add.f32.msk $0xffff, v5  }
0x16c: {  	v55 =	vadd.s32 $0x660, v4;
	v5 =	vld [tilespmem:s7+$0x16F20];
	_ =	sdelay $0x4  }
0x16d: {  	[tilespmem:v55+s28+$0x0] =	vst.idx.add.f32.msk $0xffff, v5  }
0x16e: {  	v56 =	vadd.s32 $0x770, v4;
	v5 =	vld [tilespmem:s7+$0x17720];
	_ =	sdelay $0x4  }
0x16f: {  	[tilespmem:v56+s28+$0x0] =	vst.idx.add.f32.msk $0xffff, v5  }
0x170: {  	v57 =	vadd.s32 $0x880, v4;
	v5 =	vld [tilespmem:s7+$0x17F20];
	_ =	sdelay $0x4  }
0x171: {  	[tilespmem:v57+s28+$0x0] =	vst.idx.add.f32.msk $0xffff, v5  }
0x172: {  	v58 =	vadd.s32 $0x990, v4;
	v5 =	vld [tilespmem:s7+$0x18720];
	_ =	sdelay $0x4  }
0x173: {  	[tilespmem:v58+s28+$0x0] =	vst.idx.add.f32.msk $0xffff, v5  }
0x174: {  	v59 =	vadd.s32 $0xAA0, v4;
	v5 =	vld [tilespmem:s7+$0x18F20];
	_ =	sdelay $0x4  }
0x175: {  	[tilespmem:v59+s28+$0x0] =	vst.idx.add.f32.msk $0xffff, v5  }
0x176: {  	v60 =	vadd.s32 $0xBB0, v4;
	v5 =	vld [tilespmem:s7+$0x19720];
	_ =	sdelay $0x4  }
0x177: {  	[tilespmem:v60+s28+$0x0] =	vst.idx.add.f32.msk $0xffff, v5  }
0x178: {  	v61 =	vadd.s32 $0xCC0, v4;
	v5 =	vld [tilespmem:s7+$0x19F20];
	_ =	sdelay $0x4  }
0x179: {  	[tilespmem:v61+s28+$0x0] =	vst.idx.add.f32.msk $0xffff, v5  }
0x17a: {  	v62 =	vadd.s32 $0xDD0, v4;
	v5 =	vld [tilespmem:s7+$0x1A720];
	_ =	sdelay $0x4  }
0x17b: {  	[tilespmem:v62+s28+$0x0] =	vst.idx.add.f32.msk $0xffff, v5  }
0x17c: {  	v63 =	vadd.s32 $0xEE0, v4;
	v5 =	vld [tilespmem:s7+$0x1AF20];
	_ =	sdelay $0x4  }
0x17d: {  	s6 =	sadd.s32 $0x2, s6;
	[tilespmem:v63+s28+$0x0] =	vst.idx.add.f32.msk $0xffff, v5  }
0x17e: {  	p1 =	slt.u32 s6, $0x7E;
	v4 =	vadd.s32 $0xFF0, v4;
	v5 =	vld [tilespmem:s7+$0x1B720]  }
.Ltmp5:
0x17f: {  	_ = 	snop;
	(pc) =	sbr.rel @p1 .LBB2_12-.Ltmp5, $2  }
0x180: {  	_ =	sdelay $0x2  }
0x181: {  	s5 =	sadd.s32 $0x80, s5;
	[tilespmem:v4+s28+$0x0] =	vst.idx.add.f32.msk $0xffff, v5  }
0x182: {  	s30 =	simm.s32 $0x0  }
0x183: {  	[tilespmem:s23], [sflag:$0x2] =	stream.linear.gather [hbm4b:s13+s30], $0x710, $0x38;
	[tilespmem:$0x1F660] =	vst v63  }
0x184: {  	_ = 	snop  }
0x185: {  	[tilespmem:s24], [sflag:$0x2] =	stream.linear.gather [hbm4b:s14+s30], $0x710, $0x38;
	[tilespmem:$0x1F660] =	vst v63  }
0x186: {  	s5 =	sadd.s32 $0x9C40, s14;
	s6 =	simm.s32 $0xC710  }
0x187: {  	[tilespmem:s6], [sflag:$0x2] =	stream.linear.gather [hbm4b:s5+s30], $0x710, $0x38;
	[tilespmem:$0x1F660] =	vst v63  }
0x188: {  	s7 =	simm.s32 $0xCF10;
	s6 =	sadd.s32 $0x13880, s14  }
0x189: {  	[tilespmem:s7], [sflag:$0x2] =	stream.linear.gather [hbm4b:s6+s30], $0x710, $0x38;
	[tilespmem:$0x1F660] =	vst v63  }
0x18a: {  	s8 =	sadd.s32 $0x1D4C0, s14;
	s19 =	simm.s32 $0xD710  }
0x18b: {  	[tilespmem:s19], [sflag:$0x2] =	stream.linear.gather [hbm4b:s8+s30], $0x710, $0x38;
	[tilespmem:$0x1F660] =	vst v63  }
0x18c: {  	s6 =	sadd.s32 $0x27100, s14;
	s7 =	simm.s32 $0xDF10  }
0x18d: {  	[tilespmem:s7], [sflag:$0x2] =	stream.linear.gather [hbm4b:s6+s30], $0x710, $0x38;
	[tilespmem:$0x1F660] =	vst v63  }
0x18e: {  	s8 =	sadd.s32 $0x30D40, s14;
	s19 =	simm.s32 $0xE710  }
0x18f: {  	[tilespmem:s19], [sflag:$0x2] =	stream.linear.gather [hbm4b:s8+s30], $0x710, $0x38;
	[tilespmem:$0x1F660] =	vst v63  }
0x190: {  	s6 =	sadd.s32 $0x3A980, s14;
	s7 =	simm.s32 $0xEF10  }
0x191: {  	[tilespmem:s7], [sflag:$0x2] =	stream.linear.gather [hbm4b:s6+s30], $0x710, $0x38;
	[tilespmem:$0x1F660] =	vst v63  }
0x192: {  	s8 =	sadd.s32 $0x445C0, s14;
	s19 =	simm.s32 $0xF710  }
0x193: {  	[tilespmem:s19], [sflag:$0x2] =	stream.linear.gather [hbm4b:s8+s30], $0x710, $0x38;
	[tilespmem:$0x1F660] =	vst v63  }
0x194: {  	s6 =	sadd.s32 $0x4E200, s14;
	s7 =	simm.s32 $0xFF10  }
0x195: {  	[tilespmem:s7], [sflag:$0x2] =	stream.linear.gather [hbm4b:s6+s30], $0x710, $0x38;
	[tilespmem:$0x1F660] =	vst v63  }
0x196: {  	s8 =	sadd.s32 $0x57E40, s14;
	s19 =	simm.s32 $0x10710  }
0x197: {  	[tilespmem:s19], [sflag:$0x2] =	stream.linear.gather [hbm4b:s8+s30], $0x710, $0x38;
	[tilespmem:$0x1F660] =	vst v63  }
0x198: {  	s6 =	sadd.s32 $0x61A80, s14;
	s7 =	simm.s32 $0x10F10  }
0x199: {  	[tilespmem:s7], [sflag:$0x2] =	stream.linear.gather [hbm4b:s6+s30], $0x710, $0x38;
	[tilespmem:$0x1F660] =	vst v63  }
0x19a: {  	s8 =	sadd.s32 $0x6B6C0, s14;
	s19 =	simm.s32 $0x11710  }
0x19b: {  	[tilespmem:s19], [sflag:$0x2] =	stream.linear.gather [hbm4b:s8+s30], $0x710, $0x38;
	[tilespmem:$0x1F660] =	vst v63  }
0x19c: {  	s6 =	sadd.s32 $0x75300, s14;
	s7 =	simm.s32 $0x11F10  }
0x19d: {  	[tilespmem:s7], [sflag:$0x2] =	stream.linear.gather [hbm4b:s6+s30], $0x710, $0x38;
	[tilespmem:$0x1F660] =	vst v63  }
0x19e: {  	s8 =	sadd.s32 $0x7EF40, s14;
	s19 =	simm.s32 $0x12710  }
0x19f: {  	[tilespmem:s19], [sflag:$0x2] =	stream.linear.gather [hbm4b:s8+s30], $0x710, $0x38;
	[tilespmem:$0x1F660] =	vst v63  }
0x1a0: {  	s6 =	sadd.s32 $0x88B80, s14;
	s7 =	simm.s32 $0x12F10  }
0x1a1: {  	[tilespmem:s7], [sflag:$0x2] =	stream.linear.gather [hbm4b:s6+s30], $0x710, $0x38;
	[tilespmem:$0x1F660] =	vst v63  }
0x1a2: {  	s8 =	sadd.s32 $0x927C0, s14;
	s19 =	simm.s32 $0x13710  }
0x1a3: {  	[tilespmem:s19], [sflag:$0x2] =	stream.linear.gather [hbm4b:s8+s30], $0x710, $0x38;
	[tilespmem:$0x1F660] =	vst v63  }
0x1a4: {  	_ =	swait.ge [sflag:s25], $0x800  }
0x1a5: {  	[sflag:s25] =	ssyncset.done $0x0  }
0x1a6: {  	[sflag:s25] =	ssyncadd.s32 $0xFFFFF800  }
0x1a7: {  	_ =	swait.ge [sflag:s25], $0x8000  }
0x1a8: {  	[sflag:s25] =	ssyncset.done $0x0  }
0x1a9: {  	s5 =	simm.s32 $0xFFFFFFFE;
	[sflag:s25] =	ssyncadd.s32 $0xFFFF8000  }
.LBB2_14:
0x1aa: {  	s6 =	sshra.s32 s30, $0x2  }
0x1ab: {  	v4 =	vld [tilespmem:s6+$0x2710];
	_ =	sdelay $0x7  }
0x1ac: {  	v4 =	vld.idx.msk [tilespmem:v4+s4+$0x0], $0xffff;
	_ =	sdelay $0x4  }
0x1ad: {  	(xrf1) =	vunique.msk.u32 $0xffff, v4;
	_ =	sdelay $0xd  }
0x1ae: {  	_, v5, vm0 =	vpop (xrf1);
	_ =	sdelay $0x3  }
0x1af: {  	v5 =	vcvt.s32.f32 v5;
	_ =	sdelay $0x1  }
0x1b0: {  	[tilespmem:v4+s26+$0x0] =	vst.idx.add.f32.msk vm0, v5  }
0x1b1: {  	v5 =	vld [tilespmem:s6+$0x3F10];
	_ =	sdelay $0x4  }
0x1b2: {  	[tilespmem:v4+s28+$0x0] =	vst.idx.add.f32.msk $0xffff, v5  }
0x1b3: {  	v6 =	vadd.s32 $0x110, v4;
	v5 =	vld [tilespmem:s6+$0x4710];
	_ =	sdelay $0x4  }
0x1b4: {  	[tilespmem:v6+s28+$0x0] =	vst.idx.add.f32.msk $0xffff, v5  }
0x1b5: {  	v37 =	vadd.s32 $0x220, v4;
	v5 =	vld [tilespmem:s6+$0x4F10];
	_ =	sdelay $0x4  }
0x1b6: {  	[tilespmem:v37+s28+$0x0] =	vst.idx.add.f32.msk $0xffff, v5  }
0x1b7: {  	v38 =	vadd.s32 $0x330, v4;
	v5 =	vld [tilespmem:s6+$0x5710];
	_ =	sdelay $0x4  }
0x1b8: {  	[tilespmem:v38+s28+$0x0] =	vst.idx.add.f32.msk $0xffff, v5  }
0x1b9: {  	v39 =	vadd.s32 $0x440, v4;
	v5 =	vld [tilespmem:s6+$0x5F10];
	_ =	sdelay $0x4  }
0x1ba: {  	[tilespmem:v39+s28+$0x0] =	vst.idx.add.f32.msk $0xffff, v5  }
0x1bb: {  	v40 =	vadd.s32 $0x550, v4;
	v5 =	vld [tilespmem:s6+$0x6710];
	_ =	sdelay $0x4  }
0x1bc: {  	[tilespmem:v40+s28+$0x0] =	vst.idx.add.f32.msk $0xffff, v5  }
0x1bd: {  	v41 =	vadd.s32 $0x660, v4;
	v5 =	vld [tilespmem:s6+$0x6F10];
	_ =	sdelay $0x4  }
0x1be: {  	[tilespmem:v41+s28+$0x0] =	vst.idx.add.f32.msk $0xffff, v5  }
0x1bf: {  	v42 =	vadd.s32 $0x770, v4;
	v5 =	vld [tilespmem:s6+$0x7710];
	_ =	sdelay $0x4  }
0x1c0: {  	[tilespmem:v42+s28+$0x0] =	vst.idx.add.f32.msk $0xffff, v5  }
0x1c1: {  	v43 =	vadd.s32 $0x880, v4;
	v5 =	vld [tilespmem:s6+$0x7F10];
	_ =	sdelay $0x4  }
0x1c2: {  	[tilespmem:v43+s28+$0x0] =	vst.idx.add.f32.msk $0xffff, v5  }
0x1c3: {  	v44 =	vadd.s32 $0x990, v4;
	v5 =	vld [tilespmem:s6+$0x8710];
	_ =	sdelay $0x4  }
0x1c4: {  	[tilespmem:v44+s28+$0x0] =	vst.idx.add.f32.msk $0xffff, v5  }
0x1c5: {  	v45 =	vadd.s32 $0xAA0, v4;
	v5 =	vld [tilespmem:s6+$0x8F10];
	_ =	sdelay $0x4  }
0x1c6: {  	[tilespmem:v45+s28+$0x0] =	vst.idx.add.f32.msk $0xffff, v5  }
0x1c7: {  	v46 =	vadd.s32 $0xBB0, v4;
	v5 =	vld [tilespmem:s6+$0x9710];
	_ =	sdelay $0x4  }
0x1c8: {  	[tilespmem:v46+s28+$0x0] =	vst.idx.add.f32.msk $0xffff, v5  }
0x1c9: {  	v47 =	vadd.s32 $0xCC0, v4;
	v5 =	vld [tilespmem:s6+$0x9F10];
	_ =	sdelay $0x4  }
0x1ca: {  	[tilespmem:v47+s28+$0x0] =	vst.idx.add.f32.msk $0xffff, v5  }
0x1cb: {  	v48 =	vadd.s32 $0xDD0, v4;
	v5 =	vld [tilespmem:s6+$0xA710];
	_ =	sdelay $0x4  }
0x1cc: {  	[tilespmem:v48+s28+$0x0] =	vst.idx.add.f32.msk $0xffff, v5  }
0x1cd: {  	v49 =	vadd.s32 $0xEE0, v4;
	v5 =	vld [tilespmem:s6+$0xAF10];
	_ =	sdelay $0x4  }
0x1ce: {  	[tilespmem:v49+s28+$0x0] =	vst.idx.add.f32.msk $0xffff, v5  }
0x1cf: {  	v4 =	vadd.s32 $0xFF0, v4;
	v5 =	vld [tilespmem:s6+$0xB710];
	_ =	sdelay $0x4  }
0x1d0: {  	[tilespmem:v4+s28+$0x0] =	vst.idx.add.f32.msk $0xffff, v5  }
0x1d1: {  	v4 =	vld [tilespmem:s6+$0x2720];
	_ =	sdelay $0x7  }
0x1d2: {  	v4 =	vld.idx.msk [tilespmem:v4+s4+$0x0], $0xffff;
	_ =	sdelay $0x4  }
0x1d3: {  	(xrf1) =	vunique.msk.u32 $0xffff, v4;
	_ =	sdelay $0xd  }
0x1d4: {  	_, v5, vm15 =	vpop (xrf1);
	_ =	sdelay $0x3  }
0x1d5: {  	v5 =	vcvt.s32.f32 v5;
	_ =	sdelay $0x1  }
0x1d6: {  	[tilespmem:v4+s26+$0x0] =	vst.idx.add.f32.msk vm15, v5  }
0x1d7: {  	v5 =	vld [tilespmem:s6+$0x3F20];
	_ =	sdelay $0x4  }
0x1d8: {  	[tilespmem:v4+s28+$0x0] =	vst.idx.add.f32.msk $0xffff, v5  }
0x1d9: {  	v50 =	vadd.s32 $0x110, v4;
	v5 =	vld [tilespmem:s6+$0x4720];
	_ =	sdelay $0x4  }
0x1da: {  	[tilespmem:v50+s28+$0x0] =	vst.idx.add.f32.msk $0xffff, v5  }
0x1db: {  	v51 =	vadd.s32 $0x220, v4;
	v5 =	vld [tilespmem:s6+$0x4F20];
	_ =	sdelay $0x4  }
0x1dc: {  	[tilespmem:v51+s28+$0x0] =	vst.idx.add.f32.msk $0xffff, v5  }
0x1dd: {  	v52 =	vadd.s32 $0x330, v4;
	v5 =	vld [tilespmem:s6+$0x5720];
	_ =	sdelay $0x4  }
0x1de: {  	[tilespmem:v52+s28+$0x0] =	vst.idx.add.f32.msk $0xffff, v5  }
0x1df: {  	v53 =	vadd.s32 $0x440, v4;
	v5 =	vld [tilespmem:s6+$0x5F20];
	_ =	sdelay $0x4  }
0x1e0: {  	[tilespmem:v53+s28+$0x0] =	vst.idx.add.f32.msk $0xffff, v5  }
0x1e1: {  	v54 =	vadd.s32 $0x550, v4;
	v5 =	vld [tilespmem:s6+$0x6720];
	_ =	sdelay $0x4  }
0x1e2: {  	[tilespmem:v54+s28+$0x0] =	vst.idx.add.f32.msk $0xffff, v5  }
0x1e3: {  	v55 =	vadd.s32 $0x660, v4;
	v5 =	vld [tilespmem:s6+$0x6F20];
	_ =	sdelay $0x4  }
0x1e4: {  	[tilespmem:v55+s28+$0x0] =	vst.idx.add.f32.msk $0xffff, v5  }
0x1e5: {  	v56 =	vadd.s32 $0x770, v4;
	v5 =	vld [tilespmem:s6+$0x7720];
	_ =	sdelay $0x4  }
0x1e6: {  	[tilespmem:v56+s28+$0x0] =	vst.idx.add.f32.msk $0xffff, v5  }
0x1e7: {  	v57 =	vadd.s32 $0x880, v4;
	v5 =	vld [tilespmem:s6+$0x7F20];
	_ =	sdelay $0x4  }
0x1e8: {  	[tilespmem:v57+s28+$0x0] =	vst.idx.add.f32.msk $0xffff, v5  }
0x1e9: {  	v58 =	vadd.s32 $0x990, v4;
	v5 =	vld [tilespmem:s6+$0x8720];
	_ =	sdelay $0x4  }
0x1ea: {  	[tilespmem:v58+s28+$0x0] =	vst.idx.add.f32.msk $0xffff, v5  }
0x1eb: {  	v59 =	vadd.s32 $0xAA0, v4;
	v5 =	vld [tilespmem:s6+$0x8F20];
	_ =	sdelay $0x4  }
0x1ec: {  	[tilespmem:v59+s28+$0x0] =	vst.idx.add.f32.msk $0xffff, v5  }
0x1ed: {  	v60 =	vadd.s32 $0xBB0, v4;
	v5 =	vld [tilespmem:s6+$0x9720];
	_ =	sdelay $0x4  }
0x1ee: {  	[tilespmem:v60+s28+$0x0] =	vst.idx.add.f32.msk $0xffff, v5  }
0x1ef: {  	v61 =	vadd.s32 $0xCC0, v4;
	v5 =	vld [tilespmem:s6+$0x9F20];
	_ =	sdelay $0x4  }
0x1f0: {  	[tilespmem:v61+s28+$0x0] =	vst.idx.add.f32.msk $0xffff, v5  }
0x1f1: {  	v62 =	vadd.s32 $0xDD0, v4;
	v5 =	vld [tilespmem:s6+$0xA720];
	_ =	sdelay $0x4  }
0x1f2: {  	[tilespmem:v62+s28+$0x0] =	vst.idx.add.f32.msk $0xffff, v5  }
0x1f3: {  	v63 =	vadd.s32 $0xEE0, v4;
	v5 =	vld [tilespmem:s6+$0xAF20];
	_ =	sdelay $0x4  }
0x1f4: {  	s5 =	sadd.s32 $0x2, s5;
	[tilespmem:v63+s28+$0x0] =	vst.idx.add.f32.msk $0xffff, v5  }
0x1f5: {  	p1 =	slt.u32 s5, $0x7E;
	v4 =	vadd.s32 $0xFF0, v4;
	v5 =	vld [tilespmem:s6+$0xB720]  }
.Ltmp6:
0x1f6: {  	_ = 	snop;
	(pc) =	sbr.rel @p1 .LBB2_14-.Ltmp6, $2  }
0x1f7: {  	_ =	sdelay $0x2  }
0x1f8: {  	s30 =	sadd.s32 $0x80, s30;
	[tilespmem:v4+s28+$0x0] =	vst.idx.add.f32.msk $0xffff, v5  }
0x1f9: {  	_ =	swait.ge [sflag:s31], $0x710  }
0x1fa: {  	[sflag:s31] =	ssyncset.done $0x0  }
0x1fb: {  	[sflag:s31] =	ssyncadd.s32 $0xFFFFF8F0  }
0x1fc: {  	_ =	swait.ge [sflag:s31], $0x7100  }
0x1fd: {  	s30 =	simm.s32 $0xFFFFFFFE;
	s6 =	simm.s32 $0x10;
	[sflag:s31] =	ssyncset.done $0x0  }
0x1fe: {  	s5 =	simm.s32 $0x0;
	s7 =	simm.s32 $0x0;
	[sflag:s31] =	ssyncadd.s32 $0xFFFF8F00  }
.LBB2_16:
0x1ff: {  	s19 =	sshra.s32 s7, $0x2  }
0x200: {  	v4 =	vld [tilespmem:s19+$0x2F10];
	_ =	sdelay $0x7  }
0x201: {  	v4 =	vld.idx.msk [tilespmem:v4+s5+$0x0], $0xffff;
	_ =	sdelay $0x2  }
0x202: {  	s8 =	sadd.s32 $0xFFFFFFF0, s6  }
0x203: {  	p1 =	slt.u32 s8, $0x710  }
0x204: {  	v4 =	vpsel !p1, $0x100, v4  }
0x205: {  	(xrf1) =	vunique.msk.u32 $0xffff, v4;
	_ =	sdelay $0xd  }
0x206: {  	_, v5, vm0 =	vpop (xrf1);
	_ =	sdelay $0x3  }
0x207: {  	v5 =	vcvt.s32.f32 v5;
	_ =	sdelay $0x1  }
0x208: {  	[tilespmem:v4+s26+$0x0] =	vst.idx.add.f32.msk vm0, v5  }
0x209: {  	v5 =	vld [tilespmem:s19+$0xBF10];
	_ =	sdelay $0x4  }
0x20a: {  	[tilespmem:v4+s28+$0x0] =	vst.idx.add.f32.msk $0xffff, v5  }
0x20b: {  	v6 =	vadd.s32 $0x110, v4;
	v5 =	vld [tilespmem:s19+$0xC710];
	_ =	sdelay $0x4  }
0x20c: {  	[tilespmem:v6+s28+$0x0] =	vst.idx.add.f32.msk $0xffff, v5  }
0x20d: {  	v37 =	vadd.s32 $0x220, v4;
	v5 =	vld [tilespmem:s19+$0xCF10];
	_ =	sdelay $0x4  }
0x20e: {  	[tilespmem:v37+s28+$0x0] =	vst.idx.add.f32.msk $0xffff, v5  }
0x20f: {  	v38 =	vadd.s32 $0x330, v4;
	v5 =	vld [tilespmem:s19+$0xD710];
	_ =	sdelay $0x4  }
0x210: {  	[tilespmem:v38+s28+$0x0] =	vst.idx.add.f32.msk $0xffff, v5  }
0x211: {  	v39 =	vadd.s32 $0x440, v4;
	v5 =	vld [tilespmem:s19+$0xDF10];
	_ =	sdelay $0x4  }
0x212: {  	[tilespmem:v39+s28+$0x0] =	vst.idx.add.f32.msk $0xffff, v5  }
0x213: {  	v40 =	vadd.s32 $0x550, v4;
	v5 =	vld [tilespmem:s19+$0xE710];
	_ =	sdelay $0x4  }
0x214: {  	[tilespmem:v40+s28+$0x0] =	vst.idx.add.f32.msk $0xffff, v5  }
0x215: {  	v41 =	vadd.s32 $0x660, v4;
	v5 =	vld [tilespmem:s19+$0xEF10];
	_ =	sdelay $0x4  }
0x216: {  	[tilespmem:v41+s28+$0x0] =	vst.idx.add.f32.msk $0xffff, v5  }
0x217: {  	v42 =	vadd.s32 $0x770, v4;
	v5 =	vld [tilespmem:s19+$0xF710];
	_ =	sdelay $0x4  }
0x218: {  	[tilespmem:v42+s28+$0x0] =	vst.idx.add.f32.msk $0xffff, v5  }
0x219: {  	v43 =	vadd.s32 $0x880, v4;
	v5 =	vld [tilespmem:s19+$0xFF10];
	_ =	sdelay $0x4  }
0x21a: {  	[tilespmem:v43+s28+$0x0] =	vst.idx.add.f32.msk $0xffff, v5  }
0x21b: {  	v44 =	vadd.s32 $0x990, v4;
	v5 =	vld [tilespmem:s19+$0x10710];
	_ =	sdelay $0x4  }
0x21c: {  	[tilespmem:v44+s28+$0x0] =	vst.idx.add.f32.msk $0xffff, v5  }
0x21d: {  	v45 =	vadd.s32 $0xAA0, v4;
	v5 =	vld [tilespmem:s19+$0x10F10];
	_ =	sdelay $0x4  }
0x21e: {  	[tilespmem:v45+s28+$0x0] =	vst.idx.add.f32.msk $0xffff, v5  }
0x21f: {  	v46 =	vadd.s32 $0xBB0, v4;
	v5 =	vld [tilespmem:s19+$0x11710];
	_ =	sdelay $0x4  }
0x220: {  	[tilespmem:v46+s28+$0x0] =	vst.idx.add.f32.msk $0xffff, v5  }
0x221: {  	v47 =	vadd.s32 $0xCC0, v4;
	v5 =	vld [tilespmem:s19+$0x11F10];
	_ =	sdelay $0x4  }
0x222: {  	[tilespmem:v47+s28+$0x0] =	vst.idx.add.f32.msk $0xffff, v5  }
0x223: {  	v48 =	vadd.s32 $0xDD0, v4;
	v5 =	vld [tilespmem:s19+$0x12710];
	_ =	sdelay $0x4  }
0x224: {  	[tilespmem:v48+s28+$0x0] =	vst.idx.add.f32.msk $0xffff, v5  }
0x225: {  	v49 =	vadd.s32 $0xEE0, v4;
	v5 =	vld [tilespmem:s19+$0x12F10];
	_ =	sdelay $0x4  }
0x226: {  	[tilespmem:v49+s28+$0x0] =	vst.idx.add.f32.msk $0xffff, v5  }
0x227: {  	v4 =	vadd.s32 $0xFF0, v4;
	v5 =	vld [tilespmem:s19+$0x13710];
	_ =	sdelay $0x4  }
0x228: {  	[tilespmem:v4+s28+$0x0] =	vst.idx.add.f32.msk $0xffff, v5  }
0x229: {  	v4 =	vld [tilespmem:s19+$0x2F20];
	_ =	sdelay $0x7  }
0x22a: {  	v4 =	vld.idx.msk [tilespmem:v4+s5+$0x0], $0xffff;
	_ =	sdelay $0x3  }
0x22b: {  	p6 =	slt.u32 s6, $0x710  }
0x22c: {  	v4 =	vpsel !p6, $0x100, v4  }
0x22d: {  	(xrf1) =	vunique.msk.u32 $0xffff, v4;
	_ =	sdelay $0xd  }
0x22e: {  	_, v5, vm15 =	vpop (xrf1);
	_ =	sdelay $0x3  }
0x22f: {  	v5 =	vcvt.s32.f32 v5;
	_ =	sdelay $0x1  }
0x230: {  	[tilespmem:v4+s26+$0x0] =	vst.idx.add.f32.msk vm15, v5  }
0x231: {  	v5 =	vld [tilespmem:s19+$0xBF20];
	_ =	sdelay $0x4  }
0x232: {  	[tilespmem:v4+s28+$0x0] =	vst.idx.add.f32.msk $0xffff, v5  }
0x233: {  	v50 =	vadd.s32 $0x110, v4;
	v5 =	vld [tilespmem:s19+$0xC720];
	_ =	sdelay $0x4  }
0x234: {  	[tilespmem:v50+s28+$0x0] =	vst.idx.add.f32.msk $0xffff, v5  }
0x235: {  	v51 =	vadd.s32 $0x220, v4;
	v5 =	vld [tilespmem:s19+$0xCF20];
	_ =	sdelay $0x4  }
0x236: {  	[tilespmem:v51+s28+$0x0] =	vst.idx.add.f32.msk $0xffff, v5  }
0x237: {  	v52 =	vadd.s32 $0x330, v4;
	v5 =	vld [tilespmem:s19+$0xD720];
	_ =	sdelay $0x4  }
0x238: {  	[tilespmem:v52+s28+$0x0] =	vst.idx.add.f32.msk $0xffff, v5  }
0x239: {  	v53 =	vadd.s32 $0x440, v4;
	v5 =	vld [tilespmem:s19+$0xDF20];
	_ =	sdelay $0x4  }
0x23a: {  	[tilespmem:v53+s28+$0x0] =	vst.idx.add.f32.msk $0xffff, v5  }
0x23b: {  	v54 =	vadd.s32 $0x550, v4;
	v5 =	vld [tilespmem:s19+$0xE720];
	_ =	sdelay $0x4  }
0x23c: {  	[tilespmem:v54+s28+$0x0] =	vst.idx.add.f32.msk $0xffff, v5  }
0x23d: {  	v55 =	vadd.s32 $0x660, v4;
	v5 =	vld [tilespmem:s19+$0xEF20];
	_ =	sdelay $0x4  }
0x23e: {  	[tilespmem:v55+s28+$0x0] =	vst.idx.add.f32.msk $0xffff, v5  }
0x23f: {  	v56 =	vadd.s32 $0x770, v4;
	v5 =	vld [tilespmem:s19+$0xF720];
	_ =	sdelay $0x4  }
0x240: {  	[tilespmem:v56+s28+$0x0] =	vst.idx.add.f32.msk $0xffff, v5  }
0x241: {  	v57 =	vadd.s32 $0x880, v4;
	v5 =	vld [tilespmem:s19+$0xFF20];
	_ =	sdelay $0x4  }
0x242: {  	[tilespmem:v57+s28+$0x0] =	vst.idx.add.f32.msk $0xffff, v5  }
0x243: {  	v58 =	vadd.s32 $0x990, v4;
	v5 =	vld [tilespmem:s19+$0x10720];
	_ =	sdelay $0x4  }
0x244: {  	[tilespmem:v58+s28+$0x0] =	vst.idx.add.f32.msk $0xffff, v5  }
0x245: {  	v59 =	vadd.s32 $0xAA0, v4;
	v5 =	vld [tilespmem:s19+$0x10F20];
	_ =	sdelay $0x4  }
0x246: {  	[tilespmem:v59+s28+$0x0] =	vst.idx.add.f32.msk $0xffff, v5  }
0x247: {  	v60 =	vadd.s32 $0xBB0, v4;
	v5 =	vld [tilespmem:s19+$0x11720];
	_ =	sdelay $0x4  }
0x248: {  	[tilespmem:v60+s28+$0x0] =	vst.idx.add.f32.msk $0xffff, v5  }
0x249: {  	v61 =	vadd.s32 $0xCC0, v4;
	v5 =	vld [tilespmem:s19+$0x11F20];
	_ =	sdelay $0x4  }
0x24a: {  	[tilespmem:v61+s28+$0x0] =	vst.idx.add.f32.msk $0xffff, v5  }
0x24b: {  	v62 =	vadd.s32 $0xDD0, v4;
	v5 =	vld [tilespmem:s19+$0x12720];
	_ =	sdelay $0x4  }
0x24c: {  	[tilespmem:v62+s28+$0x0] =	vst.idx.add.f32.msk $0xffff, v5  }
0x24d: {  	v63 =	vadd.s32 $0xEE0, v4;
	v5 =	vld [tilespmem:s19+$0x12F20];
	_ =	sdelay $0x4  }
0x24e: {  	s30 =	sadd.s32 $0x2, s30;
	[tilespmem:v63+s28+$0x0] =	vst.idx.add.f32.msk $0xffff, v5  }
0x24f: {  	p1 =	slt.u32 s30, $0x7E;
	v4 =	vadd.s32 $0xFF0, v4;
	v5 =	vld [tilespmem:s19+$0x13720]  }
.Ltmp7:
0x250: {  	_ = 	snop;
	(pc) =	sbr.rel @p1 .LBB2_16-.Ltmp7, $2  }
0x251: {  	_ =	sdelay $0x2  }
0x252: {  	s6 =	sadd.s32 $0x20, s6;
	s7 =	sadd.s32 $0x80, s7;
	s19 =	simm.s32 $0x1D030;
	[tilespmem:v4+s28+$0x0] =	vst.idx.add.f32.msk $0xffff, v5  }
0x253: {  	v4 =	vmov s5  }
0x254: {  	v4 =	vand.u32 $0xFC, v4  }
0x255: {  	v4 =	vadd.s32 v3, v4;
	_ =	sdelay $0x2  }
0x256: {  	s7 =	simm.s32 $0x1  }
0x257: {  	v5 =	vmov s7  }
0x258: {  	v5 =	vand.u32 $0xFD, v5;
	v4 =	vld.idx.msk [tilespmem:v4+s28+$0x0], $0xffff  }
0x259: {  	v5 =	vadd.s32 v3, v5;
	_ =	sdelay $0x2  }
0x25a: {  	s8 =	simm.s32 $0x2  }
0x25b: {  	[tilespmem:s19+$0xFFFFFFE0] =	vst v4;
	v4 =	vmov s8  }
0x25c: {  	v5 =	vld.idx.msk [tilespmem:v5+s28+$0x0], $0xffff;
	v4 =	vand.u32 $0xFE, v4  }
0x25d: {  	v4 =	vadd.s32 v3, v4;
	_ =	sdelay $0x2  }
0x25e: {  	s30 =	simm.s32 $0x3  }
0x25f: {  	[tilespmem:s19+$0xFFFFFFF0] =	vst v5;
	v5 =	vmov s30  }
0x260: {  	v4 =	vld.idx.msk [tilespmem:v4+s28+$0x0], $0xffff;
	v5 =	vand.u32 $0xFF, v5  }
0x261: {  	v6 =	vadd.s32 v3, v5;
	_ =	sdelay $0x3  }
0x262: {  	s5 =	simm.s32 $0x4;
	[tilespmem:s19+$0x0] =	vst v4  }
0x263: {  	s6 =	simm.s32 $0x8;
	v5 =	vmov s5;
	v4 =	vld.idx.msk [tilespmem:v6+s28+$0x0], $0xffff  }
.LBB2_18:
0x264: {  	p1 =	slt.u32 s6, $0xFC;
	v5 =	vand.u32 $0xFC, v5  }
0x265: {  	v5 =	vadd.s32 v3, v5;
	_ =	sdelay $0x3  }
0x266: {  	s7 =	sadd.s32 $0x1, s5;
	[tilespmem:s19+$0x10] =	vst v4  }
0x267: {  	v4 =	vld.idx.msk [tilespmem:v5+s28+$0x0], $0xffff;
	v5 =	vmov s7  }
0x268: {  	v5 =	vand.u32 $0xFD, v5  }
0x269: {  	v5 =	vadd.s32 v3, v5;
	_ =	sdelay $0x2  }
0x26a: {  	s19 =	sadd.s32 $0x40, s19  }
0x26b: {  	s7 =	sadd.s32 $0x2, s5;
	[tilespmem:s19+$0xFFFFFFE0] =	vst v4  }
0x26c: {  	v4 =	vld.idx.msk [tilespmem:v5+s28+$0x0], $0xffff;
	v5 =	vmov s7  }
0x26d: {  	v5 =	vand.u32 $0xFE, v5  }
0x26e: {  	v5 =	vadd.s32 v3, v5;
	_ =	sdelay $0x3  }
0x26f: {  	s7 =	sadd.s32 $0x3, s5;
	s5 =	smov.u32 s6;
	[tilespmem:s19+$0xFFFFFFF0] =	vst v4  }
0x270: {  	v4 =	vld.idx.msk [tilespmem:v5+s28+$0x0], $0xffff;
	v5 =	vmov s7  }
0x271: {  	v5 =	vand.u32 $0xFF, v5  }
0x272: {  	v6 =	vadd.s32 v3, v5  }
.Ltmp8:
0x273: {  	(pc) =	sbr.rel @p1 .LBB2_18-.Ltmp8, $3  }
0x274: {  	_ =	sdelay $0x1  }
0x275: {  	[tilespmem:s19+$0x0] =	vst v4  }
0x276: {  	s6 =	sadd.s32 $0x4, s6;
	v5 =	vmov s5;
	v4 =	vld.idx.msk [tilespmem:v6+s28+$0x0], $0xffff  }
0x277: {  	v5 =	vand.u32 $0xFC, v5  }
0x278: {  	v5 =	vadd.s32 v3, v5;
	_ =	sdelay $0x2  }
0x279: {  	s6 =	sadd.s32 $0x1, s5  }
0x27a: {  	[tilespmem:s19+$0x10] =	vst v4;
	v4 =	vmov s6  }
0x27b: {  	v4 =	vand.u32 $0xFD, v4;
	v5 =	vld.idx.msk [tilespmem:v5+s28+$0x0], $0xffff  }
0x27c: {  	v4 =	vadd.s32 v3, v4;
	_ =	sdelay $0x2  }
0x27d: {  	s30 =	sadd.s32 $0x40, s19;
	s7 =	sadd.s32 $0x2, s5  }
0x27e: {  	[tilespmem:s30+$0xFFFFFFE0] =	vst v5;
	v5 =	vmov s7  }
0x27f: {  	v4 =	vld.idx.msk [tilespmem:v4+s28+$0x0], $0xffff;
	v5 =	vand.u32 $0xFE, v5  }
0x280: {  	v5 =	vadd.s32 v3, v5;
	_ =	sdelay $0x2  }
0x281: {  	s8 =	sadd.s32 $0x3, s5  }
0x282: {  	[tilespmem:s30+$0xFFFFFFF0] =	vst v4;
	v4 =	vmov s8  }
0x283: {  	v5 =	vld.idx.msk [tilespmem:v5+s28+$0x0], $0xffff;
	v4 =	vand.u32 $0xFF, v4  }
0x284: {  	v4 =	vadd.s32 v3, v4;
	_ =	sdelay $0x3  }
0x285: {  	[tilespmem:s30+$0x0] =	vst v5  }
0x286: {  	v4 =	vld.idx.msk [tilespmem:v4+s28+$0x0], $0xffff;
	_ =	sdelay $0x4  }
0x287: {  	s19 =	simm.s32 $0x1F430;
	[tilespmem:s30+$0x10] =	vst v4;
	s30 =	simm.s32 $0x1D010  }
0x288: {  	[spmem:s2] =	stream.indirect.scatter.add.f32 [tilespmem:s30], [sflag:$0x4], $0x10, s19, s1, $0xb8;
	[tilespmem:$0x1F660] =	vst v63  }
0x289: {  	_ =	swait.ge [sflag:s18], $0x800  }
0x28a: {  	[sflag:s18] =	ssyncset.done $0x0  }
0x28b: {  	s7 =	simm.s32 $0x1F4B0;
	s8 =	simm.s32 $0x1D810;
	[sflag:s18] =	ssyncadd.s32 $0xFFFFF800  }
0x28c: {  	[spmem:s2] =	stream.indirect.scatter.add.f32 [tilespmem:s8], [sflag:$0x4], $0x10, s7, s1, $0xb8;
	[tilespmem:$0x1F660] =	vst v63  }
0x28d: {  	_ =	swait.ge [sflag:s18], $0x800  }
0x28e: {  	[sflag:s18] =	ssyncset.done $0x0  }
0x28f: {  	s19 =	simm.s32 $0x20;
	s30 =	simm.s32 $0x1F410;
	[sflag:s18] =	ssyncadd.s32 $0xFFFFF800  }
0x290: {  	[spmem:s3] =	stream.indirect.scatter.add.f32 [tilespmem:s26], [sflag:$0x4], $0x10, s30, s19, $0xb8;
	[tilespmem:$0x1F660] =	vst v63  }
0x291: {  	_ =	swait.ge [sflag:s18], $0x200  }
0x292: {  	[sflag:s18] =	ssyncset.done $0x0  }
0x293: {  	[sflag:s18] =	ssyncadd.s32 $0xFFFFFE00  }
0x294: {  	s5 =	sshrl.u32 @!p0 s2, $0x3;
	s6 =	simm.s32 @!p0 $0x1C04;
	[bflag:$0x0] =	sbarrier.arrive $0xFFFF  }
0x295: {  	[hbm:s15], [sflag:s6] =	dma.local @!p0 [spmem:s5], $0x200  }
0x296: {  	s5 =	simm.s32 @!p0 $0x4  }
0x297: {  	s29 =	sadd.s32 $0x1, s29;
	_ =	swait.ge @!p0 [sflag:s5], $0x200  }
0x298: {  	p1 =	sne.s32 s29, s17;
	[sflag:s5] =	ssyncset.done @!p0 $0x0  }
.Ltmp9:
0x299: {  	s7 =	sshrl.u32 @!p0 s3, $0x3;
	[sflag:s5] =	ssyncadd.s32 @!p0 $0xFFFFFE00;
	(pc) =	sbr.rel @p1 .LBB2_1-.Ltmp9, $4  }
0x29a: {  	[hbm:s16], [sflag:s6] =	dma.local @!p0 [spmem:s7], $0x40  }
0x29b: {  	_ =	swait.ge @!p0 [sflag:s5], $0x40  }
0x29c: {  	[sflag:s5] =	ssyncset.done @!p0 $0x0  }
0x29d: {  	s8 =	simm.s32 $0x2710;
	[sflag:s5] =	ssyncadd.s32 @!p0 $0xFFFFFFC0  }
0x29e: {  	_ =	sfence.sel $0x180000  }
0x29f: {  	[bflag:$0x0] =	sbarrier.arrive $0xFFFF  }
0x2a0: {  	_ =	strace $0x90000047  }
0x2a1: {  	[bflag:$0x2] =	sbarrier.arrive $0xFFFF  }
0x2a2: {  	s0 =	rddreg [dreg:$0x5]  }
0x2a3: {  	s0 =	sadd.s32 @!p0 $0x100000, s0  }
0x2a4: {  	[sflag:s0] =	ssyncadd.tile.s32 @!p0 $0x1;
	_ =	shalt  }
.Lfunc_end2:
_tile_overlayer_lowered:
.L_overlay_start_2:
0x2a5: {  	(tag) =	ssettag $0x2  }
0x2a6: {  	s0 =	rddreg [dreg:$0x0];
	s2 =	stileid.u32  }
0x2a7: {  	s1 =	rddreg [dreg:$0x1];
	p0 =	sne.s32 s2, $0x0  }
0x2a8: {  	s3 =	rddreg [dreg:$0x2];
	[bflag:$0x3] =	sbarrier.arrive $0xFFFF;
	s2 =	simm.s32 @!p0 $0x1C04  }
0x2a9: {  	[timem:s3], [sflag:s2] =	dma.local @!p0 [hbm:s0], s1  }
0x2aa: {  	s0 =	simm.s32 @!p0 $0x4  }
0x2ab: {  	_ =	swait.ge @!p0 [sflag:s0], s1  }
0x2ac: {  	s1 =	ssub.s32 @!p0 $0x0, s1;
	[sflag:s0] =	ssyncset.done @!p0 $0x0  }
0x2ad: {  	[sflag:s0] =	ssyncadd.s32 @!p0 s1  }
0x2ae: {  	[bflag:$0x3] =	sbarrier.arrive $0xFFFF  }
0x2af: {  	_ =	shalt  }

</sc_bundles>
